<compile_context>
chip_gen: v7x
topology: tpu7x:2x2x1
jax: 0.10.2.dev20260603
libtpu: 0.0.44.dev20260713+nightly
codegen_flags: <defaults>
</compile_context>

<pallas_src>
import functools

import jax
import jax.numpy as jnp
from jax import lax
from jax.experimental import pallas as pl
from jax.experimental.pallas import tpu as pltpu
from jax.experimental.pallas import tpu_sc as plsc

N = 10000
E = 320000
D = 128
NT = 16
CH = 128
NCH = 160
GRP = 16
NGRP = NCH // GRP
EPT = NCH * CH
EPAD = NT * EPT
NPAD = 10016
CB = 632
CBL = N - 15 * CB


@functools.cache
def _get_deg_kernel():
    mesh = plsc.VectorSubcoreMesh(core_axis_name="c", subcore_axis_name="s")
    return functools.partial(
        pl.kernel,
        mesh=mesh,
        out_type=jax.ShapeDtypeStruct((2, N, D), jnp.float32),
        scratch_types=[
            pltpu.VMEM((GRP, CH), jnp.int32),
            pltpu.VMEM((GRP, CH), jnp.int32),
            pltpu.VMEM((CH, D), jnp.float32),
            pltpu.VMEM_SHARED((NPAD, D), jnp.float32),
            pltpu.SemaphoreType.DMA,
            pltpu.SemaphoreType.DMA,
        ],
    )(_deg_body)


def _deg_body(dst_hbm, ones_hbm, out_hbm, dst_a, dst_b, rows_v, acc_sh, sem_ia, sem_ib):
    c = lax.axis_index("c")
    s = lax.axis_index("s")
    pltpu.sync_copy(ones_hbm.at[pl.ds(0, CH)], rows_v)

    @pl.when(s < 15)
    def _():
        pltpu.sync_copy(ones_hbm.at[pl.ds(s * CB, CB)], acc_sh.at[pl.ds(s * CB, CB)])

    @pl.when(s == 15)
    def _():
        pltpu.sync_copy(ones_hbm.at[pl.ds(15 * CB, CBL)], acc_sh.at[pl.ds(15 * CB, CBL)])

    plsc.subcore_barrier()

    def run_group(dst_v):
        def body(k, carry2):
            pltpu.sync_copy(rows_v, acc_sh.at[dst_v.at[k]], add=True)
            return carry2

        lax.fori_loop(0, GRP, body, 0)

    pltpu.async_copy(dst_hbm.at[c, s, pl.ds(0, GRP)], dst_a, sem_ia)

    def grp_pair(gg, carry):
        g0 = gg * 2
        pltpu.make_async_copy(dst_hbm.at[c, s, pl.ds(g0 * GRP, GRP)], dst_a, sem_ia).wait()
        pltpu.async_copy(dst_hbm.at[c, s, pl.ds((g0 + 1) * GRP, GRP)], dst_b, sem_ib)
        run_group(dst_a)
        pltpu.make_async_copy(dst_hbm.at[c, s, pl.ds((g0 + 1) * GRP, GRP)], dst_b, sem_ib).wait()

        @pl.when(gg < NGRP // 2 - 1)
        def _():
            pltpu.async_copy(dst_hbm.at[c, s, pl.ds((g0 + 2) * GRP, GRP)], dst_a, sem_ia)

        run_group(dst_b)
        return carry

    lax.fori_loop(0, NGRP // 2, grp_pair, 0)
    plsc.subcore_barrier()

    @pl.when(s < 15)
    def _():
        pltpu.sync_copy(acc_sh.at[pl.ds(s * CB, CB)], out_hbm.at[c, pl.ds(s * CB, CB)])

    @pl.when(s == 15)
    def _():
        pltpu.sync_copy(acc_sh.at[pl.ds(15 * CB, CBL)], out_hbm.at[c, pl.ds(15 * CB, CBL)])


@functools.cache
def _get_agg_kernel():
    mesh = plsc.VectorSubcoreMesh(core_axis_name="c", subcore_axis_name="s")
    return functools.partial(
        pl.kernel,
        mesh=mesh,
        out_type=jax.ShapeDtypeStruct((2, N, D), jnp.float32),
        scratch_types=[
            pltpu.VMEM((GRP, CH), jnp.int32),
            pltpu.VMEM((GRP, CH), jnp.int32),
            pltpu.VMEM((GRP, CH), jnp.int32),
            pltpu.VMEM((GRP, CH), jnp.int32),
            pltpu.VMEM((CH, D), jnp.float32),
            pltpu.VMEM((CH, D), jnp.float32),
            pltpu.VMEM_SHARED((NPAD, D), jnp.float32),
            pltpu.SemaphoreType.DMA,
            pltpu.SemaphoreType.DMA,
            pltpu.SemaphoreType.DMA,
            pltpu.SemaphoreType.DMA,
        ],
    )(_agg_body)


def _agg_body(hp_hbm, src_hbm, dst_hbm, out_hbm, src_a, dst_a, src_b, dst_b,
              rows_a, rows_b, acc_sh, sem_ga, sem_gb, sem_ia, sem_ib):
    c = lax.axis_index("c")
    s = lax.axis_index("s")
    hp_c = hp_hbm.at[c]

    @pl.when(s < 15)
    def _():
        pltpu.sync_copy(hp_c.at[pl.ds(s * CB, CB)], acc_sh.at[pl.ds(s * CB, CB)])

    @pl.when(s == 15)
    def _():
        pltpu.sync_copy(hp_c.at[pl.ds(15 * CB, CBL)], acc_sh.at[pl.ds(15 * CB, CBL)])

    plsc.subcore_barrier()

    def load_idx(g, sv, dv, sem):
        pltpu.async_copy(src_hbm.at[c, s, pl.ds(g * GRP, GRP)], sv, sem)
        pltpu.async_copy(dst_hbm.at[c, s, pl.ds(g * GRP, GRP)], dv, sem)

    def wait_idx(g, sv, dv, sem):
        pltpu.make_async_copy(src_hbm.at[c, s, pl.ds(g * GRP, GRP)], sv, sem).wait()
        pltpu.make_async_copy(dst_hbm.at[c, s, pl.ds(g * GRP, GRP)], dv, sem).wait()

    def run_group(src_v, dst_v):
        pltpu.async_copy(hp_c.at[src_v.at[0]], rows_a, sem_ga)

        def pair(kk, carry2):
            k0 = kk * 2
            pltpu.async_copy(hp_c.at[src_v.at[k0 + 1]], rows_b, sem_gb)
            pltpu.make_async_copy(hp_c.at[src_v.at[k0]], rows_a, sem_ga).wait()
            pltpu.sync_copy(rows_a, acc_sh.at[dst_v.at[k0]], add=True)

            @pl.when(kk < GRP // 2 - 1)
            def _():
                pltpu.async_copy(hp_c.at[src_v.at[k0 + 2]], rows_a, sem_ga)

            pltpu.make_async_copy(hp_c.at[src_v.at[k0 + 1]], rows_b, sem_gb).wait()
            pltpu.sync_copy(rows_b, acc_sh.at[dst_v.at[k0 + 1]], add=True)
            return carry2

        lax.fori_loop(0, GRP // 2, pair, 0)

    load_idx(0, src_a, dst_a, sem_ia)

    def grp_pair(gg, carry):
        g0 = gg * 2
        wait_idx(g0, src_a, dst_a, sem_ia)
        pltpu.async_copy(src_hbm.at[c, s, pl.ds((g0 + 1) * GRP, GRP)], src_b, sem_ib)
        pltpu.async_copy(dst_hbm.at[c, s, pl.ds((g0 + 1) * GRP, GRP)], dst_b, sem_ib)
        run_group(src_a, dst_a)
        wait_idx(g0 + 1, src_b, dst_b, sem_ib)

        @pl.when(gg < NGRP // 2 - 1)
        def _():
            load_idx(g0 + 2, src_a, dst_a, sem_ia)

        run_group(src_b, dst_b)
        return carry

    lax.fori_loop(0, NGRP // 2, grp_pair, 0)
    plsc.subcore_barrier()

    @pl.when(s < 15)
    def _():
        pltpu.sync_copy(acc_sh.at[pl.ds(s * CB, CB)], out_hbm.at[c, pl.ds(s * CB, CB)])

    @pl.when(s == 15)
    def _():
        pltpu.sync_copy(acc_sh.at[pl.ds(15 * CB, CBL)], out_hbm.at[c, pl.ds(15 * CB, CBL)])



_BM = 2000
_NB = N // _BM


def _tc1_body(x_ref, w_ref, deg_ref, hp_ref):
    dv = lax.rsqrt(deg_ref[0])
    h = jnp.dot(x_ref[0], w_ref[...], preferred_element_type=jnp.float32)
    hp_ref[0] = h * dv


def _tc1(x, w1, deg):
    return pl.pallas_call(
        _tc1_body,
        grid=(2, _NB),
        in_specs=[
            pl.BlockSpec((1, _BM, D), lambda g, i: (g, i, 0)),
            pl.BlockSpec((D, D), lambda g, i: (0, 0)),
            pl.BlockSpec((1, _BM, D), lambda g, i: (g, i, 0)),
        ],
        out_specs=pl.BlockSpec((1, _BM, D), lambda g, i: (g, i, 0)),
        out_shape=jax.ShapeDtypeStruct((2, N, D), jnp.float32),
    )(x, w1, deg)


def _tc2_body(agg_ref, deg_ref, b_ref, w_ref, out_ref):
    dv = lax.rsqrt(deg_ref[0])
    y = jnp.maximum(agg_ref[0] * dv + b_ref[...], 0.0)
    out_ref[0] = jnp.dot(y, w_ref[...], preferred_element_type=jnp.float32) * dv


def _tc2(agg, deg, b1, w2):
    return pl.pallas_call(
        _tc2_body,
        grid=(2, _NB),
        in_specs=[
            pl.BlockSpec((1, _BM, D), lambda g, i: (g, i, 0)),
            pl.BlockSpec((1, _BM, D), lambda g, i: (g, i, 0)),
            pl.BlockSpec((1, D), lambda g, i: (0, 0)),
            pl.BlockSpec((D, D), lambda g, i: (0, 0)),
        ],
        out_specs=pl.BlockSpec((1, _BM, D), lambda g, i: (g, i, 0)),
        out_shape=jax.ShapeDtypeStruct((2, N, D), jnp.float32),
    )(agg, deg, b1, w2)


def _tc3_body(agg_ref, deg_ref, b_ref, out_ref, sum_ref, sq_ref):
    p = pl.program_id(1)
    i = pl.program_id(2)
    dv = lax.rsqrt(deg_ref[0])
    h = agg_ref[0] * dv + b_ref[...]

    @pl.when((p == 0) & (i == 0))
    def _():
        sum_ref[...] = jnp.zeros_like(sum_ref)
        sq_ref[...] = jnp.zeros_like(sq_ref)

    @pl.when(p == 0)
    def _():
        sum_ref[...] += jnp.sum(h, axis=0, keepdims=True)
        sq_ref[...] += jnp.sum(h * h, axis=0, keepdims=True)
        out_ref[0] = h

    @pl.when(p == 1)
    def _():
        mean = sum_ref[...] / N
        var = (sq_ref[...] - N * mean * mean) / (N - 1)
        out_ref[0] = (h - mean) * lax.rsqrt(var)


def _tc3(agg, deg, b2):
    return pl.pallas_call(
        _tc3_body,
        grid=(2, 2, _NB),
        in_specs=[
            pl.BlockSpec((1, _BM, D), lambda g, p, i: (g, i, 0)),
            pl.BlockSpec((1, _BM, D), lambda g, p, i: (g, i, 0)),
            pl.BlockSpec((1, D), lambda g, p, i: (0, 0)),
        ],
        out_specs=pl.BlockSpec((1, _BM, D), lambda g, p, i: (g, i, 0)),
        out_shape=jax.ShapeDtypeStruct((2, N, D), jnp.float32),
        scratch_shapes=[
            pltpu.VMEM((1, D), jnp.float32),
            pltpu.VMEM((1, D), jnp.float32),
        ],
    )(agg, deg, b2)



def kernel(x1, x2, edge_index1, edge_index2, W1, b1, W2, b2):
    src = jnp.stack([edge_index1[0], edge_index2[0]])
    dst = jnp.stack([edge_index1[1], edge_index2[1]])
    extra = EPAD - E
    pad_src = (jnp.arange(extra, dtype=jnp.int32) * 97) % N
    pad_dst = N + (jnp.arange(extra, dtype=jnp.int32) % (NPAD - N))
    srcp = jnp.concatenate(
        [src, jnp.broadcast_to(pad_src, (2, extra))], axis=1
    ).reshape(2, NT, NCH, CH)
    dstp = jnp.concatenate(
        [dst, jnp.broadcast_to(pad_dst, (2, extra))], axis=1
    ).reshape(2, NT, NCH, CH)

    ones = jnp.ones((N, D), jnp.float32)
    x = jnp.stack([x1, x2])

    deg = _get_deg_kernel()(dstp, ones)
    hp1 = _tc1(x, W1, deg)
    agg = _get_agg_kernel()
    agg1 = agg(hp1, srcp, dstp)
    hp2 = _tc2(agg1, deg, b1.reshape(1, D), W2)
    agg2 = agg(hp2, srcp, dstp)
    z = _tc3(agg2, deg, b2.reshape(1, D))
    return z[0], z[1]

# --- scband reference (transcript-rebuilt; emitter-appended) ---
"""Pipeline reference for scband-cca-ssg-56255481643393 (READ-ONLY COPY).

The authoritative reference and input builder live on the scoring server;
editing this copy changes nothing except your own understanding.
"""

import jax, jax.numpy as jnp
import numpy as np

N_NODES = 10000
N_EDGES = 320000
D_IN = 128
D_HID = 128
D_OUT = 128


def setup_inputs(seed: int = 0) -> dict:
    key = jax.random.key(seed)
    ks = jax.random.split(key, 8)
    x1 = jax.random.normal(ks[0], (N_NODES, D_IN), dtype=jnp.float32)
    x2 = jax.random.normal(ks[1], (N_NODES, D_IN), dtype=jnp.float32)
    edge_index1 = jax.random.randint(ks[2], (2, N_EDGES), 0, N_NODES, dtype=jnp.int32)
    edge_index2 = jax.random.randint(ks[3], (2, N_EDGES), 0, N_NODES, dtype=jnp.int32)
    W1 = jax.random.normal(ks[4], (D_IN, D_HID), dtype=jnp.float32) * (1.0 / np.sqrt(D_IN))
    b1 = jnp.zeros((D_HID,), dtype=jnp.float32)
    W2 = jax.random.normal(ks[5], (D_HID, D_OUT), dtype=jnp.float32) * (1.0 / np.sqrt(D_HID))
    b2 = jnp.zeros((D_OUT,), dtype=jnp.float32)
    return {"x1": x1, "x2": x2, "edge_index1": edge_index1, "edge_index2": edge_index2,
            "W1": W1, "b1": b1, "W2": W2, "b2": b2}


def _gcn_conv(x, src, dst, W, b, n):
    # GCNConv: x' = D^{-1/2} (A + I) D^{-1/2} (x @ W) + b
    h = x @ W
    loop = jnp.arange(n, dtype=src.dtype)
    s = jnp.concatenate([src, loop])
    d = jnp.concatenate([dst, loop])
    deg = jnp.zeros((n,), jnp.float32).at[d].add(1.0)
    dinv = jnp.where(deg > 0, jax.lax.rsqrt(deg), 0.0)
    norm = dinv[s] * dinv[d]
    msg = jnp.take(h, s, axis=0) * norm[:, None]
    out = jnp.zeros((n, h.shape[1]), h.dtype).at[d].add(msg)
    return out + b


def _backbone(x, edge_index, W1, b1, W2, b2):
    # GCN with n_layers=2: conv -> relu -> conv
    src, dst = edge_index[0], edge_index[1]
    n = x.shape[0]
    h = jax.nn.relu(_gcn_conv(x, src, dst, W1, b1, n))
    h = _gcn_conv(h, src, dst, W2, b2, n)
    return h


def reference(x1, x2, edge_index1, edge_index2, W1, b1, W2, b2):
    h1 = _backbone(x1, edge_index1, W1, b1, W2, b2)
    h2 = _backbone(x2, edge_index2, W1, b1, W2, b2)
    z1 = (h1 - h1.mean(axis=0)) / jnp.std(h1, axis=0, ddof=1)
    z2 = (h2 - h2.mean(axis=0)) / jnp.std(h2, axis=0, ddof=1)
    return (z1, z2)

if __name__ == "__main__":
    import jax
    _d = setup_inputs()
    print(jax.jit(kernel)(*tuple(_d.values())))

</pallas_src>

<mosaic_0001>
#map = affine_map<(d0, d1) -> (0, 0, 0)>
#map1 = affine_map<(d0, d1) -> (0, 0, 0, 0)>
module attributes {stable_mosaic.version = 14 : i64} {
  func.func @_agg_body(%arg0: i32, %arg1: i32, %arg2: memref<2x10000x128xf32, #tpu.memory_space<hbm>>, %arg3: memref<2x16x160x128xi32, #tpu.memory_space<hbm>>, %arg4: memref<2x16x160x128xi32, #tpu.memory_space<hbm>>, %arg5: memref<2x10000x128xf32, #tpu.memory_space<hbm>>, %arg6: memref<16x128xi32, #tpu.memory_space<vmem>>, %arg7: memref<16x128xi32, #tpu.memory_space<vmem>>, %arg8: memref<16x128xi32, #tpu.memory_space<vmem>>, %arg9: memref<16x128xi32, #tpu.memory_space<vmem>>, %arg10: memref<128x128xf32, #tpu.memory_space<vmem>>, %arg11: memref<128x128xf32, #tpu.memory_space<vmem>>, %arg12: memref<10016x128xf32, #tpu.memory_space<vmem_shared>>, %arg13: memref<!tpu.dma_semaphore, #tpu.memory_space<semaphore_mem>>, %arg14: memref<!tpu.dma_semaphore, #tpu.memory_space<semaphore_mem>>, %arg15: memref<!tpu.dma_semaphore, #tpu.memory_space<semaphore_mem>>, %arg16: memref<!tpu.dma_semaphore, #tpu.memory_space<semaphore_mem>>) attributes {dimension_semantics = [#tpu.dimension_semantics<core_parallel>, #tpu.dimension_semantics<subcore_parallel>], iteration_bounds = array<i64: 2, 16>, scalar_prefetch = 0 : i64, scratch_operands = 11 : i64, tpu.core_type = #tpu.core_type<sc_vector_subcore>, window_params = [{transform_indices = #map}, {transform_indices = #map1}, {transform_indices = #map1}, {transform_indices = #map}]} {
    %lt3A = arith.constant 15 : i32
    %lt3A_0 = arith.cmpi slt, %arg1, %lt3A : i32
    %convert_element_type3A = arith.extui %lt3A_0 : i1 to i32
    %cond3A = arith.constant 0 : i32
    %cond3A_1 = arith.cmpi ne, %convert_element_type3A, %cond3A : i32
    scf.if %cond3A_1 {
      %mul3A = arith.constant 632 : i32
      %mul3A_37 = arith.muli %arg1, %mul3A : i32
      %mul3A_38 = arith.constant 632 : i32
      %mul3A_39 = arith.muli %arg1, %mul3A_38 : i32
      "tpu.region"() ({
        %run_scoped3A = tpu.sem_alloc : memref<!tpu.dma_semaphore, #tpu.memory_space<semaphore_mem>>
        %dma_start3A_40 = arith.constant 0 : i32
        %dma_start3A_41 = tpu.memref_slice %arg12[%mul3A_39, %dma_start3A_40] : memref<10016x128xf32, #tpu.memory_space<vmem_shared>> -> memref<632x128xf32, #tpu.memory_space<vmem_shared>>
        %dma_start3A_42 = arith.constant 0 : i32
        %dma_start3A_43 = arith.constant 0 : i32
        %dma_start3A_44 = tpu.memref_slice %arg2[%arg0, %dma_start3A_42, %dma_start3A_43] : memref<2x10000x128xf32, #tpu.memory_space<hbm>> -> memref<1x10000x128xf32, #tpu.memory_space<hbm>>
        %dma_start3A_45 = tpu.memref_squeeze %dma_start3A_44 : memref<1x10000x128xf32, #tpu.memory_space<hbm>> -> memref<10000x128xf32, #tpu.memory_space<hbm>>
        %dma_start3A_46 = arith.constant 0 : i32
        %dma_start3A_47 = tpu.memref_slice %dma_start3A_45[%mul3A_37, %dma_start3A_46] : memref<10000x128xf32, #tpu.memory_space<hbm>> -> memref<632x128xf32, #tpu.memory_space<hbm>>
        tpu.enqueue_dma source(%dma_start3A_47 : memref<632x128xf32, #tpu.memory_space<hbm>>) target(%dma_start3A_41 : memref<632x128xf32, #tpu.memory_space<vmem_shared>>) target_semaphore(%run_scoped3A : memref<!tpu.dma_semaphore, #tpu.memory_space<semaphore_mem>>)
        %dma_wait3A = arith.constant 0 : i32
        %dma_wait3A_48 = tpu.memref_slice %arg12[%mul3A_39, %dma_wait3A] : memref<10016x128xf32, #tpu.memory_space<vmem_shared>> -> memref<632x128xf32, #tpu.memory_space<vmem_shared>>
        %dma_wait3A_49 = arith.constant 0 : i32
        %dma_wait3A_50 = arith.constant 0 : i32
        %dma_wait3A_51 = tpu.memref_slice %arg2[%arg0, %dma_wait3A_49, %dma_wait3A_50] : memref<2x10000x128xf32, #tpu.memory_space<hbm>> -> memref<1x10000x128xf32, #tpu.memory_space<hbm>>
        %dma_wait3A_52 = tpu.memref_squeeze %dma_wait3A_51 : memref<1x10000x128xf32, #tpu.memory_space<hbm>> -> memref<10000x128xf32, #tpu.memory_space<hbm>>
        %dma_wait3A_53 = arith.constant 0 : i32
        %dma_wait3A_54 = tpu.memref_slice %dma_wait3A_52[%mul3A_37, %dma_wait3A_53] : memref<10000x128xf32, #tpu.memory_space<hbm>> -> memref<632x128xf32, #tpu.memory_space<hbm>>
        tpu.wait_dma2 semaphore(%run_scoped3A : memref<!tpu.dma_semaphore, #tpu.memory_space<semaphore_mem>>) src(%dma_wait3A_54 : memref<632x128xf32, #tpu.memory_space<hbm>>) dst(%dma_wait3A_48 : memref<632x128xf32, #tpu.memory_space<vmem_shared>>)
        tpu.yield
      }) : () -> ()
    } else {
    }
    %eq3A = arith.constant 15 : i32
    %eq3A_2 = arith.cmpi eq, %arg1, %eq3A : i32
    %convert_element_type3A_3 = arith.extui %eq3A_2 : i1 to i32
    %cond3A_4 = arith.constant 0 : i32
    %cond3A_5 = arith.cmpi ne, %convert_element_type3A_3, %cond3A_4 : i32
    scf.if %cond3A_5 {
      "tpu.region"() ({
        %run_scoped3A = tpu.sem_alloc : memref<!tpu.dma_semaphore, #tpu.memory_space<semaphore_mem>>
        %dma_start3A_37 = arith.constant 9480 : i32
        %dma_start3A_38 = arith.constant 0 : i32
        %dma_start3A_39 = tpu.memref_slice %arg12[%dma_start3A_37, %dma_start3A_38] : memref<10016x128xf32, #tpu.memory_space<vmem_shared>> -> memref<520x128xf32, #tpu.memory_space<vmem_shared>>
        %dma_start3A_40 = arith.constant 0 : i32
        %dma_start3A_41 = arith.constant 0 : i32
        %dma_start3A_42 = tpu.memref_slice %arg2[%arg0, %dma_start3A_40, %dma_start3A_41] : memref<2x10000x128xf32, #tpu.memory_space<hbm>> -> memref<1x10000x128xf32, #tpu.memory_space<hbm>>
        %dma_start3A_43 = tpu.memref_squeeze %dma_start3A_42 : memref<1x10000x128xf32, #tpu.memory_space<hbm>> -> memref<10000x128xf32, #tpu.memory_space<hbm>>
        %dma_start3A_44 = arith.constant 9480 : i32
        %dma_start3A_45 = arith.constant 0 : i32
        %dma_start3A_46 = tpu.memref_slice %dma_start3A_43[%dma_start3A_44, %dma_start3A_45] : memref<10000x128xf32, #tpu.memory_space<hbm>> -> memref<520x128xf32, #tpu.memory_space<hbm>>
        tpu.enqueue_dma source(%dma_start3A_46 : memref<520x128xf32, #tpu.memory_space<hbm>>) target(%dma_start3A_39 : memref<520x128xf32, #tpu.memory_space<vmem_shared>>) target_semaphore(%run_scoped3A : memref<!tpu.dma_semaphore, #tpu.memory_space<semaphore_mem>>)
        %dma_wait3A = arith.constant 9480 : i32
        %dma_wait3A_47 = arith.constant 0 : i32
        %dma_wait3A_48 = tpu.memref_slice %arg12[%dma_wait3A, %dma_wait3A_47] : memref<10016x128xf32, #tpu.memory_space<vmem_shared>> -> memref<520x128xf32, #tpu.memory_space<vmem_shared>>
        %dma_wait3A_49 = arith.constant 0 : i32
        %dma_wait3A_50 = arith.constant 0 : i32
        %dma_wait3A_51 = tpu.memref_slice %arg2[%arg0, %dma_wait3A_49, %dma_wait3A_50] : memref<2x10000x128xf32, #tpu.memory_space<hbm>> -> memref<1x10000x128xf32, #tpu.memory_space<hbm>>
        %dma_wait3A_52 = tpu.memref_squeeze %dma_wait3A_51 : memref<1x10000x128xf32, #tpu.memory_space<hbm>> -> memref<10000x128xf32, #tpu.memory_space<hbm>>
        %dma_wait3A_53 = arith.constant 9480 : i32
        %dma_wait3A_54 = arith.constant 0 : i32
        %dma_wait3A_55 = tpu.memref_slice %dma_wait3A_52[%dma_wait3A_53, %dma_wait3A_54] : memref<10000x128xf32, #tpu.memory_space<hbm>> -> memref<520x128xf32, #tpu.memory_space<hbm>>
        tpu.wait_dma2 semaphore(%run_scoped3A : memref<!tpu.dma_semaphore, #tpu.memory_space<semaphore_mem>>) src(%dma_wait3A_55 : memref<520x128xf32, #tpu.memory_space<hbm>>) dst(%dma_wait3A_48 : memref<520x128xf32, #tpu.memory_space<vmem_shared>>)
        tpu.yield
      }) : () -> ()
    } else {
    }
    %barrier3A = arith.constant 0 : index
    tpu.barrier barrier_id(%barrier3A)
    %dma_start3A = arith.constant 0 : i32
    %dma_start3A_6 = arith.constant 0 : i32
    %dma_start3A_7 = tpu.memref_slice %arg3[%arg0, %arg1, %dma_start3A, %dma_start3A_6] : memref<2x16x160x128xi32, #tpu.memory_space<hbm>> -> memref<1x1x16x128xi32, #tpu.memory_space<hbm>>
    %dma_start3A_8 = tpu.memref_squeeze %dma_start3A_7 : memref<1x1x16x128xi32, #tpu.memory_space<hbm>> -> memref<16x128xi32, #tpu.memory_space<hbm>>
    %dma_start3A_9 = arith.constant 0 : i32
    %dma_start3A_10 = arith.constant 0 : i32
    %dma_start3A_11 = tpu.memref_slice %arg3[%arg0, %arg1, %dma_start3A_9, %dma_start3A_10] : memref<2x16x160x128xi32, #tpu.memory_space<hbm>> -> memref<1x1x16x128xi32, #tpu.memory_space<hbm>>
    %dma_start3A_12 = tpu.memref_squeeze %dma_start3A_11 : memref<1x1x16x128xi32, #tpu.memory_space<hbm>> -> memref<16x128xi32, #tpu.memory_space<hbm>>
    tpu.enqueue_dma source(%dma_start3A_12 : memref<16x128xi32, #tpu.memory_space<hbm>>) target(%arg6 : memref<16x128xi32, #tpu.memory_space<vmem>>) target_semaphore(%arg15 : memref<!tpu.dma_semaphore, #tpu.memory_space<semaphore_mem>>)
    %dma_start3A_13 = arith.constant 0 : i32
    %dma_start3A_14 = arith.constant 0 : i32
    %dma_start3A_15 = tpu.memref_slice %arg4[%arg0, %arg1, %dma_start3A_13, %dma_start3A_14] : memref<2x16x160x128xi32, #tpu.memory_space<hbm>> -> memref<1x1x16x128xi32, #tpu.memory_space<hbm>>
    %dma_start3A_16 = tpu.memref_squeeze %dma_start3A_15 : memref<1x1x16x128xi32, #tpu.memory_space<hbm>> -> memref<16x128xi32, #tpu.memory_space<hbm>>
    %dma_start3A_17 = arith.constant 0 : i32
    %dma_start3A_18 = arith.constant 0 : i32
    %dma_start3A_19 = tpu.memref_slice %arg4[%arg0, %arg1, %dma_start3A_17, %dma_start3A_18] : memref<2x16x160x128xi32, #tpu.memory_space<hbm>> -> memref<1x1x16x128xi32, #tpu.memory_space<hbm>>
    %dma_start3A_20 = tpu.memref_squeeze %dma_start3A_19 : memref<1x1x16x128xi32, #tpu.memory_space<hbm>> -> memref<16x128xi32, #tpu.memory_space<hbm>>
    tpu.enqueue_dma source(%dma_start3A_20 : memref<16x128xi32, #tpu.memory_space<hbm>>) target(%arg7 : memref<16x128xi32, #tpu.memory_space<vmem>>) target_semaphore(%arg15 : memref<!tpu.dma_semaphore, #tpu.memory_space<semaphore_mem>>)
    %scan3A = arith.constant 0 : i32
    %scan3A_21 = arith.constant 0 : i32
    %scan3A_22 = arith.constant 5 : i32
    %scan3A_23 = arith.addi %scan3A_21, %scan3A_22 : i32
    %scan3A_24 = arith.constant 1 : i32
    scf.for %scan3A_37 = %scan3A_21 to %scan3A_23 step %scan3A_24  : i32 {
      %mul3A = arith.constant 2 : i32
      %mul3A_38 = arith.muli %scan3A_37, %mul3A : i32
      %mul3A_39 = arith.constant 16 : i32
      %mul3A_40 = arith.muli %mul3A_38, %mul3A_39 : i32
      %dma_wait3A = arith.constant 0 : i32
      %dma_wait3A_41 = tpu.memref_slice %arg3[%arg0, %arg1, %mul3A_40, %dma_wait3A] : memref<2x16x160x128xi32, #tpu.memory_space<hbm>> -> memref<1x1x16x128xi32, #tpu.memory_space<hbm>>
      %dma_wait3A_42 = tpu.memref_squeeze %dma_wait3A_41 : memref<1x1x16x128xi32, #tpu.memory_space<hbm>> -> memref<16x128xi32, #tpu.memory_space<hbm>>
      %dma_wait3A_43 = arith.constant 0 : i32
      %dma_wait3A_44 = tpu.memref_slice %arg3[%arg0, %arg1, %mul3A_40, %dma_wait3A_43] : memref<2x16x160x128xi32, #tpu.memory_space<hbm>> -> memref<1x1x16x128xi32, #tpu.memory_space<hbm>>
      %dma_wait3A_45 = tpu.memref_squeeze %dma_wait3A_44 : memref<1x1x16x128xi32, #tpu.memory_space<hbm>> -> memref<16x128xi32, #tpu.memory_space<hbm>>
      tpu.wait_dma2 semaphore(%arg15 : memref<!tpu.dma_semaphore, #tpu.memory_space<semaphore_mem>>) src(%dma_wait3A_45 : memref<16x128xi32, #tpu.memory_space<hbm>>) dst(%arg6 : memref<16x128xi32, #tpu.memory_space<vmem>>)
      %mul3A_46 = arith.constant 16 : i32
      %mul3A_47 = arith.muli %mul3A_38, %mul3A_46 : i32
      %dma_wait3A_48 = arith.constant 0 : i32
      %dma_wait3A_49 = tpu.memref_slice %arg4[%arg0, %arg1, %mul3A_47, %dma_wait3A_48] : memref<2x16x160x128xi32, #tpu.memory_space<hbm>> -> memref<1x1x16x128xi32, #tpu.memory_space<hbm>>
      %dma_wait3A_50 = tpu.memref_squeeze %dma_wait3A_49 : memref<1x1x16x128xi32, #tpu.memory_space<hbm>> -> memref<16x128xi32, #tpu.memory_space<hbm>>
      %dma_wait3A_51 = arith.constant 0 : i32
      %dma_wait3A_52 = tpu.memref_slice %arg4[%arg0, %arg1, %mul3A_47, %dma_wait3A_51] : memref<2x16x160x128xi32, #tpu.memory_space<hbm>> -> memref<1x1x16x128xi32, #tpu.memory_space<hbm>>
      %dma_wait3A_53 = tpu.memref_squeeze %dma_wait3A_52 : memref<1x1x16x128xi32, #tpu.memory_space<hbm>> -> memref<16x128xi32, #tpu.memory_space<hbm>>
      tpu.wait_dma2 semaphore(%arg15 : memref<!tpu.dma_semaphore, #tpu.memory_space<semaphore_mem>>) src(%dma_wait3A_53 : memref<16x128xi32, #tpu.memory_space<hbm>>) dst(%arg7 : memref<16x128xi32, #tpu.memory_space<vmem>>)
      %add3A = arith.constant 1 : i32
      %add3A_54 = arith.addi %mul3A_38, %add3A : i32
      %mul3A_55 = arith.constant 16 : i32
      %mul3A_56 = arith.muli %add3A_54, %mul3A_55 : i32
      %dma_start3A_57 = arith.constant 0 : i32
      %dma_start3A_58 = tpu.memref_slice %arg3[%arg0, %arg1, %mul3A_56, %dma_start3A_57] : memref<2x16x160x128xi32, #tpu.memory_space<hbm>> -> memref<1x1x16x128xi32, #tpu.memory_space<hbm>>
      %dma_start3A_59 = tpu.memref_squeeze %dma_start3A_58 : memref<1x1x16x128xi32, #tpu.memory_space<hbm>> -> memref<16x128xi32, #tpu.memory_space<hbm>>
      %dma_start3A_60 = arith.constant 0 : i32
      %dma_start3A_61 = tpu.memref_slice %arg3[%arg0, %arg1, %mul3A_56, %dma_start3A_60] : memref<2x16x160x128xi32, #tpu.memory_space<hbm>> -> memref<1x1x16x128xi32, #tpu.memory_space<hbm>>
      %dma_start3A_62 = tpu.memref_squeeze %dma_start3A_61 : memref<1x1x16x128xi32, #tpu.memory_space<hbm>> -> memref<16x128xi32, #tpu.memory_space<hbm>>
      tpu.enqueue_dma source(%dma_start3A_62 : memref<16x128xi32, #tpu.memory_space<hbm>>) target(%arg8 : memref<16x128xi32, #tpu.memory_space<vmem>>) target_semaphore(%arg16 : memref<!tpu.dma_semaphore, #tpu.memory_space<semaphore_mem>>)
      %add3A_63 = arith.constant 1 : i32
      %add3A_64 = arith.addi %mul3A_38, %add3A_63 : i32
      %mul3A_65 = arith.constant 16 : i32
      %mul3A_66 = arith.muli %add3A_64, %mul3A_65 : i32
      %dma_start3A_67 = arith.constant 0 : i32
      %dma_start3A_68 = tpu.memref_slice %arg4[%arg0, %arg1, %mul3A_66, %dma_start3A_67] : memref<2x16x160x128xi32, #tpu.memory_space<hbm>> -> memref<1x1x16x128xi32, #tpu.memory_space<hbm>>
      %dma_start3A_69 = tpu.memref_squeeze %dma_start3A_68 : memref<1x1x16x128xi32, #tpu.memory_space<hbm>> -> memref<16x128xi32, #tpu.memory_space<hbm>>
      %dma_start3A_70 = arith.constant 0 : i32
      %dma_start3A_71 = tpu.memref_slice %arg4[%arg0, %arg1, %mul3A_66, %dma_start3A_70] : memref<2x16x160x128xi32, #tpu.memory_space<hbm>> -> memref<1x1x16x128xi32, #tpu.memory_space<hbm>>
      %dma_start3A_72 = tpu.memref_squeeze %dma_start3A_71 : memref<1x1x16x128xi32, #tpu.memory_space<hbm>> -> memref<16x128xi32, #tpu.memory_space<hbm>>
      tpu.enqueue_dma source(%dma_start3A_72 : memref<16x128xi32, #tpu.memory_space<hbm>>) target(%arg9 : memref<16x128xi32, #tpu.memory_space<vmem>>) target_semaphore(%arg16 : memref<!tpu.dma_semaphore, #tpu.memory_space<semaphore_mem>>)
      %dma_start3A_73 = arith.constant 0 : i32
      %dma_start3A_74 = arith.constant 0 : i32
      %dma_start3A_75 = tpu.memref_slice %arg6[%dma_start3A_73, %dma_start3A_74] : memref<16x128xi32, #tpu.memory_space<vmem>> -> memref<1x128xi32, #tpu.memory_space<vmem>>
      %dma_start3A_76 = tpu.memref_squeeze %dma_start3A_75 : memref<1x128xi32, #tpu.memory_space<vmem>> -> memref<128xi32, #tpu.memory_space<vmem>>
      %dma_start3A_77 = arith.constant 0 : i32
      %dma_start3A_78 = arith.constant 0 : i32
      %dma_start3A_79 = tpu.memref_slice %arg2[%arg0, %dma_start3A_77, %dma_start3A_78] : memref<2x10000x128xf32, #tpu.memory_space<hbm>> -> memref<1x10000x128xf32, #tpu.memory_space<hbm>>
      %dma_start3A_80 = tpu.memref_squeeze %dma_start3A_79 : memref<1x10000x128xf32, #tpu.memory_space<hbm>> -> memref<10000x128xf32, #tpu.memory_space<hbm>>
      %dma_start3A_81 = arith.constant 0 : i32
      %dma_start3A_82 = arith.constant 0 : i32
      %dma_start3A_83 = tpu.memref_slice %dma_start3A_80[%dma_start3A_81, %dma_start3A_82] : memref<10000x128xf32, #tpu.memory_space<hbm>> -> memref<10000x128xf32, #tpu.memory_space<hbm>>
      tpu.enqueue_indirect_dma source(%dma_start3A_83 : memref<10000x128xf32, #tpu.memory_space<hbm>>) target(%arg10 : memref<128x128xf32, #tpu.memory_space<vmem>>) offsets(%dma_start3A_76 : memref<128xi32, #tpu.memory_space<vmem>>) semaphore(%arg13 : memref<!tpu.dma_semaphore, #tpu.memory_space<semaphore_mem>>)
      %scan3A_84 = arith.constant 0 : i32
      %scan3A_85 = arith.constant 0 : i32
      %scan3A_86 = arith.constant 8 : i32
      %scan3A_87 = arith.addi %scan3A_85, %scan3A_86 : i32
      %scan3A_88 = arith.constant 1 : i32
      scf.for %scan3A_130 = %scan3A_85 to %scan3A_87 step %scan3A_88  : i32 {
        %mul3A_131 = arith.constant 2 : i32
        %mul3A_132 = arith.muli %scan3A_130, %mul3A_131 : i32
        %add3A_133 = arith.constant 1 : i32
        %add3A_134 = arith.addi %mul3A_132, %add3A_133 : i32
        %dma_start3A_135 = arith.constant 0 : i32
        %dma_start3A_136 = tpu.memref_slice %arg6[%add3A_134, %dma_start3A_135] : memref<16x128xi32, #tpu.memory_space<vmem>> -> memref<1x128xi32, #tpu.memory_space<vmem>>
        %dma_start3A_137 = tpu.memref_squeeze %dma_start3A_136 : memref<1x128xi32, #tpu.memory_space<vmem>> -> memref<128xi32, #tpu.memory_space<vmem>>
        %dma_start3A_138 = arith.constant 0 : i32
        %dma_start3A_139 = arith.constant 0 : i32
        %dma_start3A_140 = tpu.memref_slice %arg2[%arg0, %dma_start3A_138, %dma_start3A_139] : memref<2x10000x128xf32, #tpu.memory_space<hbm>> -> memref<1x10000x128xf32, #tpu.memory_space<hbm>>
        %dma_start3A_141 = tpu.memref_squeeze %dma_start3A_140 : memref<1x10000x128xf32, #tpu.memory_space<hbm>> -> memref<10000x128xf32, #tpu.memory_space<hbm>>
        %dma_start3A_142 = arith.constant 0 : i32
        %dma_start3A_143 = arith.constant 0 : i32
        %dma_start3A_144 = tpu.memref_slice %dma_start3A_141[%dma_start3A_142, %dma_start3A_143] : memref<10000x128xf32, #tpu.memory_space<hbm>> -> memref<10000x128xf32, #tpu.memory_space<hbm>>
        tpu.enqueue_indirect_dma source(%dma_start3A_144 : memref<10000x128xf32, #tpu.memory_space<hbm>>) target(%arg11 : memref<128x128xf32, #tpu.memory_space<vmem>>) offsets(%dma_start3A_137 : memref<128xi32, #tpu.memory_space<vmem>>) semaphore(%arg14 : memref<!tpu.dma_semaphore, #tpu.memory_space<semaphore_mem>>)
        %dma_wait3A_145 = arith.constant 0 : i32
        %dma_wait3A_146 = tpu.memref_slice %arg6[%mul3A_132, %dma_wait3A_145] : memref<16x128xi32, #tpu.memory_space<vmem>> -> memref<1x128xi32, #tpu.memory_space<vmem>>
        %dma_wait3A_147 = tpu.memref_squeeze %dma_wait3A_146 : memref<1x128xi32, #tpu.memory_space<vmem>> -> memref<128xi32, #tpu.memory_space<vmem>>
        %dma_wait3A_148 = arith.constant 0 : i32
        %dma_wait3A_149 = arith.constant 0 : i32
        %dma_wait3A_150 = tpu.memref_slice %arg2[%arg0, %dma_wait3A_148, %dma_wait3A_149] : memref<2x10000x128xf32, #tpu.memory_space<hbm>> -> memref<1x10000x128xf32, #tpu.memory_space<hbm>>
        %dma_wait3A_151 = tpu.memref_squeeze %dma_wait3A_150 : memref<1x10000x128xf32, #tpu.memory_space<hbm>> -> memref<10000x128xf32, #tpu.memory_space<hbm>>
        %dma_wait3A_152 = arith.constant 0 : i32
        %dma_wait3A_153 = arith.constant 0 : i32
        %dma_wait3A_154 = tpu.memref_slice %dma_wait3A_151[%dma_wait3A_152, %dma_wait3A_153] : memref<10000x128xf32, #tpu.memory_space<hbm>> -> memref<10000x128xf32, #tpu.memory_space<hbm>>
        tpu.wait_indirect_dma semaphore(%arg13 : memref<!tpu.dma_semaphore, #tpu.memory_space<semaphore_mem>>) src(%dma_wait3A_154 : memref<10000x128xf32, #tpu.memory_space<hbm>>) dst(%arg10 : memref<128x128xf32, #tpu.memory_space<vmem>>)
        "tpu.region"() ({
          %run_scoped3A = tpu.sem_alloc : memref<!tpu.dma_semaphore, #tpu.memory_space<semaphore_mem>>
          %dma_start3A_174 = arith.constant 0 : i32
          %dma_start3A_175 = tpu.memref_slice %arg7[%mul3A_132, %dma_start3A_174] : memref<16x128xi32, #tpu.memory_space<vmem>> -> memref<1x128xi32, #tpu.memory_space<vmem>>
          %dma_start3A_176 = tpu.memref_squeeze %dma_start3A_175 : memref<1x128xi32, #tpu.memory_space<vmem>> -> memref<128xi32, #tpu.memory_space<vmem>>
          %dma_start3A_177 = arith.constant 0 : i32
          %dma_start3A_178 = arith.constant 0 : i32
          %dma_start3A_179 = tpu.memref_slice %arg12[%dma_start3A_177, %dma_start3A_178] : memref<10016x128xf32, #tpu.memory_space<vmem_shared>> -> memref<10016x128xf32, #tpu.memory_space<vmem_shared>>
          tpu.enqueue_indirect_dma source(%arg10 : memref<128x128xf32, #tpu.memory_space<vmem>>) target(%dma_start3A_179 : memref<10016x128xf32, #tpu.memory_space<vmem_shared>>) offsets(%dma_start3A_176 : memref<128xi32, #tpu.memory_space<vmem>>) semaphore(%run_scoped3A : memref<!tpu.dma_semaphore, #tpu.memory_space<semaphore_mem>>) {add = true}
          %dma_wait3A_180 = arith.constant 0 : i32
          %dma_wait3A_181 = tpu.memref_slice %arg7[%mul3A_132, %dma_wait3A_180] : memref<16x128xi32, #tpu.memory_space<vmem>> -> memref<1x128xi32, #tpu.memory_space<vmem>>
          %dma_wait3A_182 = tpu.memref_squeeze %dma_wait3A_181 : memref<1x128xi32, #tpu.memory_space<vmem>> -> memref<128xi32, #tpu.memory_space<vmem>>
          %dma_wait3A_183 = arith.constant 0 : i32
          %dma_wait3A_184 = arith.constant 0 : i32
          %dma_wait3A_185 = tpu.memref_slice %arg12[%dma_wait3A_183, %dma_wait3A_184] : memref<10016x128xf32, #tpu.memory_space<vmem_shared>> -> memref<10016x128xf32, #tpu.memory_space<vmem_shared>>
          tpu.wait_indirect_dma semaphore(%run_scoped3A : memref<!tpu.dma_semaphore, #tpu.memory_space<semaphore_mem>>) src(%arg10 : memref<128x128xf32, #tpu.memory_space<vmem>>) dst(%dma_wait3A_185 : memref<10016x128xf32, #tpu.memory_space<vmem_shared>>)
          tpu.yield
        }) : () -> ()
        %lt3A_155 = arith.constant 7 : i32
        %lt3A_156 = arith.cmpi slt, %scan3A_130, %lt3A_155 : i32
        %convert_element_type3A_157 = arith.extui %lt3A_156 : i1 to i32
        %cond3A_158 = arith.constant 0 : i32
        %cond3A_159 = arith.cmpi ne, %convert_element_type3A_157, %cond3A_158 : i32
        scf.if %cond3A_159 {
          %add3A_174 = arith.constant 2 : i32
          %add3A_175 = arith.addi %mul3A_132, %add3A_174 : i32
          %dma_start3A_176 = arith.constant 0 : i32
          %dma_start3A_177 = tpu.memref_slice %arg6[%add3A_175, %dma_start3A_176] : memref<16x128xi32, #tpu.memory_space<vmem>> -> memref<1x128xi32, #tpu.memory_space<vmem>>
          %dma_start3A_178 = tpu.memref_squeeze %dma_start3A_177 : memref<1x128xi32, #tpu.memory_space<vmem>> -> memref<128xi32, #tpu.memory_space<vmem>>
          %dma_start3A_179 = arith.constant 0 : i32
          %dma_start3A_180 = arith.constant 0 : i32
          %dma_start3A_181 = tpu.memref_slice %arg2[%arg0, %dma_start3A_179, %dma_start3A_180] : memref<2x10000x128xf32, #tpu.memory_space<hbm>> -> memref<1x10000x128xf32, #tpu.memory_space<hbm>>
          %dma_start3A_182 = tpu.memref_squeeze %dma_start3A_181 : memref<1x10000x128xf32, #tpu.memory_space<hbm>> -> memref<10000x128xf32, #tpu.memory_space<hbm>>
          %dma_start3A_183 = arith.constant 0 : i32
          %dma_start3A_184 = arith.constant 0 : i32
          %dma_start3A_185 = tpu.memref_slice %dma_start3A_182[%dma_start3A_183, %dma_start3A_184] : memref<10000x128xf32, #tpu.memory_space<hbm>> -> memref<10000x128xf32, #tpu.memory_space<hbm>>
          tpu.enqueue_indirect_dma source(%dma_start3A_185 : memref<10000x128xf32, #tpu.memory_space<hbm>>) target(%arg10 : memref<128x128xf32, #tpu.memory_space<vmem>>) offsets(%dma_start3A_178 : memref<128xi32, #tpu.memory_space<vmem>>) semaphore(%arg13 : memref<!tpu.dma_semaphore, #tpu.memory_space<semaphore_mem>>)
        } else {
        }
        %add3A_160 = arith.constant 1 : i32
        %add3A_161 = arith.addi %mul3A_132, %add3A_160 : i32
        %dma_wait3A_162 = arith.constant 0 : i32
        %dma_wait3A_163 = tpu.memref_slice %arg6[%add3A_161, %dma_wait3A_162] : memref<16x128xi32, #tpu.memory_space<vmem>> -> memref<1x128xi32, #tpu.memory_space<vmem>>
        %dma_wait3A_164 = tpu.memref_squeeze %dma_wait3A_163 : memref<1x128xi32, #tpu.memory_space<vmem>> -> memref<128xi32, #tpu.memory_space<vmem>>
        %dma_wait3A_165 = arith.constant 0 : i32
        %dma_wait3A_166 = arith.constant 0 : i32
        %dma_wait3A_167 = tpu.memref_slice %arg2[%arg0, %dma_wait3A_165, %dma_wait3A_166] : memref<2x10000x128xf32, #tpu.memory_space<hbm>> -> memref<1x10000x128xf32, #tpu.memory_space<hbm>>
        %dma_wait3A_168 = tpu.memref_squeeze %dma_wait3A_167 : memref<1x10000x128xf32, #tpu.memory_space<hbm>> -> memref<10000x128xf32, #tpu.memory_space<hbm>>
        %dma_wait3A_169 = arith.constant 0 : i32
        %dma_wait3A_170 = arith.constant 0 : i32
        %dma_wait3A_171 = tpu.memref_slice %dma_wait3A_168[%dma_wait3A_169, %dma_wait3A_170] : memref<10000x128xf32, #tpu.memory_space<hbm>> -> memref<10000x128xf32, #tpu.memory_space<hbm>>
        tpu.wait_indirect_dma semaphore(%arg14 : memref<!tpu.dma_semaphore, #tpu.memory_space<semaphore_mem>>) src(%dma_wait3A_171 : memref<10000x128xf32, #tpu.memory_space<hbm>>) dst(%arg11 : memref<128x128xf32, #tpu.memory_space<vmem>>)
        %add3A_172 = arith.constant 1 : i32
        %add3A_173 = arith.addi %mul3A_132, %add3A_172 : i32
        "tpu.region"() ({
          %run_scoped3A = tpu.sem_alloc : memref<!tpu.dma_semaphore, #tpu.memory_space<semaphore_mem>>
          %dma_start3A_174 = arith.constant 0 : i32
          %dma_start3A_175 = tpu.memref_slice %arg7[%add3A_173, %dma_start3A_174] : memref<16x128xi32, #tpu.memory_space<vmem>> -> memref<1x128xi32, #tpu.memory_space<vmem>>
          %dma_start3A_176 = tpu.memref_squeeze %dma_start3A_175 : memref<1x128xi32, #tpu.memory_space<vmem>> -> memref<128xi32, #tpu.memory_space<vmem>>
          %dma_start3A_177 = arith.constant 0 : i32
          %dma_start3A_178 = arith.constant 0 : i32
          %dma_start3A_179 = tpu.memref_slice %arg12[%dma_start3A_177, %dma_start3A_178] : memref<10016x128xf32, #tpu.memory_space<vmem_shared>> -> memref<10016x128xf32, #tpu.memory_space<vmem_shared>>
          tpu.enqueue_indirect_dma source(%arg11 : memref<128x128xf32, #tpu.memory_space<vmem>>) target(%dma_start3A_179 : memref<10016x128xf32, #tpu.memory_space<vmem_shared>>) offsets(%dma_start3A_176 : memref<128xi32, #tpu.memory_space<vmem>>) semaphore(%run_scoped3A : memref<!tpu.dma_semaphore, #tpu.memory_space<semaphore_mem>>) {add = true}
          %dma_wait3A_180 = arith.constant 0 : i32
          %dma_wait3A_181 = tpu.memref_slice %arg7[%add3A_173, %dma_wait3A_180] : memref<16x128xi32, #tpu.memory_space<vmem>> -> memref<1x128xi32, #tpu.memory_space<vmem>>
          %dma_wait3A_182 = tpu.memref_squeeze %dma_wait3A_181 : memref<1x128xi32, #tpu.memory_space<vmem>> -> memref<128xi32, #tpu.memory_space<vmem>>
          %dma_wait3A_183 = arith.constant 0 : i32
          %dma_wait3A_184 = arith.constant 0 : i32
          %dma_wait3A_185 = tpu.memref_slice %arg12[%dma_wait3A_183, %dma_wait3A_184] : memref<10016x128xf32, #tpu.memory_space<vmem_shared>> -> memref<10016x128xf32, #tpu.memory_space<vmem_shared>>
          tpu.wait_indirect_dma semaphore(%run_scoped3A : memref<!tpu.dma_semaphore, #tpu.memory_space<semaphore_mem>>) src(%arg11 : memref<128x128xf32, #tpu.memory_space<vmem>>) dst(%dma_wait3A_185 : memref<10016x128xf32, #tpu.memory_space<vmem_shared>>)
          tpu.yield
        }) : () -> ()
      }
      %scan3A_89 = arith.constant 8 : i32
      %add3A_90 = arith.constant 1 : i32
      %add3A_91 = arith.addi %mul3A_38, %add3A_90 : i32
      %mul3A_92 = arith.constant 16 : i32
      %mul3A_93 = arith.muli %add3A_91, %mul3A_92 : i32
      %dma_wait3A_94 = arith.constant 0 : i32
      %dma_wait3A_95 = tpu.memref_slice %arg3[%arg0, %arg1, %mul3A_93, %dma_wait3A_94] : memref<2x16x160x128xi32, #tpu.memory_space<hbm>> -> memref<1x1x16x128xi32, #tpu.memory_space<hbm>>
      %dma_wait3A_96 = tpu.memref_squeeze %dma_wait3A_95 : memref<1x1x16x128xi32, #tpu.memory_space<hbm>> -> memref<16x128xi32, #tpu.memory_space<hbm>>
      %dma_wait3A_97 = arith.constant 0 : i32
      %dma_wait3A_98 = tpu.memref_slice %arg3[%arg0, %arg1, %mul3A_93, %dma_wait3A_97] : memref<2x16x160x128xi32, #tpu.memory_space<hbm>> -> memref<1x1x16x128xi32, #tpu.memory_space<hbm>>
      %dma_wait3A_99 = tpu.memref_squeeze %dma_wait3A_98 : memref<1x1x16x128xi32, #tpu.memory_space<hbm>> -> memref<16x128xi32, #tpu.memory_space<hbm>>
      tpu.wait_dma2 semaphore(%arg16 : memref<!tpu.dma_semaphore, #tpu.memory_space<semaphore_mem>>) src(%dma_wait3A_99 : memref<16x128xi32, #tpu.memory_space<hbm>>) dst(%arg8 : memref<16x128xi32, #tpu.memory_space<vmem>>)
      %mul3A_100 = arith.constant 16 : i32
      %mul3A_101 = arith.muli %add3A_91, %mul3A_100 : i32
      %dma_wait3A_102 = arith.constant 0 : i32
      %dma_wait3A_103 = tpu.memref_slice %arg4[%arg0, %arg1, %mul3A_101, %dma_wait3A_102] : memref<2x16x160x128xi32, #tpu.memory_space<hbm>> -> memref<1x1x16x128xi32, #tpu.memory_space<hbm>>
      %dma_wait3A_104 = tpu.memref_squeeze %dma_wait3A_103 : memref<1x1x16x128xi32, #tpu.memory_space<hbm>> -> memref<16x128xi32, #tpu.memory_space<hbm>>
      %dma_wait3A_105 = arith.constant 0 : i32
      %dma_wait3A_106 = tpu.memref_slice %arg4[%arg0, %arg1, %mul3A_101, %dma_wait3A_105] : memref<2x16x160x128xi32, #tpu.memory_space<hbm>> -> memref<1x1x16x128xi32, #tpu.memory_space<hbm>>
      %dma_wait3A_107 = tpu.memref_squeeze %dma_wait3A_106 : memref<1x1x16x128xi32, #tpu.memory_space<hbm>> -> memref<16x128xi32, #tpu.memory_space<hbm>>
      tpu.wait_dma2 semaphore(%arg16 : memref<!tpu.dma_semaphore, #tpu.memory_space<semaphore_mem>>) src(%dma_wait3A_107 : memref<16x128xi32, #tpu.memory_space<hbm>>) dst(%arg9 : memref<16x128xi32, #tpu.memory_space<vmem>>)
      %lt3A_108 = arith.constant 4 : i32
      %lt3A_109 = arith.cmpi slt, %scan3A_37, %lt3A_108 : i32
      %convert_element_type3A_110 = arith.extui %lt3A_109 : i1 to i32
      %cond3A_111 = arith.constant 0 : i32
      %cond3A_112 = arith.cmpi ne, %convert_element_type3A_110, %cond3A_111 : i32
      scf.if %cond3A_112 {
        %add3A_130 = arith.constant 2 : i32
        %add3A_131 = arith.addi %mul3A_38, %add3A_130 : i32
        %mul3A_132 = arith.constant 16 : i32
        %mul3A_133 = arith.muli %add3A_131, %mul3A_132 : i32
        %dma_start3A_134 = arith.constant 0 : i32
        %dma_start3A_135 = tpu.memref_slice %arg3[%arg0, %arg1, %mul3A_133, %dma_start3A_134] : memref<2x16x160x128xi32, #tpu.memory_space<hbm>> -> memref<1x1x16x128xi32, #tpu.memory_space<hbm>>
        %dma_start3A_136 = tpu.memref_squeeze %dma_start3A_135 : memref<1x1x16x128xi32, #tpu.memory_space<hbm>> -> memref<16x128xi32, #tpu.memory_space<hbm>>
        %dma_start3A_137 = arith.constant 0 : i32
        %dma_start3A_138 = tpu.memref_slice %arg3[%arg0, %arg1, %mul3A_133, %dma_start3A_137] : memref<2x16x160x128xi32, #tpu.memory_space<hbm>> -> memref<1x1x16x128xi32, #tpu.memory_space<hbm>>
        %dma_start3A_139 = tpu.memref_squeeze %dma_start3A_138 : memref<1x1x16x128xi32, #tpu.memory_space<hbm>> -> memref<16x128xi32, #tpu.memory_space<hbm>>
        tpu.enqueue_dma source(%dma_start3A_139 : memref<16x128xi32, #tpu.memory_space<hbm>>) target(%arg6 : memref<16x128xi32, #tpu.memory_space<vmem>>) target_semaphore(%arg15 : memref<!tpu.dma_semaphore, #tpu.memory_space<semaphore_mem>>)
        %mul3A_140 = arith.constant 16 : i32
        %mul3A_141 = arith.muli %add3A_131, %mul3A_140 : i32
        %dma_start3A_142 = arith.constant 0 : i32
        %dma_start3A_143 = tpu.memref_slice %arg4[%arg0, %arg1, %mul3A_141, %dma_start3A_142] : memref<2x16x160x128xi32, #tpu.memory_space<hbm>> -> memref<1x1x16x128xi32, #tpu.memory_space<hbm>>
        %dma_start3A_144 = tpu.memref_squeeze %dma_start3A_143 : memref<1x1x16x128xi32, #tpu.memory_space<hbm>> -> memref<16x128xi32, #tpu.memory_space<hbm>>
        %dma_start3A_145 = arith.constant 0 : i32
        %dma_start3A_146 = tpu.memref_slice %arg4[%arg0, %arg1, %mul3A_141, %dma_start3A_145] : memref<2x16x160x128xi32, #tpu.memory_space<hbm>> -> memref<1x1x16x128xi32, #tpu.memory_space<hbm>>
        %dma_start3A_147 = tpu.memref_squeeze %dma_start3A_146 : memref<1x1x16x128xi32, #tpu.memory_space<hbm>> -> memref<16x128xi32, #tpu.memory_space<hbm>>
        tpu.enqueue_dma source(%dma_start3A_147 : memref<16x128xi32, #tpu.memory_space<hbm>>) target(%arg7 : memref<16x128xi32, #tpu.memory_space<vmem>>) target_semaphore(%arg15 : memref<!tpu.dma_semaphore, #tpu.memory_space<semaphore_mem>>)
      } else {
      }
      %dma_start3A_113 = arith.constant 0 : i32
      %dma_start3A_114 = arith.constant 0 : i32
      %dma_start3A_115 = tpu.memref_slice %arg8[%dma_start3A_113, %dma_start3A_114] : memref<16x128xi32, #tpu.memory_space<vmem>> -> memref<1x128xi32, #tpu.memory_space<vmem>>
      %dma_start3A_116 = tpu.memref_squeeze %dma_start3A_115 : memref<1x128xi32, #tpu.memory_space<vmem>> -> memref<128xi32, #tpu.memory_space<vmem>>
      %dma_start3A_117 = arith.constant 0 : i32
      %dma_start3A_118 = arith.constant 0 : i32
      %dma_start3A_119 = tpu.memref_slice %arg2[%arg0, %dma_start3A_117, %dma_start3A_118] : memref<2x10000x128xf32, #tpu.memory_space<hbm>> -> memref<1x10000x128xf32, #tpu.memory_space<hbm>>
      %dma_start3A_120 = tpu.memref_squeeze %dma_start3A_119 : memref<1x10000x128xf32, #tpu.memory_space<hbm>> -> memref<10000x128xf32, #tpu.memory_space<hbm>>
      %dma_start3A_121 = arith.constant 0 : i32
      %dma_start3A_122 = arith.constant 0 : i32
      %dma_start3A_123 = tpu.memref_slice %dma_start3A_120[%dma_start3A_121, %dma_start3A_122] : memref<10000x128xf32, #tpu.memory_space<hbm>> -> memref<10000x128xf32, #tpu.memory_space<hbm>>
      tpu.enqueue_indirect_dma source(%dma_start3A_123 : memref<10000x128xf32, #tpu.memory_space<hbm>>) target(%arg10 : memref<128x128xf32, #tpu.memory_space<vmem>>) offsets(%dma_start3A_116 : memref<128xi32, #tpu.memory_space<vmem>>) semaphore(%arg13 : memref<!tpu.dma_semaphore, #tpu.memory_space<semaphore_mem>>)
      %scan3A_124 = arith.constant 0 : i32
      %scan3A_125 = arith.constant 0 : i32
      %scan3A_126 = arith.constant 8 : i32
      %scan3A_127 = arith.addi %scan3A_125, %scan3A_126 : i32
      %scan3A_128 = arith.constant 1 : i32
      scf.for %scan3A_130 = %scan3A_125 to %scan3A_127 step %scan3A_128  : i32 {
        %mul3A_131 = arith.constant 2 : i32
        %mul3A_132 = arith.muli %scan3A_130, %mul3A_131 : i32
        %add3A_133 = arith.constant 1 : i32
        %add3A_134 = arith.addi %mul3A_132, %add3A_133 : i32
        %dma_start3A_135 = arith.constant 0 : i32
        %dma_start3A_136 = tpu.memref_slice %arg8[%add3A_134, %dma_start3A_135] : memref<16x128xi32, #tpu.memory_space<vmem>> -> memref<1x128xi32, #tpu.memory_space<vmem>>
        %dma_start3A_137 = tpu.memref_squeeze %dma_start3A_136 : memref<1x128xi32, #tpu.memory_space<vmem>> -> memref<128xi32, #tpu.memory_space<vmem>>
        %dma_start3A_138 = arith.constant 0 : i32
        %dma_start3A_139 = arith.constant 0 : i32
        %dma_start3A_140 = tpu.memref_slice %arg2[%arg0, %dma_start3A_138, %dma_start3A_139] : memref<2x10000x128xf32, #tpu.memory_space<hbm>> -> memref<1x10000x128xf32, #tpu.memory_space<hbm>>
        %dma_start3A_141 = tpu.memref_squeeze %dma_start3A_140 : memref<1x10000x128xf32, #tpu.memory_space<hbm>> -> memref<10000x128xf32, #tpu.memory_space<hbm>>
        %dma_start3A_142 = arith.constant 0 : i32
        %dma_start3A_143 = arith.constant 0 : i32
        %dma_start3A_144 = tpu.memref_slice %dma_start3A_141[%dma_start3A_142, %dma_start3A_143] : memref<10000x128xf32, #tpu.memory_space<hbm>> -> memref<10000x128xf32, #tpu.memory_space<hbm>>
        tpu.enqueue_indirect_dma source(%dma_start3A_144 : memref<10000x128xf32, #tpu.memory_space<hbm>>) target(%arg11 : memref<128x128xf32, #tpu.memory_space<vmem>>) offsets(%dma_start3A_137 : memref<128xi32, #tpu.memory_space<vmem>>) semaphore(%arg14 : memref<!tpu.dma_semaphore, #tpu.memory_space<semaphore_mem>>)
        %dma_wait3A_145 = arith.constant 0 : i32
        %dma_wait3A_146 = tpu.memref_slice %arg8[%mul3A_132, %dma_wait3A_145] : memref<16x128xi32, #tpu.memory_space<vmem>> -> memref<1x128xi32, #tpu.memory_space<vmem>>
        %dma_wait3A_147 = tpu.memref_squeeze %dma_wait3A_146 : memref<1x128xi32, #tpu.memory_space<vmem>> -> memref<128xi32, #tpu.memory_space<vmem>>
        %dma_wait3A_148 = arith.constant 0 : i32
        %dma_wait3A_149 = arith.constant 0 : i32
        %dma_wait3A_150 = tpu.memref_slice %arg2[%arg0, %dma_wait3A_148, %dma_wait3A_149] : memref<2x10000x128xf32, #tpu.memory_space<hbm>> -> memref<1x10000x128xf32, #tpu.memory_space<hbm>>
        %dma_wait3A_151 = tpu.memref_squeeze %dma_wait3A_150 : memref<1x10000x128xf32, #tpu.memory_space<hbm>> -> memref<10000x128xf32, #tpu.memory_space<hbm>>
        %dma_wait3A_152 = arith.constant 0 : i32
        %dma_wait3A_153 = arith.constant 0 : i32
        %dma_wait3A_154 = tpu.memref_slice %dma_wait3A_151[%dma_wait3A_152, %dma_wait3A_153] : memref<10000x128xf32, #tpu.memory_space<hbm>> -> memref<10000x128xf32, #tpu.memory_space<hbm>>
        tpu.wait_indirect_dma semaphore(%arg13 : memref<!tpu.dma_semaphore, #tpu.memory_space<semaphore_mem>>) src(%dma_wait3A_154 : memref<10000x128xf32, #tpu.memory_space<hbm>>) dst(%arg10 : memref<128x128xf32, #tpu.memory_space<vmem>>)
        "tpu.region"() ({
          %run_scoped3A = tpu.sem_alloc : memref<!tpu.dma_semaphore, #tpu.memory_space<semaphore_mem>>
          %dma_start3A_174 = arith.constant 0 : i32
          %dma_start3A_175 = tpu.memref_slice %arg9[%mul3A_132, %dma_start3A_174] : memref<16x128xi32, #tpu.memory_space<vmem>> -> memref<1x128xi32, #tpu.memory_space<vmem>>
          %dma_start3A_176 = tpu.memref_squeeze %dma_start3A_175 : memref<1x128xi32, #tpu.memory_space<vmem>> -> memref<128xi32, #tpu.memory_space<vmem>>
          %dma_start3A_177 = arith.constant 0 : i32
          %dma_start3A_178 = arith.constant 0 : i32
          %dma_start3A_179 = tpu.memref_slice %arg12[%dma_start3A_177, %dma_start3A_178] : memref<10016x128xf32, #tpu.memory_space<vmem_shared>> -> memref<10016x128xf32, #tpu.memory_space<vmem_shared>>
          tpu.enqueue_indirect_dma source(%arg10 : memref<128x128xf32, #tpu.memory_space<vmem>>) target(%dma_start3A_179 : memref<10016x128xf32, #tpu.memory_space<vmem_shared>>) offsets(%dma_start3A_176 : memref<128xi32, #tpu.memory_space<vmem>>) semaphore(%run_scoped3A : memref<!tpu.dma_semaphore, #tpu.memory_space<semaphore_mem>>) {add = true}
          %dma_wait3A_180 = arith.constant 0 : i32
          %dma_wait3A_181 = tpu.memref_slice %arg9[%mul3A_132, %dma_wait3A_180] : memref<16x128xi32, #tpu.memory_space<vmem>> -> memref<1x128xi32, #tpu.memory_space<vmem>>
          %dma_wait3A_182 = tpu.memref_squeeze %dma_wait3A_181 : memref<1x128xi32, #tpu.memory_space<vmem>> -> memref<128xi32, #tpu.memory_space<vmem>>
          %dma_wait3A_183 = arith.constant 0 : i32
          %dma_wait3A_184 = arith.constant 0 : i32
          %dma_wait3A_185 = tpu.memref_slice %arg12[%dma_wait3A_183, %dma_wait3A_184] : memref<10016x128xf32, #tpu.memory_space<vmem_shared>> -> memref<10016x128xf32, #tpu.memory_space<vmem_shared>>
          tpu.wait_indirect_dma semaphore(%run_scoped3A : memref<!tpu.dma_semaphore, #tpu.memory_space<semaphore_mem>>) src(%arg10 : memref<128x128xf32, #tpu.memory_space<vmem>>) dst(%dma_wait3A_185 : memref<10016x128xf32, #tpu.memory_space<vmem_shared>>)
          tpu.yield
        }) : () -> ()
        %lt3A_155 = arith.constant 7 : i32
        %lt3A_156 = arith.cmpi slt, %scan3A_130, %lt3A_155 : i32
        %convert_element_type3A_157 = arith.extui %lt3A_156 : i1 to i32
        %cond3A_158 = arith.constant 0 : i32
        %cond3A_159 = arith.cmpi ne, %convert_element_type3A_157, %cond3A_158 : i32
        scf.if %cond3A_159 {
          %add3A_174 = arith.constant 2 : i32
          %add3A_175 = arith.addi %mul3A_132, %add3A_174 : i32
          %dma_start3A_176 = arith.constant 0 : i32
          %dma_start3A_177 = tpu.memref_slice %arg8[%add3A_175, %dma_start3A_176] : memref<16x128xi32, #tpu.memory_space<vmem>> -> memref<1x128xi32, #tpu.memory_space<vmem>>
          %dma_start3A_178 = tpu.memref_squeeze %dma_start3A_177 : memref<1x128xi32, #tpu.memory_space<vmem>> -> memref<128xi32, #tpu.memory_space<vmem>>
          %dma_start3A_179 = arith.constant 0 : i32
          %dma_start3A_180 = arith.constant 0 : i32
          %dma_start3A_181 = tpu.memref_slice %arg2[%arg0, %dma_start3A_179, %dma_start3A_180] : memref<2x10000x128xf32, #tpu.memory_space<hbm>> -> memref<1x10000x128xf32, #tpu.memory_space<hbm>>
          %dma_start3A_182 = tpu.memref_squeeze %dma_start3A_181 : memref<1x10000x128xf32, #tpu.memory_space<hbm>> -> memref<10000x128xf32, #tpu.memory_space<hbm>>
          %dma_start3A_183 = arith.constant 0 : i32
          %dma_start3A_184 = arith.constant 0 : i32
          %dma_start3A_185 = tpu.memref_slice %dma_start3A_182[%dma_start3A_183, %dma_start3A_184] : memref<10000x128xf32, #tpu.memory_space<hbm>> -> memref<10000x128xf32, #tpu.memory_space<hbm>>
          tpu.enqueue_indirect_dma source(%dma_start3A_185 : memref<10000x128xf32, #tpu.memory_space<hbm>>) target(%arg10 : memref<128x128xf32, #tpu.memory_space<vmem>>) offsets(%dma_start3A_178 : memref<128xi32, #tpu.memory_space<vmem>>) semaphore(%arg13 : memref<!tpu.dma_semaphore, #tpu.memory_space<semaphore_mem>>)
        } else {
        }
        %add3A_160 = arith.constant 1 : i32
        %add3A_161 = arith.addi %mul3A_132, %add3A_160 : i32
        %dma_wait3A_162 = arith.constant 0 : i32
        %dma_wait3A_163 = tpu.memref_slice %arg8[%add3A_161, %dma_wait3A_162] : memref<16x128xi32, #tpu.memory_space<vmem>> -> memref<1x128xi32, #tpu.memory_space<vmem>>
        %dma_wait3A_164 = tpu.memref_squeeze %dma_wait3A_163 : memref<1x128xi32, #tpu.memory_space<vmem>> -> memref<128xi32, #tpu.memory_space<vmem>>
        %dma_wait3A_165 = arith.constant 0 : i32
        %dma_wait3A_166 = arith.constant 0 : i32
        %dma_wait3A_167 = tpu.memref_slice %arg2[%arg0, %dma_wait3A_165, %dma_wait3A_166] : memref<2x10000x128xf32, #tpu.memory_space<hbm>> -> memref<1x10000x128xf32, #tpu.memory_space<hbm>>
        %dma_wait3A_168 = tpu.memref_squeeze %dma_wait3A_167 : memref<1x10000x128xf32, #tpu.memory_space<hbm>> -> memref<10000x128xf32, #tpu.memory_space<hbm>>
        %dma_wait3A_169 = arith.constant 0 : i32
        %dma_wait3A_170 = arith.constant 0 : i32
        %dma_wait3A_171 = tpu.memref_slice %dma_wait3A_168[%dma_wait3A_169, %dma_wait3A_170] : memref<10000x128xf32, #tpu.memory_space<hbm>> -> memref<10000x128xf32, #tpu.memory_space<hbm>>
        tpu.wait_indirect_dma semaphore(%arg14 : memref<!tpu.dma_semaphore, #tpu.memory_space<semaphore_mem>>) src(%dma_wait3A_171 : memref<10000x128xf32, #tpu.memory_space<hbm>>) dst(%arg11 : memref<128x128xf32, #tpu.memory_space<vmem>>)
        %add3A_172 = arith.constant 1 : i32
        %add3A_173 = arith.addi %mul3A_132, %add3A_172 : i32
        "tpu.region"() ({
          %run_scoped3A = tpu.sem_alloc : memref<!tpu.dma_semaphore, #tpu.memory_space<semaphore_mem>>
          %dma_start3A_174 = arith.constant 0 : i32
          %dma_start3A_175 = tpu.memref_slice %arg9[%add3A_173, %dma_start3A_174] : memref<16x128xi32, #tpu.memory_space<vmem>> -> memref<1x128xi32, #tpu.memory_space<vmem>>
          %dma_start3A_176 = tpu.memref_squeeze %dma_start3A_175 : memref<1x128xi32, #tpu.memory_space<vmem>> -> memref<128xi32, #tpu.memory_space<vmem>>
          %dma_start3A_177 = arith.constant 0 : i32
          %dma_start3A_178 = arith.constant 0 : i32
          %dma_start3A_179 = tpu.memref_slice %arg12[%dma_start3A_177, %dma_start3A_178] : memref<10016x128xf32, #tpu.memory_space<vmem_shared>> -> memref<10016x128xf32, #tpu.memory_space<vmem_shared>>
          tpu.enqueue_indirect_dma source(%arg11 : memref<128x128xf32, #tpu.memory_space<vmem>>) target(%dma_start3A_179 : memref<10016x128xf32, #tpu.memory_space<vmem_shared>>) offsets(%dma_start3A_176 : memref<128xi32, #tpu.memory_space<vmem>>) semaphore(%run_scoped3A : memref<!tpu.dma_semaphore, #tpu.memory_space<semaphore_mem>>) {add = true}
          %dma_wait3A_180 = arith.constant 0 : i32
          %dma_wait3A_181 = tpu.memref_slice %arg9[%add3A_173, %dma_wait3A_180] : memref<16x128xi32, #tpu.memory_space<vmem>> -> memref<1x128xi32, #tpu.memory_space<vmem>>
          %dma_wait3A_182 = tpu.memref_squeeze %dma_wait3A_181 : memref<1x128xi32, #tpu.memory_space<vmem>> -> memref<128xi32, #tpu.memory_space<vmem>>
          %dma_wait3A_183 = arith.constant 0 : i32
          %dma_wait3A_184 = arith.constant 0 : i32
          %dma_wait3A_185 = tpu.memref_slice %arg12[%dma_wait3A_183, %dma_wait3A_184] : memref<10016x128xf32, #tpu.memory_space<vmem_shared>> -> memref<10016x128xf32, #tpu.memory_space<vmem_shared>>
          tpu.wait_indirect_dma semaphore(%run_scoped3A : memref<!tpu.dma_semaphore, #tpu.memory_space<semaphore_mem>>) src(%arg11 : memref<128x128xf32, #tpu.memory_space<vmem>>) dst(%dma_wait3A_185 : memref<10016x128xf32, #tpu.memory_space<vmem_shared>>)
          tpu.yield
        }) : () -> ()
      }
      %scan3A_129 = arith.constant 8 : i32
    }
    %scan3A_25 = arith.constant 5 : i32
    %barrier3A_26 = arith.constant 0 : index
    tpu.barrier barrier_id(%barrier3A_26)
    %lt3A_27 = arith.constant 15 : i32
    %lt3A_28 = arith.cmpi slt, %arg1, %lt3A_27 : i32
    %convert_element_type3A_29 = arith.extui %lt3A_28 : i1 to i32
    %cond3A_30 = arith.constant 0 : i32
    %cond3A_31 = arith.cmpi ne, %convert_element_type3A_29, %cond3A_30 : i32
    scf.if %cond3A_31 {
      %mul3A = arith.constant 632 : i32
      %mul3A_37 = arith.muli %arg1, %mul3A : i32
      %mul3A_38 = arith.constant 632 : i32
      %mul3A_39 = arith.muli %arg1, %mul3A_38 : i32
      "tpu.region"() ({
        %run_scoped3A = tpu.sem_alloc : memref<!tpu.dma_semaphore, #tpu.memory_space<semaphore_mem>>
        %dma_start3A_40 = arith.constant 0 : i32
        %dma_start3A_41 = tpu.memref_slice %arg5[%arg0, %mul3A_39, %dma_start3A_40] : memref<2x10000x128xf32, #tpu.memory_space<hbm>> -> memref<1x632x128xf32, #tpu.memory_space<hbm>>
        %dma_start3A_42 = tpu.memref_squeeze %dma_start3A_41 : memref<1x632x128xf32, #tpu.memory_space<hbm>> -> memref<632x128xf32, #tpu.memory_space<hbm>>
        %dma_start3A_43 = arith.constant 0 : i32
        %dma_start3A_44 = tpu.memref_slice %arg12[%mul3A_37, %dma_start3A_43] : memref<10016x128xf32, #tpu.memory_space<vmem_shared>> -> memref<632x128xf32, #tpu.memory_space<vmem_shared>>
        tpu.enqueue_dma source(%dma_start3A_44 : memref<632x128xf32, #tpu.memory_space<vmem_shared>>) target(%dma_start3A_42 : memref<632x128xf32, #tpu.memory_space<hbm>>) target_semaphore(%run_scoped3A : memref<!tpu.dma_semaphore, #tpu.memory_space<semaphore_mem>>)
        %dma_wait3A = arith.constant 0 : i32
        %dma_wait3A_45 = tpu.memref_slice %arg5[%arg0, %mul3A_39, %dma_wait3A] : memref<2x10000x128xf32, #tpu.memory_space<hbm>> -> memref<1x632x128xf32, #tpu.memory_space<hbm>>
        %dma_wait3A_46 = tpu.memref_squeeze %dma_wait3A_45 : memref<1x632x128xf32, #tpu.memory_space<hbm>> -> memref<632x128xf32, #tpu.memory_space<hbm>>
        %dma_wait3A_47 = arith.constant 0 : i32
        %dma_wait3A_48 = tpu.memref_slice %arg12[%mul3A_37, %dma_wait3A_47] : memref<10016x128xf32, #tpu.memory_space<vmem_shared>> -> memref<632x128xf32, #tpu.memory_space<vmem_shared>>
        tpu.wait_dma2 semaphore(%run_scoped3A : memref<!tpu.dma_semaphore, #tpu.memory_space<semaphore_mem>>) src(%dma_wait3A_48 : memref<632x128xf32, #tpu.memory_space<vmem_shared>>) dst(%dma_wait3A_46 : memref<632x128xf32, #tpu.memory_space<hbm>>)
        tpu.yield
      }) : () -> ()
    } else {
    }
    %eq3A_32 = arith.constant 15 : i32
    %eq3A_33 = arith.cmpi eq, %arg1, %eq3A_32 : i32
    %convert_element_type3A_34 = arith.extui %eq3A_33 : i1 to i32
    %cond3A_35 = arith.constant 0 : i32
    %cond3A_36 = arith.cmpi ne, %convert_element_type3A_34, %cond3A_35 : i32
    scf.if %cond3A_36 {
      "tpu.region"() ({
        %run_scoped3A = tpu.sem_alloc : memref<!tpu.dma_semaphore, #tpu.memory_space<semaphore_mem>>
        %dma_start3A_37 = arith.constant 9480 : i32
        %dma_start3A_38 = arith.constant 0 : i32
        %dma_start3A_39 = tpu.memref_slice %arg5[%arg0, %dma_start3A_37, %dma_start3A_38] : memref<2x10000x128xf32, #tpu.memory_space<hbm>> -> memref<1x520x128xf32, #tpu.memory_space<hbm>>
        %dma_start3A_40 = tpu.memref_squeeze %dma_start3A_39 : memref<1x520x128xf32, #tpu.memory_space<hbm>> -> memref<520x128xf32, #tpu.memory_space<hbm>>
        %dma_start3A_41 = arith.constant 9480 : i32
        %dma_start3A_42 = arith.constant 0 : i32
        %dma_start3A_43 = tpu.memref_slice %arg12[%dma_start3A_41, %dma_start3A_42] : memref<10016x128xf32, #tpu.memory_space<vmem_shared>> -> memref<520x128xf32, #tpu.memory_space<vmem_shared>>
        tpu.enqueue_dma source(%dma_start3A_43 : memref<520x128xf32, #tpu.memory_space<vmem_shared>>) target(%dma_start3A_40 : memref<520x128xf32, #tpu.memory_space<hbm>>) target_semaphore(%run_scoped3A : memref<!tpu.dma_semaphore, #tpu.memory_space<semaphore_mem>>)
        %dma_wait3A = arith.constant 9480 : i32
        %dma_wait3A_44 = arith.constant 0 : i32
        %dma_wait3A_45 = tpu.memref_slice %arg5[%arg0, %dma_wait3A, %dma_wait3A_44] : memref<2x10000x128xf32, #tpu.memory_space<hbm>> -> memref<1x520x128xf32, #tpu.memory_space<hbm>>
        %dma_wait3A_46 = tpu.memref_squeeze %dma_wait3A_45 : memref<1x520x128xf32, #tpu.memory_space<hbm>> -> memref<520x128xf32, #tpu.memory_space<hbm>>
        %dma_wait3A_47 = arith.constant 9480 : i32
        %dma_wait3A_48 = arith.constant 0 : i32
        %dma_wait3A_49 = tpu.memref_slice %arg12[%dma_wait3A_47, %dma_wait3A_48] : memref<10016x128xf32, #tpu.memory_space<vmem_shared>> -> memref<520x128xf32, #tpu.memory_space<vmem_shared>>
        tpu.wait_dma2 semaphore(%run_scoped3A : memref<!tpu.dma_semaphore, #tpu.memory_space<semaphore_mem>>) src(%dma_wait3A_49 : memref<520x128xf32, #tpu.memory_space<vmem_shared>>) dst(%dma_wait3A_46 : memref<520x128xf32, #tpu.memory_space<hbm>>)
        tpu.yield
      }) : () -> ()
    } else {
    }
    return
  }
}

#map = affine_map<(d0, d1) -> (0, 0, 0, 0)>
#map1 = affine_map<(d0, d1) -> (0, 0)>
#map2 = affine_map<(d0, d1) -> (0, 0, 0)>
module attributes {stable_mosaic.version = 14 : i64} {
  func.func @_deg_body(%arg0: i32, %arg1: i32, %arg2: memref<2x16x160x128xi32, #tpu.memory_space<hbm>>, %arg3: memref<10000x128xf32, #tpu.memory_space<hbm>>, %arg4: memref<2x10000x128xf32, #tpu.memory_space<hbm>>, %arg5: memref<16x128xi32, #tpu.memory_space<vmem>>, %arg6: memref<16x128xi32, #tpu.memory_space<vmem>>, %arg7: memref<128x128xf32, #tpu.memory_space<vmem>>, %arg8: memref<10016x128xf32, #tpu.memory_space<vmem_shared>>, %arg9: memref<!tpu.dma_semaphore, #tpu.memory_space<semaphore_mem>>, %arg10: memref<!tpu.dma_semaphore, #tpu.memory_space<semaphore_mem>>) attributes {dimension_semantics = [#tpu.dimension_semantics<core_parallel>, #tpu.dimension_semantics<subcore_parallel>], iteration_bounds = array<i64: 2, 16>, scalar_prefetch = 0 : i64, scratch_operands = 6 : i64, tpu.core_type = #tpu.core_type<sc_vector_subcore>, window_params = [{transform_indices = #map}, {transform_indices = #map1}, {transform_indices = #map2}]} {
    "tpu.region"() ({
      %run_scoped3A = tpu.sem_alloc : memref<!tpu.dma_semaphore, #tpu.memory_space<semaphore_mem>>
      %dma_start3A_29 = arith.constant 0 : i32
      %dma_start3A_30 = arith.constant 0 : i32
      %dma_start3A_31 = tpu.memref_slice %arg3[%dma_start3A_29, %dma_start3A_30] : memref<10000x128xf32, #tpu.memory_space<hbm>> -> memref<128x128xf32, #tpu.memory_space<hbm>>
      %dma_start3A_32 = arith.constant 0 : i32
      %dma_start3A_33 = arith.constant 0 : i32
      %dma_start3A_34 = tpu.memref_slice %arg3[%dma_start3A_32, %dma_start3A_33] : memref<10000x128xf32, #tpu.memory_space<hbm>> -> memref<128x128xf32, #tpu.memory_space<hbm>>
      tpu.enqueue_dma source(%dma_start3A_34 : memref<128x128xf32, #tpu.memory_space<hbm>>) target(%arg7 : memref<128x128xf32, #tpu.memory_space<vmem>>) target_semaphore(%run_scoped3A : memref<!tpu.dma_semaphore, #tpu.memory_space<semaphore_mem>>)
      %dma_wait3A = arith.constant 0 : i32
      %dma_wait3A_35 = arith.constant 0 : i32
      %dma_wait3A_36 = tpu.memref_slice %arg3[%dma_wait3A, %dma_wait3A_35] : memref<10000x128xf32, #tpu.memory_space<hbm>> -> memref<128x128xf32, #tpu.memory_space<hbm>>
      %dma_wait3A_37 = arith.constant 0 : i32
      %dma_wait3A_38 = arith.constant 0 : i32
      %dma_wait3A_39 = tpu.memref_slice %arg3[%dma_wait3A_37, %dma_wait3A_38] : memref<10000x128xf32, #tpu.memory_space<hbm>> -> memref<128x128xf32, #tpu.memory_space<hbm>>
      tpu.wait_dma2 semaphore(%run_scoped3A : memref<!tpu.dma_semaphore, #tpu.memory_space<semaphore_mem>>) src(%dma_wait3A_39 : memref<128x128xf32, #tpu.memory_space<hbm>>) dst(%arg7 : memref<128x128xf32, #tpu.memory_space<vmem>>)
      tpu.yield
    }) : () -> ()
    %lt3A = arith.constant 15 : i32
    %lt3A_0 = arith.cmpi slt, %arg1, %lt3A : i32
    %convert_element_type3A = arith.extui %lt3A_0 : i1 to i32
    %cond3A = arith.constant 0 : i32
    %cond3A_1 = arith.cmpi ne, %convert_element_type3A, %cond3A : i32
    scf.if %cond3A_1 {
      %mul3A = arith.constant 632 : i32
      %mul3A_29 = arith.muli %arg1, %mul3A : i32
      %mul3A_30 = arith.constant 632 : i32
      %mul3A_31 = arith.muli %arg1, %mul3A_30 : i32
      "tpu.region"() ({
        %run_scoped3A = tpu.sem_alloc : memref<!tpu.dma_semaphore, #tpu.memory_space<semaphore_mem>>
        %dma_start3A_32 = arith.constant 0 : i32
        %dma_start3A_33 = tpu.memref_slice %arg8[%mul3A_31, %dma_start3A_32] : memref<10016x128xf32, #tpu.memory_space<vmem_shared>> -> memref<632x128xf32, #tpu.memory_space<vmem_shared>>
        %dma_start3A_34 = arith.constant 0 : i32
        %dma_start3A_35 = tpu.memref_slice %arg3[%mul3A_29, %dma_start3A_34] : memref<10000x128xf32, #tpu.memory_space<hbm>> -> memref<632x128xf32, #tpu.memory_space<hbm>>
        tpu.enqueue_dma source(%dma_start3A_35 : memref<632x128xf32, #tpu.memory_space<hbm>>) target(%dma_start3A_33 : memref<632x128xf32, #tpu.memory_space<vmem_shared>>) target_semaphore(%run_scoped3A : memref<!tpu.dma_semaphore, #tpu.memory_space<semaphore_mem>>)
        %dma_wait3A = arith.constant 0 : i32
        %dma_wait3A_36 = tpu.memref_slice %arg8[%mul3A_31, %dma_wait3A] : memref<10016x128xf32, #tpu.memory_space<vmem_shared>> -> memref<632x128xf32, #tpu.memory_space<vmem_shared>>
        %dma_wait3A_37 = arith.constant 0 : i32
        %dma_wait3A_38 = tpu.memref_slice %arg3[%mul3A_29, %dma_wait3A_37] : memref<10000x128xf32, #tpu.memory_space<hbm>> -> memref<632x128xf32, #tpu.memory_space<hbm>>
        tpu.wait_dma2 semaphore(%run_scoped3A : memref<!tpu.dma_semaphore, #tpu.memory_space<semaphore_mem>>) src(%dma_wait3A_38 : memref<632x128xf32, #tpu.memory_space<hbm>>) dst(%dma_wait3A_36 : memref<632x128xf32, #tpu.memory_space<vmem_shared>>)
        tpu.yield
      }) : () -> ()
    } else {
    }
    %eq3A = arith.constant 15 : i32
    %eq3A_2 = arith.cmpi eq, %arg1, %eq3A : i32
    %convert_element_type3A_3 = arith.extui %eq3A_2 : i1 to i32
    %cond3A_4 = arith.constant 0 : i32
    %cond3A_5 = arith.cmpi ne, %convert_element_type3A_3, %cond3A_4 : i32
    scf.if %cond3A_5 {
      "tpu.region"() ({
        %run_scoped3A = tpu.sem_alloc : memref<!tpu.dma_semaphore, #tpu.memory_space<semaphore_mem>>
        %dma_start3A_29 = arith.constant 9480 : i32
        %dma_start3A_30 = arith.constant 0 : i32
        %dma_start3A_31 = tpu.memref_slice %arg8[%dma_start3A_29, %dma_start3A_30] : memref<10016x128xf32, #tpu.memory_space<vmem_shared>> -> memref<520x128xf32, #tpu.memory_space<vmem_shared>>
        %dma_start3A_32 = arith.constant 9480 : i32
        %dma_start3A_33 = arith.constant 0 : i32
        %dma_start3A_34 = tpu.memref_slice %arg3[%dma_start3A_32, %dma_start3A_33] : memref<10000x128xf32, #tpu.memory_space<hbm>> -> memref<520x128xf32, #tpu.memory_space<hbm>>
        tpu.enqueue_dma source(%dma_start3A_34 : memref<520x128xf32, #tpu.memory_space<hbm>>) target(%dma_start3A_31 : memref<520x128xf32, #tpu.memory_space<vmem_shared>>) target_semaphore(%run_scoped3A : memref<!tpu.dma_semaphore, #tpu.memory_space<semaphore_mem>>)
        %dma_wait3A = arith.constant 9480 : i32
        %dma_wait3A_35 = arith.constant 0 : i32
        %dma_wait3A_36 = tpu.memref_slice %arg8[%dma_wait3A, %dma_wait3A_35] : memref<10016x128xf32, #tpu.memory_space<vmem_shared>> -> memref<520x128xf32, #tpu.memory_space<vmem_shared>>
        %dma_wait3A_37 = arith.constant 9480 : i32
        %dma_wait3A_38 = arith.constant 0 : i32
        %dma_wait3A_39 = tpu.memref_slice %arg3[%dma_wait3A_37, %dma_wait3A_38] : memref<10000x128xf32, #tpu.memory_space<hbm>> -> memref<520x128xf32, #tpu.memory_space<hbm>>
        tpu.wait_dma2 semaphore(%run_scoped3A : memref<!tpu.dma_semaphore, #tpu.memory_space<semaphore_mem>>) src(%dma_wait3A_39 : memref<520x128xf32, #tpu.memory_space<hbm>>) dst(%dma_wait3A_36 : memref<520x128xf32, #tpu.memory_space<vmem_shared>>)
        tpu.yield
      }) : () -> ()
    } else {
    }
    %barrier3A = arith.constant 0 : index
    tpu.barrier barrier_id(%barrier3A)
    %dma_start3A = arith.constant 0 : i32
    %dma_start3A_6 = arith.constant 0 : i32
    %dma_start3A_7 = tpu.memref_slice %arg2[%arg0, %arg1, %dma_start3A, %dma_start3A_6] : memref<2x16x160x128xi32, #tpu.memory_space<hbm>> -> memref<1x1x16x128xi32, #tpu.memory_space<hbm>>
    %dma_start3A_8 = tpu.memref_squeeze %dma_start3A_7 : memref<1x1x16x128xi32, #tpu.memory_space<hbm>> -> memref<16x128xi32, #tpu.memory_space<hbm>>
    %dma_start3A_9 = arith.constant 0 : i32
    %dma_start3A_10 = arith.constant 0 : i32
    %dma_start3A_11 = tpu.memref_slice %arg2[%arg0, %arg1, %dma_start3A_9, %dma_start3A_10] : memref<2x16x160x128xi32, #tpu.memory_space<hbm>> -> memref<1x1x16x128xi32, #tpu.memory_space<hbm>>
    %dma_start3A_12 = tpu.memref_squeeze %dma_start3A_11 : memref<1x1x16x128xi32, #tpu.memory_space<hbm>> -> memref<16x128xi32, #tpu.memory_space<hbm>>
    tpu.enqueue_dma source(%dma_start3A_12 : memref<16x128xi32, #tpu.memory_space<hbm>>) target(%arg5 : memref<16x128xi32, #tpu.memory_space<vmem>>) target_semaphore(%arg9 : memref<!tpu.dma_semaphore, #tpu.memory_space<semaphore_mem>>)
    %scan3A = arith.constant 0 : i32
    %scan3A_13 = arith.constant 0 : i32
    %scan3A_14 = arith.constant 5 : i32
    %scan3A_15 = arith.addi %scan3A_13, %scan3A_14 : i32
    %scan3A_16 = arith.constant 1 : i32
    scf.for %scan3A_29 = %scan3A_13 to %scan3A_15 step %scan3A_16  : i32 {
      %mul3A = arith.constant 2 : i32
      %mul3A_30 = arith.muli %scan3A_29, %mul3A : i32
      %mul3A_31 = arith.constant 16 : i32
      %mul3A_32 = arith.muli %mul3A_30, %mul3A_31 : i32
      %dma_wait3A = arith.constant 0 : i32
      %dma_wait3A_33 = tpu.memref_slice %arg2[%arg0, %arg1, %mul3A_32, %dma_wait3A] : memref<2x16x160x128xi32, #tpu.memory_space<hbm>> -> memref<1x1x16x128xi32, #tpu.memory_space<hbm>>
      %dma_wait3A_34 = tpu.memref_squeeze %dma_wait3A_33 : memref<1x1x16x128xi32, #tpu.memory_space<hbm>> -> memref<16x128xi32, #tpu.memory_space<hbm>>
      %dma_wait3A_35 = arith.constant 0 : i32
      %dma_wait3A_36 = tpu.memref_slice %arg2[%arg0, %arg1, %mul3A_32, %dma_wait3A_35] : memref<2x16x160x128xi32, #tpu.memory_space<hbm>> -> memref<1x1x16x128xi32, #tpu.memory_space<hbm>>
      %dma_wait3A_37 = tpu.memref_squeeze %dma_wait3A_36 : memref<1x1x16x128xi32, #tpu.memory_space<hbm>> -> memref<16x128xi32, #tpu.memory_space<hbm>>
      tpu.wait_dma2 semaphore(%arg9 : memref<!tpu.dma_semaphore, #tpu.memory_space<semaphore_mem>>) src(%dma_wait3A_37 : memref<16x128xi32, #tpu.memory_space<hbm>>) dst(%arg5 : memref<16x128xi32, #tpu.memory_space<vmem>>)
      %add3A = arith.constant 1 : i32
      %add3A_38 = arith.addi %mul3A_30, %add3A : i32
      %mul3A_39 = arith.constant 16 : i32
      %mul3A_40 = arith.muli %add3A_38, %mul3A_39 : i32
      %dma_start3A_41 = arith.constant 0 : i32
      %dma_start3A_42 = tpu.memref_slice %arg2[%arg0, %arg1, %mul3A_40, %dma_start3A_41] : memref<2x16x160x128xi32, #tpu.memory_space<hbm>> -> memref<1x1x16x128xi32, #tpu.memory_space<hbm>>
      %dma_start3A_43 = tpu.memref_squeeze %dma_start3A_42 : memref<1x1x16x128xi32, #tpu.memory_space<hbm>> -> memref<16x128xi32, #tpu.memory_space<hbm>>
      %dma_start3A_44 = arith.constant 0 : i32
      %dma_start3A_45 = tpu.memref_slice %arg2[%arg0, %arg1, %mul3A_40, %dma_start3A_44] : memref<2x16x160x128xi32, #tpu.memory_space<hbm>> -> memref<1x1x16x128xi32, #tpu.memory_space<hbm>>
      %dma_start3A_46 = tpu.memref_squeeze %dma_start3A_45 : memref<1x1x16x128xi32, #tpu.memory_space<hbm>> -> memref<16x128xi32, #tpu.memory_space<hbm>>
      tpu.enqueue_dma source(%dma_start3A_46 : memref<16x128xi32, #tpu.memory_space<hbm>>) target(%arg6 : memref<16x128xi32, #tpu.memory_space<vmem>>) target_semaphore(%arg10 : memref<!tpu.dma_semaphore, #tpu.memory_space<semaphore_mem>>)
      %scan3A_47 = arith.constant 0 : i32
      %scan3A_48 = arith.constant 0 : i32
      %scan3A_49 = arith.constant 16 : i32
      %scan3A_50 = arith.addi %scan3A_48, %scan3A_49 : i32
      %scan3A_51 = arith.constant 1 : i32
      scf.for %scan3A_74 = %scan3A_48 to %scan3A_50 step %scan3A_51  : i32 {
        "tpu.region"() ({
          %run_scoped3A = tpu.sem_alloc : memref<!tpu.dma_semaphore, #tpu.memory_space<semaphore_mem>>
          %dma_start3A_75 = arith.constant 0 : i32
          %dma_start3A_76 = tpu.memref_slice %arg5[%scan3A_74, %dma_start3A_75] : memref<16x128xi32, #tpu.memory_space<vmem>> -> memref<1x128xi32, #tpu.memory_space<vmem>>
          %dma_start3A_77 = tpu.memref_squeeze %dma_start3A_76 : memref<1x128xi32, #tpu.memory_space<vmem>> -> memref<128xi32, #tpu.memory_space<vmem>>
          %dma_start3A_78 = arith.constant 0 : i32
          %dma_start3A_79 = arith.constant 0 : i32
          %dma_start3A_80 = tpu.memref_slice %arg8[%dma_start3A_78, %dma_start3A_79] : memref<10016x128xf32, #tpu.memory_space<vmem_shared>> -> memref<10016x128xf32, #tpu.memory_space<vmem_shared>>
          tpu.enqueue_indirect_dma source(%arg7 : memref<128x128xf32, #tpu.memory_space<vmem>>) target(%dma_start3A_80 : memref<10016x128xf32, #tpu.memory_space<vmem_shared>>) offsets(%dma_start3A_77 : memref<128xi32, #tpu.memory_space<vmem>>) semaphore(%run_scoped3A : memref<!tpu.dma_semaphore, #tpu.memory_space<semaphore_mem>>) {add = true}
          %dma_wait3A_81 = arith.constant 0 : i32
          %dma_wait3A_82 = tpu.memref_slice %arg5[%scan3A_74, %dma_wait3A_81] : memref<16x128xi32, #tpu.memory_space<vmem>> -> memref<1x128xi32, #tpu.memory_space<vmem>>
          %dma_wait3A_83 = tpu.memref_squeeze %dma_wait3A_82 : memref<1x128xi32, #tpu.memory_space<vmem>> -> memref<128xi32, #tpu.memory_space<vmem>>
          %dma_wait3A_84 = arith.constant 0 : i32
          %dma_wait3A_85 = arith.constant 0 : i32
          %dma_wait3A_86 = tpu.memref_slice %arg8[%dma_wait3A_84, %dma_wait3A_85] : memref<10016x128xf32, #tpu.memory_space<vmem_shared>> -> memref<10016x128xf32, #tpu.memory_space<vmem_shared>>
          tpu.wait_indirect_dma semaphore(%run_scoped3A : memref<!tpu.dma_semaphore, #tpu.memory_space<semaphore_mem>>) src(%arg7 : memref<128x128xf32, #tpu.memory_space<vmem>>) dst(%dma_wait3A_86 : memref<10016x128xf32, #tpu.memory_space<vmem_shared>>)
          tpu.yield
        }) : () -> ()
      }
      %scan3A_52 = arith.constant 16 : i32
      %add3A_53 = arith.constant 1 : i32
      %add3A_54 = arith.addi %mul3A_30, %add3A_53 : i32
      %mul3A_55 = arith.constant 16 : i32
      %mul3A_56 = arith.muli %add3A_54, %mul3A_55 : i32
      %dma_wait3A_57 = arith.constant 0 : i32
      %dma_wait3A_58 = tpu.memref_slice %arg2[%arg0, %arg1, %mul3A_56, %dma_wait3A_57] : memref<2x16x160x128xi32, #tpu.memory_space<hbm>> -> memref<1x1x16x128xi32, #tpu.memory_space<hbm>>
      %dma_wait3A_59 = tpu.memref_squeeze %dma_wait3A_58 : memref<1x1x16x128xi32, #tpu.memory_space<hbm>> -> memref<16x128xi32, #tpu.memory_space<hbm>>
      %dma_wait3A_60 = arith.constant 0 : i32
      %dma_wait3A_61 = tpu.memref_slice %arg2[%arg0, %arg1, %mul3A_56, %dma_wait3A_60] : memref<2x16x160x128xi32, #tpu.memory_space<hbm>> -> memref<1x1x16x128xi32, #tpu.memory_space<hbm>>
      %dma_wait3A_62 = tpu.memref_squeeze %dma_wait3A_61 : memref<1x1x16x128xi32, #tpu.memory_space<hbm>> -> memref<16x128xi32, #tpu.memory_space<hbm>>
      tpu.wait_dma2 semaphore(%arg10 : memref<!tpu.dma_semaphore, #tpu.memory_space<semaphore_mem>>) src(%dma_wait3A_62 : memref<16x128xi32, #tpu.memory_space<hbm>>) dst(%arg6 : memref<16x128xi32, #tpu.memory_space<vmem>>)
      %lt3A_63 = arith.constant 4 : i32
      %lt3A_64 = arith.cmpi slt, %scan3A_29, %lt3A_63 : i32
      %convert_element_type3A_65 = arith.extui %lt3A_64 : i1 to i32
      %cond3A_66 = arith.constant 0 : i32
      %cond3A_67 = arith.cmpi ne, %convert_element_type3A_65, %cond3A_66 : i32
      scf.if %cond3A_67 {
        %add3A_74 = arith.constant 2 : i32
        %add3A_75 = arith.addi %mul3A_30, %add3A_74 : i32
        %mul3A_76 = arith.constant 16 : i32
        %mul3A_77 = arith.muli %add3A_75, %mul3A_76 : i32
        %dma_start3A_78 = arith.constant 0 : i32
        %dma_start3A_79 = tpu.memref_slice %arg2[%arg0, %arg1, %mul3A_77, %dma_start3A_78] : memref<2x16x160x128xi32, #tpu.memory_space<hbm>> -> memref<1x1x16x128xi32, #tpu.memory_space<hbm>>
        %dma_start3A_80 = tpu.memref_squeeze %dma_start3A_79 : memref<1x1x16x128xi32, #tpu.memory_space<hbm>> -> memref<16x128xi32, #tpu.memory_space<hbm>>
        %dma_start3A_81 = arith.constant 0 : i32
        %dma_start3A_82 = tpu.memref_slice %arg2[%arg0, %arg1, %mul3A_77, %dma_start3A_81] : memref<2x16x160x128xi32, #tpu.memory_space<hbm>> -> memref<1x1x16x128xi32, #tpu.memory_space<hbm>>
        %dma_start3A_83 = tpu.memref_squeeze %dma_start3A_82 : memref<1x1x16x128xi32, #tpu.memory_space<hbm>> -> memref<16x128xi32, #tpu.memory_space<hbm>>
        tpu.enqueue_dma source(%dma_start3A_83 : memref<16x128xi32, #tpu.memory_space<hbm>>) target(%arg5 : memref<16x128xi32, #tpu.memory_space<vmem>>) target_semaphore(%arg9 : memref<!tpu.dma_semaphore, #tpu.memory_space<semaphore_mem>>)
      } else {
      }
      %scan3A_68 = arith.constant 0 : i32
      %scan3A_69 = arith.constant 0 : i32
      %scan3A_70 = arith.constant 16 : i32
      %scan3A_71 = arith.addi %scan3A_69, %scan3A_70 : i32
      %scan3A_72 = arith.constant 1 : i32
      scf.for %scan3A_74 = %scan3A_69 to %scan3A_71 step %scan3A_72  : i32 {
        "tpu.region"() ({
          %run_scoped3A = tpu.sem_alloc : memref<!tpu.dma_semaphore, #tpu.memory_space<semaphore_mem>>
          %dma_start3A_75 = arith.constant 0 : i32
          %dma_start3A_76 = tpu.memref_slice %arg6[%scan3A_74, %dma_start3A_75] : memref<16x128xi32, #tpu.memory_space<vmem>> -> memref<1x128xi32, #tpu.memory_space<vmem>>
          %dma_start3A_77 = tpu.memref_squeeze %dma_start3A_76 : memref<1x128xi32, #tpu.memory_space<vmem>> -> memref<128xi32, #tpu.memory_space<vmem>>
          %dma_start3A_78 = arith.constant 0 : i32
          %dma_start3A_79 = arith.constant 0 : i32
          %dma_start3A_80 = tpu.memref_slice %arg8[%dma_start3A_78, %dma_start3A_79] : memref<10016x128xf32, #tpu.memory_space<vmem_shared>> -> memref<10016x128xf32, #tpu.memory_space<vmem_shared>>
          tpu.enqueue_indirect_dma source(%arg7 : memref<128x128xf32, #tpu.memory_space<vmem>>) target(%dma_start3A_80 : memref<10016x128xf32, #tpu.memory_space<vmem_shared>>) offsets(%dma_start3A_77 : memref<128xi32, #tpu.memory_space<vmem>>) semaphore(%run_scoped3A : memref<!tpu.dma_semaphore, #tpu.memory_space<semaphore_mem>>) {add = true}
          %dma_wait3A_81 = arith.constant 0 : i32
          %dma_wait3A_82 = tpu.memref_slice %arg6[%scan3A_74, %dma_wait3A_81] : memref<16x128xi32, #tpu.memory_space<vmem>> -> memref<1x128xi32, #tpu.memory_space<vmem>>
          %dma_wait3A_83 = tpu.memref_squeeze %dma_wait3A_82 : memref<1x128xi32, #tpu.memory_space<vmem>> -> memref<128xi32, #tpu.memory_space<vmem>>
          %dma_wait3A_84 = arith.constant 0 : i32
          %dma_wait3A_85 = arith.constant 0 : i32
          %dma_wait3A_86 = tpu.memref_slice %arg8[%dma_wait3A_84, %dma_wait3A_85] : memref<10016x128xf32, #tpu.memory_space<vmem_shared>> -> memref<10016x128xf32, #tpu.memory_space<vmem_shared>>
          tpu.wait_indirect_dma semaphore(%run_scoped3A : memref<!tpu.dma_semaphore, #tpu.memory_space<semaphore_mem>>) src(%arg7 : memref<128x128xf32, #tpu.memory_space<vmem>>) dst(%dma_wait3A_86 : memref<10016x128xf32, #tpu.memory_space<vmem_shared>>)
          tpu.yield
        }) : () -> ()
      }
      %scan3A_73 = arith.constant 16 : i32
    }
    %scan3A_17 = arith.constant 5 : i32
    %barrier3A_18 = arith.constant 0 : index
    tpu.barrier barrier_id(%barrier3A_18)
    %lt3A_19 = arith.constant 15 : i32
    %lt3A_20 = arith.cmpi slt, %arg1, %lt3A_19 : i32
    %convert_element_type3A_21 = arith.extui %lt3A_20 : i1 to i32
    %cond3A_22 = arith.constant 0 : i32
    %cond3A_23 = arith.cmpi ne, %convert_element_type3A_21, %cond3A_22 : i32
    scf.if %cond3A_23 {
      %mul3A = arith.constant 632 : i32
      %mul3A_29 = arith.muli %arg1, %mul3A : i32
      %mul3A_30 = arith.constant 632 : i32
      %mul3A_31 = arith.muli %arg1, %mul3A_30 : i32
      "tpu.region"() ({
        %run_scoped3A = tpu.sem_alloc : memref<!tpu.dma_semaphore, #tpu.memory_space<semaphore_mem>>
        %dma_start3A_32 = arith.constant 0 : i32
        %dma_start3A_33 = tpu.memref_slice %arg4[%arg0, %mul3A_31, %dma_start3A_32] : memref<2x10000x128xf32, #tpu.memory_space<hbm>> -> memref<1x632x128xf32, #tpu.memory_space<hbm>>
        %dma_start3A_34 = tpu.memref_squeeze %dma_start3A_33 : memref<1x632x128xf32, #tpu.memory_space<hbm>> -> memref<632x128xf32, #tpu.memory_space<hbm>>
        %dma_start3A_35 = arith.constant 0 : i32
        %dma_start3A_36 = tpu.memref_slice %arg8[%mul3A_29, %dma_start3A_35] : memref<10016x128xf32, #tpu.memory_space<vmem_shared>> -> memref<632x128xf32, #tpu.memory_space<vmem_shared>>
        tpu.enqueue_dma source(%dma_start3A_36 : memref<632x128xf32, #tpu.memory_space<vmem_shared>>) target(%dma_start3A_34 : memref<632x128xf32, #tpu.memory_space<hbm>>) target_semaphore(%run_scoped3A : memref<!tpu.dma_semaphore, #tpu.memory_space<semaphore_mem>>)
        %dma_wait3A = arith.constant 0 : i32
        %dma_wait3A_37 = tpu.memref_slice %arg4[%arg0, %mul3A_31, %dma_wait3A] : memref<2x10000x128xf32, #tpu.memory_space<hbm>> -> memref<1x632x128xf32, #tpu.memory_space<hbm>>
        %dma_wait3A_38 = tpu.memref_squeeze %dma_wait3A_37 : memref<1x632x128xf32, #tpu.memory_space<hbm>> -> memref<632x128xf32, #tpu.memory_space<hbm>>
        %dma_wait3A_39 = arith.constant 0 : i32
        %dma_wait3A_40 = tpu.memref_slice %arg8[%mul3A_29, %dma_wait3A_39] : memref<10016x128xf32, #tpu.memory_space<vmem_shared>> -> memref<632x128xf32, #tpu.memory_space<vmem_shared>>
        tpu.wait_dma2 semaphore(%run_scoped3A : memref<!tpu.dma_semaphore, #tpu.memory_space<semaphore_mem>>) src(%dma_wait3A_40 : memref<632x128xf32, #tpu.memory_space<vmem_shared>>) dst(%dma_wait3A_38 : memref<632x128xf32, #tpu.memory_space<hbm>>)
        tpu.yield
      }) : () -> ()
    } else {
    }
    %eq3A_24 = arith.constant 15 : i32
    %eq3A_25 = arith.cmpi eq, %arg1, %eq3A_24 : i32
    %convert_element_type3A_26 = arith.extui %eq3A_25 : i1 to i32
    %cond3A_27 = arith.constant 0 : i32
    %cond3A_28 = arith.cmpi ne, %convert_element_type3A_26, %cond3A_27 : i32
    scf.if %cond3A_28 {
      "tpu.region"() ({
        %run_scoped3A = tpu.sem_alloc : memref<!tpu.dma_semaphore, #tpu.memory_space<semaphore_mem>>
        %dma_start3A_29 = arith.constant 9480 : i32
        %dma_start3A_30 = arith.constant 0 : i32
        %dma_start3A_31 = tpu.memref_slice %arg4[%arg0, %dma_start3A_29, %dma_start3A_30] : memref<2x10000x128xf32, #tpu.memory_space<hbm>> -> memref<1x520x128xf32, #tpu.memory_space<hbm>>
        %dma_start3A_32 = tpu.memref_squeeze %dma_start3A_31 : memref<1x520x128xf32, #tpu.memory_space<hbm>> -> memref<520x128xf32, #tpu.memory_space<hbm>>
        %dma_start3A_33 = arith.constant 9480 : i32
        %dma_start3A_34 = arith.constant 0 : i32
        %dma_start3A_35 = tpu.memref_slice %arg8[%dma_start3A_33, %dma_start3A_34] : memref<10016x128xf32, #tpu.memory_space<vmem_shared>> -> memref<520x128xf32, #tpu.memory_space<vmem_shared>>
        tpu.enqueue_dma source(%dma_start3A_35 : memref<520x128xf32, #tpu.memory_space<vmem_shared>>) target(%dma_start3A_32 : memref<520x128xf32, #tpu.memory_space<hbm>>) target_semaphore(%run_scoped3A : memref<!tpu.dma_semaphore, #tpu.memory_space<semaphore_mem>>)
        %dma_wait3A = arith.constant 9480 : i32
        %dma_wait3A_36 = arith.constant 0 : i32
        %dma_wait3A_37 = tpu.memref_slice %arg4[%arg0, %dma_wait3A, %dma_wait3A_36] : memref<2x10000x128xf32, #tpu.memory_space<hbm>> -> memref<1x520x128xf32, #tpu.memory_space<hbm>>
        %dma_wait3A_38 = tpu.memref_squeeze %dma_wait3A_37 : memref<1x520x128xf32, #tpu.memory_space<hbm>> -> memref<520x128xf32, #tpu.memory_space<hbm>>
        %dma_wait3A_39 = arith.constant 9480 : i32
        %dma_wait3A_40 = arith.constant 0 : i32
        %dma_wait3A_41 = tpu.memref_slice %arg8[%dma_wait3A_39, %dma_wait3A_40] : memref<10016x128xf32, #tpu.memory_space<vmem_shared>> -> memref<520x128xf32, #tpu.memory_space<vmem_shared>>
        tpu.wait_dma2 semaphore(%run_scoped3A : memref<!tpu.dma_semaphore, #tpu.memory_space<semaphore_mem>>) src(%dma_wait3A_41 : memref<520x128xf32, #tpu.memory_space<vmem_shared>>) dst(%dma_wait3A_38 : memref<520x128xf32, #tpu.memory_space<hbm>>)
        tpu.yield
      }) : () -> ()
    } else {
    }
    return
  }
}

#map = affine_map<(d0, d1) -> (0, 0, 0)>
#map1 = affine_map<(d0, d1) -> (0, 0, 0, 0)>
module attributes {stable_mosaic.version = 14 : i64} {
  func.func @_agg_body(%arg0: i32, %arg1: i32, %arg2: memref<2x10000x128xf32, #tpu.memory_space<hbm>>, %arg3: memref<2x16x160x128xi32, #tpu.memory_space<hbm>>, %arg4: memref<2x16x160x128xi32, #tpu.memory_space<hbm>>, %arg5: memref<2x10000x128xf32, #tpu.memory_space<hbm>>, %arg6: memref<16x128xi32, #tpu.memory_space<vmem>>, %arg7: memref<16x128xi32, #tpu.memory_space<vmem>>, %arg8: memref<16x128xi32, #tpu.memory_space<vmem>>, %arg9: memref<16x128xi32, #tpu.memory_space<vmem>>, %arg10: memref<128x128xf32, #tpu.memory_space<vmem>>, %arg11: memref<128x128xf32, #tpu.memory_space<vmem>>, %arg12: memref<10016x128xf32, #tpu.memory_space<vmem_shared>>, %arg13: memref<!tpu.dma_semaphore, #tpu.memory_space<semaphore_mem>>, %arg14: memref<!tpu.dma_semaphore, #tpu.memory_space<semaphore_mem>>, %arg15: memref<!tpu.dma_semaphore, #tpu.memory_space<semaphore_mem>>, %arg16: memref<!tpu.dma_semaphore, #tpu.memory_space<semaphore_mem>>) attributes {dimension_semantics = [#tpu.dimension_semantics<core_parallel>, #tpu.dimension_semantics<subcore_parallel>], iteration_bounds = array<i64: 2, 16>, scalar_prefetch = 0 : i64, scratch_operands = 11 : i64, tpu.core_type = #tpu.core_type<sc_vector_subcore>, window_params = [{transform_indices = #map}, {transform_indices = #map1}, {transform_indices = #map1}, {transform_indices = #map}]} {
    %lt3A = arith.constant 15 : i32
    %lt3A_0 = arith.cmpi slt, %arg1, %lt3A : i32
    %convert_element_type3A = arith.extui %lt3A_0 : i1 to i32
    %cond3A = arith.constant 0 : i32
    %cond3A_1 = arith.cmpi ne, %convert_element_type3A, %cond3A : i32
    scf.if %cond3A_1 {
      %mul3A = arith.constant 632 : i32
      %mul3A_37 = arith.muli %arg1, %mul3A : i32
      %mul3A_38 = arith.constant 632 : i32
      %mul3A_39 = arith.muli %arg1, %mul3A_38 : i32
      "tpu.region"() ({
        %run_scoped3A = tpu.sem_alloc : memref<!tpu.dma_semaphore, #tpu.memory_space<semaphore_mem>>
        %dma_start3A_40 = arith.constant 0 : i32
        %dma_start3A_41 = tpu.memref_slice %arg12[%mul3A_39, %dma_start3A_40] : memref<10016x128xf32, #tpu.memory_space<vmem_shared>> -> memref<632x128xf32, #tpu.memory_space<vmem_shared>>
        %dma_start3A_42 = arith.constant 0 : i32
        %dma_start3A_43 = arith.constant 0 : i32
        %dma_start3A_44 = tpu.memref_slice %arg2[%arg0, %dma_start3A_42, %dma_start3A_43] : memref<2x10000x128xf32, #tpu.memory_space<hbm>> -> memref<1x10000x128xf32, #tpu.memory_space<hbm>>
        %dma_start3A_45 = tpu.memref_squeeze %dma_start3A_44 : memref<1x10000x128xf32, #tpu.memory_space<hbm>> -> memref<10000x128xf32, #tpu.memory_space<hbm>>
        %dma_start3A_46 = arith.constant 0 : i32
        %dma_start3A_47 = tpu.memref_slice %dma_start3A_45[%mul3A_37, %dma_start3A_46] : memref<10000x128xf32, #tpu.memory_space<hbm>> -> memref<632x128xf32, #tpu.memory_space<hbm>>
        tpu.enqueue_dma source(%dma_start3A_47 : memref<632x128xf32, #tpu.memory_space<hbm>>) target(%dma_start3A_41 : memref<632x128xf32, #tpu.memory_space<vmem_shared>>) target_semaphore(%run_scoped3A : memref<!tpu.dma_semaphore, #tpu.memory_space<semaphore_mem>>)
        %dma_wait3A = arith.constant 0 : i32
        %dma_wait3A_48 = tpu.memref_slice %arg12[%mul3A_39, %dma_wait3A] : memref<10016x128xf32, #tpu.memory_space<vmem_shared>> -> memref<632x128xf32, #tpu.memory_space<vmem_shared>>
        %dma_wait3A_49 = arith.constant 0 : i32
        %dma_wait3A_50 = arith.constant 0 : i32
        %dma_wait3A_51 = tpu.memref_slice %arg2[%arg0, %dma_wait3A_49, %dma_wait3A_50] : memref<2x10000x128xf32, #tpu.memory_space<hbm>> -> memref<1x10000x128xf32, #tpu.memory_space<hbm>>
        %dma_wait3A_52 = tpu.memref_squeeze %dma_wait3A_51 : memref<1x10000x128xf32, #tpu.memory_space<hbm>> -> memref<10000x128xf32, #tpu.memory_space<hbm>>
        %dma_wait3A_53 = arith.constant 0 : i32
        %dma_wait3A_54 = tpu.memref_slice %dma_wait3A_52[%mul3A_37, %dma_wait3A_53] : memref<10000x128xf32, #tpu.memory_space<hbm>> -> memref<632x128xf32, #tpu.memory_space<hbm>>
        tpu.wait_dma2 semaphore(%run_scoped3A : memref<!tpu.dma_semaphore, #tpu.memory_space<semaphore_mem>>) src(%dma_wait3A_54 : memref<632x128xf32, #tpu.memory_space<hbm>>) dst(%dma_wait3A_48 : memref<632x128xf32, #tpu.memory_space<vmem_shared>>)
        tpu.yield
      }) : () -> ()
    } else {
    }
    %eq3A = arith.constant 15 : i32
    %eq3A_2 = arith.cmpi eq, %arg1, %eq3A : i32
    %convert_element_type3A_3 = arith.extui %eq3A_2 : i1 to i32
    %cond3A_4 = arith.constant 0 : i32
    %cond3A_5 = arith.cmpi ne, %convert_element_type3A_3, %cond3A_4 : i32
    scf.if %cond3A_5 {
      "tpu.region"() ({
        %run_scoped3A = tpu.sem_alloc : memref<!tpu.dma_semaphore, #tpu.memory_space<semaphore_mem>>
        %dma_start3A_37 = arith.constant 9480 : i32
        %dma_start3A_38 = arith.constant 0 : i32
        %dma_start3A_39 = tpu.memref_slice %arg12[%dma_start3A_37, %dma_start3A_38] : memref<10016x128xf32, #tpu.memory_space<vmem_shared>> -> memref<520x128xf32, #tpu.memory_space<vmem_shared>>
        %dma_start3A_40 = arith.constant 0 : i32
        %dma_start3A_41 = arith.constant 0 : i32
        %dma_start3A_42 = tpu.memref_slice %arg2[%arg0, %dma_start3A_40, %dma_start3A_41] : memref<2x10000x128xf32, #tpu.memory_space<hbm>> -> memref<1x10000x128xf32, #tpu.memory_space<hbm>>
        %dma_start3A_43 = tpu.memref_squeeze %dma_start3A_42 : memref<1x10000x128xf32, #tpu.memory_space<hbm>> -> memref<10000x128xf32, #tpu.memory_space<hbm>>
        %dma_start3A_44 = arith.constant 9480 : i32
        %dma_start3A_45 = arith.constant 0 : i32
        %dma_start3A_46 = tpu.memref_slice %dma_start3A_43[%dma_start3A_44, %dma_start3A_45] : memref<10000x128xf32, #tpu.memory_space<hbm>> -> memref<520x128xf32, #tpu.memory_space<hbm>>
        tpu.enqueue_dma source(%dma_start3A_46 : memref<520x128xf32, #tpu.memory_space<hbm>>) target(%dma_start3A_39 : memref<520x128xf32, #tpu.memory_space<vmem_shared>>) target_semaphore(%run_scoped3A : memref<!tpu.dma_semaphore, #tpu.memory_space<semaphore_mem>>)
        %dma_wait3A = arith.constant 9480 : i32
        %dma_wait3A_47 = arith.constant 0 : i32
        %dma_wait3A_48 = tpu.memref_slice %arg12[%dma_wait3A, %dma_wait3A_47] : memref<10016x128xf32, #tpu.memory_space<vmem_shared>> -> memref<520x128xf32, #tpu.memory_space<vmem_shared>>
        %dma_wait3A_49 = arith.constant 0 : i32
        %dma_wait3A_50 = arith.constant 0 : i32
        %dma_wait3A_51 = tpu.memref_slice %arg2[%arg0, %dma_wait3A_49, %dma_wait3A_50] : memref<2x10000x128xf32, #tpu.memory_space<hbm>> -> memref<1x10000x128xf32, #tpu.memory_space<hbm>>
        %dma_wait3A_52 = tpu.memref_squeeze %dma_wait3A_51 : memref<1x10000x128xf32, #tpu.memory_space<hbm>> -> memref<10000x128xf32, #tpu.memory_space<hbm>>
        %dma_wait3A_53 = arith.constant 9480 : i32
        %dma_wait3A_54 = arith.constant 0 : i32
        %dma_wait3A_55 = tpu.memref_slice %dma_wait3A_52[%dma_wait3A_53, %dma_wait3A_54] : memref<10000x128xf32, #tpu.memory_space<hbm>> -> memref<520x128xf32, #tpu.memory_space<hbm>>
        tpu.wait_dma2 semaphore(%run_scoped3A : memref<!tpu.dma_semaphore, #tpu.memory_space<semaphore_mem>>) src(%dma_wait3A_55 : memref<520x128xf32, #tpu.memory_space<hbm>>) dst(%dma_wait3A_48 : memref<520x128xf32, #tpu.memory_space<vmem_shared>>)
        tpu.yield
      }) : () -> ()
    } else {
    }
    %barrier3A = arith.constant 0 : index
    tpu.barrier barrier_id(%barrier3A)
    %dma_start3A = arith.constant 0 : i32
    %dma_start3A_6 = arith.constant 0 : i32
    %dma_start3A_7 = tpu.memref_slice %arg3[%arg0, %arg1, %dma_start3A, %dma_start3A_6] : memref<2x16x160x128xi32, #tpu.memory_space<hbm>> -> memref<1x1x16x128xi32, #tpu.memory_space<hbm>>
    %dma_start3A_8 = tpu.memref_squeeze %dma_start3A_7 : memref<1x1x16x128xi32, #tpu.memory_space<hbm>> -> memref<16x128xi32, #tpu.memory_space<hbm>>
    %dma_start3A_9 = arith.constant 0 : i32
    %dma_start3A_10 = arith.constant 0 : i32
    %dma_start3A_11 = tpu.memref_slice %arg3[%arg0, %arg1, %dma_start3A_9, %dma_start3A_10] : memref<2x16x160x128xi32, #tpu.memory_space<hbm>> -> memref<1x1x16x128xi32, #tpu.memory_space<hbm>>
    %dma_start3A_12 = tpu.memref_squeeze %dma_start3A_11 : memref<1x1x16x128xi32, #tpu.memory_space<hbm>> -> memref<16x128xi32, #tpu.memory_space<hbm>>
    tpu.enqueue_dma source(%dma_start3A_12 : memref<16x128xi32, #tpu.memory_space<hbm>>) target(%arg6 : memref<16x128xi32, #tpu.memory_space<vmem>>) target_semaphore(%arg15 : memref<!tpu.dma_semaphore, #tpu.memory_space<semaphore_mem>>)
    %dma_start3A_13 = arith.constant 0 : i32
    %dma_start3A_14 = arith.constant 0 : i32
    %dma_start3A_15 = tpu.memref_slice %arg4[%arg0, %arg1, %dma_start3A_13, %dma_start3A_14] : memref<2x16x160x128xi32, #tpu.memory_space<hbm>> -> memref<1x1x16x128xi32, #tpu.memory_space<hbm>>
    %dma_start3A_16 = tpu.memref_squeeze %dma_start3A_15 : memref<1x1x16x128xi32, #tpu.memory_space<hbm>> -> memref<16x128xi32, #tpu.memory_space<hbm>>
    %dma_start3A_17 = arith.constant 0 : i32
    %dma_start3A_18 = arith.constant 0 : i32
    %dma_start3A_19 = tpu.memref_slice %arg4[%arg0, %arg1, %dma_start3A_17, %dma_start3A_18] : memref<2x16x160x128xi32, #tpu.memory_space<hbm>> -> memref<1x1x16x128xi32, #tpu.memory_space<hbm>>
    %dma_start3A_20 = tpu.memref_squeeze %dma_start3A_19 : memref<1x1x16x128xi32, #tpu.memory_space<hbm>> -> memref<16x128xi32, #tpu.memory_space<hbm>>
    tpu.enqueue_dma source(%dma_start3A_20 : memref<16x128xi32, #tpu.memory_space<hbm>>) target(%arg7 : memref<16x128xi32, #tpu.memory_space<vmem>>) target_semaphore(%arg15 : memref<!tpu.dma_semaphore, #tpu.memory_space<semaphore_mem>>)
    %scan3A = arith.constant 0 : i32
    %scan3A_21 = arith.constant 0 : i32
    %scan3A_22 = arith.constant 5 : i32
    %scan3A_23 = arith.addi %scan3A_21, %scan3A_22 : i32
    %scan3A_24 = arith.constant 1 : i32
    scf.for %scan3A_37 = %scan3A_21 to %scan3A_23 step %scan3A_24  : i32 {
      %mul3A = arith.constant 2 : i32
      %mul3A_38 = arith.muli %scan3A_37, %mul3A : i32
      %mul3A_39 = arith.constant 16 : i32
      %mul3A_40 = arith.muli %mul3A_38, %mul3A_39 : i32
      %dma_wait3A = arith.constant 0 : i32
      %dma_wait3A_41 = tpu.memref_slice %arg3[%arg0, %arg1, %mul3A_40, %dma_wait3A] : memref<2x16x160x128xi32, #tpu.memory_space<hbm>> -> memref<1x1x16x128xi32, #tpu.memory_space<hbm>>
      %dma_wait3A_42 = tpu.memref_squeeze %dma_wait3A_41 : memref<1x1x16x128xi32, #tpu.memory_space<hbm>> -> memref<16x128xi32, #tpu.memory_space<hbm>>
      %dma_wait3A_43 = arith.constant 0 : i32
      %dma_wait3A_44 = tpu.memref_slice %arg3[%arg0, %arg1, %mul3A_40, %dma_wait3A_43] : memref<2x16x160x128xi32, #tpu.memory_space<hbm>> -> memref<1x1x16x128xi32, #tpu.memory_space<hbm>>
      %dma_wait3A_45 = tpu.memref_squeeze %dma_wait3A_44 : memref<1x1x16x128xi32, #tpu.memory_space<hbm>> -> memref<16x128xi32, #tpu.memory_space<hbm>>
      tpu.wait_dma2 semaphore(%arg15 : memref<!tpu.dma_semaphore, #tpu.memory_space<semaphore_mem>>) src(%dma_wait3A_45 : memref<16x128xi32, #tpu.memory_space<hbm>>) dst(%arg6 : memref<16x128xi32, #tpu.memory_space<vmem>>)
      %mul3A_46 = arith.constant 16 : i32
      %mul3A_47 = arith.muli %mul3A_38, %mul3A_46 : i32
      %dma_wait3A_48 = arith.constant 0 : i32
      %dma_wait3A_49 = tpu.memref_slice %arg4[%arg0, %arg1, %mul3A_47, %dma_wait3A_48] : memref<2x16x160x128xi32, #tpu.memory_space<hbm>> -> memref<1x1x16x128xi32, #tpu.memory_space<hbm>>
      %dma_wait3A_50 = tpu.memref_squeeze %dma_wait3A_49 : memref<1x1x16x128xi32, #tpu.memory_space<hbm>> -> memref<16x128xi32, #tpu.memory_space<hbm>>
      %dma_wait3A_51 = arith.constant 0 : i32
      %dma_wait3A_52 = tpu.memref_slice %arg4[%arg0, %arg1, %mul3A_47, %dma_wait3A_51] : memref<2x16x160x128xi32, #tpu.memory_space<hbm>> -> memref<1x1x16x128xi32, #tpu.memory_space<hbm>>
      %dma_wait3A_53 = tpu.memref_squeeze %dma_wait3A_52 : memref<1x1x16x128xi32, #tpu.memory_space<hbm>> -> memref<16x128xi32, #tpu.memory_space<hbm>>
      tpu.wait_dma2 semaphore(%arg15 : memref<!tpu.dma_semaphore, #tpu.memory_space<semaphore_mem>>) src(%dma_wait3A_53 : memref<16x128xi32, #tpu.memory_space<hbm>>) dst(%arg7 : memref<16x128xi32, #tpu.memory_space<vmem>>)
      %add3A = arith.constant 1 : i32
      %add3A_54 = arith.addi %mul3A_38, %add3A : i32
      %mul3A_55 = arith.constant 16 : i32
      %mul3A_56 = arith.muli %add3A_54, %mul3A_55 : i32
      %dma_start3A_57 = arith.constant 0 : i32
      %dma_start3A_58 = tpu.memref_slice %arg3[%arg0, %arg1, %mul3A_56, %dma_start3A_57] : memref<2x16x160x128xi32, #tpu.memory_space<hbm>> -> memref<1x1x16x128xi32, #tpu.memory_space<hbm>>
      %dma_start3A_59 = tpu.memref_squeeze %dma_start3A_58 : memref<1x1x16x128xi32, #tpu.memory_space<hbm>> -> memref<16x128xi32, #tpu.memory_space<hbm>>
      %dma_start3A_60 = arith.constant 0 : i32
      %dma_start3A_61 = tpu.memref_slice %arg3[%arg0, %arg1, %mul3A_56, %dma_start3A_60] : memref<2x16x160x128xi32, #tpu.memory_space<hbm>> -> memref<1x1x16x128xi32, #tpu.memory_space<hbm>>
      %dma_start3A_62 = tpu.memref_squeeze %dma_start3A_61 : memref<1x1x16x128xi32, #tpu.memory_space<hbm>> -> memref<16x128xi32, #tpu.memory_space<hbm>>
      tpu.enqueue_dma source(%dma_start3A_62 : memref<16x128xi32, #tpu.memory_space<hbm>>) target(%arg8 : memref<16x128xi32, #tpu.memory_space<vmem>>) target_semaphore(%arg16 : memref<!tpu.dma_semaphore, #tpu.memory_space<semaphore_mem>>)
      %add3A_63 = arith.constant 1 : i32
      %add3A_64 = arith.addi %mul3A_38, %add3A_63 : i32
      %mul3A_65 = arith.constant 16 : i32
      %mul3A_66 = arith.muli %add3A_64, %mul3A_65 : i32
      %dma_start3A_67 = arith.constant 0 : i32
      %dma_start3A_68 = tpu.memref_slice %arg4[%arg0, %arg1, %mul3A_66, %dma_start3A_67] : memref<2x16x160x128xi32, #tpu.memory_space<hbm>> -> memref<1x1x16x128xi32, #tpu.memory_space<hbm>>
      %dma_start3A_69 = tpu.memref_squeeze %dma_start3A_68 : memref<1x1x16x128xi32, #tpu.memory_space<hbm>> -> memref<16x128xi32, #tpu.memory_space<hbm>>
      %dma_start3A_70 = arith.constant 0 : i32
      %dma_start3A_71 = tpu.memref_slice %arg4[%arg0, %arg1, %mul3A_66, %dma_start3A_70] : memref<2x16x160x128xi32, #tpu.memory_space<hbm>> -> memref<1x1x16x128xi32, #tpu.memory_space<hbm>>
      %dma_start3A_72 = tpu.memref_squeeze %dma_start3A_71 : memref<1x1x16x128xi32, #tpu.memory_space<hbm>> -> memref<16x128xi32, #tpu.memory_space<hbm>>
      tpu.enqueue_dma source(%dma_start3A_72 : memref<16x128xi32, #tpu.memory_space<hbm>>) target(%arg9 : memref<16x128xi32, #tpu.memory_space<vmem>>) target_semaphore(%arg16 : memref<!tpu.dma_semaphore, #tpu.memory_space<semaphore_mem>>)
      %dma_start3A_73 = arith.constant 0 : i32
      %dma_start3A_74 = arith.constant 0 : i32
      %dma_start3A_75 = tpu.memref_slice %arg6[%dma_start3A_73, %dma_start3A_74] : memref<16x128xi32, #tpu.memory_space<vmem>> -> memref<1x128xi32, #tpu.memory_space<vmem>>
      %dma_start3A_76 = tpu.memref_squeeze %dma_start3A_75 : memref<1x128xi32, #tpu.memory_space<vmem>> -> memref<128xi32, #tpu.memory_space<vmem>>
      %dma_start3A_77 = arith.constant 0 : i32
      %dma_start3A_78 = arith.constant 0 : i32
      %dma_start3A_79 = tpu.memref_slice %arg2[%arg0, %dma_start3A_77, %dma_start3A_78] : memref<2x10000x128xf32, #tpu.memory_space<hbm>> -> memref<1x10000x128xf32, #tpu.memory_space<hbm>>
      %dma_start3A_80 = tpu.memref_squeeze %dma_start3A_79 : memref<1x10000x128xf32, #tpu.memory_space<hbm>> -> memref<10000x128xf32, #tpu.memory_space<hbm>>
      %dma_start3A_81 = arith.constant 0 : i32
      %dma_start3A_82 = arith.constant 0 : i32
      %dma_start3A_83 = tpu.memref_slice %dma_start3A_80[%dma_start3A_81, %dma_start3A_82] : memref<10000x128xf32, #tpu.memory_space<hbm>> -> memref<10000x128xf32, #tpu.memory_space<hbm>>
      tpu.enqueue_indirect_dma source(%dma_start3A_83 : memref<10000x128xf32, #tpu.memory_space<hbm>>) target(%arg10 : memref<128x128xf32, #tpu.memory_space<vmem>>) offsets(%dma_start3A_76 : memref<128xi32, #tpu.memory_space<vmem>>) semaphore(%arg13 : memref<!tpu.dma_semaphore, #tpu.memory_space<semaphore_mem>>)
      %scan3A_84 = arith.constant 0 : i32
      %scan3A_85 = arith.constant 0 : i32
      %scan3A_86 = arith.constant 8 : i32
      %scan3A_87 = arith.addi %scan3A_85, %scan3A_86 : i32
      %scan3A_88 = arith.constant 1 : i32
      scf.for %scan3A_130 = %scan3A_85 to %scan3A_87 step %scan3A_88  : i32 {
        %mul3A_131 = arith.constant 2 : i32
        %mul3A_132 = arith.muli %scan3A_130, %mul3A_131 : i32
        %add3A_133 = arith.constant 1 : i32
        %add3A_134 = arith.addi %mul3A_132, %add3A_133 : i32
        %dma_start3A_135 = arith.constant 0 : i32
        %dma_start3A_136 = tpu.memref_slice %arg6[%add3A_134, %dma_start3A_135] : memref<16x128xi32, #tpu.memory_space<vmem>> -> memref<1x128xi32, #tpu.memory_space<vmem>>
        %dma_start3A_137 = tpu.memref_squeeze %dma_start3A_136 : memref<1x128xi32, #tpu.memory_space<vmem>> -> memref<128xi32, #tpu.memory_space<vmem>>
        %dma_start3A_138 = arith.constant 0 : i32
        %dma_start3A_139 = arith.constant 0 : i32
        %dma_start3A_140 = tpu.memref_slice %arg2[%arg0, %dma_start3A_138, %dma_start3A_139] : memref<2x10000x128xf32, #tpu.memory_space<hbm>> -> memref<1x10000x128xf32, #tpu.memory_space<hbm>>
        %dma_start3A_141 = tpu.memref_squeeze %dma_start3A_140 : memref<1x10000x128xf32, #tpu.memory_space<hbm>> -> memref<10000x128xf32, #tpu.memory_space<hbm>>
        %dma_start3A_142 = arith.constant 0 : i32
        %dma_start3A_143 = arith.constant 0 : i32
        %dma_start3A_144 = tpu.memref_slice %dma_start3A_141[%dma_start3A_142, %dma_start3A_143] : memref<10000x128xf32, #tpu.memory_space<hbm>> -> memref<10000x128xf32, #tpu.memory_space<hbm>>
        tpu.enqueue_indirect_dma source(%dma_start3A_144 : memref<10000x128xf32, #tpu.memory_space<hbm>>) target(%arg11 : memref<128x128xf32, #tpu.memory_space<vmem>>) offsets(%dma_start3A_137 : memref<128xi32, #tpu.memory_space<vmem>>) semaphore(%arg14 : memref<!tpu.dma_semaphore, #tpu.memory_space<semaphore_mem>>)
        %dma_wait3A_145 = arith.constant 0 : i32
        %dma_wait3A_146 = tpu.memref_slice %arg6[%mul3A_132, %dma_wait3A_145] : memref<16x128xi32, #tpu.memory_space<vmem>> -> memref<1x128xi32, #tpu.memory_space<vmem>>
        %dma_wait3A_147 = tpu.memref_squeeze %dma_wait3A_146 : memref<1x128xi32, #tpu.memory_space<vmem>> -> memref<128xi32, #tpu.memory_space<vmem>>
        %dma_wait3A_148 = arith.constant 0 : i32
        %dma_wait3A_149 = arith.constant 0 : i32
        %dma_wait3A_150 = tpu.memref_slice %arg2[%arg0, %dma_wait3A_148, %dma_wait3A_149] : memref<2x10000x128xf32, #tpu.memory_space<hbm>> -> memref<1x10000x128xf32, #tpu.memory_space<hbm>>
        %dma_wait3A_151 = tpu.memref_squeeze %dma_wait3A_150 : memref<1x10000x128xf32, #tpu.memory_space<hbm>> -> memref<10000x128xf32, #tpu.memory_space<hbm>>
        %dma_wait3A_152 = arith.constant 0 : i32
        %dma_wait3A_153 = arith.constant 0 : i32
        %dma_wait3A_154 = tpu.memref_slice %dma_wait3A_151[%dma_wait3A_152, %dma_wait3A_153] : memref<10000x128xf32, #tpu.memory_space<hbm>> -> memref<10000x128xf32, #tpu.memory_space<hbm>>
        tpu.wait_indirect_dma semaphore(%arg13 : memref<!tpu.dma_semaphore, #tpu.memory_space<semaphore_mem>>) src(%dma_wait3A_154 : memref<10000x128xf32, #tpu.memory_space<hbm>>) dst(%arg10 : memref<128x128xf32, #tpu.memory_space<vmem>>)
        "tpu.region"() ({
          %run_scoped3A = tpu.sem_alloc : memref<!tpu.dma_semaphore, #tpu.memory_space<semaphore_mem>>
          %dma_start3A_174 = arith.constant 0 : i32
          %dma_start3A_175 = tpu.memref_slice %arg7[%mul3A_132, %dma_start3A_174] : memref<16x128xi32, #tpu.memory_space<vmem>> -> memref<1x128xi32, #tpu.memory_space<vmem>>
          %dma_start3A_176 = tpu.memref_squeeze %dma_start3A_175 : memref<1x128xi32, #tpu.memory_space<vmem>> -> memref<128xi32, #tpu.memory_space<vmem>>
          %dma_start3A_177 = arith.constant 0 : i32
          %dma_start3A_178 = arith.constant 0 : i32
          %dma_start3A_179 = tpu.memref_slice %arg12[%dma_start3A_177, %dma_start3A_178] : memref<10016x128xf32, #tpu.memory_space<vmem_shared>> -> memref<10016x128xf32, #tpu.memory_space<vmem_shared>>
          tpu.enqueue_indirect_dma source(%arg10 : memref<128x128xf32, #tpu.memory_space<vmem>>) target(%dma_start3A_179 : memref<10016x128xf32, #tpu.memory_space<vmem_shared>>) offsets(%dma_start3A_176 : memref<128xi32, #tpu.memory_space<vmem>>) semaphore(%run_scoped3A : memref<!tpu.dma_semaphore, #tpu.memory_space<semaphore_mem>>) {add = true}
          %dma_wait3A_180 = arith.constant 0 : i32
          %dma_wait3A_181 = tpu.memref_slice %arg7[%mul3A_132, %dma_wait3A_180] : memref<16x128xi32, #tpu.memory_space<vmem>> -> memref<1x128xi32, #tpu.memory_space<vmem>>
          %dma_wait3A_182 = tpu.memref_squeeze %dma_wait3A_181 : memref<1x128xi32, #tpu.memory_space<vmem>> -> memref<128xi32, #tpu.memory_space<vmem>>
          %dma_wait3A_183 = arith.constant 0 : i32
          %dma_wait3A_184 = arith.constant 0 : i32
          %dma_wait3A_185 = tpu.memref_slice %arg12[%dma_wait3A_183, %dma_wait3A_184] : memref<10016x128xf32, #tpu.memory_space<vmem_shared>> -> memref<10016x128xf32, #tpu.memory_space<vmem_shared>>
          tpu.wait_indirect_dma semaphore(%run_scoped3A : memref<!tpu.dma_semaphore, #tpu.memory_space<semaphore_mem>>) src(%arg10 : memref<128x128xf32, #tpu.memory_space<vmem>>) dst(%dma_wait3A_185 : memref<10016x128xf32, #tpu.memory_space<vmem_shared>>)
          tpu.yield
        }) : () -> ()
        %lt3A_155 = arith.constant 7 : i32
        %lt3A_156 = arith.cmpi slt, %scan3A_130, %lt3A_155 : i32
        %convert_element_type3A_157 = arith.extui %lt3A_156 : i1 to i32
        %cond3A_158 = arith.constant 0 : i32
        %cond3A_159 = arith.cmpi ne, %convert_element_type3A_157, %cond3A_158 : i32
        scf.if %cond3A_159 {
          %add3A_174 = arith.constant 2 : i32
          %add3A_175 = arith.addi %mul3A_132, %add3A_174 : i32
          %dma_start3A_176 = arith.constant 0 : i32
          %dma_start3A_177 = tpu.memref_slice %arg6[%add3A_175, %dma_start3A_176] : memref<16x128xi32, #tpu.memory_space<vmem>> -> memref<1x128xi32, #tpu.memory_space<vmem>>
          %dma_start3A_178 = tpu.memref_squeeze %dma_start3A_177 : memref<1x128xi32, #tpu.memory_space<vmem>> -> memref<128xi32, #tpu.memory_space<vmem>>
          %dma_start3A_179 = arith.constant 0 : i32
          %dma_start3A_180 = arith.constant 0 : i32
          %dma_start3A_181 = tpu.memref_slice %arg2[%arg0, %dma_start3A_179, %dma_start3A_180] : memref<2x10000x128xf32, #tpu.memory_space<hbm>> -> memref<1x10000x128xf32, #tpu.memory_space<hbm>>
          %dma_start3A_182 = tpu.memref_squeeze %dma_start3A_181 : memref<1x10000x128xf32, #tpu.memory_space<hbm>> -> memref<10000x128xf32, #tpu.memory_space<hbm>>
          %dma_start3A_183 = arith.constant 0 : i32
          %dma_start3A_184 = arith.constant 0 : i32
          %dma_start3A_185 = tpu.memref_slice %dma_start3A_182[%dma_start3A_183, %dma_start3A_184] : memref<10000x128xf32, #tpu.memory_space<hbm>> -> memref<10000x128xf32, #tpu.memory_space<hbm>>
          tpu.enqueue_indirect_dma source(%dma_start3A_185 : memref<10000x128xf32, #tpu.memory_space<hbm>>) target(%arg10 : memref<128x128xf32, #tpu.memory_space<vmem>>) offsets(%dma_start3A_178 : memref<128xi32, #tpu.memory_space<vmem>>) semaphore(%arg13 : memref<!tpu.dma_semaphore, #tpu.memory_space<semaphore_mem>>)
        } else {
        }
        %add3A_160 = arith.constant 1 : i32
        %add3A_161 = arith.addi %mul3A_132, %add3A_160 : i32
        %dma_wait3A_162 = arith.constant 0 : i32
        %dma_wait3A_163 = tpu.memref_slice %arg6[%add3A_161, %dma_wait3A_162] : memref<16x128xi32, #tpu.memory_space<vmem>> -> memref<1x128xi32, #tpu.memory_space<vmem>>
        %dma_wait3A_164 = tpu.memref_squeeze %dma_wait3A_163 : memref<1x128xi32, #tpu.memory_space<vmem>> -> memref<128xi32, #tpu.memory_space<vmem>>
        %dma_wait3A_165 = arith.constant 0 : i32
        %dma_wait3A_166 = arith.constant 0 : i32
        %dma_wait3A_167 = tpu.memref_slice %arg2[%arg0, %dma_wait3A_165, %dma_wait3A_166] : memref<2x10000x128xf32, #tpu.memory_space<hbm>> -> memref<1x10000x128xf32, #tpu.memory_space<hbm>>
        %dma_wait3A_168 = tpu.memref_squeeze %dma_wait3A_167 : memref<1x10000x128xf32, #tpu.memory_space<hbm>> -> memref<10000x128xf32, #tpu.memory_space<hbm>>
        %dma_wait3A_169 = arith.constant 0 : i32
        %dma_wait3A_170 = arith.constant 0 : i32
        %dma_wait3A_171 = tpu.memref_slice %dma_wait3A_168[%dma_wait3A_169, %dma_wait3A_170] : memref<10000x128xf32, #tpu.memory_space<hbm>> -> memref<10000x128xf32, #tpu.memory_space<hbm>>
        tpu.wait_indirect_dma semaphore(%arg14 : memref<!tpu.dma_semaphore, #tpu.memory_space<semaphore_mem>>) src(%dma_wait3A_171 : memref<10000x128xf32, #tpu.memory_space<hbm>>) dst(%arg11 : memref<128x128xf32, #tpu.memory_space<vmem>>)
        %add3A_172 = arith.constant 1 : i32
        %add3A_173 = arith.addi %mul3A_132, %add3A_172 : i32
        "tpu.region"() ({
          %run_scoped3A = tpu.sem_alloc : memref<!tpu.dma_semaphore, #tpu.memory_space<semaphore_mem>>
          %dma_start3A_174 = arith.constant 0 : i32
          %dma_start3A_175 = tpu.memref_slice %arg7[%add3A_173, %dma_start3A_174] : memref<16x128xi32, #tpu.memory_space<vmem>> -> memref<1x128xi32, #tpu.memory_space<vmem>>
          %dma_start3A_176 = tpu.memref_squeeze %dma_start3A_175 : memref<1x128xi32, #tpu.memory_space<vmem>> -> memref<128xi32, #tpu.memory_space<vmem>>
          %dma_start3A_177 = arith.constant 0 : i32
          %dma_start3A_178 = arith.constant 0 : i32
          %dma_start3A_179 = tpu.memref_slice %arg12[%dma_start3A_177, %dma_start3A_178] : memref<10016x128xf32, #tpu.memory_space<vmem_shared>> -> memref<10016x128xf32, #tpu.memory_space<vmem_shared>>
          tpu.enqueue_indirect_dma source(%arg11 : memref<128x128xf32, #tpu.memory_space<vmem>>) target(%dma_start3A_179 : memref<10016x128xf32, #tpu.memory_space<vmem_shared>>) offsets(%dma_start3A_176 : memref<128xi32, #tpu.memory_space<vmem>>) semaphore(%run_scoped3A : memref<!tpu.dma_semaphore, #tpu.memory_space<semaphore_mem>>) {add = true}
          %dma_wait3A_180 = arith.constant 0 : i32
          %dma_wait3A_181 = tpu.memref_slice %arg7[%add3A_173, %dma_wait3A_180] : memref<16x128xi32, #tpu.memory_space<vmem>> -> memref<1x128xi32, #tpu.memory_space<vmem>>
          %dma_wait3A_182 = tpu.memref_squeeze %dma_wait3A_181 : memref<1x128xi32, #tpu.memory_space<vmem>> -> memref<128xi32, #tpu.memory_space<vmem>>
          %dma_wait3A_183 = arith.constant 0 : i32
          %dma_wait3A_184 = arith.constant 0 : i32
          %dma_wait3A_185 = tpu.memref_slice %arg12[%dma_wait3A_183, %dma_wait3A_184] : memref<10016x128xf32, #tpu.memory_space<vmem_shared>> -> memref<10016x128xf32, #tpu.memory_space<vmem_shared>>
          tpu.wait_indirect_dma semaphore(%run_scoped3A : memref<!tpu.dma_semaphore, #tpu.memory_space<semaphore_mem>>) src(%arg11 : memref<128x128xf32, #tpu.memory_space<vmem>>) dst(%dma_wait3A_185 : memref<10016x128xf32, #tpu.memory_space<vmem_shared>>)
          tpu.yield
        }) : () -> ()
      }
      %scan3A_89 = arith.constant 8 : i32
      %add3A_90 = arith.constant 1 : i32
      %add3A_91 = arith.addi %mul3A_38, %add3A_90 : i32
      %mul3A_92 = arith.constant 16 : i32
      %mul3A_93 = arith.muli %add3A_91, %mul3A_92 : i32
      %dma_wait3A_94 = arith.constant 0 : i32
      %dma_wait3A_95 = tpu.memref_slice %arg3[%arg0, %arg1, %mul3A_93, %dma_wait3A_94] : memref<2x16x160x128xi32, #tpu.memory_space<hbm>> -> memref<1x1x16x128xi32, #tpu.memory_space<hbm>>
      %dma_wait3A_96 = tpu.memref_squeeze %dma_wait3A_95 : memref<1x1x16x128xi32, #tpu.memory_space<hbm>> -> memref<16x128xi32, #tpu.memory_space<hbm>>
      %dma_wait3A_97 = arith.constant 0 : i32
      %dma_wait3A_98 = tpu.memref_slice %arg3[%arg0, %arg1, %mul3A_93, %dma_wait3A_97] : memref<2x16x160x128xi32, #tpu.memory_space<hbm>> -> memref<1x1x16x128xi32, #tpu.memory_space<hbm>>
      %dma_wait3A_99 = tpu.memref_squeeze %dma_wait3A_98 : memref<1x1x16x128xi32, #tpu.memory_space<hbm>> -> memref<16x128xi32, #tpu.memory_space<hbm>>
      tpu.wait_dma2 semaphore(%arg16 : memref<!tpu.dma_semaphore, #tpu.memory_space<semaphore_mem>>) src(%dma_wait3A_99 : memref<16x128xi32, #tpu.memory_space<hbm>>) dst(%arg8 : memref<16x128xi32, #tpu.memory_space<vmem>>)
      %mul3A_100 = arith.constant 16 : i32
      %mul3A_101 = arith.muli %add3A_91, %mul3A_100 : i32
      %dma_wait3A_102 = arith.constant 0 : i32
      %dma_wait3A_103 = tpu.memref_slice %arg4[%arg0, %arg1, %mul3A_101, %dma_wait3A_102] : memref<2x16x160x128xi32, #tpu.memory_space<hbm>> -> memref<1x1x16x128xi32, #tpu.memory_space<hbm>>
      %dma_wait3A_104 = tpu.memref_squeeze %dma_wait3A_103 : memref<1x1x16x128xi32, #tpu.memory_space<hbm>> -> memref<16x128xi32, #tpu.memory_space<hbm>>
      %dma_wait3A_105 = arith.constant 0 : i32
      %dma_wait3A_106 = tpu.memref_slice %arg4[%arg0, %arg1, %mul3A_101, %dma_wait3A_105] : memref<2x16x160x128xi32, #tpu.memory_space<hbm>> -> memref<1x1x16x128xi32, #tpu.memory_space<hbm>>
      %dma_wait3A_107 = tpu.memref_squeeze %dma_wait3A_106 : memref<1x1x16x128xi32, #tpu.memory_space<hbm>> -> memref<16x128xi32, #tpu.memory_space<hbm>>
      tpu.wait_dma2 semaphore(%arg16 : memref<!tpu.dma_semaphore, #tpu.memory_space<semaphore_mem>>) src(%dma_wait3A_107 : memref<16x128xi32, #tpu.memory_space<hbm>>) dst(%arg9 : memref<16x128xi32, #tpu.memory_space<vmem>>)
      %lt3A_108 = arith.constant 4 : i32
      %lt3A_109 = arith.cmpi slt, %scan3A_37, %lt3A_108 : i32
      %convert_element_type3A_110 = arith.extui %lt3A_109 : i1 to i32
      %cond3A_111 = arith.constant 0 : i32
      %cond3A_112 = arith.cmpi ne, %convert_element_type3A_110, %cond3A_111 : i32
      scf.if %cond3A_112 {
        %add3A_130 = arith.constant 2 : i32
        %add3A_131 = arith.addi %mul3A_38, %add3A_130 : i32
        %mul3A_132 = arith.constant 16 : i32
        %mul3A_133 = arith.muli %add3A_131, %mul3A_132 : i32
        %dma_start3A_134 = arith.constant 0 : i32
        %dma_start3A_135 = tpu.memref_slice %arg3[%arg0, %arg1, %mul3A_133, %dma_start3A_134] : memref<2x16x160x128xi32, #tpu.memory_space<hbm>> -> memref<1x1x16x128xi32, #tpu.memory_space<hbm>>
        %dma_start3A_136 = tpu.memref_squeeze %dma_start3A_135 : memref<1x1x16x128xi32, #tpu.memory_space<hbm>> -> memref<16x128xi32, #tpu.memory_space<hbm>>
        %dma_start3A_137 = arith.constant 0 : i32
        %dma_start3A_138 = tpu.memref_slice %arg3[%arg0, %arg1, %mul3A_133, %dma_start3A_137] : memref<2x16x160x128xi32, #tpu.memory_space<hbm>> -> memref<1x1x16x128xi32, #tpu.memory_space<hbm>>
        %dma_start3A_139 = tpu.memref_squeeze %dma_start3A_138 : memref<1x1x16x128xi32, #tpu.memory_space<hbm>> -> memref<16x128xi32, #tpu.memory_space<hbm>>
        tpu.enqueue_dma source(%dma_start3A_139 : memref<16x128xi32, #tpu.memory_space<hbm>>) target(%arg6 : memref<16x128xi32, #tpu.memory_space<vmem>>) target_semaphore(%arg15 : memref<!tpu.dma_semaphore, #tpu.memory_space<semaphore_mem>>)
        %mul3A_140 = arith.constant 16 : i32
        %mul3A_141 = arith.muli %add3A_131, %mul3A_140 : i32
        %dma_start3A_142 = arith.constant 0 : i32
        %dma_start3A_143 = tpu.memref_slice %arg4[%arg0, %arg1, %mul3A_141, %dma_start3A_142] : memref<2x16x160x128xi32, #tpu.memory_space<hbm>> -> memref<1x1x16x128xi32, #tpu.memory_space<hbm>>
        %dma_start3A_144 = tpu.memref_squeeze %dma_start3A_143 : memref<1x1x16x128xi32, #tpu.memory_space<hbm>> -> memref<16x128xi32, #tpu.memory_space<hbm>>
        %dma_start3A_145 = arith.constant 0 : i32
        %dma_start3A_146 = tpu.memref_slice %arg4[%arg0, %arg1, %mul3A_141, %dma_start3A_145] : memref<2x16x160x128xi32, #tpu.memory_space<hbm>> -> memref<1x1x16x128xi32, #tpu.memory_space<hbm>>
        %dma_start3A_147 = tpu.memref_squeeze %dma_start3A_146 : memref<1x1x16x128xi32, #tpu.memory_space<hbm>> -> memref<16x128xi32, #tpu.memory_space<hbm>>
        tpu.enqueue_dma source(%dma_start3A_147 : memref<16x128xi32, #tpu.memory_space<hbm>>) target(%arg7 : memref<16x128xi32, #tpu.memory_space<vmem>>) target_semaphore(%arg15 : memref<!tpu.dma_semaphore, #tpu.memory_space<semaphore_mem>>)
      } else {
      }
      %dma_start3A_113 = arith.constant 0 : i32
      %dma_start3A_114 = arith.constant 0 : i32
      %dma_start3A_115 = tpu.memref_slice %arg8[%dma_start3A_113, %dma_start3A_114] : memref<16x128xi32, #tpu.memory_space<vmem>> -> memref<1x128xi32, #tpu.memory_space<vmem>>
      %dma_start3A_116 = tpu.memref_squeeze %dma_start3A_115 : memref<1x128xi32, #tpu.memory_space<vmem>> -> memref<128xi32, #tpu.memory_space<vmem>>
      %dma_start3A_117 = arith.constant 0 : i32
      %dma_start3A_118 = arith.constant 0 : i32
      %dma_start3A_119 = tpu.memref_slice %arg2[%arg0, %dma_start3A_117, %dma_start3A_118] : memref<2x10000x128xf32, #tpu.memory_space<hbm>> -> memref<1x10000x128xf32, #tpu.memory_space<hbm>>
      %dma_start3A_120 = tpu.memref_squeeze %dma_start3A_119 : memref<1x10000x128xf32, #tpu.memory_space<hbm>> -> memref<10000x128xf32, #tpu.memory_space<hbm>>
      %dma_start3A_121 = arith.constant 0 : i32
      %dma_start3A_122 = arith.constant 0 : i32
      %dma_start3A_123 = tpu.memref_slice %dma_start3A_120[%dma_start3A_121, %dma_start3A_122] : memref<10000x128xf32, #tpu.memory_space<hbm>> -> memref<10000x128xf32, #tpu.memory_space<hbm>>
      tpu.enqueue_indirect_dma source(%dma_start3A_123 : memref<10000x128xf32, #tpu.memory_space<hbm>>) target(%arg10 : memref<128x128xf32, #tpu.memory_space<vmem>>) offsets(%dma_start3A_116 : memref<128xi32, #tpu.memory_space<vmem>>) semaphore(%arg13 : memref<!tpu.dma_semaphore, #tpu.memory_space<semaphore_mem>>)
      %scan3A_124 = arith.constant 0 : i32
      %scan3A_125 = arith.constant 0 : i32
      %scan3A_126 = arith.constant 8 : i32
      %scan3A_127 = arith.addi %scan3A_125, %scan3A_126 : i32
      %scan3A_128 = arith.constant 1 : i32
      scf.for %scan3A_130 = %scan3A_125 to %scan3A_127 step %scan3A_128  : i32 {
        %mul3A_131 = arith.constant 2 : i32
        %mul3A_132 = arith.muli %scan3A_130, %mul3A_131 : i32
        %add3A_133 = arith.constant 1 : i32
        %add3A_134 = arith.addi %mul3A_132, %add3A_133 : i32
        %dma_start3A_135 = arith.constant 0 : i32
        %dma_start3A_136 = tpu.memref_slice %arg8[%add3A_134, %dma_start3A_135] : memref<16x128xi32, #tpu.memory_space<vmem>> -> memref<1x128xi32, #tpu.memory_space<vmem>>
        %dma_start3A_137 = tpu.memref_squeeze %dma_start3A_136 : memref<1x128xi32, #tpu.memory_space<vmem>> -> memref<128xi32, #tpu.memory_space<vmem>>
        %dma_start3A_138 = arith.constant 0 : i32
        %dma_start3A_139 = arith.constant 0 : i32
        %dma_start3A_140 = tpu.memref_slice %arg2[%arg0, %dma_start3A_138, %dma_start3A_139] : memref<2x10000x128xf32, #tpu.memory_space<hbm>> -> memref<1x10000x128xf32, #tpu.memory_space<hbm>>
        %dma_start3A_141 = tpu.memref_squeeze %dma_start3A_140 : memref<1x10000x128xf32, #tpu.memory_space<hbm>> -> memref<10000x128xf32, #tpu.memory_space<hbm>>
        %dma_start3A_142 = arith.constant 0 : i32
        %dma_start3A_143 = arith.constant 0 : i32
        %dma_start3A_144 = tpu.memref_slice %dma_start3A_141[%dma_start3A_142, %dma_start3A_143] : memref<10000x128xf32, #tpu.memory_space<hbm>> -> memref<10000x128xf32, #tpu.memory_space<hbm>>
        tpu.enqueue_indirect_dma source(%dma_start3A_144 : memref<10000x128xf32, #tpu.memory_space<hbm>>) target(%arg11 : memref<128x128xf32, #tpu.memory_space<vmem>>) offsets(%dma_start3A_137 : memref<128xi32, #tpu.memory_space<vmem>>) semaphore(%arg14 : memref<!tpu.dma_semaphore, #tpu.memory_space<semaphore_mem>>)
        %dma_wait3A_145 = arith.constant 0 : i32
        %dma_wait3A_146 = tpu.memref_slice %arg8[%mul3A_132, %dma_wait3A_145] : memref<16x128xi32, #tpu.memory_space<vmem>> -> memref<1x128xi32, #tpu.memory_space<vmem>>
        %dma_wait3A_147 = tpu.memref_squeeze %dma_wait3A_146 : memref<1x128xi32, #tpu.memory_space<vmem>> -> memref<128xi32, #tpu.memory_space<vmem>>
        %dma_wait3A_148 = arith.constant 0 : i32
        %dma_wait3A_149 = arith.constant 0 : i32
        %dma_wait3A_150 = tpu.memref_slice %arg2[%arg0, %dma_wait3A_148, %dma_wait3A_149] : memref<2x10000x128xf32, #tpu.memory_space<hbm>> -> memref<1x10000x128xf32, #tpu.memory_space<hbm>>
        %dma_wait3A_151 = tpu.memref_squeeze %dma_wait3A_150 : memref<1x10000x128xf32, #tpu.memory_space<hbm>> -> memref<10000x128xf32, #tpu.memory_space<hbm>>
        %dma_wait3A_152 = arith.constant 0 : i32
        %dma_wait3A_153 = arith.constant 0 : i32
        %dma_wait3A_154 = tpu.memref_slice %dma_wait3A_151[%dma_wait3A_152, %dma_wait3A_153] : memref<10000x128xf32, #tpu.memory_space<hbm>> -> memref<10000x128xf32, #tpu.memory_space<hbm>>
        tpu.wait_indirect_dma semaphore(%arg13 : memref<!tpu.dma_semaphore, #tpu.memory_space<semaphore_mem>>) src(%dma_wait3A_154 : memref<10000x128xf32, #tpu.memory_space<hbm>>) dst(%arg10 : memref<128x128xf32, #tpu.memory_space<vmem>>)
        "tpu.region"() ({
          %run_scoped3A = tpu.sem_alloc : memref<!tpu.dma_semaphore, #tpu.memory_space<semaphore_mem>>
          %dma_start3A_174 = arith.constant 0 : i32
          %dma_start3A_175 = tpu.memref_slice %arg9[%mul3A_132, %dma_start3A_174] : memref<16x128xi32, #tpu.memory_space<vmem>> -> memref<1x128xi32, #tpu.memory_space<vmem>>
          %dma_start3A_176 = tpu.memref_squeeze %dma_start3A_175 : memref<1x128xi32, #tpu.memory_space<vmem>> -> memref<128xi32, #tpu.memory_space<vmem>>
          %dma_start3A_177 = arith.constant 0 : i32
          %dma_start3A_178 = arith.constant 0 : i32
          %dma_start3A_179 = tpu.memref_slice %arg12[%dma_start3A_177, %dma_start3A_178] : memref<10016x128xf32, #tpu.memory_space<vmem_shared>> -> memref<10016x128xf32, #tpu.memory_space<vmem_shared>>
          tpu.enqueue_indirect_dma source(%arg10 : memref<128x128xf32, #tpu.memory_space<vmem>>) target(%dma_start3A_179 : memref<10016x128xf32, #tpu.memory_space<vmem_shared>>) offsets(%dma_start3A_176 : memref<128xi32, #tpu.memory_space<vmem>>) semaphore(%run_scoped3A : memref<!tpu.dma_semaphore, #tpu.memory_space<semaphore_mem>>) {add = true}
          %dma_wait3A_180 = arith.constant 0 : i32
          %dma_wait3A_181 = tpu.memref_slice %arg9[%mul3A_132, %dma_wait3A_180] : memref<16x128xi32, #tpu.memory_space<vmem>> -> memref<1x128xi32, #tpu.memory_space<vmem>>
          %dma_wait3A_182 = tpu.memref_squeeze %dma_wait3A_181 : memref<1x128xi32, #tpu.memory_space<vmem>> -> memref<128xi32, #tpu.memory_space<vmem>>
          %dma_wait3A_183 = arith.constant 0 : i32
          %dma_wait3A_184 = arith.constant 0 : i32
          %dma_wait3A_185 = tpu.memref_slice %arg12[%dma_wait3A_183, %dma_wait3A_184] : memref<10016x128xf32, #tpu.memory_space<vmem_shared>> -> memref<10016x128xf32, #tpu.memory_space<vmem_shared>>
          tpu.wait_indirect_dma semaphore(%run_scoped3A : memref<!tpu.dma_semaphore, #tpu.memory_space<semaphore_mem>>) src(%arg10 : memref<128x128xf32, #tpu.memory_space<vmem>>) dst(%dma_wait3A_185 : memref<10016x128xf32, #tpu.memory_space<vmem_shared>>)
          tpu.yield
        }) : () -> ()
        %lt3A_155 = arith.constant 7 : i32
        %lt3A_156 = arith.cmpi slt, %scan3A_130, %lt3A_155 : i32
        %convert_element_type3A_157 = arith.extui %lt3A_156 : i1 to i32
        %cond3A_158 = arith.constant 0 : i32
        %cond3A_159 = arith.cmpi ne, %convert_element_type3A_157, %cond3A_158 : i32
        scf.if %cond3A_159 {
          %add3A_174 = arith.constant 2 : i32
          %add3A_175 = arith.addi %mul3A_132, %add3A_174 : i32
          %dma_start3A_176 = arith.constant 0 : i32
          %dma_start3A_177 = tpu.memref_slice %arg8[%add3A_175, %dma_start3A_176] : memref<16x128xi32, #tpu.memory_space<vmem>> -> memref<1x128xi32, #tpu.memory_space<vmem>>
          %dma_start3A_178 = tpu.memref_squeeze %dma_start3A_177 : memref<1x128xi32, #tpu.memory_space<vmem>> -> memref<128xi32, #tpu.memory_space<vmem>>
          %dma_start3A_179 = arith.constant 0 : i32
          %dma_start3A_180 = arith.constant 0 : i32
          %dma_start3A_181 = tpu.memref_slice %arg2[%arg0, %dma_start3A_179, %dma_start3A_180] : memref<2x10000x128xf32, #tpu.memory_space<hbm>> -> memref<1x10000x128xf32, #tpu.memory_space<hbm>>
          %dma_start3A_182 = tpu.memref_squeeze %dma_start3A_181 : memref<1x10000x128xf32, #tpu.memory_space<hbm>> -> memref<10000x128xf32, #tpu.memory_space<hbm>>
          %dma_start3A_183 = arith.constant 0 : i32
          %dma_start3A_184 = arith.constant 0 : i32
          %dma_start3A_185 = tpu.memref_slice %dma_start3A_182[%dma_start3A_183, %dma_start3A_184] : memref<10000x128xf32, #tpu.memory_space<hbm>> -> memref<10000x128xf32, #tpu.memory_space<hbm>>
          tpu.enqueue_indirect_dma source(%dma_start3A_185 : memref<10000x128xf32, #tpu.memory_space<hbm>>) target(%arg10 : memref<128x128xf32, #tpu.memory_space<vmem>>) offsets(%dma_start3A_178 : memref<128xi32, #tpu.memory_space<vmem>>) semaphore(%arg13 : memref<!tpu.dma_semaphore, #tpu.memory_space<semaphore_mem>>)
        } else {
        }
        %add3A_160 = arith.constant 1 : i32
        %add3A_161 = arith.addi %mul3A_132, %add3A_160 : i32
        %dma_wait3A_162 = arith.constant 0 : i32
        %dma_wait3A_163 = tpu.memref_slice %arg8[%add3A_161, %dma_wait3A_162] : memref<16x128xi32, #tpu.memory_space<vmem>> -> memref<1x128xi32, #tpu.memory_space<vmem>>
        %dma_wait3A_164 = tpu.memref_squeeze %dma_wait3A_163 : memref<1x128xi32, #tpu.memory_space<vmem>> -> memref<128xi32, #tpu.memory_space<vmem>>
        %dma_wait3A_165 = arith.constant 0 : i32
        %dma_wait3A_166 = arith.constant 0 : i32
        %dma_wait3A_167 = tpu.memref_slice %arg2[%arg0, %dma_wait3A_165, %dma_wait3A_166] : memref<2x10000x128xf32, #tpu.memory_space<hbm>> -> memref<1x10000x128xf32, #tpu.memory_space<hbm>>
        %dma_wait3A_168 = tpu.memref_squeeze %dma_wait3A_167 : memref<1x10000x128xf32, #tpu.memory_space<hbm>> -> memref<10000x128xf32, #tpu.memory_space<hbm>>
        %dma_wait3A_169 = arith.constant 0 : i32
        %dma_wait3A_170 = arith.constant 0 : i32
        %dma_wait3A_171 = tpu.memref_slice %dma_wait3A_168[%dma_wait3A_169, %dma_wait3A_170] : memref<10000x128xf32, #tpu.memory_space<hbm>> -> memref<10000x128xf32, #tpu.memory_space<hbm>>
        tpu.wait_indirect_dma semaphore(%arg14 : memref<!tpu.dma_semaphore, #tpu.memory_space<semaphore_mem>>) src(%dma_wait3A_171 : memref<10000x128xf32, #tpu.memory_space<hbm>>) dst(%arg11 : memref<128x128xf32, #tpu.memory_space<vmem>>)
        %add3A_172 = arith.constant 1 : i32
        %add3A_173 = arith.addi %mul3A_132, %add3A_172 : i32
        "tpu.region"() ({
          %run_scoped3A = tpu.sem_alloc : memref<!tpu.dma_semaphore, #tpu.memory_space<semaphore_mem>>
          %dma_start3A_174 = arith.constant 0 : i32
          %dma_start3A_175 = tpu.memref_slice %arg9[%add3A_173, %dma_start3A_174] : memref<16x128xi32, #tpu.memory_space<vmem>> -> memref<1x128xi32, #tpu.memory_space<vmem>>
          %dma_start3A_176 = tpu.memref_squeeze %dma_start3A_175 : memref<1x128xi32, #tpu.memory_space<vmem>> -> memref<128xi32, #tpu.memory_space<vmem>>
          %dma_start3A_177 = arith.constant 0 : i32
          %dma_start3A_178 = arith.constant 0 : i32
          %dma_start3A_179 = tpu.memref_slice %arg12[%dma_start3A_177, %dma_start3A_178] : memref<10016x128xf32, #tpu.memory_space<vmem_shared>> -> memref<10016x128xf32, #tpu.memory_space<vmem_shared>>
          tpu.enqueue_indirect_dma source(%arg11 : memref<128x128xf32, #tpu.memory_space<vmem>>) target(%dma_start3A_179 : memref<10016x128xf32, #tpu.memory_space<vmem_shared>>) offsets(%dma_start3A_176 : memref<128xi32, #tpu.memory_space<vmem>>) semaphore(%run_scoped3A : memref<!tpu.dma_semaphore, #tpu.memory_space<semaphore_mem>>) {add = true}
          %dma_wait3A_180 = arith.constant 0 : i32
          %dma_wait3A_181 = tpu.memref_slice %arg9[%add3A_173, %dma_wait3A_180] : memref<16x128xi32, #tpu.memory_space<vmem>> -> memref<1x128xi32, #tpu.memory_space<vmem>>
          %dma_wait3A_182 = tpu.memref_squeeze %dma_wait3A_181 : memref<1x128xi32, #tpu.memory_space<vmem>> -> memref<128xi32, #tpu.memory_space<vmem>>
          %dma_wait3A_183 = arith.constant 0 : i32
          %dma_wait3A_184 = arith.constant 0 : i32
          %dma_wait3A_185 = tpu.memref_slice %arg12[%dma_wait3A_183, %dma_wait3A_184] : memref<10016x128xf32, #tpu.memory_space<vmem_shared>> -> memref<10016x128xf32, #tpu.memory_space<vmem_shared>>
          tpu.wait_indirect_dma semaphore(%run_scoped3A : memref<!tpu.dma_semaphore, #tpu.memory_space<semaphore_mem>>) src(%arg11 : memref<128x128xf32, #tpu.memory_space<vmem>>) dst(%dma_wait3A_185 : memref<10016x128xf32, #tpu.memory_space<vmem_shared>>)
          tpu.yield
        }) : () -> ()
      }
      %scan3A_129 = arith.constant 8 : i32
    }
    %scan3A_25 = arith.constant 5 : i32
    %barrier3A_26 = arith.constant 0 : index
    tpu.barrier barrier_id(%barrier3A_26)
    %lt3A_27 = arith.constant 15 : i32
    %lt3A_28 = arith.cmpi slt, %arg1, %lt3A_27 : i32
    %convert_element_type3A_29 = arith.extui %lt3A_28 : i1 to i32
    %cond3A_30 = arith.constant 0 : i32
    %cond3A_31 = arith.cmpi ne, %convert_element_type3A_29, %cond3A_30 : i32
    scf.if %cond3A_31 {
      %mul3A = arith.constant 632 : i32
      %mul3A_37 = arith.muli %arg1, %mul3A : i32
      %mul3A_38 = arith.constant 632 : i32
      %mul3A_39 = arith.muli %arg1, %mul3A_38 : i32
      "tpu.region"() ({
        %run_scoped3A = tpu.sem_alloc : memref<!tpu.dma_semaphore, #tpu.memory_space<semaphore_mem>>
        %dma_start3A_40 = arith.constant 0 : i32
        %dma_start3A_41 = tpu.memref_slice %arg5[%arg0, %mul3A_39, %dma_start3A_40] : memref<2x10000x128xf32, #tpu.memory_space<hbm>> -> memref<1x632x128xf32, #tpu.memory_space<hbm>>
        %dma_start3A_42 = tpu.memref_squeeze %dma_start3A_41 : memref<1x632x128xf32, #tpu.memory_space<hbm>> -> memref<632x128xf32, #tpu.memory_space<hbm>>
        %dma_start3A_43 = arith.constant 0 : i32
        %dma_start3A_44 = tpu.memref_slice %arg12[%mul3A_37, %dma_start3A_43] : memref<10016x128xf32, #tpu.memory_space<vmem_shared>> -> memref<632x128xf32, #tpu.memory_space<vmem_shared>>
        tpu.enqueue_dma source(%dma_start3A_44 : memref<632x128xf32, #tpu.memory_space<vmem_shared>>) target(%dma_start3A_42 : memref<632x128xf32, #tpu.memory_space<hbm>>) target_semaphore(%run_scoped3A : memref<!tpu.dma_semaphore, #tpu.memory_space<semaphore_mem>>)
        %dma_wait3A = arith.constant 0 : i32
        %dma_wait3A_45 = tpu.memref_slice %arg5[%arg0, %mul3A_39, %dma_wait3A] : memref<2x10000x128xf32, #tpu.memory_space<hbm>> -> memref<1x632x128xf32, #tpu.memory_space<hbm>>
        %dma_wait3A_46 = tpu.memref_squeeze %dma_wait3A_45 : memref<1x632x128xf32, #tpu.memory_space<hbm>> -> memref<632x128xf32, #tpu.memory_space<hbm>>
        %dma_wait3A_47 = arith.constant 0 : i32
        %dma_wait3A_48 = tpu.memref_slice %arg12[%mul3A_37, %dma_wait3A_47] : memref<10016x128xf32, #tpu.memory_space<vmem_shared>> -> memref<632x128xf32, #tpu.memory_space<vmem_shared>>
        tpu.wait_dma2 semaphore(%run_scoped3A : memref<!tpu.dma_semaphore, #tpu.memory_space<semaphore_mem>>) src(%dma_wait3A_48 : memref<632x128xf32, #tpu.memory_space<vmem_shared>>) dst(%dma_wait3A_46 : memref<632x128xf32, #tpu.memory_space<hbm>>)
        tpu.yield
      }) : () -> ()
    } else {
    }
    %eq3A_32 = arith.constant 15 : i32
    %eq3A_33 = arith.cmpi eq, %arg1, %eq3A_32 : i32
    %convert_element_type3A_34 = arith.extui %eq3A_33 : i1 to i32
    %cond3A_35 = arith.constant 0 : i32
    %cond3A_36 = arith.cmpi ne, %convert_element_type3A_34, %cond3A_35 : i32
    scf.if %cond3A_36 {
      "tpu.region"() ({
        %run_scoped3A = tpu.sem_alloc : memref<!tpu.dma_semaphore, #tpu.memory_space<semaphore_mem>>
        %dma_start3A_37 = arith.constant 9480 : i32
        %dma_start3A_38 = arith.constant 0 : i32
        %dma_start3A_39 = tpu.memref_slice %arg5[%arg0, %dma_start3A_37, %dma_start3A_38] : memref<2x10000x128xf32, #tpu.memory_space<hbm>> -> memref<1x520x128xf32, #tpu.memory_space<hbm>>
        %dma_start3A_40 = tpu.memref_squeeze %dma_start3A_39 : memref<1x520x128xf32, #tpu.memory_space<hbm>> -> memref<520x128xf32, #tpu.memory_space<hbm>>
        %dma_start3A_41 = arith.constant 9480 : i32
        %dma_start3A_42 = arith.constant 0 : i32
        %dma_start3A_43 = tpu.memref_slice %arg12[%dma_start3A_41, %dma_start3A_42] : memref<10016x128xf32, #tpu.memory_space<vmem_shared>> -> memref<520x128xf32, #tpu.memory_space<vmem_shared>>
        tpu.enqueue_dma source(%dma_start3A_43 : memref<520x128xf32, #tpu.memory_space<vmem_shared>>) target(%dma_start3A_40 : memref<520x128xf32, #tpu.memory_space<hbm>>) target_semaphore(%run_scoped3A : memref<!tpu.dma_semaphore, #tpu.memory_space<semaphore_mem>>)
        %dma_wait3A = arith.constant 9480 : i32
        %dma_wait3A_44 = arith.constant 0 : i32
        %dma_wait3A_45 = tpu.memref_slice %arg5[%arg0, %dma_wait3A, %dma_wait3A_44] : memref<2x10000x128xf32, #tpu.memory_space<hbm>> -> memref<1x520x128xf32, #tpu.memory_space<hbm>>
        %dma_wait3A_46 = tpu.memref_squeeze %dma_wait3A_45 : memref<1x520x128xf32, #tpu.memory_space<hbm>> -> memref<520x128xf32, #tpu.memory_space<hbm>>
        %dma_wait3A_47 = arith.constant 9480 : i32
        %dma_wait3A_48 = arith.constant 0 : i32
        %dma_wait3A_49 = tpu.memref_slice %arg12[%dma_wait3A_47, %dma_wait3A_48] : memref<10016x128xf32, #tpu.memory_space<vmem_shared>> -> memref<520x128xf32, #tpu.memory_space<vmem_shared>>
        tpu.wait_dma2 semaphore(%run_scoped3A : memref<!tpu.dma_semaphore, #tpu.memory_space<semaphore_mem>>) src(%dma_wait3A_49 : memref<520x128xf32, #tpu.memory_space<vmem_shared>>) dst(%dma_wait3A_46 : memref<520x128xf32, #tpu.memory_space<hbm>>)
        tpu.yield
      }) : () -> ()
    } else {
    }
    return
  }
}

module attributes {stable_mosaic.version = 14 : i64} {
  func.func @_tc1_body(%arg0: i32, %arg1: i32, %arg2: memref<1x2000x128xf32, #tpu.memory_space<vmem>>, %arg3: memref<128x128xf32, #tpu.memory_space<vmem>>, %arg4: memref<1x2000x128xf32, #tpu.memory_space<vmem>>, %arg5: memref<1x2000x128xf32, #tpu.memory_space<vmem>>) attributes {dimension_semantics = [#tpu.dimension_semantics<arbitrary>, #tpu.dimension_semantics<arbitrary>], iteration_bounds = array<i64: 2, 5>, scalar_prefetch = 0 : i64, scratch_operands = 0 : i64, tpu.core_type = #tpu.core_type<tc>, window_params = [{transform_indices = @transform_0, window_bounds = array<i64: 1, 2000, 128>}, {pipeline_mode = #tpu.pipeline_mode<synchronous>, transform_indices = @transform_1, window_bounds = array<i64: 128, 128>}, {transform_indices = @transform_2, window_bounds = array<i64: 1, 2000, 128>}, {transform_indices = @transform_3, window_bounds = array<i64: 1, 2000, 128>}]} {
    %get3A = arith.constant 0 : index
    %get3A_0 = arith.constant 0 : index
    %get3A_1 = arith.constant 0 : index
    %get3A_2 = vector.load %arg4[%get3A, %get3A_0, %get3A_1] : memref<1x2000x128xf32, #tpu.memory_space<vmem>>, vector<1x2000x128xf32>
    %get3A_3 = vector.shape_cast %get3A_2 : vector<1x2000x128xf32> to vector<2000x128xf32>
    %rsqrt3A = math.rsqrt %get3A_3 : vector<2000x128xf32>
    %get3A_4 = arith.constant 0 : index
    %get3A_5 = arith.constant 0 : index
    %get3A_6 = arith.constant 0 : index
    %get3A_7 = vector.load %arg2[%get3A_4, %get3A_5, %get3A_6] : memref<1x2000x128xf32, #tpu.memory_space<vmem>>, vector<1x2000x128xf32>
    %get3A_8 = vector.shape_cast %get3A_7 : vector<1x2000x128xf32> to vector<2000x128xf32>
    %get3A_9 = arith.constant 0 : index
    %get3A_10 = arith.constant 0 : index
    %get3A_11 = vector.load %arg3[%get3A_9, %get3A_10] : memref<128x128xf32, #tpu.memory_space<vmem>>, vector<128x128xf32>
    %dot_general3A = arith.constant dense<0.000000e+00> : vector<2000x128xf32>
    %dot_general3A_12 = tpu.matmul %get3A_8, %get3A_11, %dot_general3A {dimension_numbers = #tpu.dot_dimension_numbers<[1], [0], [0], [1], [0, 0, 1, 1], [], []>, transpose_lhs_hint = false} : vector<2000x128xf32>, vector<128x128xf32>, vector<2000x128xf32> -> vector<2000x128xf32>
    %mul3A = arith.mulf %dot_general3A_12, %rsqrt3A : vector<2000x128xf32>
    %swap3A = arith.constant 0 : index
    %swap3A_13 = arith.constant 0 : index
    %swap3A_14 = arith.constant 0 : index
    %swap3A_15 = vector.load %arg5[%swap3A, %swap3A_13, %swap3A_14] : memref<1x2000x128xf32, #tpu.memory_space<vmem>>, vector<1x2000x128xf32>
    %swap3A_16 = vector.shape_cast %swap3A_15 : vector<1x2000x128xf32> to vector<2000x128xf32>
    %swap3A_17 = vector.shape_cast %mul3A : vector<2000x128xf32> to vector<1x2000x128xf32>
    tpu.vector_store %arg5[%swap3A, %swap3A_13, %swap3A_14], %swap3A_17 {strides = array<i32>} : memref<1x2000x128xf32, #tpu.memory_space<vmem>>, vector<1x2000x128xf32>,
    return
  }
  func.func @transform_0(%arg0: i32, %arg1: i32) -> (i32, i32, i32) {
    %c0_i32 = arith.constant 0 : i32
    %c0_i32_0 = arith.constant 0 : i32
    return %arg0, %arg1, %c0_i32 : i32, i32, i32
  }
  func.func @transform_1(%arg0: i32, %arg1: i32) -> (i32, i32) {
    %c0_i32 = arith.constant 0 : i32
    %c0_i32_0 = arith.constant 0 : i32
    %c0_i32_1 = arith.constant 0 : i32
    return %c0_i32, %c0_i32_0 : i32, i32
  }
  func.func @transform_2(%arg0: i32, %arg1: i32) -> (i32, i32, i32) {
    %c0_i32 = arith.constant 0 : i32
    %c0_i32_0 = arith.constant 0 : i32
    return %arg0, %arg1, %c0_i32 : i32, i32, i32
  }
  func.func @transform_3(%arg0: i32, %arg1: i32) -> (i32, i32, i32) {
    %c0_i32 = arith.constant 0 : i32
    %c0_i32_0 = arith.constant 0 : i32
    return %arg0, %arg1, %c0_i32 : i32, i32, i32
  }
}

module attributes {stable_mosaic.version = 14 : i64} {
  func.func @_tc2_body(%arg0: i32, %arg1: i32, %arg2: memref<1x2000x128xf32, #tpu.memory_space<vmem>>, %arg3: memref<1x2000x128xf32, #tpu.memory_space<vmem>>, %arg4: memref<1x128xf32, #tpu.memory_space<vmem>>, %arg5: memref<128x128xf32, #tpu.memory_space<vmem>>, %arg6: memref<1x2000x128xf32, #tpu.memory_space<vmem>>) attributes {dimension_semantics = [#tpu.dimension_semantics<arbitrary>, #tpu.dimension_semantics<arbitrary>], iteration_bounds = array<i64: 2, 5>, scalar_prefetch = 0 : i64, scratch_operands = 0 : i64, tpu.core_type = #tpu.core_type<tc>, window_params = [{transform_indices = @transform_0, window_bounds = array<i64: 1, 2000, 128>}, {transform_indices = @transform_1, window_bounds = array<i64: 1, 2000, 128>}, {pipeline_mode = #tpu.pipeline_mode<synchronous>, transform_indices = @transform_2, window_bounds = array<i64: 1, 128>}, {pipeline_mode = #tpu.pipeline_mode<synchronous>, transform_indices = @transform_3, window_bounds = array<i64: 128, 128>}, {transform_indices = @transform_4, window_bounds = array<i64: 1, 2000, 128>}]} {
    %get3A = arith.constant 0 : index
    %get3A_0 = arith.constant 0 : index
    %get3A_1 = arith.constant 0 : index
    %get3A_2 = vector.load %arg3[%get3A, %get3A_0, %get3A_1] : memref<1x2000x128xf32, #tpu.memory_space<vmem>>, vector<1x2000x128xf32>
    %get3A_3 = vector.shape_cast %get3A_2 : vector<1x2000x128xf32> to vector<2000x128xf32>
    %rsqrt3A = math.rsqrt %get3A_3 : vector<2000x128xf32>
    %get3A_4 = arith.constant 0 : index
    %get3A_5 = arith.constant 0 : index
    %get3A_6 = arith.constant 0 : index
    %get3A_7 = vector.load %arg2[%get3A_4, %get3A_5, %get3A_6] : memref<1x2000x128xf32, #tpu.memory_space<vmem>>, vector<1x2000x128xf32>
    %get3A_8 = vector.shape_cast %get3A_7 : vector<1x2000x128xf32> to vector<2000x128xf32>
    %mul3A = arith.mulf %get3A_8, %rsqrt3A : vector<2000x128xf32>
    %get3A_9 = arith.constant 0 : index
    %get3A_10 = arith.constant 0 : index
    %get3A_11 = vector.load %arg4[%get3A_9, %get3A_10] : memref<1x128xf32, #tpu.memory_space<vmem>>, vector<1x128xf32>
    %add3A = vector.broadcast %get3A_11 : vector<1x128xf32> to vector<2000x128xf32>
    %add3A_12 = arith.addf %mul3A, %add3A : vector<2000x128xf32>
    %max3A = arith.constant 0.000000e+00 : f32
    %max3A_13 = vector.broadcast %max3A : f32 to vector<2000x128xf32>
    %max3A_14 = arith.maximumf %add3A_12, %max3A_13 : vector<2000x128xf32>
    %get3A_15 = arith.constant 0 : index
    %get3A_16 = arith.constant 0 : index
    %get3A_17 = vector.load %arg5[%get3A_15, %get3A_16] : memref<128x128xf32, #tpu.memory_space<vmem>>, vector<128x128xf32>
    %dot_general3A = arith.constant dense<0.000000e+00> : vector<2000x128xf32>
    %dot_general3A_18 = tpu.matmul %max3A_14, %get3A_17, %dot_general3A {dimension_numbers = #tpu.dot_dimension_numbers<[1], [0], [0], [1], [0, 0, 1, 1], [], []>, transpose_lhs_hint = false} : vector<2000x128xf32>, vector<128x128xf32>, vector<2000x128xf32> -> vector<2000x128xf32>
    %mul3A_19 = arith.mulf %dot_general3A_18, %rsqrt3A : vector<2000x128xf32>
    %swap3A = arith.constant 0 : index
    %swap3A_20 = arith.constant 0 : index
    %swap3A_21 = arith.constant 0 : index
    %swap3A_22 = vector.load %arg6[%swap3A, %swap3A_20, %swap3A_21] : memref<1x2000x128xf32, #tpu.memory_space<vmem>>, vector<1x2000x128xf32>
    %swap3A_23 = vector.shape_cast %swap3A_22 : vector<1x2000x128xf32> to vector<2000x128xf32>
    %swap3A_24 = vector.shape_cast %mul3A_19 : vector<2000x128xf32> to vector<1x2000x128xf32>
    tpu.vector_store %arg6[%swap3A, %swap3A_20, %swap3A_21], %swap3A_24 {strides = array<i32>} : memref<1x2000x128xf32, #tpu.memory_space<vmem>>, vector<1x2000x128xf32>,
    return
  }
  func.func @transform_0(%arg0: i32, %arg1: i32) -> (i32, i32, i32) {
    %c0_i32 = arith.constant 0 : i32
    %c0_i32_0 = arith.constant 0 : i32
    return %arg0, %arg1, %c0_i32 : i32, i32, i32
  }
  func.func @transform_1(%arg0: i32, %arg1: i32) -> (i32, i32, i32) {
    %c0_i32 = arith.constant 0 : i32
    %c0_i32_0 = arith.constant 0 : i32
    return %arg0, %arg1, %c0_i32 : i32, i32, i32
  }
  func.func @transform_2(%arg0: i32, %arg1: i32) -> (i32, i32) {
    %c0_i32 = arith.constant 0 : i32
    %c0_i32_0 = arith.constant 0 : i32
    %c0_i32_1 = arith.constant 0 : i32
    return %c0_i32, %c0_i32_0 : i32, i32
  }
  func.func @transform_3(%arg0: i32, %arg1: i32) -> (i32, i32) {
    %c0_i32 = arith.constant 0 : i32
    %c0_i32_0 = arith.constant 0 : i32
    %c0_i32_1 = arith.constant 0 : i32
    return %c0_i32, %c0_i32_0 : i32, i32
  }
  func.func @transform_4(%arg0: i32, %arg1: i32) -> (i32, i32, i32) {
    %c0_i32 = arith.constant 0 : i32
    %c0_i32_0 = arith.constant 0 : i32
    return %arg0, %arg1, %c0_i32 : i32, i32, i32
  }
}

module attributes {stable_mosaic.version = 14 : i64} {
  func.func @_tc3_body(%arg0: i32, %arg1: i32, %arg2: i32, %arg3: memref<1x2000x128xf32, #tpu.memory_space<vmem>>, %arg4: memref<1x2000x128xf32, #tpu.memory_space<vmem>>, %arg5: memref<1x128xf32, #tpu.memory_space<vmem>>, %arg6: memref<1x2000x128xf32, #tpu.memory_space<vmem>>, %arg7: memref<1x128xf32, #tpu.memory_space<vmem>>, %arg8: memref<1x128xf32, #tpu.memory_space<vmem>>) attributes {dimension_semantics = [#tpu.dimension_semantics<arbitrary>, #tpu.dimension_semantics<arbitrary>, #tpu.dimension_semantics<arbitrary>], iteration_bounds = array<i64: 2, 2, 5>, scalar_prefetch = 0 : i64, scratch_operands = 2 : i64, tpu.core_type = #tpu.core_type<tc>, window_params = [{transform_indices = @transform_0, window_bounds = array<i64: 1, 2000, 128>}, {transform_indices = @transform_1, window_bounds = array<i64: 1, 2000, 128>}, {pipeline_mode = #tpu.pipeline_mode<synchronous>, transform_indices = @transform_2, window_bounds = array<i64: 1, 128>}, {transform_indices = @transform_3, window_bounds = array<i64: 1, 2000, 128>}]} {
    %get3A = arith.constant 0 : index
    %get3A_0 = arith.constant 0 : index
    %get3A_1 = arith.constant 0 : index
    %get3A_2 = vector.load %arg4[%get3A, %get3A_0, %get3A_1] : memref<1x2000x128xf32, #tpu.memory_space<vmem>>, vector<1x2000x128xf32>
    %get3A_3 = vector.shape_cast %get3A_2 : vector<1x2000x128xf32> to vector<2000x128xf32>
    %rsqrt3A = math.rsqrt %get3A_3 : vector<2000x128xf32>
    %get3A_4 = arith.constant 0 : index
    %get3A_5 = arith.constant 0 : index
    %get3A_6 = arith.constant 0 : index
    %get3A_7 = vector.load %arg3[%get3A_4, %get3A_5, %get3A_6] : memref<1x2000x128xf32, #tpu.memory_space<vmem>>, vector<1x2000x128xf32>
    %get3A_8 = vector.shape_cast %get3A_7 : vector<1x2000x128xf32> to vector<2000x128xf32>
    %mul3A = arith.mulf %get3A_8, %rsqrt3A : vector<2000x128xf32>
    %get3A_9 = arith.constant 0 : index
    %get3A_10 = arith.constant 0 : index
    %get3A_11 = vector.load %arg5[%get3A_9, %get3A_10] : memref<1x128xf32, #tpu.memory_space<vmem>>, vector<1x128xf32>
    %add3A = vector.broadcast %get3A_11 : vector<1x128xf32> to vector<2000x128xf32>
    %add3A_12 = arith.addf %mul3A, %add3A : vector<2000x128xf32>
    %eq3A = arith.constant 0 : i32
    %eq3A_13 = arith.cmpi eq, %arg1, %eq3A : i32
    %eq3A_14 = arith.constant 0 : i32
    %eq3A_15 = arith.cmpi eq, %arg2, %eq3A_14 : i32
    %and3A = arith.andi %eq3A_13, %eq3A_15 : i1
    %convert_element_type3A = arith.extui %and3A : i1 to i32
    %cond3A = arith.constant 0 : i32
    %cond3A_16 = arith.cmpi ne, %convert_element_type3A, %cond3A : i32
    scf.if %cond3A_16 {
      %broadcast_in_dim3A = arith.constant 0.000000e+00 : f32
      %broadcast_in_dim3A_27 = vector.broadcast %broadcast_in_dim3A : f32 to vector<1x128xf32>
      %swap3A = arith.constant 0 : index
      %swap3A_28 = arith.constant 0 : index
      %swap3A_29 = vector.load %arg7[%swap3A, %swap3A_28] : memref<1x128xf32, #tpu.memory_space<vmem>>, vector<1x128xf32>
      tpu.vector_store %arg7[%swap3A, %swap3A_28], %broadcast_in_dim3A_27 {strides = array<i32>} : memref<1x128xf32, #tpu.memory_space<vmem>>, vector<1x128xf32>,
      %broadcast_in_dim3A_30 = arith.constant 0.000000e+00 : f32
      %broadcast_in_dim3A_31 = vector.broadcast %broadcast_in_dim3A_30 : f32 to vector<1x128xf32>
      %swap3A_32 = arith.constant 0 : index
      %swap3A_33 = arith.constant 0 : index
      %swap3A_34 = vector.load %arg8[%swap3A_32, %swap3A_33] : memref<1x128xf32, #tpu.memory_space<vmem>>, vector<1x128xf32>
      tpu.vector_store %arg8[%swap3A_32, %swap3A_33], %broadcast_in_dim3A_31 {strides = array<i32>} : memref<1x128xf32, #tpu.memory_space<vmem>>, vector<1x128xf32>,
    } else {
    }
    %eq3A_17 = arith.constant 0 : i32
    %eq3A_18 = arith.cmpi eq, %arg1, %eq3A_17 : i32
    %convert_element_type3A_19 = arith.extui %eq3A_18 : i1 to i32
    %cond3A_20 = arith.constant 0 : i32
    %cond3A_21 = arith.cmpi ne, %convert_element_type3A_19, %cond3A_20 : i32
    scf.if %cond3A_21 {
      %get3A_27 = arith.constant 0 : index
      %get3A_28 = arith.constant 0 : index
      %get3A_29 = vector.load %arg7[%get3A_27, %get3A_28] : memref<1x128xf32, #tpu.memory_space<vmem>>, vector<1x128xf32>
      %reduce_sum3A = arith.constant dense<0.000000e+00> : vector<128xf32>
      %reduce_sum3A_30 = vector.multi_reduction <add>, %add3A_12, %reduce_sum3A [0] : vector<2000x128xf32> to vector<128xf32>
      %broadcast_in_dim3A = vector.shape_cast %reduce_sum3A_30 : vector<128xf32> to vector<1x128xf32>
      %add3A_31 = arith.addf %get3A_29, %broadcast_in_dim3A : vector<1x128xf32>
      %swap3A = arith.constant 0 : index
      %swap3A_32 = arith.constant 0 : index
      %swap3A_33 = vector.load %arg7[%swap3A, %swap3A_32] : memref<1x128xf32, #tpu.memory_space<vmem>>, vector<1x128xf32>
      tpu.vector_store %arg7[%swap3A, %swap3A_32], %add3A_31 {strides = array<i32>} : memref<1x128xf32, #tpu.memory_space<vmem>>, vector<1x128xf32>,
      %get3A_34 = arith.constant 0 : index
      %get3A_35 = arith.constant 0 : index
      %get3A_36 = vector.load %arg8[%get3A_34, %get3A_35] : memref<1x128xf32, #tpu.memory_space<vmem>>, vector<1x128xf32>
      %mul3A_37 = arith.mulf %add3A_12, %add3A_12 : vector<2000x128xf32>
      %reduce_sum3A_38 = arith.constant dense<0.000000e+00> : vector<128xf32>
      %reduce_sum3A_39 = vector.multi_reduction <add>, %mul3A_37, %reduce_sum3A_38 [0] : vector<2000x128xf32> to vector<128xf32>
      %broadcast_in_dim3A_40 = vector.shape_cast %reduce_sum3A_39 : vector<128xf32> to vector<1x128xf32>
      %add3A_41 = arith.addf %get3A_36, %broadcast_in_dim3A_40 : vector<1x128xf32>
      %swap3A_42 = arith.constant 0 : index
      %swap3A_43 = arith.constant 0 : index
      %swap3A_44 = vector.load %arg8[%swap3A_42, %swap3A_43] : memref<1x128xf32, #tpu.memory_space<vmem>>, vector<1x128xf32>
      tpu.vector_store %arg8[%swap3A_42, %swap3A_43], %add3A_41 {strides = array<i32>} : memref<1x128xf32, #tpu.memory_space<vmem>>, vector<1x128xf32>,
      %swap3A_45 = arith.constant 0 : index
      %swap3A_46 = arith.constant 0 : index
      %swap3A_47 = arith.constant 0 : index
      %swap3A_48 = vector.load %arg6[%swap3A_45, %swap3A_46, %swap3A_47] : memref<1x2000x128xf32, #tpu.memory_space<vmem>>, vector<1x2000x128xf32>
      %swap3A_49 = vector.shape_cast %swap3A_48 : vector<1x2000x128xf32> to vector<2000x128xf32>
      %swap3A_50 = vector.shape_cast %add3A_12 : vector<2000x128xf32> to vector<1x2000x128xf32>
      tpu.vector_store %arg6[%swap3A_45, %swap3A_46, %swap3A_47], %swap3A_50 {strides = array<i32>} : memref<1x2000x128xf32, #tpu.memory_space<vmem>>, vector<1x2000x128xf32>,
    } else {
    }
    %eq3A_22 = arith.constant 1 : i32
    %eq3A_23 = arith.cmpi eq, %arg1, %eq3A_22 : i32
    %convert_element_type3A_24 = arith.extui %eq3A_23 : i1 to i32
    %cond3A_25 = arith.constant 0 : i32
    %cond3A_26 = arith.cmpi ne, %convert_element_type3A_24, %cond3A_25 : i32
    scf.if %cond3A_26 {
      %get3A_27 = arith.constant 0 : index
      %get3A_28 = arith.constant 0 : index
      %get3A_29 = vector.load %arg7[%get3A_27, %get3A_28] : memref<1x128xf32, #tpu.memory_space<vmem>>, vector<1x128xf32>
      %div3A = arith.constant 1.000000e+04 : f32
      %div3A_30 = vector.broadcast %div3A : f32 to vector<1x128xf32>
      %div3A_31 = arith.divf %get3A_29, %div3A_30 : vector<1x128xf32>
      %get3A_32 = arith.constant 0 : index
      %get3A_33 = arith.constant 0 : index
      %get3A_34 = vector.load %arg8[%get3A_32, %get3A_33] : memref<1x128xf32, #tpu.memory_space<vmem>>, vector<1x128xf32>
      %mul3A_35 = arith.constant 1.000000e+04 : f32
      %mul3A_36 = vector.broadcast %mul3A_35 : f32 to vector<1x128xf32>
      %mul3A_37 = arith.mulf %mul3A_36, %div3A_31 : vector<1x128xf32>
      %mul3A_38 = arith.mulf %mul3A_37, %div3A_31 : vector<1x128xf32>
      %sub3A = arith.subf %get3A_34, %mul3A_38 : vector<1x128xf32>
      %div3A_39 = arith.constant 9.999000e+03 : f32
      %div3A_40 = vector.broadcast %div3A_39 : f32 to vector<1x128xf32>
      %div3A_41 = arith.divf %sub3A, %div3A_40 : vector<1x128xf32>
      %sub3A_42 = vector.broadcast %div3A_31 : vector<1x128xf32> to vector<2000x128xf32>
      %sub3A_43 = arith.subf %add3A_12, %sub3A_42 : vector<2000x128xf32>
      %rsqrt3A_44 = math.rsqrt %div3A_41 : vector<1x128xf32>
      %mul3A_45 = vector.broadcast %rsqrt3A_44 : vector<1x128xf32> to vector<2000x128xf32>
      %mul3A_46 = arith.mulf %sub3A_43, %mul3A_45 : vector<2000x128xf32>
      %swap3A = arith.constant 0 : index
      %swap3A_47 = arith.constant 0 : index
      %swap3A_48 = arith.constant 0 : index
      %swap3A_49 = vector.load %arg6[%swap3A, %swap3A_47, %swap3A_48] : memref<1x2000x128xf32, #tpu.memory_space<vmem>>, vector<1x2000x128xf32>
      %swap3A_50 = vector.shape_cast %swap3A_49 : vector<1x2000x128xf32> to vector<2000x128xf32>
      %swap3A_51 = vector.shape_cast %mul3A_46 : vector<2000x128xf32> to vector<1x2000x128xf32>
      tpu.vector_store %arg6[%swap3A, %swap3A_47, %swap3A_48], %swap3A_51 {strides = array<i32>} : memref<1x2000x128xf32, #tpu.memory_space<vmem>>, vector<1x2000x128xf32>,
    } else {
    }
    return
  }
  func.func @transform_0(%arg0: i32, %arg1: i32, %arg2: i32) -> (i32, i32, i32) {
    %c0_i32 = arith.constant 0 : i32
    %c0_i32_0 = arith.constant 0 : i32
    return %arg0, %arg2, %c0_i32 : i32, i32, i32
  }
  func.func @transform_1(%arg0: i32, %arg1: i32, %arg2: i32) -> (i32, i32, i32) {
    %c0_i32 = arith.constant 0 : i32
    %c0_i32_0 = arith.constant 0 : i32
    return %arg0, %arg2, %c0_i32 : i32, i32, i32
  }
  func.func @transform_2(%arg0: i32, %arg1: i32, %arg2: i32) -> (i32, i32) {
    %c0_i32 = arith.constant 0 : i32
    %c0_i32_0 = arith.constant 0 : i32
    %c0_i32_1 = arith.constant 0 : i32
    return %c0_i32, %c0_i32_0 : i32, i32
  }
  func.func @transform_3(%arg0: i32, %arg1: i32, %arg2: i32) -> (i32, i32, i32) {
    %c0_i32 = arith.constant 0 : i32
    %c0_i32_0 = arith.constant 0 : i32
    return %arg0, %arg2, %c0_i32 : i32, i32, i32
  }
}

</mosaic_0001>

<sc_bundles>
// kernel: kernel.11.cloned.1.call-start
scs
__scs_entry_jumppad:
0x0: {  	(pc) =	sbr.rel $0x88, $3  }
0x1: {  	(tag) =	ssettag $0x0;
	lr =	simm.s32 $0x1  }
0x2: {  	[smem:$0x3F99] =	sst lr;
	_ =	strace $0xD0000000  }
0x3: {  	_ = 	snop  }
0x4: {  	_ = 	snop  }
0x5: {  	_ = 	snop  }
0x6: {  	_ = 	snop  }
0x7: {  	_ = 	snop  }
__scs_overlays_trampoline_lowered:
0x8: {  	[smem:$0x3FA8] =	sst s0  }
0x9: {  	[smem:$0x3FA9] =	sst s1  }
0xa: {  	[smem:$0x3FAA] =	sst s2  }
0xb: {  	[smem:$0x3FAB] =	sst s3  }
0xc: {  	[smem:$0x3FAC] =	sst s4  }
0xd: {  	[smem:$0x3FAD] =	sst s5  }
0xe: {  	[smem:$0x3FAE] =	sst s6  }
0xf: {  	[smem:$0x3FAF] =	sst s7  }
0x10: {  	[smem:$0x3FB0] =	sst s8  }
0x11: {  	[smem:$0x3FB1] =	sst s9;
	s0 =	simm.s32 @!p0 $0x0  }
0x12: {  	s1 =	sld [smem:$0x3F97];
	s0 =	simm.s32 @p0 $0x1  }
0x13: {  	[smem:$0x3FB2] =	sst s0;
	s0 =	simm.s32 @!p1 $0x0  }
0x14: {  	s2 =	sld [smem:$0x3F96];
	s0 =	simm.s32 @p1 $0x1  }
0x15: {  	[smem:$0x3FB3] =	sst s0;
	s0 =	simm.s32 @!p2 $0x0  }
0x16: {  	s3 =	sld [smem:$0x3FDB];
	s0 =	simm.s32 @p2 $0x1  }
0x17: {  	s4 =	simm.s32 $0x1BF5;
	[smem:$0x3FB5] =	sst s0  }
0x18: {  	s0 =	sld [smem:$0x3F98];
	_ =	swait.ge [sflag:s4], $0x0  }
0x19: {  	s7 =	sld [smem:$0x3F99]  }
0x1a: {  	s8 =	sadd.s32 $0xFFFFE003, lr  }
0x1b: {  	s9 =	sadd.s32 $0xFFFFFEF7, lr;
	s5 =	simm.s32 $0xFFFFFFFF;
	p2 =	slt.u32 s8, $0xFFFFF086  }
0x1c: {  	p1 =	slt.u32 s9, $0xF7A;
	s5 =	simm.s32 @!p2 $0x0  }
0x1d: {  	s5 =	simm.s32 @p1 $0x1;
	p0 =	seq.s32 s7, s2  }
0x1e: {  	s7 =	smul.u32 @!p0 $0xF7A, s2;
	p2 =	seq.s32 @!p0 s5, $0x0  }
0x1f: {  	s9 =	smul.u32 $0xF7A, s1;
	s8 =	simm.s32 @!p0 $0x1BF5;
	p2 =	por !p2, p0  }
0x20: {  	[sflag:s8] =	ssyncset.s32 @!p0 $0xFFFFF086;
	s6 =	sadd.s32 @!p0 s3, s7;
	s7 =	simm.s32 @!p0 $0x108  }
0x21: {  	s3 =	sadd.s32 s3, s9;
	s6 =	sadd.s32 @!p0 $0x88, s6;
	s7 =	simm.s32 @p2 $0x1082  }
0x22: {  	[simem:s7], [sflag:s8] =	dma.local @!p0 [hbm:s6], $0xF7A  }
0x23: {  	s9 =	sor.u32 $0xD0000000, s2;
	s6 =	simm.s32 $0x108;
	_ =	swait.ge @!p0 [sflag:s8], $0x0  }
0x24: {  	s3 =	sadd.s32 $0x88, s3;
	s6 =	simm.s32 @!p1 $0x1082;
	[sflag:s4] =	ssyncset.s32 $0xFFFFF086  }
0x25: {  	[simem:s6], [sflag:s4] =	dma.local [hbm:s3], $0xF7A  }
0x26: {  	[smem:$0x3F99] =	sst s1;
	(tag) =	ssettag s2;
	_ =	strace s9  }
0x27: {  	s1 =	sld [smem:$0x3FA9]  }
0x28: {  	s2 =	sld [smem:$0x3FAA]  }
0x29: {  	s4 =	sld [smem:$0x3FAC]  }
0x2a: {  	p0 =	seq.s32 s5, $0x0;
	s5 =	sld [smem:$0x3FAD]  }
0x2b: {  	s6 =	sld [smem:$0x3FAE]  }
0x2c: {  	s7 =	sld [smem:$0x3FAF]  }
0x2d: {  	s3 =	simm.s32 $0x108;
	s8 =	sld [smem:$0x3FB0]  }
0x2e: {  	s3 =	simm.s32 @!p0 $0x1082;
	s9 =	sld [smem:$0x3FB1]  }
0x2f: {  	lr =	sadd.s32 s0, s3;
	s0 =	sld [smem:$0x3FA8]  }
0x30: {  	s3 =	sld [smem:$0x3FAB]  }
0x31: {  	[smem:$0x3FB4] =	sst s10  }
0x32: {  	s10 =	sld [smem:$0x3FB2];
	_ =	sdelay $0x3  }
0x33: {  	p0 =	seq.s32 s10, $0x1;
	s10 =	sld [smem:$0x3FB4];
	_ =	sdelay $0x3  }
0x34: {  	[smem:$0x3FB4] =	sst s10  }
0x35: {  	s10 =	sld [smem:$0x3FB3];
	_ =	sdelay $0x3  }
0x36: {  	p1 =	seq.s32 s10, $0x1;
	s10 =	sld [smem:$0x3FB4];
	_ =	sdelay $0x3  }
0x37: {  	[smem:$0x3FB4] =	sst s10  }
0x38: {  	s10 =	sld [smem:$0x3FB5]  }
0x39: {  	_ = 	snop;
	(pc) =	sbr.ind lr, $3  }
0x3a: {  	_ = 	snop  }
0x3b: {  	_ = 	snop  }
0x3c: {  	p2 =	seq.s32 s10, $0x1;
	s10 =	sld [smem:$0x3FB4]  }
0x3d: {  	_ =	shalt  }
0x3e: {  	_ =	shalt  }
0x3f: {  	_ =	shalt  }
0x40: {  	_ =	shalt  }
0x41: {  	_ =	shalt  }
0x42: {  	_ =	shalt  }
0x43: {  	_ =	shalt  }
0x44: {  	_ =	shalt  }
0x45: {  	_ =	shalt  }
0x46: {  	_ =	shalt  }
0x47: {  	_ =	shalt  }
0x48: {  	_ =	shalt  }
0x49: {  	_ =	shalt  }
0x4a: {  	_ =	shalt  }
0x4b: {  	_ =	shalt  }
0x4c: {  	_ =	shalt  }
0x4d: {  	_ =	shalt  }
0x4e: {  	_ =	shalt  }
0x4f: {  	_ =	shalt  }
0x50: {  	_ =	shalt  }
0x51: {  	_ =	shalt  }
0x52: {  	_ =	shalt  }
0x53: {  	_ =	shalt  }
0x54: {  	_ =	shalt  }
0x55: {  	_ =	shalt  }
0x56: {  	_ =	shalt  }
0x57: {  	_ =	shalt  }
0x58: {  	_ =	shalt  }
0x59: {  	_ =	shalt  }
0x5a: {  	_ =	shalt  }
0x5b: {  	_ =	shalt  }
0x5c: {  	_ =	shalt  }
0x5d: {  	_ =	shalt  }
0x5e: {  	_ =	shalt  }
0x5f: {  	_ =	shalt  }
0x60: {  	_ =	shalt  }
0x61: {  	_ =	shalt  }
0x62: {  	_ =	shalt  }
0x63: {  	_ =	shalt  }
0x64: {  	_ =	shalt  }
0x65: {  	_ =	shalt  }
0x66: {  	_ =	shalt  }
0x67: {  	_ =	shalt  }
0x68: {  	_ =	shalt  }
0x69: {  	_ =	shalt  }
0x6a: {  	_ =	shalt  }
0x6b: {  	_ =	shalt  }
0x6c: {  	_ =	shalt  }
0x6d: {  	_ =	shalt  }
0x6e: {  	_ =	shalt  }
0x6f: {  	_ =	shalt  }
0x70: {  	_ =	shalt  }
0x71: {  	_ =	shalt  }
0x72: {  	_ =	shalt  }
0x73: {  	_ =	shalt  }
0x74: {  	_ =	shalt  }
0x75: {  	_ =	shalt  }
0x76: {  	_ =	shalt  }
0x77: {  	_ =	shalt  }
0x78: {  	_ =	shalt  }
0x79: {  	_ =	shalt  }
0x7a: {  	_ =	shalt  }
0x7b: {  	_ =	shalt  }
0x7c: {  	_ =	shalt  }
0x7d: {  	_ =	shalt  }
0x7e: {  	_ =	shalt  }
0x7f: {  	_ =	shalt  }
0x80: {  	_ =	shalt  }
0x81: {  	_ =	shalt  }
0x82: {  	_ =	shalt  }
0x83: {  	_ =	shalt  }
0x84: {  	_ =	shalt  }
0x85: {  	_ =	shalt  }
0x86: {  	_ =	shalt  }
0x87: {  	_ =	shalt  }
.Lfunc_end0:
.L_simem_size_0:
called_computation.1_lowered:
.L_overlay_start_0:
0x88: {  	s2 =	sld [smem:$0x3FD9]  }
0x89: {  	s3 =	sld [smem:$0x3FFE];
	_ =	sdelay $0x1  }
0x8a: {  	s1 =	srdreg.scid  }
0x8b: {  	s0 =	sand.u32 $0x1, s1  }
0x8c: {  	s14 =	sshll.u32 s0, $0xA;
	s2 =	sadd.s32 s3, s2  }
0x8d: {  	s2 =	sadd.s32 s2, s14  }
0x8e: {  	[smem:$0x3FC0] =	sst s2  }
0x8f: {  	_ = 	snop  }
0x90: {  	s2 =	sld [smem:$0x3FD0];
	_ =	sdelay $0x2  }
0x91: {  	s15 =	simm.s32 $0xA;
	s4 =	simm.s32 $0x10  }
0x92: {  	[smem:s4], [sflag:s15] =	dma.local [hbm:s2], $0x1  }
0x93: {  	_ =	swait.eq [sflag:s15], $0x1  }
0x94: {  	[sflag:s15] =	ssyncset.done $0x0  }
0x95: {  	[sflag:s15] =	ssyncadd.s32 $0xFFFFFFFF  }
0x96: {  	s16 =	sld [smem:$0x11];
	(tm) =	ssettm $0x1  }
0x97: {  	s17 =	sld [smem:$0x3FFB];
	_ =	sdelay $0x3  }
0x98: {  	_ =	strace s17  }
0x99: {  	s3 =	sld [smem:$0x3FFC];
	_ =	sdelay $0x3  }
0x9a: {  	_ =	strace s3  }
0x9b: {  	s3 =	sld [smem:$0x3FFD];
	_ =	sdelay $0x3  }
0x9c: {  	_ =	strace s3  }
0x9d: {  	_ =	strace $0x8FFFFFFF  }
0x9e: {  	s18 =	sld [smem:$0x3FDB];
	_ =	sdelay $0x1  }
0x9f: {  	s19 =	simm.s32 $_scs_section_size  }
0xa0: {  	s5 =	simm.s32 $_size__tile_overlayer_lowered;
	s6 =	simm.s32 $_tile_overlayer_lowered  }
0xa1: {  	s22 =	simm.s32 $0x1BFF;
	s21 =	sshll.u32 s6, $0x1;
	s3 =	sadd.s32 s19, s18  }
0xa2: {  	s7 =	simm.s32 $0x0;
	s20 =	sshll.u32 s5, $0x1;
	s5 =	sadd.s32 s21, s3  }
0xa3: {  	[timem:s7], [sflag:s22] =	dma.local [hbm:s5], s20  }
0xa4: {  	_ =	swait.ge [sflag:s22], s20  }
0xa5: {  	s4 =	ssub.s32 $0x0, s20;
	[sflag:s22] =	ssyncset.done $0x0  }
0xa6: {  	[sflag:s22] =	ssyncadd.s32 s4;
	_ =	sdelay $0x1  }
0xa7: {  	s23 =	simm.s32 $0x1B8B  }
0xa8: {  	_ =	swait.ge [sflag:s23], $0x1  }
0xa9: {  	[sflag:s23] =	ssyncset.done $0x0  }
0xaa: {  	s25 =	simm.s32 $0x1B8E;
	s24 =	sld [smem:$0x3FFE];
	[sflag:s23] =	ssyncadd.s32 $0xFFFFFFFF  }
0xab: {  	s26 =	simm.s32 $execute0_lowered;
	[smem:$0x3FD2] =	sst s25  }
0xac: {  	s5 =	sshll.u32 s26, $0x1;
	_ =	strace $0x80000049;
	[dreg:$0x1] =	wrdreg $0xFFFFFFFF  }
0xad: {  	s28 =	simm.s32 $_size_execute0_lowered;
	s3 =	sadd.s32 s3, s5;
	[dreg:$0x0] =	wrdreg $0x0  }
0xae: {  	s5 =	sshll.u32 s28, $0x1;
	[dreg:$0x2] =	wrdreg s3  }
0xaf: {  	[dreg:$0x3] =	wrdreg s5  }
0xb0: {  	[dreg:$0x4] =	wrdreg $0xC0  }
0xb1: {  	_ =	task [dreg:s7], $0x5FFFF  }
0xb2: {  	[dreg:$0x1] =	wrdreg $0xFFFFFFFF  }
0xb3: {  	[dreg:$0x0] =	wrdreg $0x60  }
0xb4: {  	[dreg:$0x2] =	wrdreg s24  }
0xb5: {  	[dreg:$0x3] =	wrdreg s16  }
0xb6: {  	[dreg:$0x4] =	wrdreg $0xA0000  }
0xb7: {  	[dreg:$0x5] =	wrdreg $0x9  }
0xb8: {  	_ =	task.clear_ibuf [dreg:s7], $0x6FFFF;
	_ =	strace $0x90000049  }
0xb9: {  	s29 =	simm.s32 $0x9;
	_ =	strace $0x8000004B  }
0xba: {  	_ =	swait.ge [sflag:s29], $0x1  }
0xbb: {  	[sflag:s29] =	ssyncadd.s32 $0xFFFFFFFF  }
0xbc: {  	_ =	strace $0x9000004B  }
0xbd: {  	_ =	sfence  }
0xbe: {  	s30 =	sld [smem:$0x0];
	_ =	sdelay $0x2  }
0xbf: {  	s31 =	sshll.u32 s1, $0xD;
	s1 =	sshrl.u32 s1, $0x2  }
0xc0: {  	s3 =	sand.u32 $0x4000, s31;
	s1 =	sadd.s32 s1, s30  }
0xc1: {  	s0 =	sor.u32 s3, s0;
	s1 =	sshll.u32 s1, $0x11  }
0xc2: {  	s0 =	sor.u32 s1, s0  }
0xc3: {  	s0 =	sadd.s32 $0x8F2B, s0  }
0xc4: {  	[sflag:s0] =	ssyncadd.remote.s32 $0x1  }
0xc5: {  	_ =	sfence.sel $0xFFFF  }
0xc6: {  	[dreg:$0x0] =	wrdreg $0xFFFFFFFF;
	(pc) =	sbr.abs _section_cstart, $3  }
0xc7: {  	[dreg:$0x1] =	wrdreg $0xFFFFFFFF  }
0xc8: {  	_ =	task.clear_ibuf [dreg:s7], $0x2FFFF;
	_ =	strace $0x9FFFFFFF  }
0xc9: {  	(tm) =	ssettm $0x7FFFFFFF  }
tec
execute0_lowered:
.L_overlay_start_1:
0x0: {  	(tag) =	ssettag $0x1  }
0x1: {  	s0 =	srdreg.scid;
	s16 =	stileid.u32  }
0x2: {  	s1 =	sand.u32 $0x1, s0;
	s4 =	smul.u32 $0x5000, s16  }
0x3: {  	s6 =	rddreg [dreg:$0x0];
	s0 =	smul.u32 $0x50000, s1  }
0x4: {  	s2 =	rddreg [dreg:$0x1]  }
0x5: {  	s3 =	rddreg [dreg:$0x2];
	s0 =	sadd.s32 s4, s0;
	s4 =	simm.s32 $0x0  }
0x6: {  	s25 =	simm.s32 $0x100;
	[smem:$0x7FF] =	sst s4  }
0x7: {  	s26 =	simm.s32 $0x880;
	_ =	strace $0x8000004A;
	[dreg:$0x6] =	wrdreg s25  }
0x8: {  	s9 =	simm.s32 $0x900;
	[dreg:$0x7] =	wrdreg s26  }
0x9: {  	s10 =	simm.s32 $0x200;
	[dreg:$0x9] =	wrdreg s9  }
0xa: {  	s11 =	simm.s32 $0x980;
	[dreg:$0xa] =	wrdreg s10  }
0xb: {  	s12 =	simm.s32 $0x280;
	[dreg:$0xb] =	wrdreg s11  }
0xc: {  	s13 =	simm.s32 $0xA00;
	[dreg:$0xc] =	wrdreg s12  }
0xd: {  	s14 =	simm.s32 $0x300;
	[dreg:$0xd] =	wrdreg s13  }
0xe: {  	s15 =	simm.s32 $0xA80;
	[dreg:$0xe] =	wrdreg s14  }
0xf: {  	s17 =	simm.s32 $0x380;
	[dreg:$0xf] =	wrdreg s15  }
0x10: {  	s18 =	simm.s32 $0xB00;
	[dreg:$0x10] =	wrdreg s17  }
0x11: {  	s19 =	simm.s32 $0x400;
	[dreg:$0x11] =	wrdreg s18  }
0x12: {  	s20 =	simm.s32 $0xB80;
	[dreg:$0x12] =	wrdreg s19  }
0x13: {  	s21 =	simm.s32 $0x480;
	[dreg:$0x13] =	wrdreg s20  }
0x14: {  	s23 =	simm.s32 $0xC00;
	[dreg:$0x14] =	wrdreg s21  }
0x15: {  	s24 =	simm.s32 $0xC80;
	[dreg:$0x15] =	wrdreg s23  }
0x16: {  	s9 =	simm.s32 $0x500;
	[dreg:$0x17] =	wrdreg s24  }
0x17: {  	s25 =	simm.s32 $0x580;
	[dreg:$0x16] =	wrdreg s9  }
0x18: {  	s11 =	simm.s32 $0xD00;
	[dreg:$0x18] =	wrdreg s25  }
0x19: {  	s12 =	simm.s32 $0x600;
	[dreg:$0x19] =	wrdreg s11  }
0x1a: {  	s28 =	simm.s32 $0x2;
	s13 =	simm.s32 $0xD80;
	[dreg:$0x1a] =	wrdreg s12  }
0x1b: {  	s29 =	simm.s32 $0x4;
	s14 =	simm.s32 $0x680;
	[dreg:$0x1b] =	wrdreg s13  }
0x1c: {  	s30 =	simm.s32 $0x1700;
	s17 =	simm.s32 $0xE00;
	[dreg:$0x1c] =	wrdreg s14  }
0x1d: {  	s31 =	simm.s32 $0x1E80;
	s18 =	simm.s32 $0x700;
	[dreg:$0x1d] =	wrdreg s17  }
0x1e: {  	p0 =	seq.s32 s16, $0xF;
	s19 =	simm.s32 $0xE80;
	[dreg:$0x1e] =	wrdreg s18  }
0x1f: {  	s22 =	smul.u32 $0x27100, s1;
	s20 =	simm.s32 $0x780;
	[dreg:$0x1f] =	wrdreg s19  }
0x20: {  	s5 =	sor.u32 $0x800, s0;
	s21 =	simm.s32 $0xF00;
	[smem:$0x7DB] =	sst s20  }
0x21: {  	s7 =	sshrl.u32 s5, $0x3;
	s23 =	simm.s32 $0x1080;
	[smem:$0x7DC] =	sst s21  }
0x22: {  	s5 =	sadd.s32 $0x51A00, s6;
	s24 =	simm.s32 $0x1100;
	[smem:$0x7DF] =	sst s23  }
0x23: {  	s26 =	ssub.s32 $0x2, s1;
	s8 =	sadd.s32 s7, s2;
	[smem:$0x7E0] =	sst s24  }
0x24: {  	s1 =	smul.u32 $0x138800, s1;
	s7 =	sadd.s32 s7, s5;
	[dreg:$0x4] =	wrdreg s8  }
0x25: {  	s9 =	sadd.s32 $0xB3C00, s6;
	s18 =	simm.s32 $0x1900;
	[dreg:$0x5] =	wrdreg s7  }
0x26: {  	s10 =	sshrl.u32 s26, $0x1;
	s19 =	simm.s32 $0x1200;
	[smem:$0x7E4] =	sst s18  }
0x27: {  	s11 =	smul.u32 $0x4F000, s16;
	s20 =	simm.s32 $0x1980;
	[smem:$0x7E6] =	sst s19  }
0x28: {  	s12 =	smul.u32 $0x2780, s16;
	s21 =	simm.s32 $0x1280;
	[smem:$0x7E7] =	sst s20  }
0x29: {  	s14 =	sadd.s32 $0x128400, s3;
	s23 =	simm.s32 $0x1300;
	[smem:$0x7E8] =	sst s21  }
0x2a: {  	s13 =	sshrl.u32 s0, $0x3;
	s8 =	simm.s32 $0x180;
	[smem:$0x7EC] =	sst s23  }
0x2b: {  	s7 =	sadd.s32 s22, s6;
	s22 =	simm.s32 $0xF80;
	[dreg:$0x8] =	wrdreg s8  }
0x2c: {  	s10 =	ssub.s32 s26, s10;
	s26 =	simm.s32 $0x1880;
	[smem:$0x7DE] =	sst s22  }
0x2d: {  	s25 =	smul.u32 $0x13C00, s16;
	s18 =	simm.s32 $0x1C00;
	[smem:$0x7E2] =	sst s26  }
0x2e: {  	s19 =	simm.s32 $0x1500;
	s20 =	simm.s32 $0x1C80;
	[smem:$0x7F5] =	sst s18  }
0x2f: {  	s21 =	simm.s32 $0x1580;
	s23 =	simm.s32 $0x1600;
	[smem:$0x7F6] =	sst s19  }
0x30: {  	s15 =	sshrl.u32 s11, $0x2;
	s6 =	sadd.s32 $0x65A00, s7;
	[smem:$0x7F7] =	sst s20  }
0x31: {  	s17 =	sadd.s32 s25, s1;
	s1 =	sshrl.u32 s1, $0x3;
	[smem:$0x7F8] =	sst s21  }
0x32: {  	s22 =	simm.s32 $0x1A00;
	s24 =	smax.u32 s10, $0x1;
	[smem:$0x7FA] =	sst s23  }
0x33: {  	s25 =	simm.s32 $0x1A80;
	s10 =	simm.s32 $0x1380;
	[smem:$0x7EA] =	sst s22  }
0x34: {  	s7 =	sadd.s32 $0x8AA80, s7;
	s11 =	simm.s32 $0x1B00;
	[smem:$0x7EB] =	sst s24  }
0x35: {  	s18 =	simm.s32 $0x800;
	s19 =	simm.s32 $0x3;
	[smem:$0x7EE] =	sst s25  }
0x36: {  	s20 =	simm.s32 $0x1000;
	s21 =	simm.s32 $0x1800;
	[smem:$0x7EF] =	sst s7  }
0x37: {  	s23 =	simm.s32 $0x2000;
	s8 =	sadd.s32 s15, s3;
	[smem:$0x7F0] =	sst s10  }
0x38: {  	s15 =	sadd.s32 s5, s13;
	s13 =	sadd.s32 s2, s13;
	[smem:$0x7F1] =	sst s11  }
0x39: {  	s1 =	sadd.s32 s9, s1;
	s26 =	sadd.s32 s12, s6;
	[smem:$0x7DD] =	sst s15  }
0x3a: {  	s10 =	sadd.s32 $0x1000, s0;
	s12 =	simm.s32 $0x1400;
	[smem:$0x7E1] =	sst s13  }
0x3b: {  	s22 =	simm.s32 $0x1D00;
	s24 =	simm.s32 $0x1D80;
	[smem:$0x7ED] =	sst s26  }
0x3c: {  	s25 =	simm.s32 $0x1680;
	s0 =	simm.s32 $0x1F00;
	[smem:$0x7F2] =	sst s12  }
0x3d: {  	s7 =	simm.s32 $0x1F80;
	s13 =	simm.s32 $0x1180;
	[smem:$0x7F9] =	sst s22  }
0x3e: {  	s1 =	sadd.s32 $0x25080, s1;
	s15 =	sshrl.u32 @p0 s14, $0x3;
	[smem:$0x7FB] =	sst s24  }
0x3f: {  	s22 =	simm.s32 $0x80;
	[smem:$0x7FC] =	sst s25;
	s26 =	simm.s32 $0x1E00  }
0x40: {  	s24 =	simm.s32 $0x6000;
	s25 =	simm.s32 $0x1;
	[smem:$0x7E3] =	sst s13  }
0x41: {  	s13 =	sshrl.u32 s17, $0x3;
	[smem:$0x7E9] =	sst s1;
	s17 =	simm.s32 $0x1480  }
0x42: {  	s1 =	sshll.u32 @!p0 s16, $0x6;
	[smem:$0x7FD] =	sst s26;
	s26 =	simm.s32 $0x5  }
0x43: {  	s13 =	sadd.s32 s9, s13;
	[smem:$0x7F4] =	sst s17;
	s16 =	sor.u32 @!p0 $0x1C05, s1  }
0x44: {  	s17 =	sshrl.u32 @!p0 s8, $0x3;
	[smem:$0x7E5] =	sst s13;
	s13 =	simm.s32 $0x1B80  }
0x45: {  	s1 =	simm.s32 $0x1780;
	s8 =	simm.s32 $0x0;
	[smem:$0x7F3] =	sst s13  }
.LBB2_1:
0x46: {  	s11 =	sld [smem:$0x7EF];
	_ =	sdelay $0x1  }
0x47: {  	s9 =	simm.s32 @p0 $0x1FC5  }
0x48: {  	[spmem:s15], [sflag:s9] =	dma.local @p0 [hbm:s11], $0x2080  }
0x49: {  	s9 =	simm.s32 @p0 $0x5  }
0x4a: {  	_ =	swait.ge @p0 [sflag:s9], $0x2080  }
0x4b: {  	[sflag:s9] =	ssyncset.done @p0 $0x0  }
0x4c: {  	[sflag:s9] =	ssyncadd.s32 @p0 $0xFFFFDF80;
	s9 =	sld [smem:$0x7ED];
	_ =	sdelay $0x2  }
0x4d: {  	[spmem:s17], [sflag:s16] =	dma.local @!p0 [hbm:s9], $0x2780  }
0x4e: {  	s9 =	simm.s32 @!p0 $0x5  }
0x4f: {  	_ =	swait.ge @!p0 [sflag:s9], $0x2780  }
0x50: {  	[sflag:s9] =	ssyncset.done @!p0 $0x0  }
0x51: {  	[sflag:s9] =	ssyncadd.s32 @!p0 $0xFFFFD880  }
0x52: {  	[bflag:$0x0] =	sbarrier.arrive $0xFFFF  }
0x53: {  	s11 =	sld [smem:$0x7DD];
	_ =	sdelay $0x1  }
0x54: {  	s12 =	sld [smem:$0x7E1]  }
0x55: {  	[tilespmem:s4], [sflag:$0x3] =	stream.linear.gather [hbm4b:s11+s4], $0x800, $0x38;
	[tilespmem:$0x1D900] =	vst v63  }
0x56: {  	_ = 	snop  }
0x57: {  	[tilespmem:s18], [sflag:$0x3] =	stream.linear.gather [hbm4b:s12+s4], $0x800, $0x38;
	[tilespmem:$0x1D900] =	vst v63  }
0x58: {  	_ =	swait.ge [sflag:s19], $0x800  }
0x59: {  	[sflag:s19] =	ssyncset.done $0x0  }
0x5a: {  	[sflag:s19] =	ssyncadd.s32 $0xFFFFF800  }
0x5b: {  	_ =	swait.ge [sflag:s19], $0x800  }
0x5c: {  	s13 =	rddreg [dreg:$0x5];
	[sflag:s19] =	ssyncset.done $0x0  }
0x5d: {  	s14 =	rddreg [dreg:$0x4];
	[sflag:s19] =	ssyncadd.s32 $0xFFFFF800;
	s9 =	sadd.s32 $0x0, s13  }
0x5e: {  	[tilespmem:s20], [sflag:$0x4] =	stream.linear.gather [hbm4b:s9+s4], $0x800, $0x38;
	[tilespmem:$0x1D900] =	vst v63  }
0x5f: {  	s12 =	sadd.s32 $0x0, s14  }
0x60: {  	[tilespmem:s21], [sflag:$0x4] =	stream.linear.gather [hbm4b:s12+s4], $0x800, $0x38;
	[tilespmem:$0x1D900] =	vst v63  }
0x61: {  	_ = 	snop  }
0x62: {  	[tilespmem:s23], [sflag:$0x1] =	stream.indirect.gather [hbm4b:s6+s22], $0x80, s4, s22, $0xb8;
	[tilespmem:$0x1D900] =	vst v63  }
0x63: {  	_ = 	snop  }
0x64: {  	[tilespmem:s24], [sflag:$0x2] =	stream.indirect.gather [hbm4b:s6+s22], $0x80, s22, s22, $0xb8;
	[tilespmem:$0x1D900] =	vst v63  }
0x65: {  	_ =	swait.ge [sflag:s25], $0x4000  }
0x66: {  	[sflag:s25] =	ssyncset.done $0x0  }
0x67: {  	[sflag:s25] =	ssyncadd.s32 $0xFFFFC000  }
0x68: {  	[spmem:s3] =	stream.indirect.scatter.add.f32 [tilespmem:s23], [sflag:$0x5], $0x80, s18, s22, $0xb8;
	[tilespmem:$0x1D900] =	vst v63  }
0x69: {  	_ =	swait.ge [sflag:s26], $0x4000  }
0x6a: {  	[sflag:s26] =	ssyncset.done $0x0  }
0x6b: {  	s13 =	rddreg [dreg:$0x6];
	[sflag:s26] =	ssyncadd.s32 $0xFFFFC000  }
0x6c: {  	[tilespmem:s23], [sflag:$0x1] =	stream.indirect.gather [hbm4b:s6+s22], $0x80, s13, s22, $0xb8;
	[tilespmem:$0x1D900] =	vst v63  }
0x6d: {  	_ =	swait.ge [sflag:s28], $0x4000  }
0x6e: {  	[sflag:s28] =	ssyncset.done $0x0  }
0x6f: {  	s14 =	rddreg [dreg:$0x7];
	[sflag:s28] =	ssyncadd.s32 $0xFFFFC000  }
0x70: {  	[spmem:s3] =	stream.indirect.scatter.add.f32 [tilespmem:s24], [sflag:$0x5], $0x80, s14, s22, $0xb8;
	[tilespmem:$0x1D900] =	vst v63  }
0x71: {  	_ =	swait.ge [sflag:s26], $0x4000  }
0x72: {  	[sflag:s26] =	ssyncset.done $0x0  }
0x73: {  	s11 =	rddreg [dreg:$0x8];
	[sflag:s26] =	ssyncadd.s32 $0xFFFFC000  }
0x74: {  	[tilespmem:s24], [sflag:$0x2] =	stream.indirect.gather [hbm4b:s6+s22], $0x80, s11, s22, $0xb8;
	[tilespmem:$0x1D900] =	vst v63  }
0x75: {  	_ =	swait.ge [sflag:s25], $0x4000  }
0x76: {  	[sflag:s25] =	ssyncset.done $0x0  }
0x77: {  	s12 =	rddreg [dreg:$0x9];
	[sflag:s25] =	ssyncadd.s32 $0xFFFFC000  }
0x78: {  	[spmem:s3] =	stream.indirect.scatter.add.f32 [tilespmem:s23], [sflag:$0x5], $0x80, s12, s22, $0xb8;
	[tilespmem:$0x1D900] =	vst v63  }
0x79: {  	_ =	swait.ge [sflag:s26], $0x4000  }
0x7a: {  	[sflag:s26] =	ssyncset.done $0x0  }
0x7b: {  	s13 =	rddreg [dreg:$0xa];
	[sflag:s26] =	ssyncadd.s32 $0xFFFFC000  }
0x7c: {  	[tilespmem:s23], [sflag:$0x1] =	stream.indirect.gather [hbm4b:s6+s22], $0x80, s13, s22, $0xb8;
	[tilespmem:$0x1D900] =	vst v63  }
0x7d: {  	_ =	swait.ge [sflag:s28], $0x4000  }
0x7e: {  	[sflag:s28] =	ssyncset.done $0x0  }
0x7f: {  	s14 =	rddreg [dreg:$0xb];
	[sflag:s28] =	ssyncadd.s32 $0xFFFFC000  }
0x80: {  	[spmem:s3] =	stream.indirect.scatter.add.f32 [tilespmem:s24], [sflag:$0x5], $0x80, s14, s22, $0xb8;
	[tilespmem:$0x1D900] =	vst v63  }
0x81: {  	_ =	swait.ge [sflag:s26], $0x4000  }
0x82: {  	[sflag:s26] =	ssyncset.done $0x0  }
0x83: {  	s11 =	rddreg [dreg:$0xc];
	[sflag:s26] =	ssyncadd.s32 $0xFFFFC000  }
0x84: {  	[tilespmem:s24], [sflag:$0x2] =	stream.indirect.gather [hbm4b:s6+s22], $0x80, s11, s22, $0xb8;
	[tilespmem:$0x1D900] =	vst v63  }
0x85: {  	_ =	swait.ge [sflag:s25], $0x4000  }
0x86: {  	[sflag:s25] =	ssyncset.done $0x0  }
0x87: {  	s12 =	rddreg [dreg:$0xd];
	[sflag:s25] =	ssyncadd.s32 $0xFFFFC000  }
0x88: {  	[spmem:s3] =	stream.indirect.scatter.add.f32 [tilespmem:s23], [sflag:$0x5], $0x80, s12, s22, $0xb8;
	[tilespmem:$0x1D900] =	vst v63  }
0x89: {  	_ =	swait.ge [sflag:s26], $0x4000  }
0x8a: {  	[sflag:s26] =	ssyncset.done $0x0  }
0x8b: {  	s13 =	rddreg [dreg:$0xe];
	[sflag:s26] =	ssyncadd.s32 $0xFFFFC000  }
0x8c: {  	[tilespmem:s23], [sflag:$0x1] =	stream.indirect.gather [hbm4b:s6+s22], $0x80, s13, s22, $0xb8;
	[tilespmem:$0x1D900] =	vst v63  }
0x8d: {  	_ =	swait.ge [sflag:s28], $0x4000  }
0x8e: {  	[sflag:s28] =	ssyncset.done $0x0  }
0x8f: {  	s14 =	rddreg [dreg:$0xf];
	[sflag:s28] =	ssyncadd.s32 $0xFFFFC000  }
0x90: {  	[spmem:s3] =	stream.indirect.scatter.add.f32 [tilespmem:s24], [sflag:$0x5], $0x80, s14, s22, $0xb8;
	[tilespmem:$0x1D900] =	vst v63  }
0x91: {  	_ =	swait.ge [sflag:s26], $0x4000  }
0x92: {  	[sflag:s26] =	ssyncset.done $0x0  }
0x93: {  	s11 =	rddreg [dreg:$0x10];
	[sflag:s26] =	ssyncadd.s32 $0xFFFFC000  }
0x94: {  	[tilespmem:s24], [sflag:$0x2] =	stream.indirect.gather [hbm4b:s6+s22], $0x80, s11, s22, $0xb8;
	[tilespmem:$0x1D900] =	vst v63  }
0x95: {  	_ =	swait.ge [sflag:s25], $0x4000  }
0x96: {  	[sflag:s25] =	ssyncset.done $0x0  }
0x97: {  	s12 =	rddreg [dreg:$0x11];
	[sflag:s25] =	ssyncadd.s32 $0xFFFFC000  }
0x98: {  	[spmem:s3] =	stream.indirect.scatter.add.f32 [tilespmem:s23], [sflag:$0x5], $0x80, s12, s22, $0xb8;
	[tilespmem:$0x1D900] =	vst v63  }
0x99: {  	_ =	swait.ge [sflag:s26], $0x4000  }
0x9a: {  	[sflag:s26] =	ssyncset.done $0x0  }
0x9b: {  	s13 =	rddreg [dreg:$0x12];
	[sflag:s26] =	ssyncadd.s32 $0xFFFFC000  }
0x9c: {  	[tilespmem:s23], [sflag:$0x1] =	stream.indirect.gather [hbm4b:s6+s22], $0x80, s13, s22, $0xb8;
	[tilespmem:$0x1D900] =	vst v63  }
0x9d: {  	_ =	swait.ge [sflag:s28], $0x4000  }
0x9e: {  	[sflag:s28] =	ssyncset.done $0x0  }
0x9f: {  	s14 =	rddreg [dreg:$0x13];
	[sflag:s28] =	ssyncadd.s32 $0xFFFFC000  }
0xa0: {  	[spmem:s3] =	stream.indirect.scatter.add.f32 [tilespmem:s24], [sflag:$0x5], $0x80, s14, s22, $0xb8;
	[tilespmem:$0x1D900] =	vst v63  }
0xa1: {  	_ =	swait.ge [sflag:s26], $0x4000  }
0xa2: {  	[sflag:s26] =	ssyncset.done $0x0  }
0xa3: {  	s11 =	rddreg [dreg:$0x14];
	[sflag:s26] =	ssyncadd.s32 $0xFFFFC000  }
0xa4: {  	[tilespmem:s24], [sflag:$0x2] =	stream.indirect.gather [hbm4b:s6+s22], $0x80, s11, s22, $0xb8;
	[tilespmem:$0x1D900] =	vst v63  }
0xa5: {  	_ =	swait.ge [sflag:s25], $0x4000  }
0xa6: {  	[sflag:s25] =	ssyncset.done $0x0  }
0xa7: {  	s12 =	rddreg [dreg:$0x15];
	[sflag:s25] =	ssyncadd.s32 $0xFFFFC000  }
0xa8: {  	[spmem:s3] =	stream.indirect.scatter.add.f32 [tilespmem:s23], [sflag:$0x5], $0x80, s12, s22, $0xb8;
	[tilespmem:$0x1D900] =	vst v63  }
0xa9: {  	_ =	swait.ge [sflag:s26], $0x4000  }
0xaa: {  	[sflag:s26] =	ssyncset.done $0x0  }
0xab: {  	s13 =	rddreg [dreg:$0x16];
	[sflag:s26] =	ssyncadd.s32 $0xFFFFC000  }
0xac: {  	[tilespmem:s23], [sflag:$0x1] =	stream.indirect.gather [hbm4b:s6+s22], $0x80, s13, s22, $0xb8;
	[tilespmem:$0x1D900] =	vst v63  }
0xad: {  	_ =	swait.ge [sflag:s28], $0x4000  }
0xae: {  	[sflag:s28] =	ssyncset.done $0x0  }
0xaf: {  	s14 =	rddreg [dreg:$0x17];
	[sflag:s28] =	ssyncadd.s32 $0xFFFFC000  }
0xb0: {  	[spmem:s3] =	stream.indirect.scatter.add.f32 [tilespmem:s24], [sflag:$0x5], $0x80, s14, s22, $0xb8;
	[tilespmem:$0x1D900] =	vst v63  }
0xb1: {  	_ =	swait.ge [sflag:s26], $0x4000  }
0xb2: {  	[sflag:s26] =	ssyncset.done $0x0  }
0xb3: {  	s11 =	rddreg [dreg:$0x18];
	[sflag:s26] =	ssyncadd.s32 $0xFFFFC000  }
0xb4: {  	[tilespmem:s24], [sflag:$0x2] =	stream.indirect.gather [hbm4b:s6+s22], $0x80, s11, s22, $0xb8;
	[tilespmem:$0x1D900] =	vst v63  }
0xb5: {  	_ =	swait.ge [sflag:s25], $0x4000  }
0xb6: {  	[sflag:s25] =	ssyncset.done $0x0  }
0xb7: {  	s12 =	rddreg [dreg:$0x19];
	[sflag:s25] =	ssyncadd.s32 $0xFFFFC000  }
0xb8: {  	[spmem:s3] =	stream.indirect.scatter.add.f32 [tilespmem:s23], [sflag:$0x5], $0x80, s12, s22, $0xb8;
	[tilespmem:$0x1D900] =	vst v63  }
0xb9: {  	_ =	swait.ge [sflag:s26], $0x4000  }
0xba: {  	[sflag:s26] =	ssyncset.done $0x0  }
0xbb: {  	s13 =	rddreg [dreg:$0x1a];
	[sflag:s26] =	ssyncadd.s32 $0xFFFFC000  }
0xbc: {  	[tilespmem:s23], [sflag:$0x1] =	stream.indirect.gather [hbm4b:s6+s22], $0x80, s13, s22, $0xb8;
	[tilespmem:$0x1D900] =	vst v63  }
0xbd: {  	_ =	swait.ge [sflag:s28], $0x4000  }
0xbe: {  	[sflag:s28] =	ssyncset.done $0x0  }
0xbf: {  	s14 =	rddreg [dreg:$0x1b];
	[sflag:s28] =	ssyncadd.s32 $0xFFFFC000  }
0xc0: {  	[spmem:s3] =	stream.indirect.scatter.add.f32 [tilespmem:s24], [sflag:$0x5], $0x80, s14, s22, $0xb8;
	[tilespmem:$0x1D900] =	vst v63  }
0xc1: {  	_ =	swait.ge [sflag:s26], $0x4000  }
0xc2: {  	[sflag:s26] =	ssyncset.done $0x0  }
0xc3: {  	s11 =	rddreg [dreg:$0x1c];
	[sflag:s26] =	ssyncadd.s32 $0xFFFFC000  }
0xc4: {  	[tilespmem:s24], [sflag:$0x2] =	stream.indirect.gather [hbm4b:s6+s22], $0x80, s11, s22, $0xb8;
	[tilespmem:$0x1D900] =	vst v63  }
0xc5: {  	_ =	swait.ge [sflag:s25], $0x4000  }
0xc6: {  	[sflag:s25] =	ssyncset.done $0x0  }
0xc7: {  	s12 =	rddreg [dreg:$0x1d];
	[sflag:s25] =	ssyncadd.s32 $0xFFFFC000  }
0xc8: {  	[spmem:s3] =	stream.indirect.scatter.add.f32 [tilespmem:s23], [sflag:$0x5], $0x80, s12, s22, $0xb8;
	[tilespmem:$0x1D900] =	vst v63  }
0xc9: {  	_ =	swait.ge [sflag:s26], $0x4000  }
0xca: {  	[sflag:s26] =	ssyncset.done $0x0  }
0xcb: {  	s13 =	rddreg [dreg:$0x1e];
	[sflag:s26] =	ssyncadd.s32 $0xFFFFC000  }
0xcc: {  	[tilespmem:s23], [sflag:$0x1] =	stream.indirect.gather [hbm4b:s6+s22], $0x80, s13, s22, $0xb8;
	[tilespmem:$0x1D900] =	vst v63  }
0xcd: {  	_ =	swait.ge [sflag:s28], $0x4000  }
0xce: {  	[sflag:s28] =	ssyncset.done $0x0  }
0xcf: {  	s14 =	rddreg [dreg:$0x1f];
	[sflag:s28] =	ssyncadd.s32 $0xFFFFC000  }
0xd0: {  	[spmem:s3] =	stream.indirect.scatter.add.f32 [tilespmem:s24], [sflag:$0x5], $0x80, s14, s22, $0xb8;
	[tilespmem:$0x1D900] =	vst v63  }
0xd1: {  	_ =	swait.ge [sflag:s26], $0x4000  }
0xd2: {  	s11 =	sld [smem:$0x7DB]  }
0xd3: {  	[sflag:s26] =	ssyncset.done $0x0  }
0xd4: {  	[sflag:s26] =	ssyncadd.s32 $0xFFFFC000  }
0xd5: {  	[tilespmem:s24], [sflag:$0x2] =	stream.indirect.gather [hbm4b:s6+s22], $0x80, s11, s22, $0xb8;
	[tilespmem:$0x1D900] =	vst v63  }
0xd6: {  	_ =	swait.ge [sflag:s25], $0x4000  }
0xd7: {  	s12 =	sld [smem:$0x7DC]  }
0xd8: {  	[sflag:s25] =	ssyncset.done $0x0  }
0xd9: {  	[sflag:s25] =	ssyncadd.s32 $0xFFFFC000  }
0xda: {  	[spmem:s3] =	stream.indirect.scatter.add.f32 [tilespmem:s23], [sflag:$0x5], $0x80, s12, s22, $0xb8;
	[tilespmem:$0x1D900] =	vst v63  }
0xdb: {  	_ =	swait.ge [sflag:s26], $0x4000  }
0xdc: {  	[sflag:s26] =	ssyncset.done $0x0  }
0xdd: {  	[sflag:s26] =	ssyncadd.s32 $0xFFFFC000  }
0xde: {  	_ =	swait.ge [sflag:s28], $0x4000  }
0xdf: {  	s13 =	sld [smem:$0x7DE]  }
0xe0: {  	[sflag:s28] =	ssyncset.done $0x0  }
0xe1: {  	[sflag:s28] =	ssyncadd.s32 $0xFFFFC000  }
0xe2: {  	[spmem:s3] =	stream.indirect.scatter.add.f32 [tilespmem:s24], [sflag:$0x5], $0x80, s13, s22, $0xb8;
	[tilespmem:$0x1D900] =	vst v63  }
0xe3: {  	_ =	swait.ge [sflag:s26], $0x4000  }
0xe4: {  	[sflag:s26] =	ssyncset.done $0x0  }
0xe5: {  	[sflag:s26] =	ssyncadd.s32 $0xFFFFC000  }
0xe6: {  	_ =	swait.ge [sflag:s29], $0x800  }
0xe7: {  	[sflag:s29] =	ssyncset.done $0x0  }
0xe8: {  	[sflag:s29] =	ssyncadd.s32 $0xFFFFF800  }
0xe9: {  	p1 =	por $0x0, $0x0;
	_ =	swait.ge [sflag:s29], $0x800  }
0xea: {  	s9 =	sshrl.u32 @!p1 s10, $0x3;
	[sflag:s29] =	ssyncset.done $0x0  }
0xeb: {  	s14 =	simm.s32 @!p1 $0x0;
	s11 =	sadd.s32 @!p1 s5, s9;
	[sflag:s29] =	ssyncadd.s32 $0xFFFFF800  }
0xec: {  	[tilespmem:s14], [sflag:$0x3] =	stream.linear.gather @!p1 [hbm4b:s11+s14], $0x800, $0x38;
	[tilespmem:$0x1D900] =	vst v63  }
0xed: {  	s9 =	sadd.s32 @!p1 s2, s9;
	s11 =	simm.s32 @!p1 $0x800  }
0xee: {  	[tilespmem:s11], [sflag:$0x3] =	stream.linear.gather @!p1 [hbm4b:s9+s14], $0x800, $0x38;
	[tilespmem:$0x1D900] =	vst v63  }
0xef: {  	s14 =	sld [smem:$0x7DF]  }
0xf0: {  	[tilespmem:s23], [sflag:$0x1] =	stream.indirect.gather [hbm4b:s6+s22], $0x80, s20, s22, $0xb8;
	[tilespmem:$0x1D900] =	vst v63  }
0xf1: {  	_ = 	snop  }
0xf2: {  	[tilespmem:s24], [sflag:$0x2] =	stream.indirect.gather [hbm4b:s6+s22], $0x80, s14, s22, $0xb8;
	[tilespmem:$0x1D900] =	vst v63  }
0xf3: {  	_ =	swait.ge [sflag:s25], $0x4000  }
0xf4: {  	[sflag:s25] =	ssyncset.done $0x0  }
0xf5: {  	[sflag:s25] =	ssyncadd.s32 $0xFFFFC000  }
0xf6: {  	[spmem:s3] =	stream.indirect.scatter.add.f32 [tilespmem:s23], [sflag:$0x5], $0x80, s21, s22, $0xb8;
	[tilespmem:$0x1D900] =	vst v63  }
0xf7: {  	_ =	swait.ge [sflag:s26], $0x4000  }
0xf8: {  	s11 =	sld [smem:$0x7E0]  }
0xf9: {  	[sflag:s26] =	ssyncset.done $0x0  }
0xfa: {  	[sflag:s26] =	ssyncadd.s32 $0xFFFFC000  }
0xfb: {  	[tilespmem:s23], [sflag:$0x1] =	stream.indirect.gather [hbm4b:s6+s22], $0x80, s11, s22, $0xb8;
	[tilespmem:$0x1D900] =	vst v63  }
0xfc: {  	_ =	swait.ge [sflag:s28], $0x4000  }
0xfd: {  	s12 =	sld [smem:$0x7E2]  }
0xfe: {  	[sflag:s28] =	ssyncset.done $0x0  }
0xff: {  	[sflag:s28] =	ssyncadd.s32 $0xFFFFC000  }
0x100: {  	[spmem:s3] =	stream.indirect.scatter.add.f32 [tilespmem:s24], [sflag:$0x5], $0x80, s12, s22, $0xb8;
	[tilespmem:$0x1D900] =	vst v63  }
0x101: {  	_ =	swait.ge [sflag:s26], $0x4000  }
0x102: {  	s13 =	sld [smem:$0x7E3]  }
0x103: {  	[sflag:s26] =	ssyncset.done $0x0  }
0x104: {  	[sflag:s26] =	ssyncadd.s32 $0xFFFFC000  }
0x105: {  	[tilespmem:s24], [sflag:$0x2] =	stream.indirect.gather [hbm4b:s6+s22], $0x80, s13, s22, $0xb8;
	[tilespmem:$0x1D900] =	vst v63  }
0x106: {  	_ =	swait.ge [sflag:s25], $0x4000  }
0x107: {  	s14 =	sld [smem:$0x7E4]  }
0x108: {  	[sflag:s25] =	ssyncset.done $0x0  }
0x109: {  	[sflag:s25] =	ssyncadd.s32 $0xFFFFC000  }
0x10a: {  	[spmem:s3] =	stream.indirect.scatter.add.f32 [tilespmem:s23], [sflag:$0x5], $0x80, s14, s22, $0xb8;
	[tilespmem:$0x1D900] =	vst v63  }
0x10b: {  	_ =	swait.ge [sflag:s26], $0x4000  }
0x10c: {  	s11 =	sld [smem:$0x7E6]  }
0x10d: {  	[sflag:s26] =	ssyncset.done $0x0  }
0x10e: {  	[sflag:s26] =	ssyncadd.s32 $0xFFFFC000  }
0x10f: {  	[tilespmem:s23], [sflag:$0x1] =	stream.indirect.gather [hbm4b:s6+s22], $0x80, s11, s22, $0xb8;
	[tilespmem:$0x1D900] =	vst v63  }
0x110: {  	_ =	swait.ge [sflag:s28], $0x4000  }
0x111: {  	s12 =	sld [smem:$0x7E7]  }
0x112: {  	[sflag:s28] =	ssyncset.done $0x0  }
0x113: {  	[sflag:s28] =	ssyncadd.s32 $0xFFFFC000  }
0x114: {  	[spmem:s3] =	stream.indirect.scatter.add.f32 [tilespmem:s24], [sflag:$0x5], $0x80, s12, s22, $0xb8;
	[tilespmem:$0x1D900] =	vst v63  }
0x115: {  	_ =	swait.ge [sflag:s26], $0x4000  }
0x116: {  	s13 =	sld [smem:$0x7E8]  }
0x117: {  	[sflag:s26] =	ssyncset.done $0x0  }
0x118: {  	[sflag:s26] =	ssyncadd.s32 $0xFFFFC000  }
0x119: {  	[tilespmem:s24], [sflag:$0x2] =	stream.indirect.gather [hbm4b:s6+s22], $0x80, s13, s22, $0xb8;
	[tilespmem:$0x1D900] =	vst v63  }
0x11a: {  	_ =	swait.ge [sflag:s25], $0x4000  }
0x11b: {  	s14 =	sld [smem:$0x7EA]  }
0x11c: {  	[sflag:s25] =	ssyncset.done $0x0  }
0x11d: {  	[sflag:s25] =	ssyncadd.s32 $0xFFFFC000  }
0x11e: {  	[spmem:s3] =	stream.indirect.scatter.add.f32 [tilespmem:s23], [sflag:$0x5], $0x80, s14, s22, $0xb8;
	[tilespmem:$0x1D900] =	vst v63  }
0x11f: {  	_ =	swait.ge [sflag:s26], $0x4000  }
0x120: {  	s11 =	sld [smem:$0x7EC]  }
0x121: {  	[sflag:s26] =	ssyncset.done $0x0  }
0x122: {  	[sflag:s26] =	ssyncadd.s32 $0xFFFFC000  }
0x123: {  	[tilespmem:s23], [sflag:$0x1] =	stream.indirect.gather [hbm4b:s6+s22], $0x80, s11, s22, $0xb8;
	[tilespmem:$0x1D900] =	vst v63  }
0x124: {  	_ =	swait.ge [sflag:s28], $0x4000  }
0x125: {  	s12 =	sld [smem:$0x7EE]  }
0x126: {  	[sflag:s28] =	ssyncset.done $0x0  }
0x127: {  	[sflag:s28] =	ssyncadd.s32 $0xFFFFC000  }
0x128: {  	[spmem:s3] =	stream.indirect.scatter.add.f32 [tilespmem:s24], [sflag:$0x5], $0x80, s12, s22, $0xb8;
	[tilespmem:$0x1D900] =	vst v63  }
0x129: {  	_ =	swait.ge [sflag:s26], $0x4000  }
0x12a: {  	s13 =	sld [smem:$0x7F0]  }
0x12b: {  	[sflag:s26] =	ssyncset.done $0x0  }
0x12c: {  	[sflag:s26] =	ssyncadd.s32 $0xFFFFC000  }
0x12d: {  	[tilespmem:s24], [sflag:$0x2] =	stream.indirect.gather [hbm4b:s6+s22], $0x80, s13, s22, $0xb8;
	[tilespmem:$0x1D900] =	vst v63  }
0x12e: {  	_ =	swait.ge [sflag:s25], $0x4000  }
0x12f: {  	s14 =	sld [smem:$0x7F1]  }
0x130: {  	[sflag:s25] =	ssyncset.done $0x0  }
0x131: {  	[sflag:s25] =	ssyncadd.s32 $0xFFFFC000  }
0x132: {  	[spmem:s3] =	stream.indirect.scatter.add.f32 [tilespmem:s23], [sflag:$0x5], $0x80, s14, s22, $0xb8;
	[tilespmem:$0x1D900] =	vst v63  }
0x133: {  	_ =	swait.ge [sflag:s26], $0x4000  }
0x134: {  	s11 =	sld [smem:$0x7F2]  }
0x135: {  	[sflag:s26] =	ssyncset.done $0x0  }
0x136: {  	[sflag:s26] =	ssyncadd.s32 $0xFFFFC000  }
0x137: {  	[tilespmem:s23], [sflag:$0x1] =	stream.indirect.gather [hbm4b:s6+s22], $0x80, s11, s22, $0xb8;
	[tilespmem:$0x1D900] =	vst v63  }
0x138: {  	_ =	swait.ge [sflag:s28], $0x4000  }
0x139: {  	s12 =	sld [smem:$0x7F3]  }
0x13a: {  	[sflag:s28] =	ssyncset.done $0x0  }
0x13b: {  	[sflag:s28] =	ssyncadd.s32 $0xFFFFC000  }
0x13c: {  	[spmem:s3] =	stream.indirect.scatter.add.f32 [tilespmem:s24], [sflag:$0x5], $0x80, s12, s22, $0xb8;
	[tilespmem:$0x1D900] =	vst v63  }
0x13d: {  	_ =	swait.ge [sflag:s26], $0x4000  }
0x13e: {  	s13 =	sld [smem:$0x7F4]  }
0x13f: {  	[sflag:s26] =	ssyncset.done $0x0  }
0x140: {  	[sflag:s26] =	ssyncadd.s32 $0xFFFFC000  }
0x141: {  	[tilespmem:s24], [sflag:$0x2] =	stream.indirect.gather [hbm4b:s6+s22], $0x80, s13, s22, $0xb8;
	[tilespmem:$0x1D900] =	vst v63  }
0x142: {  	_ =	swait.ge [sflag:s25], $0x4000  }
0x143: {  	s14 =	sld [smem:$0x7F5]  }
0x144: {  	[sflag:s25] =	ssyncset.done $0x0  }
0x145: {  	[sflag:s25] =	ssyncadd.s32 $0xFFFFC000  }
0x146: {  	[spmem:s3] =	stream.indirect.scatter.add.f32 [tilespmem:s23], [sflag:$0x5], $0x80, s14, s22, $0xb8;
	[tilespmem:$0x1D900] =	vst v63  }
0x147: {  	_ =	swait.ge [sflag:s26], $0x4000  }
0x148: {  	s11 =	sld [smem:$0x7F6]  }
0x149: {  	[sflag:s26] =	ssyncset.done $0x0  }
0x14a: {  	[sflag:s26] =	ssyncadd.s32 $0xFFFFC000  }
0x14b: {  	[tilespmem:s23], [sflag:$0x1] =	stream.indirect.gather [hbm4b:s6+s22], $0x80, s11, s22, $0xb8;
	[tilespmem:$0x1D900] =	vst v63  }
0x14c: {  	_ =	swait.ge [sflag:s28], $0x4000  }
0x14d: {  	s12 =	sld [smem:$0x7F7]  }
0x14e: {  	[sflag:s28] =	ssyncset.done $0x0  }
0x14f: {  	[sflag:s28] =	ssyncadd.s32 $0xFFFFC000  }
0x150: {  	[spmem:s3] =	stream.indirect.scatter.add.f32 [tilespmem:s24], [sflag:$0x5], $0x80, s12, s22, $0xb8;
	[tilespmem:$0x1D900] =	vst v63  }
0x151: {  	_ =	swait.ge [sflag:s26], $0x4000  }
0x152: {  	s13 =	sld [smem:$0x7F8]  }
0x153: {  	[sflag:s26] =	ssyncset.done $0x0  }
0x154: {  	[sflag:s26] =	ssyncadd.s32 $0xFFFFC000  }
0x155: {  	[tilespmem:s24], [sflag:$0x2] =	stream.indirect.gather [hbm4b:s6+s22], $0x80, s13, s22, $0xb8;
	[tilespmem:$0x1D900] =	vst v63  }
0x156: {  	_ =	swait.ge [sflag:s25], $0x4000  }
0x157: {  	s14 =	sld [smem:$0x7F9]  }
0x158: {  	[sflag:s25] =	ssyncset.done $0x0  }
0x159: {  	[sflag:s25] =	ssyncadd.s32 $0xFFFFC000  }
0x15a: {  	[spmem:s3] =	stream.indirect.scatter.add.f32 [tilespmem:s23], [sflag:$0x5], $0x80, s14, s22, $0xb8;
	[tilespmem:$0x1D900] =	vst v63  }
0x15b: {  	_ =	swait.ge [sflag:s26], $0x4000  }
0x15c: {  	s11 =	sld [smem:$0x7FA]  }
0x15d: {  	[sflag:s26] =	ssyncset.done $0x0  }
0x15e: {  	[sflag:s26] =	ssyncadd.s32 $0xFFFFC000  }
0x15f: {  	[tilespmem:s23], [sflag:$0x1] =	stream.indirect.gather [hbm4b:s6+s22], $0x80, s11, s22, $0xb8;
	[tilespmem:$0x1D900] =	vst v63  }
0x160: {  	_ =	swait.ge [sflag:s28], $0x4000  }
0x161: {  	s12 =	sld [smem:$0x7FB]  }
0x162: {  	[sflag:s28] =	ssyncset.done $0x0  }
0x163: {  	[sflag:s28] =	ssyncadd.s32 $0xFFFFC000  }
0x164: {  	[spmem:s3] =	stream.indirect.scatter.add.f32 [tilespmem:s24], [sflag:$0x5], $0x80, s12, s22, $0xb8;
	[tilespmem:$0x1D900] =	vst v63  }
0x165: {  	_ =	swait.ge [sflag:s26], $0x4000  }
0x166: {  	s13 =	sld [smem:$0x7FC]  }
0x167: {  	[sflag:s26] =	ssyncset.done $0x0  }
0x168: {  	[sflag:s26] =	ssyncadd.s32 $0xFFFFC000  }
0x169: {  	[tilespmem:s24], [sflag:$0x2] =	stream.indirect.gather [hbm4b:s6+s22], $0x80, s13, s22, $0xb8;
	[tilespmem:$0x1D900] =	vst v63  }
0x16a: {  	_ =	swait.ge [sflag:s25], $0x4000  }
0x16b: {  	s14 =	sld [smem:$0x7FD]  }
0x16c: {  	[sflag:s25] =	ssyncset.done $0x0  }
0x16d: {  	[sflag:s25] =	ssyncadd.s32 $0xFFFFC000  }
0x16e: {  	[spmem:s3] =	stream.indirect.scatter.add.f32 [tilespmem:s23], [sflag:$0x5], $0x80, s14, s22, $0xb8;
	[tilespmem:$0x1D900] =	vst v63  }
0x16f: {  	_ =	swait.ge [sflag:s26], $0x4000  }
0x170: {  	[sflag:s26] =	ssyncset.done $0x0  }
0x171: {  	[sflag:s26] =	ssyncadd.s32 $0xFFFFC000  }
0x172: {  	[tilespmem:s23], [sflag:$0x1] =	stream.indirect.gather [hbm4b:s6+s22], $0x80, s30, s22, $0xb8;
	[tilespmem:$0x1D900] =	vst v63  }
0x173: {  	_ =	swait.ge [sflag:s28], $0x4000  }
0x174: {  	[sflag:s28] =	ssyncset.done $0x0  }
0x175: {  	[sflag:s28] =	ssyncadd.s32 $0xFFFFC000  }
0x176: {  	[spmem:s3] =	stream.indirect.scatter.add.f32 [tilespmem:s24], [sflag:$0x5], $0x80, s31, s22, $0xb8;
	[tilespmem:$0x1D900] =	vst v63  }
0x177: {  	_ =	swait.ge [sflag:s26], $0x4000  }
0x178: {  	[sflag:s26] =	ssyncset.done $0x0  }
0x179: {  	[sflag:s26] =	ssyncadd.s32 $0xFFFFC000  }
0x17a: {  	[tilespmem:s24], [sflag:$0x2] =	stream.indirect.gather [hbm4b:s6+s22], $0x80, s1, s22, $0xb8;
	[tilespmem:$0x1D900] =	vst v63  }
0x17b: {  	_ =	swait.ge [sflag:s25], $0x4000  }
0x17c: {  	[sflag:s25] =	ssyncset.done $0x0  }
0x17d: {  	[sflag:s25] =	ssyncadd.s32 $0xFFFFC000  }
0x17e: {  	[spmem:s3] =	stream.indirect.scatter.add.f32 [tilespmem:s23], [sflag:$0x5], $0x80, s0, s22, $0xb8;
	[tilespmem:$0x1D900] =	vst v63  }
0x17f: {  	_ =	swait.ge [sflag:s26], $0x4000  }
0x180: {  	[sflag:s26] =	ssyncset.done $0x0  }
0x181: {  	[sflag:s26] =	ssyncadd.s32 $0xFFFFC000  }
0x182: {  	_ =	swait.ge [sflag:s28], $0x4000  }
0x183: {  	[sflag:s28] =	ssyncset.done $0x0  }
0x184: {  	[sflag:s28] =	ssyncadd.s32 $0xFFFFC000  }
0x185: {  	[spmem:s3] =	stream.indirect.scatter.add.f32 [tilespmem:s24], [sflag:$0x5], $0x80, s7, s22, $0xb8;
	[tilespmem:$0x1D900] =	vst v63  }
0x186: {  	_ =	swait.ge [sflag:s26], $0x4000  }
0x187: {  	s9 =	simm.s32 $0x200;
	s14 =	smov.u32 s10;
	[sflag:s26] =	ssyncset.done $0x0  }
.LBB2_2:
0x188: {  	[sflag:s26] =	ssyncadd.s32 $0xFFFFC000  }
0x189: {  	_ =	swait.ge [sflag:s19], $0x800  }
0x18a: {  	[sflag:s19] =	ssyncset.done $0x0  }
0x18b: {  	[sflag:s19] =	ssyncadd.s32 $0xFFFFF800  }
0x18c: {  	_ =	swait.ge [sflag:s19], $0x800  }
0x18d: {  	s11 =	smov.u32 s9;
	s12 =	rddreg [dreg:$0x5];
	[sflag:s19] =	ssyncset.done $0x0  }
0x18e: {  	s13 =	rddreg [dreg:$0x4];
	[sflag:s19] =	ssyncadd.s32 $0xFFFFF800;
	s12 =	sadd.s32 s11, s12  }
0x18f: {  	[tilespmem:s20], [sflag:$0x4] =	stream.linear.gather [hbm4b:s12+s4], $0x800, $0x38;
	[tilespmem:$0x1D900] =	vst v63  }
0x190: {  	s13 =	sadd.s32 s11, s13  }
0x191: {  	[tilespmem:s21], [sflag:$0x4] =	stream.linear.gather [hbm4b:s13+s4], $0x800, $0x38;
	[tilespmem:$0x1D900] =	vst v63  }
0x192: {  	_ = 	snop  }
0x193: {  	[tilespmem:s23], [sflag:$0x1] =	stream.indirect.gather [hbm4b:s6+s22], $0x80, s4, s22, $0xb8;
	[tilespmem:$0x1D900] =	vst v63  }
0x194: {  	_ = 	snop  }
0x195: {  	[tilespmem:s24], [sflag:$0x2] =	stream.indirect.gather [hbm4b:s6+s22], $0x80, s22, s22, $0xb8;
	[tilespmem:$0x1D900] =	vst v63  }
0x196: {  	_ =	swait.ge [sflag:s25], $0x4000  }
0x197: {  	[sflag:s25] =	ssyncset.done $0x0  }
0x198: {  	[sflag:s25] =	ssyncadd.s32 $0xFFFFC000  }
0x199: {  	[spmem:s3] =	stream.indirect.scatter.add.f32 [tilespmem:s23], [sflag:$0x5], $0x80, s18, s22, $0xb8;
	[tilespmem:$0x1D900] =	vst v63  }
0x19a: {  	_ =	swait.ge [sflag:s26], $0x4000  }
0x19b: {  	[sflag:s26] =	ssyncset.done $0x0  }
0x19c: {  	s13 =	rddreg [dreg:$0x6];
	[sflag:s26] =	ssyncadd.s32 $0xFFFFC000  }
0x19d: {  	[tilespmem:s23], [sflag:$0x1] =	stream.indirect.gather [hbm4b:s6+s22], $0x80, s13, s22, $0xb8;
	[tilespmem:$0x1D900] =	vst v63  }
0x19e: {  	_ =	swait.ge [sflag:s28], $0x4000  }
0x19f: {  	[sflag:s28] =	ssyncset.done $0x0  }
0x1a0: {  	s13 =	rddreg [dreg:$0x7];
	[sflag:s28] =	ssyncadd.s32 $0xFFFFC000  }
0x1a1: {  	[spmem:s3] =	stream.indirect.scatter.add.f32 [tilespmem:s24], [sflag:$0x5], $0x80, s13, s22, $0xb8;
	[tilespmem:$0x1D900] =	vst v63  }
0x1a2: {  	_ =	swait.ge [sflag:s26], $0x4000  }
0x1a3: {  	[sflag:s26] =	ssyncset.done $0x0  }
0x1a4: {  	s13 =	rddreg [dreg:$0x8];
	[sflag:s26] =	ssyncadd.s32 $0xFFFFC000  }
0x1a5: {  	[tilespmem:s24], [sflag:$0x2] =	stream.indirect.gather [hbm4b:s6+s22], $0x80, s13, s22, $0xb8;
	[tilespmem:$0x1D900] =	vst v63  }
0x1a6: {  	_ =	swait.ge [sflag:s25], $0x4000  }
0x1a7: {  	[sflag:s25] =	ssyncset.done $0x0  }
0x1a8: {  	s13 =	rddreg [dreg:$0x9];
	[sflag:s25] =	ssyncadd.s32 $0xFFFFC000  }
0x1a9: {  	[spmem:s3] =	stream.indirect.scatter.add.f32 [tilespmem:s23], [sflag:$0x5], $0x80, s13, s22, $0xb8;
	[tilespmem:$0x1D900] =	vst v63  }
0x1aa: {  	_ =	swait.ge [sflag:s26], $0x4000  }
0x1ab: {  	[sflag:s26] =	ssyncset.done $0x0  }
0x1ac: {  	s13 =	rddreg [dreg:$0xa];
	[sflag:s26] =	ssyncadd.s32 $0xFFFFC000  }
0x1ad: {  	[tilespmem:s23], [sflag:$0x1] =	stream.indirect.gather [hbm4b:s6+s22], $0x80, s13, s22, $0xb8;
	[tilespmem:$0x1D900] =	vst v63  }
0x1ae: {  	_ =	swait.ge [sflag:s28], $0x4000  }
0x1af: {  	[sflag:s28] =	ssyncset.done $0x0  }
0x1b0: {  	s13 =	rddreg [dreg:$0xb];
	[sflag:s28] =	ssyncadd.s32 $0xFFFFC000  }
0x1b1: {  	[spmem:s3] =	stream.indirect.scatter.add.f32 [tilespmem:s24], [sflag:$0x5], $0x80, s13, s22, $0xb8;
	[tilespmem:$0x1D900] =	vst v63  }
0x1b2: {  	_ =	swait.ge [sflag:s26], $0x4000  }
0x1b3: {  	[sflag:s26] =	ssyncset.done $0x0  }
0x1b4: {  	s13 =	rddreg [dreg:$0xc];
	[sflag:s26] =	ssyncadd.s32 $0xFFFFC000  }
0x1b5: {  	[tilespmem:s24], [sflag:$0x2] =	stream.indirect.gather [hbm4b:s6+s22], $0x80, s13, s22, $0xb8;
	[tilespmem:$0x1D900] =	vst v63  }
0x1b6: {  	_ =	swait.ge [sflag:s25], $0x4000  }
0x1b7: {  	[sflag:s25] =	ssyncset.done $0x0  }
0x1b8: {  	s13 =	rddreg [dreg:$0xd];
	[sflag:s25] =	ssyncadd.s32 $0xFFFFC000  }
0x1b9: {  	[spmem:s3] =	stream.indirect.scatter.add.f32 [tilespmem:s23], [sflag:$0x5], $0x80, s13, s22, $0xb8;
	[tilespmem:$0x1D900] =	vst v63  }
0x1ba: {  	_ =	swait.ge [sflag:s26], $0x4000  }
0x1bb: {  	[sflag:s26] =	ssyncset.done $0x0  }
0x1bc: {  	s13 =	rddreg [dreg:$0xe];
	[sflag:s26] =	ssyncadd.s32 $0xFFFFC000  }
0x1bd: {  	[tilespmem:s23], [sflag:$0x1] =	stream.indirect.gather [hbm4b:s6+s22], $0x80, s13, s22, $0xb8;
	[tilespmem:$0x1D900] =	vst v63  }
0x1be: {  	_ =	swait.ge [sflag:s28], $0x4000  }
0x1bf: {  	[sflag:s28] =	ssyncset.done $0x0  }
0x1c0: {  	s13 =	rddreg [dreg:$0xf];
	[sflag:s28] =	ssyncadd.s32 $0xFFFFC000  }
0x1c1: {  	[spmem:s3] =	stream.indirect.scatter.add.f32 [tilespmem:s24], [sflag:$0x5], $0x80, s13, s22, $0xb8;
	[tilespmem:$0x1D900] =	vst v63  }
0x1c2: {  	_ =	swait.ge [sflag:s26], $0x4000  }
0x1c3: {  	[sflag:s26] =	ssyncset.done $0x0  }
0x1c4: {  	s13 =	rddreg [dreg:$0x10];
	[sflag:s26] =	ssyncadd.s32 $0xFFFFC000  }
0x1c5: {  	[tilespmem:s24], [sflag:$0x2] =	stream.indirect.gather [hbm4b:s6+s22], $0x80, s13, s22, $0xb8;
	[tilespmem:$0x1D900] =	vst v63  }
0x1c6: {  	_ =	swait.ge [sflag:s25], $0x4000  }
0x1c7: {  	[sflag:s25] =	ssyncset.done $0x0  }
0x1c8: {  	s13 =	rddreg [dreg:$0x11];
	[sflag:s25] =	ssyncadd.s32 $0xFFFFC000  }
0x1c9: {  	[spmem:s3] =	stream.indirect.scatter.add.f32 [tilespmem:s23], [sflag:$0x5], $0x80, s13, s22, $0xb8;
	[tilespmem:$0x1D900] =	vst v63  }
0x1ca: {  	_ =	swait.ge [sflag:s26], $0x4000  }
0x1cb: {  	[sflag:s26] =	ssyncset.done $0x0  }
0x1cc: {  	s13 =	rddreg [dreg:$0x12];
	[sflag:s26] =	ssyncadd.s32 $0xFFFFC000  }
0x1cd: {  	[tilespmem:s23], [sflag:$0x1] =	stream.indirect.gather [hbm4b:s6+s22], $0x80, s13, s22, $0xb8;
	[tilespmem:$0x1D900] =	vst v63  }
0x1ce: {  	_ =	swait.ge [sflag:s28], $0x4000  }
0x1cf: {  	[sflag:s28] =	ssyncset.done $0x0  }
0x1d0: {  	s13 =	rddreg [dreg:$0x13];
	[sflag:s28] =	ssyncadd.s32 $0xFFFFC000  }
0x1d1: {  	[spmem:s3] =	stream.indirect.scatter.add.f32 [tilespmem:s24], [sflag:$0x5], $0x80, s13, s22, $0xb8;
	[tilespmem:$0x1D900] =	vst v63  }
0x1d2: {  	_ =	swait.ge [sflag:s26], $0x4000  }
0x1d3: {  	[sflag:s26] =	ssyncset.done $0x0  }
0x1d4: {  	s13 =	rddreg [dreg:$0x14];
	[sflag:s26] =	ssyncadd.s32 $0xFFFFC000  }
0x1d5: {  	[tilespmem:s24], [sflag:$0x2] =	stream.indirect.gather [hbm4b:s6+s22], $0x80, s13, s22, $0xb8;
	[tilespmem:$0x1D900] =	vst v63  }
0x1d6: {  	_ =	swait.ge [sflag:s25], $0x4000  }
0x1d7: {  	[sflag:s25] =	ssyncset.done $0x0  }
0x1d8: {  	s13 =	rddreg [dreg:$0x15];
	[sflag:s25] =	ssyncadd.s32 $0xFFFFC000  }
0x1d9: {  	[spmem:s3] =	stream.indirect.scatter.add.f32 [tilespmem:s23], [sflag:$0x5], $0x80, s13, s22, $0xb8;
	[tilespmem:$0x1D900] =	vst v63  }
0x1da: {  	_ =	swait.ge [sflag:s26], $0x4000  }
0x1db: {  	[sflag:s26] =	ssyncset.done $0x0  }
0x1dc: {  	s13 =	rddreg [dreg:$0x16];
	[sflag:s26] =	ssyncadd.s32 $0xFFFFC000  }
0x1dd: {  	[tilespmem:s23], [sflag:$0x1] =	stream.indirect.gather [hbm4b:s6+s22], $0x80, s13, s22, $0xb8;
	[tilespmem:$0x1D900] =	vst v63  }
0x1de: {  	_ =	swait.ge [sflag:s28], $0x4000  }
0x1df: {  	[sflag:s28] =	ssyncset.done $0x0  }
0x1e0: {  	s13 =	rddreg [dreg:$0x17];
	[sflag:s28] =	ssyncadd.s32 $0xFFFFC000  }
0x1e1: {  	[spmem:s3] =	stream.indirect.scatter.add.f32 [tilespmem:s24], [sflag:$0x5], $0x80, s13, s22, $0xb8;
	[tilespmem:$0x1D900] =	vst v63  }
0x1e2: {  	_ =	swait.ge [sflag:s26], $0x4000  }
0x1e3: {  	[sflag:s26] =	ssyncset.done $0x0  }
0x1e4: {  	s13 =	rddreg [dreg:$0x18];
	[sflag:s26] =	ssyncadd.s32 $0xFFFFC000  }
0x1e5: {  	[tilespmem:s24], [sflag:$0x2] =	stream.indirect.gather [hbm4b:s6+s22], $0x80, s13, s22, $0xb8;
	[tilespmem:$0x1D900] =	vst v63  }
0x1e6: {  	_ =	swait.ge [sflag:s25], $0x4000  }
0x1e7: {  	[sflag:s25] =	ssyncset.done $0x0  }
0x1e8: {  	s13 =	rddreg [dreg:$0x19];
	[sflag:s25] =	ssyncadd.s32 $0xFFFFC000  }
0x1e9: {  	[spmem:s3] =	stream.indirect.scatter.add.f32 [tilespmem:s23], [sflag:$0x5], $0x80, s13, s22, $0xb8;
	[tilespmem:$0x1D900] =	vst v63  }
0x1ea: {  	_ =	swait.ge [sflag:s26], $0x4000  }
0x1eb: {  	[sflag:s26] =	ssyncset.done $0x0  }
0x1ec: {  	s13 =	rddreg [dreg:$0x1a];
	[sflag:s26] =	ssyncadd.s32 $0xFFFFC000  }
0x1ed: {  	[tilespmem:s23], [sflag:$0x1] =	stream.indirect.gather [hbm4b:s6+s22], $0x80, s13, s22, $0xb8;
	[tilespmem:$0x1D900] =	vst v63  }
0x1ee: {  	_ =	swait.ge [sflag:s28], $0x4000  }
0x1ef: {  	[sflag:s28] =	ssyncset.done $0x0  }
0x1f0: {  	s13 =	rddreg [dreg:$0x1b];
	[sflag:s28] =	ssyncadd.s32 $0xFFFFC000  }
0x1f1: {  	[spmem:s3] =	stream.indirect.scatter.add.f32 [tilespmem:s24], [sflag:$0x5], $0x80, s13, s22, $0xb8;
	[tilespmem:$0x1D900] =	vst v63  }
0x1f2: {  	_ =	swait.ge [sflag:s26], $0x4000  }
0x1f3: {  	[sflag:s26] =	ssyncset.done $0x0  }
0x1f4: {  	s13 =	rddreg [dreg:$0x1c];
	[sflag:s26] =	ssyncadd.s32 $0xFFFFC000  }
0x1f5: {  	[tilespmem:s24], [sflag:$0x2] =	stream.indirect.gather [hbm4b:s6+s22], $0x80, s13, s22, $0xb8;
	[tilespmem:$0x1D900] =	vst v63  }
0x1f6: {  	_ =	swait.ge [sflag:s25], $0x4000  }
0x1f7: {  	[sflag:s25] =	ssyncset.done $0x0  }
0x1f8: {  	s13 =	rddreg [dreg:$0x1d];
	[sflag:s25] =	ssyncadd.s32 $0xFFFFC000  }
0x1f9: {  	[spmem:s3] =	stream.indirect.scatter.add.f32 [tilespmem:s23], [sflag:$0x5], $0x80, s13, s22, $0xb8;
	[tilespmem:$0x1D900] =	vst v63  }
0x1fa: {  	_ =	swait.ge [sflag:s26], $0x4000  }
0x1fb: {  	[sflag:s26] =	ssyncset.done $0x0  }
0x1fc: {  	s13 =	rddreg [dreg:$0x1e];
	[sflag:s26] =	ssyncadd.s32 $0xFFFFC000  }
0x1fd: {  	[tilespmem:s23], [sflag:$0x1] =	stream.indirect.gather [hbm4b:s6+s22], $0x80, s13, s22, $0xb8;
	[tilespmem:$0x1D900] =	vst v63  }
0x1fe: {  	_ =	swait.ge [sflag:s28], $0x4000  }
0x1ff: {  	[sflag:s28] =	ssyncset.done $0x0  }
0x200: {  	s13 =	rddreg [dreg:$0x1f];
	[sflag:s28] =	ssyncadd.s32 $0xFFFFC000  }
0x201: {  	[spmem:s3] =	stream.indirect.scatter.add.f32 [tilespmem:s24], [sflag:$0x5], $0x80, s13, s22, $0xb8;
	[tilespmem:$0x1D900] =	vst v63  }
0x202: {  	_ =	swait.ge [sflag:s26], $0x4000  }
0x203: {  	s13 =	sld [smem:$0x7DB]  }
0x204: {  	[sflag:s26] =	ssyncset.done $0x0  }
0x205: {  	[sflag:s26] =	ssyncadd.s32 $0xFFFFC000  }
0x206: {  	[tilespmem:s24], [sflag:$0x2] =	stream.indirect.gather [hbm4b:s6+s22], $0x80, s13, s22, $0xb8;
	[tilespmem:$0x1D900] =	vst v63  }
0x207: {  	_ =	swait.ge [sflag:s25], $0x4000  }
0x208: {  	s13 =	sld [smem:$0x7DC]  }
0x209: {  	[sflag:s25] =	ssyncset.done $0x0  }
0x20a: {  	[sflag:s25] =	ssyncadd.s32 $0xFFFFC000  }
0x20b: {  	[spmem:s3] =	stream.indirect.scatter.add.f32 [tilespmem:s23], [sflag:$0x5], $0x80, s13, s22, $0xb8;
	[tilespmem:$0x1D900] =	vst v63  }
0x20c: {  	_ =	swait.ge [sflag:s26], $0x4000  }
0x20d: {  	[sflag:s26] =	ssyncset.done $0x0  }
0x20e: {  	[sflag:s26] =	ssyncadd.s32 $0xFFFFC000  }
0x20f: {  	_ =	swait.ge [sflag:s28], $0x4000  }
0x210: {  	s13 =	sld [smem:$0x7DE]  }
0x211: {  	[sflag:s28] =	ssyncset.done $0x0  }
0x212: {  	[sflag:s28] =	ssyncadd.s32 $0xFFFFC000  }
0x213: {  	[spmem:s3] =	stream.indirect.scatter.add.f32 [tilespmem:s24], [sflag:$0x5], $0x80, s13, s22, $0xb8;
	[tilespmem:$0x1D900] =	vst v63  }
0x214: {  	_ =	swait.ge [sflag:s26], $0x4000  }
0x215: {  	[sflag:s26] =	ssyncset.done $0x0  }
0x216: {  	[sflag:s26] =	ssyncadd.s32 $0xFFFFC000  }
0x217: {  	_ =	swait.ge [sflag:s29], $0x800  }
0x218: {  	[sflag:s29] =	ssyncset.done $0x0  }
0x219: {  	[sflag:s29] =	ssyncadd.s32 $0xFFFFF800  }
0x21a: {  	s14 =	sadd.s32 $0x1000, s14;
	p2 =	seq.s32 s11, $0x800;
	_ =	swait.ge [sflag:s29], $0x800  }
0x21b: {  	s11 =	sshrl.u32 @!p2 s14, $0x3;
	[sflag:s29] =	ssyncset.done $0x0  }
0x21c: {  	s12 =	sadd.s32 @!p2 s5, s11;
	s13 =	simm.s32 @!p2 $0x0;
	[sflag:s29] =	ssyncadd.s32 $0xFFFFF800  }
0x21d: {  	[tilespmem:s13], [sflag:$0x3] =	stream.linear.gather @!p2 [hbm4b:s12+s13], $0x800, $0x38;
	[tilespmem:$0x1D900] =	vst v63  }
0x21e: {  	s11 =	sadd.s32 @!p2 s2, s11;
	s12 =	simm.s32 @!p2 $0x800  }
0x21f: {  	[tilespmem:s12], [sflag:$0x3] =	stream.linear.gather @!p2 [hbm4b:s11+s13], $0x800, $0x38;
	[tilespmem:$0x1D900] =	vst v63  }
0x220: {  	s13 =	sld [smem:$0x7DF]  }
0x221: {  	[tilespmem:s23], [sflag:$0x1] =	stream.indirect.gather [hbm4b:s6+s22], $0x80, s20, s22, $0xb8;
	[tilespmem:$0x1D900] =	vst v63  }
0x222: {  	_ = 	snop  }
0x223: {  	[tilespmem:s24], [sflag:$0x2] =	stream.indirect.gather [hbm4b:s6+s22], $0x80, s13, s22, $0xb8;
	[tilespmem:$0x1D900] =	vst v63  }
0x224: {  	_ =	swait.ge [sflag:s25], $0x4000  }
0x225: {  	[sflag:s25] =	ssyncset.done $0x0  }
0x226: {  	[sflag:s25] =	ssyncadd.s32 $0xFFFFC000  }
0x227: {  	[spmem:s3] =	stream.indirect.scatter.add.f32 [tilespmem:s23], [sflag:$0x5], $0x80, s21, s22, $0xb8;
	[tilespmem:$0x1D900] =	vst v63  }
0x228: {  	_ =	swait.ge [sflag:s26], $0x4000  }
0x229: {  	s12 =	sld [smem:$0x7E0]  }
0x22a: {  	[sflag:s26] =	ssyncset.done $0x0  }
0x22b: {  	[sflag:s26] =	ssyncadd.s32 $0xFFFFC000  }
0x22c: {  	[tilespmem:s23], [sflag:$0x1] =	stream.indirect.gather [hbm4b:s6+s22], $0x80, s12, s22, $0xb8;
	[tilespmem:$0x1D900] =	vst v63  }
0x22d: {  	_ =	swait.ge [sflag:s28], $0x4000  }
0x22e: {  	s13 =	sld [smem:$0x7E2]  }
0x22f: {  	[sflag:s28] =	ssyncset.done $0x0  }
0x230: {  	[sflag:s28] =	ssyncadd.s32 $0xFFFFC000  }
0x231: {  	[spmem:s3] =	stream.indirect.scatter.add.f32 [tilespmem:s24], [sflag:$0x5], $0x80, s13, s22, $0xb8;
	[tilespmem:$0x1D900] =	vst v63  }
0x232: {  	_ =	swait.ge [sflag:s26], $0x4000  }
0x233: {  	s12 =	sld [smem:$0x7E3]  }
0x234: {  	[sflag:s26] =	ssyncset.done $0x0  }
0x235: {  	[sflag:s26] =	ssyncadd.s32 $0xFFFFC000  }
0x236: {  	[tilespmem:s24], [sflag:$0x2] =	stream.indirect.gather [hbm4b:s6+s22], $0x80, s12, s22, $0xb8;
	[tilespmem:$0x1D900] =	vst v63  }
0x237: {  	_ =	swait.ge [sflag:s25], $0x4000  }
0x238: {  	s13 =	sld [smem:$0x7E4]  }
0x239: {  	[sflag:s25] =	ssyncset.done $0x0  }
0x23a: {  	[sflag:s25] =	ssyncadd.s32 $0xFFFFC000  }
0x23b: {  	[spmem:s3] =	stream.indirect.scatter.add.f32 [tilespmem:s23], [sflag:$0x5], $0x80, s13, s22, $0xb8;
	[tilespmem:$0x1D900] =	vst v63  }
0x23c: {  	_ =	swait.ge [sflag:s26], $0x4000  }
0x23d: {  	s12 =	sld [smem:$0x7E6]  }
0x23e: {  	[sflag:s26] =	ssyncset.done $0x0  }
0x23f: {  	[sflag:s26] =	ssyncadd.s32 $0xFFFFC000  }
0x240: {  	[tilespmem:s23], [sflag:$0x1] =	stream.indirect.gather [hbm4b:s6+s22], $0x80, s12, s22, $0xb8;
	[tilespmem:$0x1D900] =	vst v63  }
0x241: {  	_ =	swait.ge [sflag:s28], $0x4000  }
0x242: {  	s13 =	sld [smem:$0x7E7]  }
0x243: {  	[sflag:s28] =	ssyncset.done $0x0  }
0x244: {  	[sflag:s28] =	ssyncadd.s32 $0xFFFFC000  }
0x245: {  	[spmem:s3] =	stream.indirect.scatter.add.f32 [tilespmem:s24], [sflag:$0x5], $0x80, s13, s22, $0xb8;
	[tilespmem:$0x1D900] =	vst v63  }
0x246: {  	_ =	swait.ge [sflag:s26], $0x4000  }
0x247: {  	s12 =	sld [smem:$0x7E8]  }
0x248: {  	[sflag:s26] =	ssyncset.done $0x0  }
0x249: {  	[sflag:s26] =	ssyncadd.s32 $0xFFFFC000  }
0x24a: {  	[tilespmem:s24], [sflag:$0x2] =	stream.indirect.gather [hbm4b:s6+s22], $0x80, s12, s22, $0xb8;
	[tilespmem:$0x1D900] =	vst v63  }
0x24b: {  	_ =	swait.ge [sflag:s25], $0x4000  }
0x24c: {  	s13 =	sld [smem:$0x7EA]  }
0x24d: {  	[sflag:s25] =	ssyncset.done $0x0  }
0x24e: {  	[sflag:s25] =	ssyncadd.s32 $0xFFFFC000  }
0x24f: {  	[spmem:s3] =	stream.indirect.scatter.add.f32 [tilespmem:s23], [sflag:$0x5], $0x80, s13, s22, $0xb8;
	[tilespmem:$0x1D900] =	vst v63  }
0x250: {  	_ =	swait.ge [sflag:s26], $0x4000  }
0x251: {  	s12 =	sld [smem:$0x7EC]  }
0x252: {  	[sflag:s26] =	ssyncset.done $0x0  }
0x253: {  	[sflag:s26] =	ssyncadd.s32 $0xFFFFC000  }
0x254: {  	[tilespmem:s23], [sflag:$0x1] =	stream.indirect.gather [hbm4b:s6+s22], $0x80, s12, s22, $0xb8;
	[tilespmem:$0x1D900] =	vst v63  }
0x255: {  	_ =	swait.ge [sflag:s28], $0x4000  }
0x256: {  	s13 =	sld [smem:$0x7EE]  }
0x257: {  	[sflag:s28] =	ssyncset.done $0x0  }
0x258: {  	[sflag:s28] =	ssyncadd.s32 $0xFFFFC000  }
0x259: {  	[spmem:s3] =	stream.indirect.scatter.add.f32 [tilespmem:s24], [sflag:$0x5], $0x80, s13, s22, $0xb8;
	[tilespmem:$0x1D900] =	vst v63  }
0x25a: {  	_ =	swait.ge [sflag:s26], $0x4000  }
0x25b: {  	s12 =	sld [smem:$0x7F0]  }
0x25c: {  	[sflag:s26] =	ssyncset.done $0x0  }
0x25d: {  	[sflag:s26] =	ssyncadd.s32 $0xFFFFC000  }
0x25e: {  	[tilespmem:s24], [sflag:$0x2] =	stream.indirect.gather [hbm4b:s6+s22], $0x80, s12, s22, $0xb8;
	[tilespmem:$0x1D900] =	vst v63  }
0x25f: {  	_ =	swait.ge [sflag:s25], $0x4000  }
0x260: {  	s13 =	sld [smem:$0x7F1]  }
0x261: {  	[sflag:s25] =	ssyncset.done $0x0  }
0x262: {  	[sflag:s25] =	ssyncadd.s32 $0xFFFFC000  }
0x263: {  	[spmem:s3] =	stream.indirect.scatter.add.f32 [tilespmem:s23], [sflag:$0x5], $0x80, s13, s22, $0xb8;
	[tilespmem:$0x1D900] =	vst v63  }
0x264: {  	_ =	swait.ge [sflag:s26], $0x4000  }
0x265: {  	s12 =	sld [smem:$0x7F2]  }
0x266: {  	[sflag:s26] =	ssyncset.done $0x0  }
0x267: {  	[sflag:s26] =	ssyncadd.s32 $0xFFFFC000  }
0x268: {  	[tilespmem:s23], [sflag:$0x1] =	stream.indirect.gather [hbm4b:s6+s22], $0x80, s12, s22, $0xb8;
	[tilespmem:$0x1D900] =	vst v63  }
0x269: {  	_ =	swait.ge [sflag:s28], $0x4000  }
0x26a: {  	s13 =	sld [smem:$0x7F3]  }
0x26b: {  	[sflag:s28] =	ssyncset.done $0x0  }
0x26c: {  	[sflag:s28] =	ssyncadd.s32 $0xFFFFC000  }
0x26d: {  	[spmem:s3] =	stream.indirect.scatter.add.f32 [tilespmem:s24], [sflag:$0x5], $0x80, s13, s22, $0xb8;
	[tilespmem:$0x1D900] =	vst v63  }
0x26e: {  	_ =	swait.ge [sflag:s26], $0x4000  }
0x26f: {  	s12 =	sld [smem:$0x7F4]  }
0x270: {  	[sflag:s26] =	ssyncset.done $0x0  }
0x271: {  	[sflag:s26] =	ssyncadd.s32 $0xFFFFC000  }
0x272: {  	[tilespmem:s24], [sflag:$0x2] =	stream.indirect.gather [hbm4b:s6+s22], $0x80, s12, s22, $0xb8;
	[tilespmem:$0x1D900] =	vst v63  }
0x273: {  	_ =	swait.ge [sflag:s25], $0x4000  }
0x274: {  	s13 =	sld [smem:$0x7F5]  }
0x275: {  	[sflag:s25] =	ssyncset.done $0x0  }
0x276: {  	[sflag:s25] =	ssyncadd.s32 $0xFFFFC000  }
0x277: {  	[spmem:s3] =	stream.indirect.scatter.add.f32 [tilespmem:s23], [sflag:$0x5], $0x80, s13, s22, $0xb8;
	[tilespmem:$0x1D900] =	vst v63  }
0x278: {  	_ =	swait.ge [sflag:s26], $0x4000  }
0x279: {  	s12 =	sld [smem:$0x7F6]  }
0x27a: {  	[sflag:s26] =	ssyncset.done $0x0  }
0x27b: {  	[sflag:s26] =	ssyncadd.s32 $0xFFFFC000  }
0x27c: {  	[tilespmem:s23], [sflag:$0x1] =	stream.indirect.gather [hbm4b:s6+s22], $0x80, s12, s22, $0xb8;
	[tilespmem:$0x1D900] =	vst v63  }
0x27d: {  	_ =	swait.ge [sflag:s28], $0x4000  }
0x27e: {  	s13 =	sld [smem:$0x7F7]  }
0x27f: {  	[sflag:s28] =	ssyncset.done $0x0  }
0x280: {  	[sflag:s28] =	ssyncadd.s32 $0xFFFFC000  }
0x281: {  	[spmem:s3] =	stream.indirect.scatter.add.f32 [tilespmem:s24], [sflag:$0x5], $0x80, s13, s22, $0xb8;
	[tilespmem:$0x1D900] =	vst v63  }
0x282: {  	_ =	swait.ge [sflag:s26], $0x4000  }
0x283: {  	s12 =	sld [smem:$0x7F8]  }
0x284: {  	[sflag:s26] =	ssyncset.done $0x0  }
0x285: {  	[sflag:s26] =	ssyncadd.s32 $0xFFFFC000  }
0x286: {  	[tilespmem:s24], [sflag:$0x2] =	stream.indirect.gather [hbm4b:s6+s22], $0x80, s12, s22, $0xb8;
	[tilespmem:$0x1D900] =	vst v63  }
0x287: {  	_ =	swait.ge [sflag:s25], $0x4000  }
0x288: {  	s13 =	sld [smem:$0x7F9]  }
0x289: {  	[sflag:s25] =	ssyncset.done $0x0  }
0x28a: {  	[sflag:s25] =	ssyncadd.s32 $0xFFFFC000  }
0x28b: {  	[spmem:s3] =	stream.indirect.scatter.add.f32 [tilespmem:s23], [sflag:$0x5], $0x80, s13, s22, $0xb8;
	[tilespmem:$0x1D900] =	vst v63  }
0x28c: {  	_ =	swait.ge [sflag:s26], $0x4000  }
0x28d: {  	s12 =	sld [smem:$0x7FA]  }
0x28e: {  	[sflag:s26] =	ssyncset.done $0x0  }
0x28f: {  	[sflag:s26] =	ssyncadd.s32 $0xFFFFC000  }
0x290: {  	[tilespmem:s23], [sflag:$0x1] =	stream.indirect.gather [hbm4b:s6+s22], $0x80, s12, s22, $0xb8;
	[tilespmem:$0x1D900] =	vst v63  }
0x291: {  	_ =	swait.ge [sflag:s28], $0x4000  }
0x292: {  	s13 =	sld [smem:$0x7FB]  }
0x293: {  	[sflag:s28] =	ssyncset.done $0x0  }
0x294: {  	[sflag:s28] =	ssyncadd.s32 $0xFFFFC000  }
0x295: {  	[spmem:s3] =	stream.indirect.scatter.add.f32 [tilespmem:s24], [sflag:$0x5], $0x80, s13, s22, $0xb8;
	[tilespmem:$0x1D900] =	vst v63  }
0x296: {  	_ =	swait.ge [sflag:s26], $0x4000  }
0x297: {  	s12 =	sld [smem:$0x7FC]  }
0x298: {  	[sflag:s26] =	ssyncset.done $0x0  }
0x299: {  	[sflag:s26] =	ssyncadd.s32 $0xFFFFC000  }
0x29a: {  	[tilespmem:s24], [sflag:$0x2] =	stream.indirect.gather [hbm4b:s6+s22], $0x80, s12, s22, $0xb8;
	[tilespmem:$0x1D900] =	vst v63  }
0x29b: {  	_ =	swait.ge [sflag:s25], $0x4000  }
0x29c: {  	s13 =	sld [smem:$0x7FD]  }
0x29d: {  	[sflag:s25] =	ssyncset.done $0x0  }
0x29e: {  	[sflag:s25] =	ssyncadd.s32 $0xFFFFC000  }
0x29f: {  	[spmem:s3] =	stream.indirect.scatter.add.f32 [tilespmem:s23], [sflag:$0x5], $0x80, s13, s22, $0xb8;
	[tilespmem:$0x1D900] =	vst v63  }
0x2a0: {  	_ =	swait.ge [sflag:s26], $0x4000  }
0x2a1: {  	[sflag:s26] =	ssyncset.done $0x0  }
0x2a2: {  	[sflag:s26] =	ssyncadd.s32 $0xFFFFC000  }
0x2a3: {  	[tilespmem:s23], [sflag:$0x1] =	stream.indirect.gather [hbm4b:s6+s22], $0x80, s30, s22, $0xb8;
	[tilespmem:$0x1D900] =	vst v63  }
0x2a4: {  	_ =	swait.ge [sflag:s28], $0x4000  }
0x2a5: {  	[sflag:s28] =	ssyncset.done $0x0  }
0x2a6: {  	[sflag:s28] =	ssyncadd.s32 $0xFFFFC000  }
0x2a7: {  	[spmem:s3] =	stream.indirect.scatter.add.f32 [tilespmem:s24], [sflag:$0x5], $0x80, s31, s22, $0xb8;
	[tilespmem:$0x1D900] =	vst v63  }
0x2a8: {  	_ =	swait.ge [sflag:s26], $0x4000  }
0x2a9: {  	[sflag:s26] =	ssyncset.done $0x0  }
0x2aa: {  	[sflag:s26] =	ssyncadd.s32 $0xFFFFC000  }
0x2ab: {  	[tilespmem:s24], [sflag:$0x2] =	stream.indirect.gather [hbm4b:s6+s22], $0x80, s1, s22, $0xb8;
	[tilespmem:$0x1D900] =	vst v63  }
0x2ac: {  	_ =	swait.ge [sflag:s25], $0x4000  }
0x2ad: {  	[sflag:s25] =	ssyncset.done $0x0  }
0x2ae: {  	[sflag:s25] =	ssyncadd.s32 $0xFFFFC000  }
0x2af: {  	[spmem:s3] =	stream.indirect.scatter.add.f32 [tilespmem:s23], [sflag:$0x5], $0x80, s0, s22, $0xb8;
	[tilespmem:$0x1D900] =	vst v63  }
0x2b0: {  	_ =	swait.ge [sflag:s26], $0x4000  }
0x2b1: {  	[sflag:s26] =	ssyncset.done $0x0  }
0x2b2: {  	s9 =	sadd.s32 $0x200, s9;
	[sflag:s26] =	ssyncadd.s32 $0xFFFFC000  }
0x2b3: {  	p1 =	sne.s32 s9, $0xA00;
	_ =	swait.ge [sflag:s28], $0x4000  }
.Ltmp0:
0x2b4: {  	[sflag:s28] =	ssyncset.done $0x0;
	(pc) =	sbr.rel @p1 .LBB2_2-.Ltmp0, $4  }
0x2b5: {  	[sflag:s28] =	ssyncadd.s32 $0xFFFFC000  }
0x2b6: {  	[spmem:s3] =	stream.indirect.scatter.add.f32 [tilespmem:s24], [sflag:$0x5], $0x80, s7, s22, $0xb8;
	[tilespmem:$0x1D900] =	vst v63  }
0x2b7: {  	_ =	swait.ge [sflag:s26], $0x4000  }
0x2b8: {  	[sflag:s26] =	ssyncset.done $0x0  }
0x2b9: {  	[sflag:s26] =	ssyncadd.s32 $0xFFFFC000  }
0x2ba: {  	[bflag:$0x0] =	sbarrier.arrive $0xFFFF  }
0x2bb: {  	s11 =	sld [smem:$0x7E9];
	_ =	sdelay $0x1  }
0x2bc: {  	s9 =	simm.s32 @p0 $0x1FC5  }
0x2bd: {  	[hbm:s11], [sflag:s9] =	dma.local @p0 [spmem:s15], $0x2080  }
0x2be: {  	s9 =	simm.s32 @p0 $0x5  }
0x2bf: {  	_ =	swait.ge @p0 [sflag:s9], $0x2080  }
0x2c0: {  	[sflag:s9] =	ssyncset.done @p0 $0x0  }
0x2c1: {  	[sflag:s9] =	ssyncadd.s32 @p0 $0xFFFFDF80;
	s9 =	sld [smem:$0x7E5];
	_ =	sdelay $0x2  }
0x2c2: {  	[hbm:s9], [sflag:s16] =	dma.local @!p0 [spmem:s17], $0x2780  }
0x2c3: {  	s9 =	simm.s32 @!p0 $0x5  }
0x2c4: {  	_ =	swait.ge @!p0 [sflag:s9], $0x2780  }
0x2c5: {  	s14 =	sld [smem:$0x7EB];
	_ =	sdelay $0x1  }
0x2c6: {  	s8 =	sadd.s32 $0x1, s8  }
0x2c7: {  	p1 =	sne.s32 s8, s14  }
.Ltmp1:
0x2c8: {  	_ = 	snop;
	(pc) =	sbr.rel @p1 .LBB2_1-.Ltmp1, $3  }
0x2c9: {  	_ =	sdelay $0x1  }
0x2ca: {  	[sflag:s9] =	ssyncset.done @!p0 $0x0  }
0x2cb: {  	[sflag:s9] =	ssyncadd.s32 @!p0 $0xFFFFD880  }
0x2cc: {  	_ =	sfence.sel $0x180000  }
0x2cd: {  	[bflag:$0x0] =	sbarrier.arrive $0xFFFF  }
0x2ce: {  	_ =	strace $0x9000004A  }
0x2cf: {  	s0 =	stileid.u32;
	[bflag:$0x2] =	sbarrier.arrive $0xFFFF  }
0x2d0: {  	p0 =	sne.s32 s0, $0x0;
	s0 =	rddreg [dreg:$0x3]  }
0x2d1: {  	s0 =	sadd.s32 @!p0 $0x100000, s0  }
0x2d2: {  	[sflag:s0] =	ssyncadd.tile.s32 @!p0 $0x1;
	_ =	shalt  }
.Lfunc_end2:
_tile_overlayer_lowered:
.L_overlay_start_2:
0x2d3: {  	(tag) =	ssettag $0x2  }
0x2d4: {  	s0 =	rddreg [dreg:$0x0];
	s2 =	stileid.u32  }
0x2d5: {  	s1 =	rddreg [dreg:$0x1];
	p0 =	sne.s32 s2, $0x0  }
0x2d6: {  	s3 =	rddreg [dreg:$0x2];
	[bflag:$0x3] =	sbarrier.arrive $0xFFFF;
	s2 =	simm.s32 @!p0 $0x1C05  }
0x2d7: {  	[timem:s3], [sflag:s2] =	dma.local @!p0 [hbm:s0], s1  }
0x2d8: {  	s0 =	simm.s32 @!p0 $0x5  }
0x2d9: {  	_ =	swait.ge @!p0 [sflag:s0], s1  }
0x2da: {  	s1 =	ssub.s32 @!p0 $0x0, s1;
	[sflag:s0] =	ssyncset.done @!p0 $0x0  }
0x2db: {  	[sflag:s0] =	ssyncadd.s32 @!p0 s1  }
0x2dc: {  	[bflag:$0x3] =	sbarrier.arrive $0xFFFF  }
0x2dd: {  	_ =	shalt  }

// kernel: kernel.14.cloned.1.call-start
scs
__scs_entry_jumppad:
0x0: {  	(pc) =	sbr.rel $0x88, $3  }
0x1: {  	(tag) =	ssettag $0x0;
	lr =	simm.s32 $0x1  }
0x2: {  	[smem:$0x3F99] =	sst lr;
	_ =	strace $0xD0000000  }
0x3: {  	_ = 	snop  }
0x4: {  	_ = 	snop  }
0x5: {  	_ = 	snop  }
0x6: {  	_ = 	snop  }
0x7: {  	_ = 	snop  }
__scs_overlays_trampoline_lowered:
0x8: {  	[smem:$0x3FA8] =	sst s0  }
0x9: {  	[smem:$0x3FA9] =	sst s1  }
0xa: {  	[smem:$0x3FAA] =	sst s2  }
0xb: {  	[smem:$0x3FAB] =	sst s3  }
0xc: {  	[smem:$0x3FAC] =	sst s4  }
0xd: {  	[smem:$0x3FAD] =	sst s5  }
0xe: {  	[smem:$0x3FAE] =	sst s6  }
0xf: {  	[smem:$0x3FAF] =	sst s7  }
0x10: {  	[smem:$0x3FB0] =	sst s8  }
0x11: {  	[smem:$0x3FB1] =	sst s9;
	s0 =	simm.s32 @!p0 $0x0  }
0x12: {  	s1 =	sld [smem:$0x3F97];
	s0 =	simm.s32 @p0 $0x1  }
0x13: {  	[smem:$0x3FB2] =	sst s0;
	s0 =	simm.s32 @!p1 $0x0  }
0x14: {  	s2 =	sld [smem:$0x3F96];
	s0 =	simm.s32 @p1 $0x1  }
0x15: {  	[smem:$0x3FB3] =	sst s0;
	s0 =	simm.s32 @!p2 $0x0  }
0x16: {  	s3 =	sld [smem:$0x3FDB];
	s0 =	simm.s32 @p2 $0x1  }
0x17: {  	s4 =	simm.s32 $0x1BF5;
	[smem:$0x3FB5] =	sst s0  }
0x18: {  	s0 =	sld [smem:$0x3F98];
	_ =	swait.ge [sflag:s4], $0x0  }
0x19: {  	s7 =	sld [smem:$0x3F99]  }
0x1a: {  	s8 =	sadd.s32 $0xFFFFE003, lr  }
0x1b: {  	s9 =	sadd.s32 $0xFFFFFEF7, lr;
	s5 =	simm.s32 $0xFFFFFFFF;
	p2 =	slt.u32 s8, $0xFFFFF086  }
0x1c: {  	p1 =	slt.u32 s9, $0xF7A;
	s5 =	simm.s32 @!p2 $0x0  }
0x1d: {  	s5 =	simm.s32 @p1 $0x1;
	p0 =	seq.s32 s7, s2  }
0x1e: {  	s7 =	smul.u32 @!p0 $0xF7A, s2;
	p2 =	seq.s32 @!p0 s5, $0x0  }
0x1f: {  	s9 =	smul.u32 $0xF7A, s1;
	s8 =	simm.s32 @!p0 $0x1BF5;
	p2 =	por !p2, p0  }
0x20: {  	[sflag:s8] =	ssyncset.s32 @!p0 $0xFFFFF086;
	s6 =	sadd.s32 @!p0 s3, s7;
	s7 =	simm.s32 @!p0 $0x108  }
0x21: {  	s3 =	sadd.s32 s3, s9;
	s6 =	sadd.s32 @!p0 $0x88, s6;
	s7 =	simm.s32 @p2 $0x1082  }
0x22: {  	[simem:s7], [sflag:s8] =	dma.local @!p0 [hbm:s6], $0xF7A  }
0x23: {  	s9 =	sor.u32 $0xD0000000, s2;
	s6 =	simm.s32 $0x108;
	_ =	swait.ge @!p0 [sflag:s8], $0x0  }
0x24: {  	s3 =	sadd.s32 $0x88, s3;
	s6 =	simm.s32 @!p1 $0x1082;
	[sflag:s4] =	ssyncset.s32 $0xFFFFF086  }
0x25: {  	[simem:s6], [sflag:s4] =	dma.local [hbm:s3], $0xF7A  }
0x26: {  	[smem:$0x3F99] =	sst s1;
	(tag) =	ssettag s2;
	_ =	strace s9  }
0x27: {  	s1 =	sld [smem:$0x3FA9]  }
0x28: {  	s2 =	sld [smem:$0x3FAA]  }
0x29: {  	s4 =	sld [smem:$0x3FAC]  }
0x2a: {  	p0 =	seq.s32 s5, $0x0;
	s5 =	sld [smem:$0x3FAD]  }
0x2b: {  	s6 =	sld [smem:$0x3FAE]  }
0x2c: {  	s7 =	sld [smem:$0x3FAF]  }
0x2d: {  	s3 =	simm.s32 $0x108;
	s8 =	sld [smem:$0x3FB0]  }
0x2e: {  	s3 =	simm.s32 @!p0 $0x1082;
	s9 =	sld [smem:$0x3FB1]  }
0x2f: {  	lr =	sadd.s32 s0, s3;
	s0 =	sld [smem:$0x3FA8]  }
0x30: {  	s3 =	sld [smem:$0x3FAB]  }
0x31: {  	[smem:$0x3FB4] =	sst s10  }
0x32: {  	s10 =	sld [smem:$0x3FB2];
	_ =	sdelay $0x3  }
0x33: {  	p0 =	seq.s32 s10, $0x1;
	s10 =	sld [smem:$0x3FB4];
	_ =	sdelay $0x3  }
0x34: {  	[smem:$0x3FB4] =	sst s10  }
0x35: {  	s10 =	sld [smem:$0x3FB3];
	_ =	sdelay $0x3  }
0x36: {  	p1 =	seq.s32 s10, $0x1;
	s10 =	sld [smem:$0x3FB4];
	_ =	sdelay $0x3  }
0x37: {  	[smem:$0x3FB4] =	sst s10  }
0x38: {  	s10 =	sld [smem:$0x3FB5]  }
0x39: {  	_ = 	snop;
	(pc) =	sbr.ind lr, $3  }
0x3a: {  	_ = 	snop  }
0x3b: {  	_ = 	snop  }
0x3c: {  	p2 =	seq.s32 s10, $0x1;
	s10 =	sld [smem:$0x3FB4]  }
0x3d: {  	_ =	shalt  }
0x3e: {  	_ =	shalt  }
0x3f: {  	_ =	shalt  }
0x40: {  	_ =	shalt  }
0x41: {  	_ =	shalt  }
0x42: {  	_ =	shalt  }
0x43: {  	_ =	shalt  }
0x44: {  	_ =	shalt  }
0x45: {  	_ =	shalt  }
0x46: {  	_ =	shalt  }
0x47: {  	_ =	shalt  }
0x48: {  	_ =	shalt  }
0x49: {  	_ =	shalt  }
0x4a: {  	_ =	shalt  }
0x4b: {  	_ =	shalt  }
0x4c: {  	_ =	shalt  }
0x4d: {  	_ =	shalt  }
0x4e: {  	_ =	shalt  }
0x4f: {  	_ =	shalt  }
0x50: {  	_ =	shalt  }
0x51: {  	_ =	shalt  }
0x52: {  	_ =	shalt  }
0x53: {  	_ =	shalt  }
0x54: {  	_ =	shalt  }
0x55: {  	_ =	shalt  }
0x56: {  	_ =	shalt  }
0x57: {  	_ =	shalt  }
0x58: {  	_ =	shalt  }
0x59: {  	_ =	shalt  }
0x5a: {  	_ =	shalt  }
0x5b: {  	_ =	shalt  }
0x5c: {  	_ =	shalt  }
0x5d: {  	_ =	shalt  }
0x5e: {  	_ =	shalt  }
0x5f: {  	_ =	shalt  }
0x60: {  	_ =	shalt  }
0x61: {  	_ =	shalt  }
0x62: {  	_ =	shalt  }
0x63: {  	_ =	shalt  }
0x64: {  	_ =	shalt  }
0x65: {  	_ =	shalt  }
0x66: {  	_ =	shalt  }
0x67: {  	_ =	shalt  }
0x68: {  	_ =	shalt  }
0x69: {  	_ =	shalt  }
0x6a: {  	_ =	shalt  }
0x6b: {  	_ =	shalt  }
0x6c: {  	_ =	shalt  }
0x6d: {  	_ =	shalt  }
0x6e: {  	_ =	shalt  }
0x6f: {  	_ =	shalt  }
0x70: {  	_ =	shalt  }
0x71: {  	_ =	shalt  }
0x72: {  	_ =	shalt  }
0x73: {  	_ =	shalt  }
0x74: {  	_ =	shalt  }
0x75: {  	_ =	shalt  }
0x76: {  	_ =	shalt  }
0x77: {  	_ =	shalt  }
0x78: {  	_ =	shalt  }
0x79: {  	_ =	shalt  }
0x7a: {  	_ =	shalt  }
0x7b: {  	_ =	shalt  }
0x7c: {  	_ =	shalt  }
0x7d: {  	_ =	shalt  }
0x7e: {  	_ =	shalt  }
0x7f: {  	_ =	shalt  }
0x80: {  	_ =	shalt  }
0x81: {  	_ =	shalt  }
0x82: {  	_ =	shalt  }
0x83: {  	_ =	shalt  }
0x84: {  	_ =	shalt  }
0x85: {  	_ =	shalt  }
0x86: {  	_ =	shalt  }
0x87: {  	_ =	shalt  }
.Lfunc_end0:
.L_simem_size_0:
called_computation.2_lowered:
.L_overlay_start_0:
0x88: {  	s2 =	sld [smem:$0x3FD9]  }
0x89: {  	s3 =	sld [smem:$0x3FFE];
	_ =	sdelay $0x1  }
0x8a: {  	s1 =	srdreg.scid  }
0x8b: {  	s0 =	sand.u32 $0x1, s1  }
0x8c: {  	s14 =	sshll.u32 s0, $0xA;
	s2 =	sadd.s32 s3, s2  }
0x8d: {  	s2 =	sadd.s32 s2, s14  }
0x8e: {  	[smem:$0x3FC0] =	sst s2  }
0x8f: {  	_ = 	snop  }
0x90: {  	s2 =	sld [smem:$0x3FD0];
	_ =	sdelay $0x2  }
0x91: {  	s15 =	simm.s32 $0xA;
	s4 =	simm.s32 $0x10  }
0x92: {  	[smem:s4], [sflag:s15] =	dma.local [hbm:s2], $0x1  }
0x93: {  	_ =	swait.eq [sflag:s15], $0x1  }
0x94: {  	[sflag:s15] =	ssyncset.done $0x0  }
0x95: {  	[sflag:s15] =	ssyncadd.s32 $0xFFFFFFFF  }
0x96: {  	s16 =	sld [smem:$0x11];
	(tm) =	ssettm $0x1  }
0x97: {  	s17 =	sld [smem:$0x3FFB];
	_ =	sdelay $0x3  }
0x98: {  	_ =	strace s17  }
0x99: {  	s3 =	sld [smem:$0x3FFC];
	_ =	sdelay $0x3  }
0x9a: {  	_ =	strace s3  }
0x9b: {  	s3 =	sld [smem:$0x3FFD];
	_ =	sdelay $0x3  }
0x9c: {  	_ =	strace s3  }
0x9d: {  	_ =	strace $0x8FFFFFFF  }
0x9e: {  	s18 =	sld [smem:$0x3FDB];
	_ =	sdelay $0x1  }
0x9f: {  	s19 =	simm.s32 $_scs_section_size  }
0xa0: {  	s5 =	simm.s32 $_size__tile_overlayer_lowered;
	s6 =	simm.s32 $_tile_overlayer_lowered  }
0xa1: {  	s22 =	simm.s32 $0x1BFF;
	s21 =	sshll.u32 s6, $0x1;
	s3 =	sadd.s32 s19, s18  }
0xa2: {  	s7 =	simm.s32 $0x0;
	s20 =	sshll.u32 s5, $0x1;
	s5 =	sadd.s32 s21, s3  }
0xa3: {  	[timem:s7], [sflag:s22] =	dma.local [hbm:s5], s20  }
0xa4: {  	_ =	swait.ge [sflag:s22], s20  }
0xa5: {  	s4 =	ssub.s32 $0x0, s20;
	[sflag:s22] =	ssyncset.done $0x0  }
0xa6: {  	[sflag:s22] =	ssyncadd.s32 s4;
	_ =	sdelay $0x1  }
0xa7: {  	s23 =	simm.s32 $0x1B8B  }
0xa8: {  	_ =	swait.ge [sflag:s23], $0x1  }
0xa9: {  	[sflag:s23] =	ssyncset.done $0x0  }
0xaa: {  	s25 =	simm.s32 $0x1B8E;
	s24 =	sld [smem:$0x3FFE];
	[sflag:s23] =	ssyncadd.s32 $0xFFFFFFFF  }
0xab: {  	s26 =	simm.s32 $execute0_lowered;
	[smem:$0x3FD2] =	sst s25  }
0xac: {  	s5 =	sshll.u32 s26, $0x1;
	_ =	strace $0x8000004C;
	[dreg:$0x1] =	wrdreg $0xFFFFFFFF  }
0xad: {  	s28 =	simm.s32 $_size_execute0_lowered;
	s3 =	sadd.s32 s3, s5;
	[dreg:$0x0] =	wrdreg $0x0  }
0xae: {  	s5 =	sshll.u32 s28, $0x1;
	[dreg:$0x2] =	wrdreg s3  }
0xaf: {  	[dreg:$0x3] =	wrdreg s5  }
0xb0: {  	[dreg:$0x4] =	wrdreg $0xC0  }
0xb1: {  	_ =	task [dreg:s7], $0x5FFFF  }
0xb2: {  	[dreg:$0x1] =	wrdreg $0xFFFFFFFF  }
0xb3: {  	[dreg:$0x0] =	wrdreg $0x60  }
0xb4: {  	[dreg:$0x2] =	wrdreg s24  }
0xb5: {  	[dreg:$0x3] =	wrdreg s16  }
0xb6: {  	[dreg:$0x4] =	wrdreg $0xA0000  }
0xb7: {  	[dreg:$0x5] =	wrdreg $0x9  }
0xb8: {  	_ =	task.clear_ibuf [dreg:s7], $0x6FFFF;
	_ =	strace $0x9000004C  }
0xb9: {  	s29 =	simm.s32 $0x9;
	_ =	strace $0x8000004E  }
0xba: {  	_ =	swait.ge [sflag:s29], $0x1  }
0xbb: {  	[sflag:s29] =	ssyncadd.s32 $0xFFFFFFFF  }
0xbc: {  	_ =	strace $0x9000004E  }
0xbd: {  	_ =	sfence  }
0xbe: {  	s30 =	sld [smem:$0x0];
	_ =	sdelay $0x2  }
0xbf: {  	s31 =	sshll.u32 s1, $0xD;
	s1 =	sshrl.u32 s1, $0x2  }
0xc0: {  	s3 =	sand.u32 $0x4000, s31;
	s1 =	sadd.s32 s1, s30  }
0xc1: {  	s0 =	sor.u32 s3, s0;
	s1 =	sshll.u32 s1, $0x11  }
0xc2: {  	s0 =	sor.u32 s1, s0  }
0xc3: {  	s0 =	sadd.s32 $0x8F2B, s0  }
0xc4: {  	[sflag:s0] =	ssyncadd.remote.s32 $0x1  }
0xc5: {  	_ =	sfence.sel $0xFFFF  }
0xc6: {  	[dreg:$0x0] =	wrdreg $0xFFFFFFFF;
	(pc) =	sbr.abs _section_cstart, $3  }
0xc7: {  	[dreg:$0x1] =	wrdreg $0xFFFFFFFF  }
0xc8: {  	_ =	task.clear_ibuf [dreg:s7], $0x2FFFF;
	_ =	strace $0x9FFFFFFF  }
0xc9: {  	(tm) =	ssettm $0x7FFFFFFF  }
tec
execute0_lowered:
.L_overlay_start_1:
0x0: {  	(tag) =	ssettag $0x1  }
0x1: {  	s0 =	srdreg.scid;
	s16 =	stileid.u32  }
0x2: {  	s1 =	sand.u32 $0x1, s0;
	s4 =	smul.u32 $0x5000, s16  }
0x3: {  	s6 =	rddreg [dreg:$0x0];
	s0 =	smul.u32 $0x50000, s1  }
0x4: {  	s2 =	rddreg [dreg:$0x1]  }
0x5: {  	s3 =	rddreg [dreg:$0x2];
	s0 =	sadd.s32 s4, s0;
	s4 =	simm.s32 $0x0  }
0x6: {  	s25 =	simm.s32 $0x100;
	[smem:$0x7FF] =	sst s4  }
0x7: {  	s26 =	simm.s32 $0x880;
	_ =	strace $0x8000004D;
	[dreg:$0x6] =	wrdreg s25  }
0x8: {  	s9 =	simm.s32 $0x900;
	[dreg:$0x7] =	wrdreg s26  }
0x9: {  	s10 =	simm.s32 $0x200;
	[dreg:$0x9] =	wrdreg s9  }
0xa: {  	s11 =	simm.s32 $0x980;
	[dreg:$0xa] =	wrdreg s10  }
0xb: {  	s12 =	simm.s32 $0x280;
	[dreg:$0xb] =	wrdreg s11  }
0xc: {  	s13 =	simm.s32 $0xA00;
	[dreg:$0xc] =	wrdreg s12  }
0xd: {  	s14 =	simm.s32 $0x300;
	[dreg:$0xd] =	wrdreg s13  }
0xe: {  	s15 =	simm.s32 $0xA80;
	[dreg:$0xe] =	wrdreg s14  }
0xf: {  	s17 =	simm.s32 $0x380;
	[dreg:$0xf] =	wrdreg s15  }
0x10: {  	s18 =	simm.s32 $0xB00;
	[dreg:$0x10] =	wrdreg s17  }
0x11: {  	s19 =	simm.s32 $0x400;
	[dreg:$0x11] =	wrdreg s18  }
0x12: {  	s20 =	simm.s32 $0xB80;
	[dreg:$0x12] =	wrdreg s19  }
0x13: {  	s21 =	simm.s32 $0x480;
	[dreg:$0x13] =	wrdreg s20  }
0x14: {  	s23 =	simm.s32 $0xC00;
	[dreg:$0x14] =	wrdreg s21  }
0x15: {  	s24 =	simm.s32 $0xC80;
	[dreg:$0x15] =	wrdreg s23  }
0x16: {  	s9 =	simm.s32 $0x500;
	[dreg:$0x17] =	wrdreg s24  }
0x17: {  	s25 =	simm.s32 $0x580;
	[dreg:$0x16] =	wrdreg s9  }
0x18: {  	s11 =	simm.s32 $0xD00;
	[dreg:$0x18] =	wrdreg s25  }
0x19: {  	s12 =	simm.s32 $0x600;
	[dreg:$0x19] =	wrdreg s11  }
0x1a: {  	s28 =	simm.s32 $0x2;
	s13 =	simm.s32 $0xD80;
	[dreg:$0x1a] =	wrdreg s12  }
0x1b: {  	s29 =	simm.s32 $0x4;
	s14 =	simm.s32 $0x680;
	[dreg:$0x1b] =	wrdreg s13  }
0x1c: {  	s30 =	simm.s32 $0x1700;
	s17 =	simm.s32 $0xE00;
	[dreg:$0x1c] =	wrdreg s14  }
0x1d: {  	s31 =	simm.s32 $0x1E80;
	s18 =	simm.s32 $0x700;
	[dreg:$0x1d] =	wrdreg s17  }
0x1e: {  	p0 =	seq.s32 s16, $0xF;
	s19 =	simm.s32 $0xE80;
	[dreg:$0x1e] =	wrdreg s18  }
0x1f: {  	s22 =	smul.u32 $0x27100, s1;
	s20 =	simm.s32 $0x780;
	[dreg:$0x1f] =	wrdreg s19  }
0x20: {  	s5 =	sor.u32 $0x800, s0;
	s21 =	simm.s32 $0xF00;
	[smem:$0x7DB] =	sst s20  }
0x21: {  	s7 =	sshrl.u32 s5, $0x3;
	s23 =	simm.s32 $0x1080;
	[smem:$0x7DC] =	sst s21  }
0x22: {  	s5 =	sadd.s32 $0x51A00, s6;
	s24 =	simm.s32 $0x1100;
	[smem:$0x7DF] =	sst s23  }
0x23: {  	s26 =	ssub.s32 $0x2, s1;
	s8 =	sadd.s32 s7, s2;
	[smem:$0x7E0] =	sst s24  }
0x24: {  	s1 =	smul.u32 $0x138800, s1;
	s7 =	sadd.s32 s7, s5;
	[dreg:$0x4] =	wrdreg s8  }
0x25: {  	s9 =	sadd.s32 $0xB3C00, s6;
	s18 =	simm.s32 $0x1900;
	[dreg:$0x5] =	wrdreg s7  }
0x26: {  	s10 =	sshrl.u32 s26, $0x1;
	s19 =	simm.s32 $0x1200;
	[smem:$0x7E4] =	sst s18  }
0x27: {  	s11 =	smul.u32 $0x4F000, s16;
	s20 =	simm.s32 $0x1980;
	[smem:$0x7E6] =	sst s19  }
0x28: {  	s12 =	smul.u32 $0x2780, s16;
	s21 =	simm.s32 $0x1280;
	[smem:$0x7E7] =	sst s20  }
0x29: {  	s14 =	sadd.s32 $0x128400, s3;
	s23 =	simm.s32 $0x1300;
	[smem:$0x7E8] =	sst s21  }
0x2a: {  	s13 =	sshrl.u32 s0, $0x3;
	s8 =	simm.s32 $0x180;
	[smem:$0x7EC] =	sst s23  }
0x2b: {  	s7 =	sadd.s32 s22, s6;
	s22 =	simm.s32 $0xF80;
	[dreg:$0x8] =	wrdreg s8  }
0x2c: {  	s10 =	ssub.s32 s26, s10;
	s26 =	simm.s32 $0x1880;
	[smem:$0x7DE] =	sst s22  }
0x2d: {  	s25 =	smul.u32 $0x13C00, s16;
	s18 =	simm.s32 $0x1C00;
	[smem:$0x7E2] =	sst s26  }
0x2e: {  	s19 =	simm.s32 $0x1500;
	s20 =	simm.s32 $0x1C80;
	[smem:$0x7F5] =	sst s18  }
0x2f: {  	s21 =	simm.s32 $0x1580;
	s23 =	simm.s32 $0x1600;
	[smem:$0x7F6] =	sst s19  }
0x30: {  	s15 =	sshrl.u32 s11, $0x2;
	s6 =	sadd.s32 $0x65A00, s7;
	[smem:$0x7F7] =	sst s20  }
0x31: {  	s17 =	sadd.s32 s25, s1;
	s1 =	sshrl.u32 s1, $0x3;
	[smem:$0x7F8] =	sst s21  }
0x32: {  	s22 =	simm.s32 $0x1A00;
	s24 =	smax.u32 s10, $0x1;
	[smem:$0x7FA] =	sst s23  }
0x33: {  	s25 =	simm.s32 $0x1A80;
	s10 =	simm.s32 $0x1380;
	[smem:$0x7EA] =	sst s22  }
0x34: {  	s7 =	sadd.s32 $0x8AA80, s7;
	s11 =	simm.s32 $0x1B00;
	[smem:$0x7EB] =	sst s24  }
0x35: {  	s18 =	simm.s32 $0x800;
	s19 =	simm.s32 $0x3;
	[smem:$0x7EE] =	sst s25  }
0x36: {  	s20 =	simm.s32 $0x1000;
	s21 =	simm.s32 $0x1800;
	[smem:$0x7EF] =	sst s7  }
0x37: {  	s23 =	simm.s32 $0x2000;
	s8 =	sadd.s32 s15, s3;
	[smem:$0x7F0] =	sst s10  }
0x38: {  	s15 =	sadd.s32 s5, s13;
	s13 =	sadd.s32 s2, s13;
	[smem:$0x7F1] =	sst s11  }
0x39: {  	s1 =	sadd.s32 s9, s1;
	s26 =	sadd.s32 s12, s6;
	[smem:$0x7DD] =	sst s15  }
0x3a: {  	s10 =	sadd.s32 $0x1000, s0;
	s12 =	simm.s32 $0x1400;
	[smem:$0x7E1] =	sst s13  }
0x3b: {  	s22 =	simm.s32 $0x1D00;
	s24 =	simm.s32 $0x1D80;
	[smem:$0x7ED] =	sst s26  }
0x3c: {  	s25 =	simm.s32 $0x1680;
	s0 =	simm.s32 $0x1F00;
	[smem:$0x7F2] =	sst s12  }
0x3d: {  	s7 =	simm.s32 $0x1F80;
	s13 =	simm.s32 $0x1180;
	[smem:$0x7F9] =	sst s22  }
0x3e: {  	s1 =	sadd.s32 $0x25080, s1;
	s15 =	sshrl.u32 @p0 s14, $0x3;
	[smem:$0x7FB] =	sst s24  }
0x3f: {  	s22 =	simm.s32 $0x80;
	[smem:$0x7FC] =	sst s25;
	s26 =	simm.s32 $0x1E00  }
0x40: {  	s24 =	simm.s32 $0x6000;
	s25 =	simm.s32 $0x1;
	[smem:$0x7E3] =	sst s13  }
0x41: {  	s13 =	sshrl.u32 s17, $0x3;
	[smem:$0x7E9] =	sst s1;
	s17 =	simm.s32 $0x1480  }
0x42: {  	s1 =	sshll.u32 @!p0 s16, $0x6;
	[smem:$0x7FD] =	sst s26;
	s26 =	simm.s32 $0x5  }
0x43: {  	s13 =	sadd.s32 s9, s13;
	[smem:$0x7F4] =	sst s17;
	s16 =	sor.u32 @!p0 $0x1C05, s1  }
0x44: {  	s17 =	sshrl.u32 @!p0 s8, $0x3;
	[smem:$0x7E5] =	sst s13;
	s13 =	simm.s32 $0x1B80  }
0x45: {  	s1 =	simm.s32 $0x1780;
	s8 =	simm.s32 $0x0;
	[smem:$0x7F3] =	sst s13  }
.LBB2_1:
0x46: {  	s11 =	sld [smem:$0x7EF];
	_ =	sdelay $0x1  }
0x47: {  	s9 =	simm.s32 @p0 $0x1FC5  }
0x48: {  	[spmem:s15], [sflag:s9] =	dma.local @p0 [hbm:s11], $0x2080  }
0x49: {  	s9 =	simm.s32 @p0 $0x5  }
0x4a: {  	_ =	swait.ge @p0 [sflag:s9], $0x2080  }
0x4b: {  	[sflag:s9] =	ssyncset.done @p0 $0x0  }
0x4c: {  	[sflag:s9] =	ssyncadd.s32 @p0 $0xFFFFDF80;
	s9 =	sld [smem:$0x7ED];
	_ =	sdelay $0x2  }
0x4d: {  	[spmem:s17], [sflag:s16] =	dma.local @!p0 [hbm:s9], $0x2780  }
0x4e: {  	s9 =	simm.s32 @!p0 $0x5  }
0x4f: {  	_ =	swait.ge @!p0 [sflag:s9], $0x2780  }
0x50: {  	[sflag:s9] =	ssyncset.done @!p0 $0x0  }
0x51: {  	[sflag:s9] =	ssyncadd.s32 @!p0 $0xFFFFD880  }
0x52: {  	[bflag:$0x0] =	sbarrier.arrive $0xFFFF  }
0x53: {  	s11 =	sld [smem:$0x7DD];
	_ =	sdelay $0x1  }
0x54: {  	s12 =	sld [smem:$0x7E1]  }
0x55: {  	[tilespmem:s4], [sflag:$0x3] =	stream.linear.gather [hbm4b:s11+s4], $0x800, $0x38;
	[tilespmem:$0x1D900] =	vst v63  }
0x56: {  	_ = 	snop  }
0x57: {  	[tilespmem:s18], [sflag:$0x3] =	stream.linear.gather [hbm4b:s12+s4], $0x800, $0x38;
	[tilespmem:$0x1D900] =	vst v63  }
0x58: {  	_ =	swait.ge [sflag:s19], $0x800  }
0x59: {  	[sflag:s19] =	ssyncset.done $0x0  }
0x5a: {  	[sflag:s19] =	ssyncadd.s32 $0xFFFFF800  }
0x5b: {  	_ =	swait.ge [sflag:s19], $0x800  }
0x5c: {  	s13 =	rddreg [dreg:$0x5];
	[sflag:s19] =	ssyncset.done $0x0  }
0x5d: {  	s14 =	rddreg [dreg:$0x4];
	[sflag:s19] =	ssyncadd.s32 $0xFFFFF800;
	s9 =	sadd.s32 $0x0, s13  }
0x5e: {  	[tilespmem:s20], [sflag:$0x4] =	stream.linear.gather [hbm4b:s9+s4], $0x800, $0x38;
	[tilespmem:$0x1D900] =	vst v63  }
0x5f: {  	s12 =	sadd.s32 $0x0, s14  }
0x60: {  	[tilespmem:s21], [sflag:$0x4] =	stream.linear.gather [hbm4b:s12+s4], $0x800, $0x38;
	[tilespmem:$0x1D900] =	vst v63  }
0x61: {  	_ = 	snop  }
0x62: {  	[tilespmem:s23], [sflag:$0x1] =	stream.indirect.gather [hbm4b:s6+s22], $0x80, s4, s22, $0xb8;
	[tilespmem:$0x1D900] =	vst v63  }
0x63: {  	_ = 	snop  }
0x64: {  	[tilespmem:s24], [sflag:$0x2] =	stream.indirect.gather [hbm4b:s6+s22], $0x80, s22, s22, $0xb8;
	[tilespmem:$0x1D900] =	vst v63  }
0x65: {  	_ =	swait.ge [sflag:s25], $0x4000  }
0x66: {  	[sflag:s25] =	ssyncset.done $0x0  }
0x67: {  	[sflag:s25] =	ssyncadd.s32 $0xFFFFC000  }
0x68: {  	[spmem:s3] =	stream.indirect.scatter.add.f32 [tilespmem:s23], [sflag:$0x5], $0x80, s18, s22, $0xb8;
	[tilespmem:$0x1D900] =	vst v63  }
0x69: {  	_ =	swait.ge [sflag:s26], $0x4000  }
0x6a: {  	[sflag:s26] =	ssyncset.done $0x0  }
0x6b: {  	s13 =	rddreg [dreg:$0x6];
	[sflag:s26] =	ssyncadd.s32 $0xFFFFC000  }
0x6c: {  	[tilespmem:s23], [sflag:$0x1] =	stream.indirect.gather [hbm4b:s6+s22], $0x80, s13, s22, $0xb8;
	[tilespmem:$0x1D900] =	vst v63  }
0x6d: {  	_ =	swait.ge [sflag:s28], $0x4000  }
0x6e: {  	[sflag:s28] =	ssyncset.done $0x0  }
0x6f: {  	s14 =	rddreg [dreg:$0x7];
	[sflag:s28] =	ssyncadd.s32 $0xFFFFC000  }
0x70: {  	[spmem:s3] =	stream.indirect.scatter.add.f32 [tilespmem:s24], [sflag:$0x5], $0x80, s14, s22, $0xb8;
	[tilespmem:$0x1D900] =	vst v63  }
0x71: {  	_ =	swait.ge [sflag:s26], $0x4000  }
0x72: {  	[sflag:s26] =	ssyncset.done $0x0  }
0x73: {  	s11 =	rddreg [dreg:$0x8];
	[sflag:s26] =	ssyncadd.s32 $0xFFFFC000  }
0x74: {  	[tilespmem:s24], [sflag:$0x2] =	stream.indirect.gather [hbm4b:s6+s22], $0x80, s11, s22, $0xb8;
	[tilespmem:$0x1D900] =	vst v63  }
0x75: {  	_ =	swait.ge [sflag:s25], $0x4000  }
0x76: {  	[sflag:s25] =	ssyncset.done $0x0  }
0x77: {  	s12 =	rddreg [dreg:$0x9];
	[sflag:s25] =	ssyncadd.s32 $0xFFFFC000  }
0x78: {  	[spmem:s3] =	stream.indirect.scatter.add.f32 [tilespmem:s23], [sflag:$0x5], $0x80, s12, s22, $0xb8;
	[tilespmem:$0x1D900] =	vst v63  }
0x79: {  	_ =	swait.ge [sflag:s26], $0x4000  }
0x7a: {  	[sflag:s26] =	ssyncset.done $0x0  }
0x7b: {  	s13 =	rddreg [dreg:$0xa];
	[sflag:s26] =	ssyncadd.s32 $0xFFFFC000  }
0x7c: {  	[tilespmem:s23], [sflag:$0x1] =	stream.indirect.gather [hbm4b:s6+s22], $0x80, s13, s22, $0xb8;
	[tilespmem:$0x1D900] =	vst v63  }
0x7d: {  	_ =	swait.ge [sflag:s28], $0x4000  }
0x7e: {  	[sflag:s28] =	ssyncset.done $0x0  }
0x7f: {  	s14 =	rddreg [dreg:$0xb];
	[sflag:s28] =	ssyncadd.s32 $0xFFFFC000  }
0x80: {  	[spmem:s3] =	stream.indirect.scatter.add.f32 [tilespmem:s24], [sflag:$0x5], $0x80, s14, s22, $0xb8;
	[tilespmem:$0x1D900] =	vst v63  }
0x81: {  	_ =	swait.ge [sflag:s26], $0x4000  }
0x82: {  	[sflag:s26] =	ssyncset.done $0x0  }
0x83: {  	s11 =	rddreg [dreg:$0xc];
	[sflag:s26] =	ssyncadd.s32 $0xFFFFC000  }
0x84: {  	[tilespmem:s24], [sflag:$0x2] =	stream.indirect.gather [hbm4b:s6+s22], $0x80, s11, s22, $0xb8;
	[tilespmem:$0x1D900] =	vst v63  }
0x85: {  	_ =	swait.ge [sflag:s25], $0x4000  }
0x86: {  	[sflag:s25] =	ssyncset.done $0x0  }
0x87: {  	s12 =	rddreg [dreg:$0xd];
	[sflag:s25] =	ssyncadd.s32 $0xFFFFC000  }
0x88: {  	[spmem:s3] =	stream.indirect.scatter.add.f32 [tilespmem:s23], [sflag:$0x5], $0x80, s12, s22, $0xb8;
	[tilespmem:$0x1D900] =	vst v63  }
0x89: {  	_ =	swait.ge [sflag:s26], $0x4000  }
0x8a: {  	[sflag:s26] =	ssyncset.done $0x0  }
0x8b: {  	s13 =	rddreg [dreg:$0xe];
	[sflag:s26] =	ssyncadd.s32 $0xFFFFC000  }
0x8c: {  	[tilespmem:s23], [sflag:$0x1] =	stream.indirect.gather [hbm4b:s6+s22], $0x80, s13, s22, $0xb8;
	[tilespmem:$0x1D900] =	vst v63  }
0x8d: {  	_ =	swait.ge [sflag:s28], $0x4000  }
0x8e: {  	[sflag:s28] =	ssyncset.done $0x0  }
0x8f: {  	s14 =	rddreg [dreg:$0xf];
	[sflag:s28] =	ssyncadd.s32 $0xFFFFC000  }
0x90: {  	[spmem:s3] =	stream.indirect.scatter.add.f32 [tilespmem:s24], [sflag:$0x5], $0x80, s14, s22, $0xb8;
	[tilespmem:$0x1D900] =	vst v63  }
0x91: {  	_ =	swait.ge [sflag:s26], $0x4000  }
0x92: {  	[sflag:s26] =	ssyncset.done $0x0  }
0x93: {  	s11 =	rddreg [dreg:$0x10];
	[sflag:s26] =	ssyncadd.s32 $0xFFFFC000  }
0x94: {  	[tilespmem:s24], [sflag:$0x2] =	stream.indirect.gather [hbm4b:s6+s22], $0x80, s11, s22, $0xb8;
	[tilespmem:$0x1D900] =	vst v63  }
0x95: {  	_ =	swait.ge [sflag:s25], $0x4000  }
0x96: {  	[sflag:s25] =	ssyncset.done $0x0  }
0x97: {  	s12 =	rddreg [dreg:$0x11];
	[sflag:s25] =	ssyncadd.s32 $0xFFFFC000  }
0x98: {  	[spmem:s3] =	stream.indirect.scatter.add.f32 [tilespmem:s23], [sflag:$0x5], $0x80, s12, s22, $0xb8;
	[tilespmem:$0x1D900] =	vst v63  }
0x99: {  	_ =	swait.ge [sflag:s26], $0x4000  }
0x9a: {  	[sflag:s26] =	ssyncset.done $0x0  }
0x9b: {  	s13 =	rddreg [dreg:$0x12];
	[sflag:s26] =	ssyncadd.s32 $0xFFFFC000  }
0x9c: {  	[tilespmem:s23], [sflag:$0x1] =	stream.indirect.gather [hbm4b:s6+s22], $0x80, s13, s22, $0xb8;
	[tilespmem:$0x1D900] =	vst v63  }
0x9d: {  	_ =	swait.ge [sflag:s28], $0x4000  }
0x9e: {  	[sflag:s28] =	ssyncset.done $0x0  }
0x9f: {  	s14 =	rddreg [dreg:$0x13];
	[sflag:s28] =	ssyncadd.s32 $0xFFFFC000  }
0xa0: {  	[spmem:s3] =	stream.indirect.scatter.add.f32 [tilespmem:s24], [sflag:$0x5], $0x80, s14, s22, $0xb8;
	[tilespmem:$0x1D900] =	vst v63  }
0xa1: {  	_ =	swait.ge [sflag:s26], $0x4000  }
0xa2: {  	[sflag:s26] =	ssyncset.done $0x0  }
0xa3: {  	s11 =	rddreg [dreg:$0x14];
	[sflag:s26] =	ssyncadd.s32 $0xFFFFC000  }
0xa4: {  	[tilespmem:s24], [sflag:$0x2] =	stream.indirect.gather [hbm4b:s6+s22], $0x80, s11, s22, $0xb8;
	[tilespmem:$0x1D900] =	vst v63  }
0xa5: {  	_ =	swait.ge [sflag:s25], $0x4000  }
0xa6: {  	[sflag:s25] =	ssyncset.done $0x0  }
0xa7: {  	s12 =	rddreg [dreg:$0x15];
	[sflag:s25] =	ssyncadd.s32 $0xFFFFC000  }
0xa8: {  	[spmem:s3] =	stream.indirect.scatter.add.f32 [tilespmem:s23], [sflag:$0x5], $0x80, s12, s22, $0xb8;
	[tilespmem:$0x1D900] =	vst v63  }
0xa9: {  	_ =	swait.ge [sflag:s26], $0x4000  }
0xaa: {  	[sflag:s26] =	ssyncset.done $0x0  }
0xab: {  	s13 =	rddreg [dreg:$0x16];
	[sflag:s26] =	ssyncadd.s32 $0xFFFFC000  }
0xac: {  	[tilespmem:s23], [sflag:$0x1] =	stream.indirect.gather [hbm4b:s6+s22], $0x80, s13, s22, $0xb8;
	[tilespmem:$0x1D900] =	vst v63  }
0xad: {  	_ =	swait.ge [sflag:s28], $0x4000  }
0xae: {  	[sflag:s28] =	ssyncset.done $0x0  }
0xaf: {  	s14 =	rddreg [dreg:$0x17];
	[sflag:s28] =	ssyncadd.s32 $0xFFFFC000  }
0xb0: {  	[spmem:s3] =	stream.indirect.scatter.add.f32 [tilespmem:s24], [sflag:$0x5], $0x80, s14, s22, $0xb8;
	[tilespmem:$0x1D900] =	vst v63  }
0xb1: {  	_ =	swait.ge [sflag:s26], $0x4000  }
0xb2: {  	[sflag:s26] =	ssyncset.done $0x0  }
0xb3: {  	s11 =	rddreg [dreg:$0x18];
	[sflag:s26] =	ssyncadd.s32 $0xFFFFC000  }
0xb4: {  	[tilespmem:s24], [sflag:$0x2] =	stream.indirect.gather [hbm4b:s6+s22], $0x80, s11, s22, $0xb8;
	[tilespmem:$0x1D900] =	vst v63  }
0xb5: {  	_ =	swait.ge [sflag:s25], $0x4000  }
0xb6: {  	[sflag:s25] =	ssyncset.done $0x0  }
0xb7: {  	s12 =	rddreg [dreg:$0x19];
	[sflag:s25] =	ssyncadd.s32 $0xFFFFC000  }
0xb8: {  	[spmem:s3] =	stream.indirect.scatter.add.f32 [tilespmem:s23], [sflag:$0x5], $0x80, s12, s22, $0xb8;
	[tilespmem:$0x1D900] =	vst v63  }
0xb9: {  	_ =	swait.ge [sflag:s26], $0x4000  }
0xba: {  	[sflag:s26] =	ssyncset.done $0x0  }
0xbb: {  	s13 =	rddreg [dreg:$0x1a];
	[sflag:s26] =	ssyncadd.s32 $0xFFFFC000  }
0xbc: {  	[tilespmem:s23], [sflag:$0x1] =	stream.indirect.gather [hbm4b:s6+s22], $0x80, s13, s22, $0xb8;
	[tilespmem:$0x1D900] =	vst v63  }
0xbd: {  	_ =	swait.ge [sflag:s28], $0x4000  }
0xbe: {  	[sflag:s28] =	ssyncset.done $0x0  }
0xbf: {  	s14 =	rddreg [dreg:$0x1b];
	[sflag:s28] =	ssyncadd.s32 $0xFFFFC000  }
0xc0: {  	[spmem:s3] =	stream.indirect.scatter.add.f32 [tilespmem:s24], [sflag:$0x5], $0x80, s14, s22, $0xb8;
	[tilespmem:$0x1D900] =	vst v63  }
0xc1: {  	_ =	swait.ge [sflag:s26], $0x4000  }
0xc2: {  	[sflag:s26] =	ssyncset.done $0x0  }
0xc3: {  	s11 =	rddreg [dreg:$0x1c];
	[sflag:s26] =	ssyncadd.s32 $0xFFFFC000  }
0xc4: {  	[tilespmem:s24], [sflag:$0x2] =	stream.indirect.gather [hbm4b:s6+s22], $0x80, s11, s22, $0xb8;
	[tilespmem:$0x1D900] =	vst v63  }
0xc5: {  	_ =	swait.ge [sflag:s25], $0x4000  }
0xc6: {  	[sflag:s25] =	ssyncset.done $0x0  }
0xc7: {  	s12 =	rddreg [dreg:$0x1d];
	[sflag:s25] =	ssyncadd.s32 $0xFFFFC000  }
0xc8: {  	[spmem:s3] =	stream.indirect.scatter.add.f32 [tilespmem:s23], [sflag:$0x5], $0x80, s12, s22, $0xb8;
	[tilespmem:$0x1D900] =	vst v63  }
0xc9: {  	_ =	swait.ge [sflag:s26], $0x4000  }
0xca: {  	[sflag:s26] =	ssyncset.done $0x0  }
0xcb: {  	s13 =	rddreg [dreg:$0x1e];
	[sflag:s26] =	ssyncadd.s32 $0xFFFFC000  }
0xcc: {  	[tilespmem:s23], [sflag:$0x1] =	stream.indirect.gather [hbm4b:s6+s22], $0x80, s13, s22, $0xb8;
	[tilespmem:$0x1D900] =	vst v63  }
0xcd: {  	_ =	swait.ge [sflag:s28], $0x4000  }
0xce: {  	[sflag:s28] =	ssyncset.done $0x0  }
0xcf: {  	s14 =	rddreg [dreg:$0x1f];
	[sflag:s28] =	ssyncadd.s32 $0xFFFFC000  }
0xd0: {  	[spmem:s3] =	stream.indirect.scatter.add.f32 [tilespmem:s24], [sflag:$0x5], $0x80, s14, s22, $0xb8;
	[tilespmem:$0x1D900] =	vst v63  }
0xd1: {  	_ =	swait.ge [sflag:s26], $0x4000  }
0xd2: {  	s11 =	sld [smem:$0x7DB]  }
0xd3: {  	[sflag:s26] =	ssyncset.done $0x0  }
0xd4: {  	[sflag:s26] =	ssyncadd.s32 $0xFFFFC000  }
0xd5: {  	[tilespmem:s24], [sflag:$0x2] =	stream.indirect.gather [hbm4b:s6+s22], $0x80, s11, s22, $0xb8;
	[tilespmem:$0x1D900] =	vst v63  }
0xd6: {  	_ =	swait.ge [sflag:s25], $0x4000  }
0xd7: {  	s12 =	sld [smem:$0x7DC]  }
0xd8: {  	[sflag:s25] =	ssyncset.done $0x0  }
0xd9: {  	[sflag:s25] =	ssyncadd.s32 $0xFFFFC000  }
0xda: {  	[spmem:s3] =	stream.indirect.scatter.add.f32 [tilespmem:s23], [sflag:$0x5], $0x80, s12, s22, $0xb8;
	[tilespmem:$0x1D900] =	vst v63  }
0xdb: {  	_ =	swait.ge [sflag:s26], $0x4000  }
0xdc: {  	[sflag:s26] =	ssyncset.done $0x0  }
0xdd: {  	[sflag:s26] =	ssyncadd.s32 $0xFFFFC000  }
0xde: {  	_ =	swait.ge [sflag:s28], $0x4000  }
0xdf: {  	s13 =	sld [smem:$0x7DE]  }
0xe0: {  	[sflag:s28] =	ssyncset.done $0x0  }
0xe1: {  	[sflag:s28] =	ssyncadd.s32 $0xFFFFC000  }
0xe2: {  	[spmem:s3] =	stream.indirect.scatter.add.f32 [tilespmem:s24], [sflag:$0x5], $0x80, s13, s22, $0xb8;
	[tilespmem:$0x1D900] =	vst v63  }
0xe3: {  	_ =	swait.ge [sflag:s26], $0x4000  }
0xe4: {  	[sflag:s26] =	ssyncset.done $0x0  }
0xe5: {  	[sflag:s26] =	ssyncadd.s32 $0xFFFFC000  }
0xe6: {  	_ =	swait.ge [sflag:s29], $0x800  }
0xe7: {  	[sflag:s29] =	ssyncset.done $0x0  }
0xe8: {  	[sflag:s29] =	ssyncadd.s32 $0xFFFFF800  }
0xe9: {  	p1 =	por $0x0, $0x0;
	_ =	swait.ge [sflag:s29], $0x800  }
0xea: {  	s9 =	sshrl.u32 @!p1 s10, $0x3;
	[sflag:s29] =	ssyncset.done $0x0  }
0xeb: {  	s14 =	simm.s32 @!p1 $0x0;
	s11 =	sadd.s32 @!p1 s5, s9;
	[sflag:s29] =	ssyncadd.s32 $0xFFFFF800  }
0xec: {  	[tilespmem:s14], [sflag:$0x3] =	stream.linear.gather @!p1 [hbm4b:s11+s14], $0x800, $0x38;
	[tilespmem:$0x1D900] =	vst v63  }
0xed: {  	s9 =	sadd.s32 @!p1 s2, s9;
	s11 =	simm.s32 @!p1 $0x800  }
0xee: {  	[tilespmem:s11], [sflag:$0x3] =	stream.linear.gather @!p1 [hbm4b:s9+s14], $0x800, $0x38;
	[tilespmem:$0x1D900] =	vst v63  }
0xef: {  	s14 =	sld [smem:$0x7DF]  }
0xf0: {  	[tilespmem:s23], [sflag:$0x1] =	stream.indirect.gather [hbm4b:s6+s22], $0x80, s20, s22, $0xb8;
	[tilespmem:$0x1D900] =	vst v63  }
0xf1: {  	_ = 	snop  }
0xf2: {  	[tilespmem:s24], [sflag:$0x2] =	stream.indirect.gather [hbm4b:s6+s22], $0x80, s14, s22, $0xb8;
	[tilespmem:$0x1D900] =	vst v63  }
0xf3: {  	_ =	swait.ge [sflag:s25], $0x4000  }
0xf4: {  	[sflag:s25] =	ssyncset.done $0x0  }
0xf5: {  	[sflag:s25] =	ssyncadd.s32 $0xFFFFC000  }
0xf6: {  	[spmem:s3] =	stream.indirect.scatter.add.f32 [tilespmem:s23], [sflag:$0x5], $0x80, s21, s22, $0xb8;
	[tilespmem:$0x1D900] =	vst v63  }
0xf7: {  	_ =	swait.ge [sflag:s26], $0x4000  }
0xf8: {  	s11 =	sld [smem:$0x7E0]  }
0xf9: {  	[sflag:s26] =	ssyncset.done $0x0  }
0xfa: {  	[sflag:s26] =	ssyncadd.s32 $0xFFFFC000  }
0xfb: {  	[tilespmem:s23], [sflag:$0x1] =	stream.indirect.gather [hbm4b:s6+s22], $0x80, s11, s22, $0xb8;
	[tilespmem:$0x1D900] =	vst v63  }
0xfc: {  	_ =	swait.ge [sflag:s28], $0x4000  }
0xfd: {  	s12 =	sld [smem:$0x7E2]  }
0xfe: {  	[sflag:s28] =	ssyncset.done $0x0  }
0xff: {  	[sflag:s28] =	ssyncadd.s32 $0xFFFFC000  }
0x100: {  	[spmem:s3] =	stream.indirect.scatter.add.f32 [tilespmem:s24], [sflag:$0x5], $0x80, s12, s22, $0xb8;
	[tilespmem:$0x1D900] =	vst v63  }
0x101: {  	_ =	swait.ge [sflag:s26], $0x4000  }
0x102: {  	s13 =	sld [smem:$0x7E3]  }
0x103: {  	[sflag:s26] =	ssyncset.done $0x0  }
0x104: {  	[sflag:s26] =	ssyncadd.s32 $0xFFFFC000  }
0x105: {  	[tilespmem:s24], [sflag:$0x2] =	stream.indirect.gather [hbm4b:s6+s22], $0x80, s13, s22, $0xb8;
	[tilespmem:$0x1D900] =	vst v63  }
0x106: {  	_ =	swait.ge [sflag:s25], $0x4000  }
0x107: {  	s14 =	sld [smem:$0x7E4]  }
0x108: {  	[sflag:s25] =	ssyncset.done $0x0  }
0x109: {  	[sflag:s25] =	ssyncadd.s32 $0xFFFFC000  }
0x10a: {  	[spmem:s3] =	stream.indirect.scatter.add.f32 [tilespmem:s23], [sflag:$0x5], $0x80, s14, s22, $0xb8;
	[tilespmem:$0x1D900] =	vst v63  }
0x10b: {  	_ =	swait.ge [sflag:s26], $0x4000  }
0x10c: {  	s11 =	sld [smem:$0x7E6]  }
0x10d: {  	[sflag:s26] =	ssyncset.done $0x0  }
0x10e: {  	[sflag:s26] =	ssyncadd.s32 $0xFFFFC000  }
0x10f: {  	[tilespmem:s23], [sflag:$0x1] =	stream.indirect.gather [hbm4b:s6+s22], $0x80, s11, s22, $0xb8;
	[tilespmem:$0x1D900] =	vst v63  }
0x110: {  	_ =	swait.ge [sflag:s28], $0x4000  }
0x111: {  	s12 =	sld [smem:$0x7E7]  }
0x112: {  	[sflag:s28] =	ssyncset.done $0x0  }
0x113: {  	[sflag:s28] =	ssyncadd.s32 $0xFFFFC000  }
0x114: {  	[spmem:s3] =	stream.indirect.scatter.add.f32 [tilespmem:s24], [sflag:$0x5], $0x80, s12, s22, $0xb8;
	[tilespmem:$0x1D900] =	vst v63  }
0x115: {  	_ =	swait.ge [sflag:s26], $0x4000  }
0x116: {  	s13 =	sld [smem:$0x7E8]  }
0x117: {  	[sflag:s26] =	ssyncset.done $0x0  }
0x118: {  	[sflag:s26] =	ssyncadd.s32 $0xFFFFC000  }
0x119: {  	[tilespmem:s24], [sflag:$0x2] =	stream.indirect.gather [hbm4b:s6+s22], $0x80, s13, s22, $0xb8;
	[tilespmem:$0x1D900] =	vst v63  }
0x11a: {  	_ =	swait.ge [sflag:s25], $0x4000  }
0x11b: {  	s14 =	sld [smem:$0x7EA]  }
0x11c: {  	[sflag:s25] =	ssyncset.done $0x0  }
0x11d: {  	[sflag:s25] =	ssyncadd.s32 $0xFFFFC000  }
0x11e: {  	[spmem:s3] =	stream.indirect.scatter.add.f32 [tilespmem:s23], [sflag:$0x5], $0x80, s14, s22, $0xb8;
	[tilespmem:$0x1D900] =	vst v63  }
0x11f: {  	_ =	swait.ge [sflag:s26], $0x4000  }
0x120: {  	s11 =	sld [smem:$0x7EC]  }
0x121: {  	[sflag:s26] =	ssyncset.done $0x0  }
0x122: {  	[sflag:s26] =	ssyncadd.s32 $0xFFFFC000  }
0x123: {  	[tilespmem:s23], [sflag:$0x1] =	stream.indirect.gather [hbm4b:s6+s22], $0x80, s11, s22, $0xb8;
	[tilespmem:$0x1D900] =	vst v63  }
0x124: {  	_ =	swait.ge [sflag:s28], $0x4000  }
0x125: {  	s12 =	sld [smem:$0x7EE]  }
0x126: {  	[sflag:s28] =	ssyncset.done $0x0  }
0x127: {  	[sflag:s28] =	ssyncadd.s32 $0xFFFFC000  }
0x128: {  	[spmem:s3] =	stream.indirect.scatter.add.f32 [tilespmem:s24], [sflag:$0x5], $0x80, s12, s22, $0xb8;
	[tilespmem:$0x1D900] =	vst v63  }
0x129: {  	_ =	swait.ge [sflag:s26], $0x4000  }
0x12a: {  	s13 =	sld [smem:$0x7F0]  }
0x12b: {  	[sflag:s26] =	ssyncset.done $0x0  }
0x12c: {  	[sflag:s26] =	ssyncadd.s32 $0xFFFFC000  }
0x12d: {  	[tilespmem:s24], [sflag:$0x2] =	stream.indirect.gather [hbm4b:s6+s22], $0x80, s13, s22, $0xb8;
	[tilespmem:$0x1D900] =	vst v63  }
0x12e: {  	_ =	swait.ge [sflag:s25], $0x4000  }
0x12f: {  	s14 =	sld [smem:$0x7F1]  }
0x130: {  	[sflag:s25] =	ssyncset.done $0x0  }
0x131: {  	[sflag:s25] =	ssyncadd.s32 $0xFFFFC000  }
0x132: {  	[spmem:s3] =	stream.indirect.scatter.add.f32 [tilespmem:s23], [sflag:$0x5], $0x80, s14, s22, $0xb8;
	[tilespmem:$0x1D900] =	vst v63  }
0x133: {  	_ =	swait.ge [sflag:s26], $0x4000  }
0x134: {  	s11 =	sld [smem:$0x7F2]  }
0x135: {  	[sflag:s26] =	ssyncset.done $0x0  }
0x136: {  	[sflag:s26] =	ssyncadd.s32 $0xFFFFC000  }
0x137: {  	[tilespmem:s23], [sflag:$0x1] =	stream.indirect.gather [hbm4b:s6+s22], $0x80, s11, s22, $0xb8;
	[tilespmem:$0x1D900] =	vst v63  }
0x138: {  	_ =	swait.ge [sflag:s28], $0x4000  }
0x139: {  	s12 =	sld [smem:$0x7F3]  }
0x13a: {  	[sflag:s28] =	ssyncset.done $0x0  }
0x13b: {  	[sflag:s28] =	ssyncadd.s32 $0xFFFFC000  }
0x13c: {  	[spmem:s3] =	stream.indirect.scatter.add.f32 [tilespmem:s24], [sflag:$0x5], $0x80, s12, s22, $0xb8;
	[tilespmem:$0x1D900] =	vst v63  }
0x13d: {  	_ =	swait.ge [sflag:s26], $0x4000  }
0x13e: {  	s13 =	sld [smem:$0x7F4]  }
0x13f: {  	[sflag:s26] =	ssyncset.done $0x0  }
0x140: {  	[sflag:s26] =	ssyncadd.s32 $0xFFFFC000  }
0x141: {  	[tilespmem:s24], [sflag:$0x2] =	stream.indirect.gather [hbm4b:s6+s22], $0x80, s13, s22, $0xb8;
	[tilespmem:$0x1D900] =	vst v63  }
0x142: {  	_ =	swait.ge [sflag:s25], $0x4000  }
0x143: {  	s14 =	sld [smem:$0x7F5]  }
0x144: {  	[sflag:s25] =	ssyncset.done $0x0  }
0x145: {  	[sflag:s25] =	ssyncadd.s32 $0xFFFFC000  }
0x146: {  	[spmem:s3] =	stream.indirect.scatter.add.f32 [tilespmem:s23], [sflag:$0x5], $0x80, s14, s22, $0xb8;
	[tilespmem:$0x1D900] =	vst v63  }
0x147: {  	_ =	swait.ge [sflag:s26], $0x4000  }
0x148: {  	s11 =	sld [smem:$0x7F6]  }
0x149: {  	[sflag:s26] =	ssyncset.done $0x0  }
0x14a: {  	[sflag:s26] =	ssyncadd.s32 $0xFFFFC000  }
0x14b: {  	[tilespmem:s23], [sflag:$0x1] =	stream.indirect.gather [hbm4b:s6+s22], $0x80, s11, s22, $0xb8;
	[tilespmem:$0x1D900] =	vst v63  }
0x14c: {  	_ =	swait.ge [sflag:s28], $0x4000  }
0x14d: {  	s12 =	sld [smem:$0x7F7]  }
0x14e: {  	[sflag:s28] =	ssyncset.done $0x0  }
0x14f: {  	[sflag:s28] =	ssyncadd.s32 $0xFFFFC000  }
0x150: {  	[spmem:s3] =	stream.indirect.scatter.add.f32 [tilespmem:s24], [sflag:$0x5], $0x80, s12, s22, $0xb8;
	[tilespmem:$0x1D900] =	vst v63  }
0x151: {  	_ =	swait.ge [sflag:s26], $0x4000  }
0x152: {  	s13 =	sld [smem:$0x7F8]  }
0x153: {  	[sflag:s26] =	ssyncset.done $0x0  }
0x154: {  	[sflag:s26] =	ssyncadd.s32 $0xFFFFC000  }
0x155: {  	[tilespmem:s24], [sflag:$0x2] =	stream.indirect.gather [hbm4b:s6+s22], $0x80, s13, s22, $0xb8;
	[tilespmem:$0x1D900] =	vst v63  }
0x156: {  	_ =	swait.ge [sflag:s25], $0x4000  }
0x157: {  	s14 =	sld [smem:$0x7F9]  }
0x158: {  	[sflag:s25] =	ssyncset.done $0x0  }
0x159: {  	[sflag:s25] =	ssyncadd.s32 $0xFFFFC000  }
0x15a: {  	[spmem:s3] =	stream.indirect.scatter.add.f32 [tilespmem:s23], [sflag:$0x5], $0x80, s14, s22, $0xb8;
	[tilespmem:$0x1D900] =	vst v63  }
0x15b: {  	_ =	swait.ge [sflag:s26], $0x4000  }
0x15c: {  	s11 =	sld [smem:$0x7FA]  }
0x15d: {  	[sflag:s26] =	ssyncset.done $0x0  }
0x15e: {  	[sflag:s26] =	ssyncadd.s32 $0xFFFFC000  }
0x15f: {  	[tilespmem:s23], [sflag:$0x1] =	stream.indirect.gather [hbm4b:s6+s22], $0x80, s11, s22, $0xb8;
	[tilespmem:$0x1D900] =	vst v63  }
0x160: {  	_ =	swait.ge [sflag:s28], $0x4000  }
0x161: {  	s12 =	sld [smem:$0x7FB]  }
0x162: {  	[sflag:s28] =	ssyncset.done $0x0  }
0x163: {  	[sflag:s28] =	ssyncadd.s32 $0xFFFFC000  }
0x164: {  	[spmem:s3] =	stream.indirect.scatter.add.f32 [tilespmem:s24], [sflag:$0x5], $0x80, s12, s22, $0xb8;
	[tilespmem:$0x1D900] =	vst v63  }
0x165: {  	_ =	swait.ge [sflag:s26], $0x4000  }
0x166: {  	s13 =	sld [smem:$0x7FC]  }
0x167: {  	[sflag:s26] =	ssyncset.done $0x0  }
0x168: {  	[sflag:s26] =	ssyncadd.s32 $0xFFFFC000  }
0x169: {  	[tilespmem:s24], [sflag:$0x2] =	stream.indirect.gather [hbm4b:s6+s22], $0x80, s13, s22, $0xb8;
	[tilespmem:$0x1D900] =	vst v63  }
0x16a: {  	_ =	swait.ge [sflag:s25], $0x4000  }
0x16b: {  	s14 =	sld [smem:$0x7FD]  }
0x16c: {  	[sflag:s25] =	ssyncset.done $0x0  }
0x16d: {  	[sflag:s25] =	ssyncadd.s32 $0xFFFFC000  }
0x16e: {  	[spmem:s3] =	stream.indirect.scatter.add.f32 [tilespmem:s23], [sflag:$0x5], $0x80, s14, s22, $0xb8;
	[tilespmem:$0x1D900] =	vst v63  }
0x16f: {  	_ =	swait.ge [sflag:s26], $0x4000  }
0x170: {  	[sflag:s26] =	ssyncset.done $0x0  }
0x171: {  	[sflag:s26] =	ssyncadd.s32 $0xFFFFC000  }
0x172: {  	[tilespmem:s23], [sflag:$0x1] =	stream.indirect.gather [hbm4b:s6+s22], $0x80, s30, s22, $0xb8;
	[tilespmem:$0x1D900] =	vst v63  }
0x173: {  	_ =	swait.ge [sflag:s28], $0x4000  }
0x174: {  	[sflag:s28] =	ssyncset.done $0x0  }
0x175: {  	[sflag:s28] =	ssyncadd.s32 $0xFFFFC000  }
0x176: {  	[spmem:s3] =	stream.indirect.scatter.add.f32 [tilespmem:s24], [sflag:$0x5], $0x80, s31, s22, $0xb8;
	[tilespmem:$0x1D900] =	vst v63  }
0x177: {  	_ =	swait.ge [sflag:s26], $0x4000  }
0x178: {  	[sflag:s26] =	ssyncset.done $0x0  }
0x179: {  	[sflag:s26] =	ssyncadd.s32 $0xFFFFC000  }
0x17a: {  	[tilespmem:s24], [sflag:$0x2] =	stream.indirect.gather [hbm4b:s6+s22], $0x80, s1, s22, $0xb8;
	[tilespmem:$0x1D900] =	vst v63  }
0x17b: {  	_ =	swait.ge [sflag:s25], $0x4000  }
0x17c: {  	[sflag:s25] =	ssyncset.done $0x0  }
0x17d: {  	[sflag:s25] =	ssyncadd.s32 $0xFFFFC000  }
0x17e: {  	[spmem:s3] =	stream.indirect.scatter.add.f32 [tilespmem:s23], [sflag:$0x5], $0x80, s0, s22, $0xb8;
	[tilespmem:$0x1D900] =	vst v63  }
0x17f: {  	_ =	swait.ge [sflag:s26], $0x4000  }
0x180: {  	[sflag:s26] =	ssyncset.done $0x0  }
0x181: {  	[sflag:s26] =	ssyncadd.s32 $0xFFFFC000  }
0x182: {  	_ =	swait.ge [sflag:s28], $0x4000  }
0x183: {  	[sflag:s28] =	ssyncset.done $0x0  }
0x184: {  	[sflag:s28] =	ssyncadd.s32 $0xFFFFC000  }
0x185: {  	[spmem:s3] =	stream.indirect.scatter.add.f32 [tilespmem:s24], [sflag:$0x5], $0x80, s7, s22, $0xb8;
	[tilespmem:$0x1D900] =	vst v63  }
0x186: {  	_ =	swait.ge [sflag:s26], $0x4000  }
0x187: {  	s9 =	simm.s32 $0x200;
	s14 =	smov.u32 s10;
	[sflag:s26] =	ssyncset.done $0x0  }
.LBB2_2:
0x188: {  	[sflag:s26] =	ssyncadd.s32 $0xFFFFC000  }
0x189: {  	_ =	swait.ge [sflag:s19], $0x800  }
0x18a: {  	[sflag:s19] =	ssyncset.done $0x0  }
0x18b: {  	[sflag:s19] =	ssyncadd.s32 $0xFFFFF800  }
0x18c: {  	_ =	swait.ge [sflag:s19], $0x800  }
0x18d: {  	s11 =	smov.u32 s9;
	s12 =	rddreg [dreg:$0x5];
	[sflag:s19] =	ssyncset.done $0x0  }
0x18e: {  	s13 =	rddreg [dreg:$0x4];
	[sflag:s19] =	ssyncadd.s32 $0xFFFFF800;
	s12 =	sadd.s32 s11, s12  }
0x18f: {  	[tilespmem:s20], [sflag:$0x4] =	stream.linear.gather [hbm4b:s12+s4], $0x800, $0x38;
	[tilespmem:$0x1D900] =	vst v63  }
0x190: {  	s13 =	sadd.s32 s11, s13  }
0x191: {  	[tilespmem:s21], [sflag:$0x4] =	stream.linear.gather [hbm4b:s13+s4], $0x800, $0x38;
	[tilespmem:$0x1D900] =	vst v63  }
0x192: {  	_ = 	snop  }
0x193: {  	[tilespmem:s23], [sflag:$0x1] =	stream.indirect.gather [hbm4b:s6+s22], $0x80, s4, s22, $0xb8;
	[tilespmem:$0x1D900] =	vst v63  }
0x194: {  	_ = 	snop  }
0x195: {  	[tilespmem:s24], [sflag:$0x2] =	stream.indirect.gather [hbm4b:s6+s22], $0x80, s22, s22, $0xb8;
	[tilespmem:$0x1D900] =	vst v63  }
0x196: {  	_ =	swait.ge [sflag:s25], $0x4000  }
0x197: {  	[sflag:s25] =	ssyncset.done $0x0  }
0x198: {  	[sflag:s25] =	ssyncadd.s32 $0xFFFFC000  }
0x199: {  	[spmem:s3] =	stream.indirect.scatter.add.f32 [tilespmem:s23], [sflag:$0x5], $0x80, s18, s22, $0xb8;
	[tilespmem:$0x1D900] =	vst v63  }
0x19a: {  	_ =	swait.ge [sflag:s26], $0x4000  }
0x19b: {  	[sflag:s26] =	ssyncset.done $0x0  }
0x19c: {  	s13 =	rddreg [dreg:$0x6];
	[sflag:s26] =	ssyncadd.s32 $0xFFFFC000  }
0x19d: {  	[tilespmem:s23], [sflag:$0x1] =	stream.indirect.gather [hbm4b:s6+s22], $0x80, s13, s22, $0xb8;
	[tilespmem:$0x1D900] =	vst v63  }
0x19e: {  	_ =	swait.ge [sflag:s28], $0x4000  }
0x19f: {  	[sflag:s28] =	ssyncset.done $0x0  }
0x1a0: {  	s13 =	rddreg [dreg:$0x7];
	[sflag:s28] =	ssyncadd.s32 $0xFFFFC000  }
0x1a1: {  	[spmem:s3] =	stream.indirect.scatter.add.f32 [tilespmem:s24], [sflag:$0x5], $0x80, s13, s22, $0xb8;
	[tilespmem:$0x1D900] =	vst v63  }
0x1a2: {  	_ =	swait.ge [sflag:s26], $0x4000  }
0x1a3: {  	[sflag:s26] =	ssyncset.done $0x0  }
0x1a4: {  	s13 =	rddreg [dreg:$0x8];
	[sflag:s26] =	ssyncadd.s32 $0xFFFFC000  }
0x1a5: {  	[tilespmem:s24], [sflag:$0x2] =	stream.indirect.gather [hbm4b:s6+s22], $0x80, s13, s22, $0xb8;
	[tilespmem:$0x1D900] =	vst v63  }
0x1a6: {  	_ =	swait.ge [sflag:s25], $0x4000  }
0x1a7: {  	[sflag:s25] =	ssyncset.done $0x0  }
0x1a8: {  	s13 =	rddreg [dreg:$0x9];
	[sflag:s25] =	ssyncadd.s32 $0xFFFFC000  }
0x1a9: {  	[spmem:s3] =	stream.indirect.scatter.add.f32 [tilespmem:s23], [sflag:$0x5], $0x80, s13, s22, $0xb8;
	[tilespmem:$0x1D900] =	vst v63  }
0x1aa: {  	_ =	swait.ge [sflag:s26], $0x4000  }
0x1ab: {  	[sflag:s26] =	ssyncset.done $0x0  }
0x1ac: {  	s13 =	rddreg [dreg:$0xa];
	[sflag:s26] =	ssyncadd.s32 $0xFFFFC000  }
0x1ad: {  	[tilespmem:s23], [sflag:$0x1] =	stream.indirect.gather [hbm4b:s6+s22], $0x80, s13, s22, $0xb8;
	[tilespmem:$0x1D900] =	vst v63  }
0x1ae: {  	_ =	swait.ge [sflag:s28], $0x4000  }
0x1af: {  	[sflag:s28] =	ssyncset.done $0x0  }
0x1b0: {  	s13 =	rddreg [dreg:$0xb];
	[sflag:s28] =	ssyncadd.s32 $0xFFFFC000  }
0x1b1: {  	[spmem:s3] =	stream.indirect.scatter.add.f32 [tilespmem:s24], [sflag:$0x5], $0x80, s13, s22, $0xb8;
	[tilespmem:$0x1D900] =	vst v63  }
0x1b2: {  	_ =	swait.ge [sflag:s26], $0x4000  }
0x1b3: {  	[sflag:s26] =	ssyncset.done $0x0  }
0x1b4: {  	s13 =	rddreg [dreg:$0xc];
	[sflag:s26] =	ssyncadd.s32 $0xFFFFC000  }
0x1b5: {  	[tilespmem:s24], [sflag:$0x2] =	stream.indirect.gather [hbm4b:s6+s22], $0x80, s13, s22, $0xb8;
	[tilespmem:$0x1D900] =	vst v63  }
0x1b6: {  	_ =	swait.ge [sflag:s25], $0x4000  }
0x1b7: {  	[sflag:s25] =	ssyncset.done $0x0  }
0x1b8: {  	s13 =	rddreg [dreg:$0xd];
	[sflag:s25] =	ssyncadd.s32 $0xFFFFC000  }
0x1b9: {  	[spmem:s3] =	stream.indirect.scatter.add.f32 [tilespmem:s23], [sflag:$0x5], $0x80, s13, s22, $0xb8;
	[tilespmem:$0x1D900] =	vst v63  }
0x1ba: {  	_ =	swait.ge [sflag:s26], $0x4000  }
0x1bb: {  	[sflag:s26] =	ssyncset.done $0x0  }
0x1bc: {  	s13 =	rddreg [dreg:$0xe];
	[sflag:s26] =	ssyncadd.s32 $0xFFFFC000  }
0x1bd: {  	[tilespmem:s23], [sflag:$0x1] =	stream.indirect.gather [hbm4b:s6+s22], $0x80, s13, s22, $0xb8;
	[tilespmem:$0x1D900] =	vst v63  }
0x1be: {  	_ =	swait.ge [sflag:s28], $0x4000  }
0x1bf: {  	[sflag:s28] =	ssyncset.done $0x0  }
0x1c0: {  	s13 =	rddreg [dreg:$0xf];
	[sflag:s28] =	ssyncadd.s32 $0xFFFFC000  }
0x1c1: {  	[spmem:s3] =	stream.indirect.scatter.add.f32 [tilespmem:s24], [sflag:$0x5], $0x80, s13, s22, $0xb8;
	[tilespmem:$0x1D900] =	vst v63  }
0x1c2: {  	_ =	swait.ge [sflag:s26], $0x4000  }
0x1c3: {  	[sflag:s26] =	ssyncset.done $0x0  }
0x1c4: {  	s13 =	rddreg [dreg:$0x10];
	[sflag:s26] =	ssyncadd.s32 $0xFFFFC000  }
0x1c5: {  	[tilespmem:s24], [sflag:$0x2] =	stream.indirect.gather [hbm4b:s6+s22], $0x80, s13, s22, $0xb8;
	[tilespmem:$0x1D900] =	vst v63  }
0x1c6: {  	_ =	swait.ge [sflag:s25], $0x4000  }
0x1c7: {  	[sflag:s25] =	ssyncset.done $0x0  }
0x1c8: {  	s13 =	rddreg [dreg:$0x11];
	[sflag:s25] =	ssyncadd.s32 $0xFFFFC000  }
0x1c9: {  	[spmem:s3] =	stream.indirect.scatter.add.f32 [tilespmem:s23], [sflag:$0x5], $0x80, s13, s22, $0xb8;
	[tilespmem:$0x1D900] =	vst v63  }
0x1ca: {  	_ =	swait.ge [sflag:s26], $0x4000  }
0x1cb: {  	[sflag:s26] =	ssyncset.done $0x0  }
0x1cc: {  	s13 =	rddreg [dreg:$0x12];
	[sflag:s26] =	ssyncadd.s32 $0xFFFFC000  }
0x1cd: {  	[tilespmem:s23], [sflag:$0x1] =	stream.indirect.gather [hbm4b:s6+s22], $0x80, s13, s22, $0xb8;
	[tilespmem:$0x1D900] =	vst v63  }
0x1ce: {  	_ =	swait.ge [sflag:s28], $0x4000  }
0x1cf: {  	[sflag:s28] =	ssyncset.done $0x0  }
0x1d0: {  	s13 =	rddreg [dreg:$0x13];
	[sflag:s28] =	ssyncadd.s32 $0xFFFFC000  }
0x1d1: {  	[spmem:s3] =	stream.indirect.scatter.add.f32 [tilespmem:s24], [sflag:$0x5], $0x80, s13, s22, $0xb8;
	[tilespmem:$0x1D900] =	vst v63  }
0x1d2: {  	_ =	swait.ge [sflag:s26], $0x4000  }
0x1d3: {  	[sflag:s26] =	ssyncset.done $0x0  }
0x1d4: {  	s13 =	rddreg [dreg:$0x14];
	[sflag:s26] =	ssyncadd.s32 $0xFFFFC000  }
0x1d5: {  	[tilespmem:s24], [sflag:$0x2] =	stream.indirect.gather [hbm4b:s6+s22], $0x80, s13, s22, $0xb8;
	[tilespmem:$0x1D900] =	vst v63  }
0x1d6: {  	_ =	swait.ge [sflag:s25], $0x4000  }
0x1d7: {  	[sflag:s25] =	ssyncset.done $0x0  }
0x1d8: {  	s13 =	rddreg [dreg:$0x15];
	[sflag:s25] =	ssyncadd.s32 $0xFFFFC000  }
0x1d9: {  	[spmem:s3] =	stream.indirect.scatter.add.f32 [tilespmem:s23], [sflag:$0x5], $0x80, s13, s22, $0xb8;
	[tilespmem:$0x1D900] =	vst v63  }
0x1da: {  	_ =	swait.ge [sflag:s26], $0x4000  }
0x1db: {  	[sflag:s26] =	ssyncset.done $0x0  }
0x1dc: {  	s13 =	rddreg [dreg:$0x16];
	[sflag:s26] =	ssyncadd.s32 $0xFFFFC000  }
0x1dd: {  	[tilespmem:s23], [sflag:$0x1] =	stream.indirect.gather [hbm4b:s6+s22], $0x80, s13, s22, $0xb8;
	[tilespmem:$0x1D900] =	vst v63  }
0x1de: {  	_ =	swait.ge [sflag:s28], $0x4000  }
0x1df: {  	[sflag:s28] =	ssyncset.done $0x0  }
0x1e0: {  	s13 =	rddreg [dreg:$0x17];
	[sflag:s28] =	ssyncadd.s32 $0xFFFFC000  }
0x1e1: {  	[spmem:s3] =	stream.indirect.scatter.add.f32 [tilespmem:s24], [sflag:$0x5], $0x80, s13, s22, $0xb8;
	[tilespmem:$0x1D900] =	vst v63  }
0x1e2: {  	_ =	swait.ge [sflag:s26], $0x4000  }
0x1e3: {  	[sflag:s26] =	ssyncset.done $0x0  }
0x1e4: {  	s13 =	rddreg [dreg:$0x18];
	[sflag:s26] =	ssyncadd.s32 $0xFFFFC000  }
0x1e5: {  	[tilespmem:s24], [sflag:$0x2] =	stream.indirect.gather [hbm4b:s6+s22], $0x80, s13, s22, $0xb8;
	[tilespmem:$0x1D900] =	vst v63  }
0x1e6: {  	_ =	swait.ge [sflag:s25], $0x4000  }
0x1e7: {  	[sflag:s25] =	ssyncset.done $0x0  }
0x1e8: {  	s13 =	rddreg [dreg:$0x19];
	[sflag:s25] =	ssyncadd.s32 $0xFFFFC000  }
0x1e9: {  	[spmem:s3] =	stream.indirect.scatter.add.f32 [tilespmem:s23], [sflag:$0x5], $0x80, s13, s22, $0xb8;
	[tilespmem:$0x1D900] =	vst v63  }
0x1ea: {  	_ =	swait.ge [sflag:s26], $0x4000  }
0x1eb: {  	[sflag:s26] =	ssyncset.done $0x0  }
0x1ec: {  	s13 =	rddreg [dreg:$0x1a];
	[sflag:s26] =	ssyncadd.s32 $0xFFFFC000  }
0x1ed: {  	[tilespmem:s23], [sflag:$0x1] =	stream.indirect.gather [hbm4b:s6+s22], $0x80, s13, s22, $0xb8;
	[tilespmem:$0x1D900] =	vst v63  }
0x1ee: {  	_ =	swait.ge [sflag:s28], $0x4000  }
0x1ef: {  	[sflag:s28] =	ssyncset.done $0x0  }
0x1f0: {  	s13 =	rddreg [dreg:$0x1b];
	[sflag:s28] =	ssyncadd.s32 $0xFFFFC000  }
0x1f1: {  	[spmem:s3] =	stream.indirect.scatter.add.f32 [tilespmem:s24], [sflag:$0x5], $0x80, s13, s22, $0xb8;
	[tilespmem:$0x1D900] =	vst v63  }
0x1f2: {  	_ =	swait.ge [sflag:s26], $0x4000  }
0x1f3: {  	[sflag:s26] =	ssyncset.done $0x0  }
0x1f4: {  	s13 =	rddreg [dreg:$0x1c];
	[sflag:s26] =	ssyncadd.s32 $0xFFFFC000  }
0x1f5: {  	[tilespmem:s24], [sflag:$0x2] =	stream.indirect.gather [hbm4b:s6+s22], $0x80, s13, s22, $0xb8;
	[tilespmem:$0x1D900] =	vst v63  }
0x1f6: {  	_ =	swait.ge [sflag:s25], $0x4000  }
0x1f7: {  	[sflag:s25] =	ssyncset.done $0x0  }
0x1f8: {  	s13 =	rddreg [dreg:$0x1d];
	[sflag:s25] =	ssyncadd.s32 $0xFFFFC000  }
0x1f9: {  	[spmem:s3] =	stream.indirect.scatter.add.f32 [tilespmem:s23], [sflag:$0x5], $0x80, s13, s22, $0xb8;
	[tilespmem:$0x1D900] =	vst v63  }
0x1fa: {  	_ =	swait.ge [sflag:s26], $0x4000  }
0x1fb: {  	[sflag:s26] =	ssyncset.done $0x0  }
0x1fc: {  	s13 =	rddreg [dreg:$0x1e];
	[sflag:s26] =	ssyncadd.s32 $0xFFFFC000  }
0x1fd: {  	[tilespmem:s23], [sflag:$0x1] =	stream.indirect.gather [hbm4b:s6+s22], $0x80, s13, s22, $0xb8;
	[tilespmem:$0x1D900] =	vst v63  }
0x1fe: {  	_ =	swait.ge [sflag:s28], $0x4000  }
0x1ff: {  	[sflag:s28] =	ssyncset.done $0x0  }
0x200: {  	s13 =	rddreg [dreg:$0x1f];
	[sflag:s28] =	ssyncadd.s32 $0xFFFFC000  }
0x201: {  	[spmem:s3] =	stream.indirect.scatter.add.f32 [tilespmem:s24], [sflag:$0x5], $0x80, s13, s22, $0xb8;
	[tilespmem:$0x1D900] =	vst v63  }
0x202: {  	_ =	swait.ge [sflag:s26], $0x4000  }
0x203: {  	s13 =	sld [smem:$0x7DB]  }
0x204: {  	[sflag:s26] =	ssyncset.done $0x0  }
0x205: {  	[sflag:s26] =	ssyncadd.s32 $0xFFFFC000  }
0x206: {  	[tilespmem:s24], [sflag:$0x2] =	stream.indirect.gather [hbm4b:s6+s22], $0x80, s13, s22, $0xb8;
	[tilespmem:$0x1D900] =	vst v63  }
0x207: {  	_ =	swait.ge [sflag:s25], $0x4000  }
0x208: {  	s13 =	sld [smem:$0x7DC]  }
0x209: {  	[sflag:s25] =	ssyncset.done $0x0  }
0x20a: {  	[sflag:s25] =	ssyncadd.s32 $0xFFFFC000  }
0x20b: {  	[spmem:s3] =	stream.indirect.scatter.add.f32 [tilespmem:s23], [sflag:$0x5], $0x80, s13, s22, $0xb8;
	[tilespmem:$0x1D900] =	vst v63  }
0x20c: {  	_ =	swait.ge [sflag:s26], $0x4000  }
0x20d: {  	[sflag:s26] =	ssyncset.done $0x0  }
0x20e: {  	[sflag:s26] =	ssyncadd.s32 $0xFFFFC000  }
0x20f: {  	_ =	swait.ge [sflag:s28], $0x4000  }
0x210: {  	s13 =	sld [smem:$0x7DE]  }
0x211: {  	[sflag:s28] =	ssyncset.done $0x0  }
0x212: {  	[sflag:s28] =	ssyncadd.s32 $0xFFFFC000  }
0x213: {  	[spmem:s3] =	stream.indirect.scatter.add.f32 [tilespmem:s24], [sflag:$0x5], $0x80, s13, s22, $0xb8;
	[tilespmem:$0x1D900] =	vst v63  }
0x214: {  	_ =	swait.ge [sflag:s26], $0x4000  }
0x215: {  	[sflag:s26] =	ssyncset.done $0x0  }
0x216: {  	[sflag:s26] =	ssyncadd.s32 $0xFFFFC000  }
0x217: {  	_ =	swait.ge [sflag:s29], $0x800  }
0x218: {  	[sflag:s29] =	ssyncset.done $0x0  }
0x219: {  	[sflag:s29] =	ssyncadd.s32 $0xFFFFF800  }
0x21a: {  	s14 =	sadd.s32 $0x1000, s14;
	p2 =	seq.s32 s11, $0x800;
	_ =	swait.ge [sflag:s29], $0x800  }
0x21b: {  	s11 =	sshrl.u32 @!p2 s14, $0x3;
	[sflag:s29] =	ssyncset.done $0x0  }
0x21c: {  	s12 =	sadd.s32 @!p2 s5, s11;
	s13 =	simm.s32 @!p2 $0x0;
	[sflag:s29] =	ssyncadd.s32 $0xFFFFF800  }
0x21d: {  	[tilespmem:s13], [sflag:$0x3] =	stream.linear.gather @!p2 [hbm4b:s12+s13], $0x800, $0x38;
	[tilespmem:$0x1D900] =	vst v63  }
0x21e: {  	s11 =	sadd.s32 @!p2 s2, s11;
	s12 =	simm.s32 @!p2 $0x800  }
0x21f: {  	[tilespmem:s12], [sflag:$0x3] =	stream.linear.gather @!p2 [hbm4b:s11+s13], $0x800, $0x38;
	[tilespmem:$0x1D900] =	vst v63  }
0x220: {  	s13 =	sld [smem:$0x7DF]  }
0x221: {  	[tilespmem:s23], [sflag:$0x1] =	stream.indirect.gather [hbm4b:s6+s22], $0x80, s20, s22, $0xb8;
	[tilespmem:$0x1D900] =	vst v63  }
0x222: {  	_ = 	snop  }
0x223: {  	[tilespmem:s24], [sflag:$0x2] =	stream.indirect.gather [hbm4b:s6+s22], $0x80, s13, s22, $0xb8;
	[tilespmem:$0x1D900] =	vst v63  }
0x224: {  	_ =	swait.ge [sflag:s25], $0x4000  }
0x225: {  	[sflag:s25] =	ssyncset.done $0x0  }
0x226: {  	[sflag:s25] =	ssyncadd.s32 $0xFFFFC000  }
0x227: {  	[spmem:s3] =	stream.indirect.scatter.add.f32 [tilespmem:s23], [sflag:$0x5], $0x80, s21, s22, $0xb8;
	[tilespmem:$0x1D900] =	vst v63  }
0x228: {  	_ =	swait.ge [sflag:s26], $0x4000  }
0x229: {  	s12 =	sld [smem:$0x7E0]  }
0x22a: {  	[sflag:s26] =	ssyncset.done $0x0  }
0x22b: {  	[sflag:s26] =	ssyncadd.s32 $0xFFFFC000  }
0x22c: {  	[tilespmem:s23], [sflag:$0x1] =	stream.indirect.gather [hbm4b:s6+s22], $0x80, s12, s22, $0xb8;
	[tilespmem:$0x1D900] =	vst v63  }
0x22d: {  	_ =	swait.ge [sflag:s28], $0x4000  }
0x22e: {  	s13 =	sld [smem:$0x7E2]  }
0x22f: {  	[sflag:s28] =	ssyncset.done $0x0  }
0x230: {  	[sflag:s28] =	ssyncadd.s32 $0xFFFFC000  }
0x231: {  	[spmem:s3] =	stream.indirect.scatter.add.f32 [tilespmem:s24], [sflag:$0x5], $0x80, s13, s22, $0xb8;
	[tilespmem:$0x1D900] =	vst v63  }
0x232: {  	_ =	swait.ge [sflag:s26], $0x4000  }
0x233: {  	s12 =	sld [smem:$0x7E3]  }
0x234: {  	[sflag:s26] =	ssyncset.done $0x0  }
0x235: {  	[sflag:s26] =	ssyncadd.s32 $0xFFFFC000  }
0x236: {  	[tilespmem:s24], [sflag:$0x2] =	stream.indirect.gather [hbm4b:s6+s22], $0x80, s12, s22, $0xb8;
	[tilespmem:$0x1D900] =	vst v63  }
0x237: {  	_ =	swait.ge [sflag:s25], $0x4000  }
0x238: {  	s13 =	sld [smem:$0x7E4]  }
0x239: {  	[sflag:s25] =	ssyncset.done $0x0  }
0x23a: {  	[sflag:s25] =	ssyncadd.s32 $0xFFFFC000  }
0x23b: {  	[spmem:s3] =	stream.indirect.scatter.add.f32 [tilespmem:s23], [sflag:$0x5], $0x80, s13, s22, $0xb8;
	[tilespmem:$0x1D900] =	vst v63  }
0x23c: {  	_ =	swait.ge [sflag:s26], $0x4000  }
0x23d: {  	s12 =	sld [smem:$0x7E6]  }
0x23e: {  	[sflag:s26] =	ssyncset.done $0x0  }
0x23f: {  	[sflag:s26] =	ssyncadd.s32 $0xFFFFC000  }
0x240: {  	[tilespmem:s23], [sflag:$0x1] =	stream.indirect.gather [hbm4b:s6+s22], $0x80, s12, s22, $0xb8;
	[tilespmem:$0x1D900] =	vst v63  }
0x241: {  	_ =	swait.ge [sflag:s28], $0x4000  }
0x242: {  	s13 =	sld [smem:$0x7E7]  }
0x243: {  	[sflag:s28] =	ssyncset.done $0x0  }
0x244: {  	[sflag:s28] =	ssyncadd.s32 $0xFFFFC000  }
0x245: {  	[spmem:s3] =	stream.indirect.scatter.add.f32 [tilespmem:s24], [sflag:$0x5], $0x80, s13, s22, $0xb8;
	[tilespmem:$0x1D900] =	vst v63  }
0x246: {  	_ =	swait.ge [sflag:s26], $0x4000  }
0x247: {  	s12 =	sld [smem:$0x7E8]  }
0x248: {  	[sflag:s26] =	ssyncset.done $0x0  }
0x249: {  	[sflag:s26] =	ssyncadd.s32 $0xFFFFC000  }
0x24a: {  	[tilespmem:s24], [sflag:$0x2] =	stream.indirect.gather [hbm4b:s6+s22], $0x80, s12, s22, $0xb8;
	[tilespmem:$0x1D900] =	vst v63  }
0x24b: {  	_ =	swait.ge [sflag:s25], $0x4000  }
0x24c: {  	s13 =	sld [smem:$0x7EA]  }
0x24d: {  	[sflag:s25] =	ssyncset.done $0x0  }
0x24e: {  	[sflag:s25] =	ssyncadd.s32 $0xFFFFC000  }
0x24f: {  	[spmem:s3] =	stream.indirect.scatter.add.f32 [tilespmem:s23], [sflag:$0x5], $0x80, s13, s22, $0xb8;
	[tilespmem:$0x1D900] =	vst v63  }
0x250: {  	_ =	swait.ge [sflag:s26], $0x4000  }
0x251: {  	s12 =	sld [smem:$0x7EC]  }
0x252: {  	[sflag:s26] =	ssyncset.done $0x0  }
0x253: {  	[sflag:s26] =	ssyncadd.s32 $0xFFFFC000  }
0x254: {  	[tilespmem:s23], [sflag:$0x1] =	stream.indirect.gather [hbm4b:s6+s22], $0x80, s12, s22, $0xb8;
	[tilespmem:$0x1D900] =	vst v63  }
0x255: {  	_ =	swait.ge [sflag:s28], $0x4000  }
0x256: {  	s13 =	sld [smem:$0x7EE]  }
0x257: {  	[sflag:s28] =	ssyncset.done $0x0  }
0x258: {  	[sflag:s28] =	ssyncadd.s32 $0xFFFFC000  }
0x259: {  	[spmem:s3] =	stream.indirect.scatter.add.f32 [tilespmem:s24], [sflag:$0x5], $0x80, s13, s22, $0xb8;
	[tilespmem:$0x1D900] =	vst v63  }
0x25a: {  	_ =	swait.ge [sflag:s26], $0x4000  }
0x25b: {  	s12 =	sld [smem:$0x7F0]  }
0x25c: {  	[sflag:s26] =	ssyncset.done $0x0  }
0x25d: {  	[sflag:s26] =	ssyncadd.s32 $0xFFFFC000  }
0x25e: {  	[tilespmem:s24], [sflag:$0x2] =	stream.indirect.gather [hbm4b:s6+s22], $0x80, s12, s22, $0xb8;
	[tilespmem:$0x1D900] =	vst v63  }
0x25f: {  	_ =	swait.ge [sflag:s25], $0x4000  }
0x260: {  	s13 =	sld [smem:$0x7F1]  }
0x261: {  	[sflag:s25] =	ssyncset.done $0x0  }
0x262: {  	[sflag:s25] =	ssyncadd.s32 $0xFFFFC000  }
0x263: {  	[spmem:s3] =	stream.indirect.scatter.add.f32 [tilespmem:s23], [sflag:$0x5], $0x80, s13, s22, $0xb8;
	[tilespmem:$0x1D900] =	vst v63  }
0x264: {  	_ =	swait.ge [sflag:s26], $0x4000  }
0x265: {  	s12 =	sld [smem:$0x7F2]  }
0x266: {  	[sflag:s26] =	ssyncset.done $0x0  }
0x267: {  	[sflag:s26] =	ssyncadd.s32 $0xFFFFC000  }
0x268: {  	[tilespmem:s23], [sflag:$0x1] =	stream.indirect.gather [hbm4b:s6+s22], $0x80, s12, s22, $0xb8;
	[tilespmem:$0x1D900] =	vst v63  }
0x269: {  	_ =	swait.ge [sflag:s28], $0x4000  }
0x26a: {  	s13 =	sld [smem:$0x7F3]  }
0x26b: {  	[sflag:s28] =	ssyncset.done $0x0  }
0x26c: {  	[sflag:s28] =	ssyncadd.s32 $0xFFFFC000  }
0x26d: {  	[spmem:s3] =	stream.indirect.scatter.add.f32 [tilespmem:s24], [sflag:$0x5], $0x80, s13, s22, $0xb8;
	[tilespmem:$0x1D900] =	vst v63  }
0x26e: {  	_ =	swait.ge [sflag:s26], $0x4000  }
0x26f: {  	s12 =	sld [smem:$0x7F4]  }
0x270: {  	[sflag:s26] =	ssyncset.done $0x0  }
0x271: {  	[sflag:s26] =	ssyncadd.s32 $0xFFFFC000  }
0x272: {  	[tilespmem:s24], [sflag:$0x2] =	stream.indirect.gather [hbm4b:s6+s22], $0x80, s12, s22, $0xb8;
	[tilespmem:$0x1D900] =	vst v63  }
0x273: {  	_ =	swait.ge [sflag:s25], $0x4000  }
0x274: {  	s13 =	sld [smem:$0x7F5]  }
0x275: {  	[sflag:s25] =	ssyncset.done $0x0  }
0x276: {  	[sflag:s25] =	ssyncadd.s32 $0xFFFFC000  }
0x277: {  	[spmem:s3] =	stream.indirect.scatter.add.f32 [tilespmem:s23], [sflag:$0x5], $0x80, s13, s22, $0xb8;
	[tilespmem:$0x1D900] =	vst v63  }
0x278: {  	_ =	swait.ge [sflag:s26], $0x4000  }
0x279: {  	s12 =	sld [smem:$0x7F6]  }
0x27a: {  	[sflag:s26] =	ssyncset.done $0x0  }
0x27b: {  	[sflag:s26] =	ssyncadd.s32 $0xFFFFC000  }
0x27c: {  	[tilespmem:s23], [sflag:$0x1] =	stream.indirect.gather [hbm4b:s6+s22], $0x80, s12, s22, $0xb8;
	[tilespmem:$0x1D900] =	vst v63  }
0x27d: {  	_ =	swait.ge [sflag:s28], $0x4000  }
0x27e: {  	s13 =	sld [smem:$0x7F7]  }
0x27f: {  	[sflag:s28] =	ssyncset.done $0x0  }
0x280: {  	[sflag:s28] =	ssyncadd.s32 $0xFFFFC000  }
0x281: {  	[spmem:s3] =	stream.indirect.scatter.add.f32 [tilespmem:s24], [sflag:$0x5], $0x80, s13, s22, $0xb8;
	[tilespmem:$0x1D900] =	vst v63  }
0x282: {  	_ =	swait.ge [sflag:s26], $0x4000  }
0x283: {  	s12 =	sld [smem:$0x7F8]  }
0x284: {  	[sflag:s26] =	ssyncset.done $0x0  }
0x285: {  	[sflag:s26] =	ssyncadd.s32 $0xFFFFC000  }
0x286: {  	[tilespmem:s24], [sflag:$0x2] =	stream.indirect.gather [hbm4b:s6+s22], $0x80, s12, s22, $0xb8;
	[tilespmem:$0x1D900] =	vst v63  }
0x287: {  	_ =	swait.ge [sflag:s25], $0x4000  }
0x288: {  	s13 =	sld [smem:$0x7F9]  }
0x289: {  	[sflag:s25] =	ssyncset.done $0x0  }
0x28a: {  	[sflag:s25] =	ssyncadd.s32 $0xFFFFC000  }
0x28b: {  	[spmem:s3] =	stream.indirect.scatter.add.f32 [tilespmem:s23], [sflag:$0x5], $0x80, s13, s22, $0xb8;
	[tilespmem:$0x1D900] =	vst v63  }
0x28c: {  	_ =	swait.ge [sflag:s26], $0x4000  }
0x28d: {  	s12 =	sld [smem:$0x7FA]  }
0x28e: {  	[sflag:s26] =	ssyncset.done $0x0  }
0x28f: {  	[sflag:s26] =	ssyncadd.s32 $0xFFFFC000  }
0x290: {  	[tilespmem:s23], [sflag:$0x1] =	stream.indirect.gather [hbm4b:s6+s22], $0x80, s12, s22, $0xb8;
	[tilespmem:$0x1D900] =	vst v63  }
0x291: {  	_ =	swait.ge [sflag:s28], $0x4000  }
0x292: {  	s13 =	sld [smem:$0x7FB]  }
0x293: {  	[sflag:s28] =	ssyncset.done $0x0  }
0x294: {  	[sflag:s28] =	ssyncadd.s32 $0xFFFFC000  }
0x295: {  	[spmem:s3] =	stream.indirect.scatter.add.f32 [tilespmem:s24], [sflag:$0x5], $0x80, s13, s22, $0xb8;
	[tilespmem:$0x1D900] =	vst v63  }
0x296: {  	_ =	swait.ge [sflag:s26], $0x4000  }
0x297: {  	s12 =	sld [smem:$0x7FC]  }
0x298: {  	[sflag:s26] =	ssyncset.done $0x0  }
0x299: {  	[sflag:s26] =	ssyncadd.s32 $0xFFFFC000  }
0x29a: {  	[tilespmem:s24], [sflag:$0x2] =	stream.indirect.gather [hbm4b:s6+s22], $0x80, s12, s22, $0xb8;
	[tilespmem:$0x1D900] =	vst v63  }
0x29b: {  	_ =	swait.ge [sflag:s25], $0x4000  }
0x29c: {  	s13 =	sld [smem:$0x7FD]  }
0x29d: {  	[sflag:s25] =	ssyncset.done $0x0  }
0x29e: {  	[sflag:s25] =	ssyncadd.s32 $0xFFFFC000  }
0x29f: {  	[spmem:s3] =	stream.indirect.scatter.add.f32 [tilespmem:s23], [sflag:$0x5], $0x80, s13, s22, $0xb8;
	[tilespmem:$0x1D900] =	vst v63  }
0x2a0: {  	_ =	swait.ge [sflag:s26], $0x4000  }
0x2a1: {  	[sflag:s26] =	ssyncset.done $0x0  }
0x2a2: {  	[sflag:s26] =	ssyncadd.s32 $0xFFFFC000  }
0x2a3: {  	[tilespmem:s23], [sflag:$0x1] =	stream.indirect.gather [hbm4b:s6+s22], $0x80, s30, s22, $0xb8;
	[tilespmem:$0x1D900] =	vst v63  }
0x2a4: {  	_ =	swait.ge [sflag:s28], $0x4000  }
0x2a5: {  	[sflag:s28] =	ssyncset.done $0x0  }
0x2a6: {  	[sflag:s28] =	ssyncadd.s32 $0xFFFFC000  }
0x2a7: {  	[spmem:s3] =	stream.indirect.scatter.add.f32 [tilespmem:s24], [sflag:$0x5], $0x80, s31, s22, $0xb8;
	[tilespmem:$0x1D900] =	vst v63  }
0x2a8: {  	_ =	swait.ge [sflag:s26], $0x4000  }
0x2a9: {  	[sflag:s26] =	ssyncset.done $0x0  }
0x2aa: {  	[sflag:s26] =	ssyncadd.s32 $0xFFFFC000  }
0x2ab: {  	[tilespmem:s24], [sflag:$0x2] =	stream.indirect.gather [hbm4b:s6+s22], $0x80, s1, s22, $0xb8;
	[tilespmem:$0x1D900] =	vst v63  }
0x2ac: {  	_ =	swait.ge [sflag:s25], $0x4000  }
0x2ad: {  	[sflag:s25] =	ssyncset.done $0x0  }
0x2ae: {  	[sflag:s25] =	ssyncadd.s32 $0xFFFFC000  }
0x2af: {  	[spmem:s3] =	stream.indirect.scatter.add.f32 [tilespmem:s23], [sflag:$0x5], $0x80, s0, s22, $0xb8;
	[tilespmem:$0x1D900] =	vst v63  }
0x2b0: {  	_ =	swait.ge [sflag:s26], $0x4000  }
0x2b1: {  	[sflag:s26] =	ssyncset.done $0x0  }
0x2b2: {  	s9 =	sadd.s32 $0x200, s9;
	[sflag:s26] =	ssyncadd.s32 $0xFFFFC000  }
0x2b3: {  	p1 =	sne.s32 s9, $0xA00;
	_ =	swait.ge [sflag:s28], $0x4000  }
.Ltmp0:
0x2b4: {  	[sflag:s28] =	ssyncset.done $0x0;
	(pc) =	sbr.rel @p1 .LBB2_2-.Ltmp0, $4  }
0x2b5: {  	[sflag:s28] =	ssyncadd.s32 $0xFFFFC000  }
0x2b6: {  	[spmem:s3] =	stream.indirect.scatter.add.f32 [tilespmem:s24], [sflag:$0x5], $0x80, s7, s22, $0xb8;
	[tilespmem:$0x1D900] =	vst v63  }
0x2b7: {  	_ =	swait.ge [sflag:s26], $0x4000  }
0x2b8: {  	[sflag:s26] =	ssyncset.done $0x0  }
0x2b9: {  	[sflag:s26] =	ssyncadd.s32 $0xFFFFC000  }
0x2ba: {  	[bflag:$0x0] =	sbarrier.arrive $0xFFFF  }
0x2bb: {  	s11 =	sld [smem:$0x7E9];
	_ =	sdelay $0x1  }
0x2bc: {  	s9 =	simm.s32 @p0 $0x1FC5  }
0x2bd: {  	[hbm:s11], [sflag:s9] =	dma.local @p0 [spmem:s15], $0x2080  }
0x2be: {  	s9 =	simm.s32 @p0 $0x5  }
0x2bf: {  	_ =	swait.ge @p0 [sflag:s9], $0x2080  }
0x2c0: {  	[sflag:s9] =	ssyncset.done @p0 $0x0  }
0x2c1: {  	[sflag:s9] =	ssyncadd.s32 @p0 $0xFFFFDF80;
	s9 =	sld [smem:$0x7E5];
	_ =	sdelay $0x2  }
0x2c2: {  	[hbm:s9], [sflag:s16] =	dma.local @!p0 [spmem:s17], $0x2780  }
0x2c3: {  	s9 =	simm.s32 @!p0 $0x5  }
0x2c4: {  	_ =	swait.ge @!p0 [sflag:s9], $0x2780  }
0x2c5: {  	s14 =	sld [smem:$0x7EB];
	_ =	sdelay $0x1  }
0x2c6: {  	s8 =	sadd.s32 $0x1, s8  }
0x2c7: {  	p1 =	sne.s32 s8, s14  }
.Ltmp1:
0x2c8: {  	_ = 	snop;
	(pc) =	sbr.rel @p1 .LBB2_1-.Ltmp1, $3  }
0x2c9: {  	_ =	sdelay $0x1  }
0x2ca: {  	[sflag:s9] =	ssyncset.done @!p0 $0x0  }
0x2cb: {  	[sflag:s9] =	ssyncadd.s32 @!p0 $0xFFFFD880  }
0x2cc: {  	_ =	sfence.sel $0x180000  }
0x2cd: {  	[bflag:$0x0] =	sbarrier.arrive $0xFFFF  }
0x2ce: {  	_ =	strace $0x9000004D  }
0x2cf: {  	s0 =	stileid.u32;
	[bflag:$0x2] =	sbarrier.arrive $0xFFFF  }
0x2d0: {  	p0 =	sne.s32 s0, $0x0;
	s0 =	rddreg [dreg:$0x3]  }
0x2d1: {  	s0 =	sadd.s32 @!p0 $0x100000, s0  }
0x2d2: {  	[sflag:s0] =	ssyncadd.tile.s32 @!p0 $0x1;
	_ =	shalt  }
.Lfunc_end2:
_tile_overlayer_lowered:
.L_overlay_start_2:
0x2d3: {  	(tag) =	ssettag $0x2  }
0x2d4: {  	s0 =	rddreg [dreg:$0x0];
	s2 =	stileid.u32  }
0x2d5: {  	s1 =	rddreg [dreg:$0x1];
	p0 =	sne.s32 s2, $0x0  }
0x2d6: {  	s3 =	rddreg [dreg:$0x2];
	[bflag:$0x3] =	sbarrier.arrive $0xFFFF;
	s2 =	simm.s32 @!p0 $0x1C05  }
0x2d7: {  	[timem:s3], [sflag:s2] =	dma.local @!p0 [hbm:s0], s1  }
0x2d8: {  	s0 =	simm.s32 @!p0 $0x5  }
0x2d9: {  	_ =	swait.ge @!p0 [sflag:s0], s1  }
0x2da: {  	s1 =	ssub.s32 @!p0 $0x0, s1;
	[sflag:s0] =	ssyncset.done @!p0 $0x0  }
0x2db: {  	[sflag:s0] =	ssyncadd.s32 @!p0 s1  }
0x2dc: {  	[bflag:$0x3] =	sbarrier.arrive $0xFFFF  }
0x2dd: {  	_ =	shalt  }

// kernel: kernel.8.cloned.1.call-start
scs
__scs_entry_jumppad:
0x0: {  	(pc) =	sbr.rel $0x88, $3  }
0x1: {  	(tag) =	ssettag $0x0;
	lr =	simm.s32 $0x1  }
0x2: {  	[smem:$0x3F99] =	sst lr;
	_ =	strace $0xD0000000  }
0x3: {  	_ = 	snop  }
0x4: {  	_ = 	snop  }
0x5: {  	_ = 	snop  }
0x6: {  	_ = 	snop  }
0x7: {  	_ = 	snop  }
__scs_overlays_trampoline_lowered:
0x8: {  	[smem:$0x3FA8] =	sst s0  }
0x9: {  	[smem:$0x3FA9] =	sst s1  }
0xa: {  	[smem:$0x3FAA] =	sst s2  }
0xb: {  	[smem:$0x3FAB] =	sst s3  }
0xc: {  	[smem:$0x3FAC] =	sst s4  }
0xd: {  	[smem:$0x3FAD] =	sst s5  }
0xe: {  	[smem:$0x3FAE] =	sst s6  }
0xf: {  	[smem:$0x3FAF] =	sst s7  }
0x10: {  	[smem:$0x3FB0] =	sst s8  }
0x11: {  	[smem:$0x3FB1] =	sst s9;
	s0 =	simm.s32 @!p0 $0x0  }
0x12: {  	s1 =	sld [smem:$0x3F97];
	s0 =	simm.s32 @p0 $0x1  }
0x13: {  	[smem:$0x3FB2] =	sst s0;
	s0 =	simm.s32 @!p1 $0x0  }
0x14: {  	s2 =	sld [smem:$0x3F96];
	s0 =	simm.s32 @p1 $0x1  }
0x15: {  	[smem:$0x3FB3] =	sst s0;
	s0 =	simm.s32 @!p2 $0x0  }
0x16: {  	s3 =	sld [smem:$0x3FDB];
	s0 =	simm.s32 @p2 $0x1  }
0x17: {  	s4 =	simm.s32 $0x1BF5;
	[smem:$0x3FB5] =	sst s0  }
0x18: {  	s0 =	sld [smem:$0x3F98];
	_ =	swait.ge [sflag:s4], $0x0  }
0x19: {  	s7 =	sld [smem:$0x3F99]  }
0x1a: {  	s8 =	sadd.s32 $0xFFFFE003, lr  }
0x1b: {  	s9 =	sadd.s32 $0xFFFFFEF7, lr;
	s5 =	simm.s32 $0xFFFFFFFF;
	p2 =	slt.u32 s8, $0xFFFFF086  }
0x1c: {  	p1 =	slt.u32 s9, $0xF7A;
	s5 =	simm.s32 @!p2 $0x0  }
0x1d: {  	s5 =	simm.s32 @p1 $0x1;
	p0 =	seq.s32 s7, s2  }
0x1e: {  	s7 =	smul.u32 @!p0 $0xF7A, s2;
	p2 =	seq.s32 @!p0 s5, $0x0  }
0x1f: {  	s9 =	smul.u32 $0xF7A, s1;
	s8 =	simm.s32 @!p0 $0x1BF5;
	p2 =	por !p2, p0  }
0x20: {  	[sflag:s8] =	ssyncset.s32 @!p0 $0xFFFFF086;
	s6 =	sadd.s32 @!p0 s3, s7;
	s7 =	simm.s32 @!p0 $0x108  }
0x21: {  	s3 =	sadd.s32 s3, s9;
	s6 =	sadd.s32 @!p0 $0x88, s6;
	s7 =	simm.s32 @p2 $0x1082  }
0x22: {  	[simem:s7], [sflag:s8] =	dma.local @!p0 [hbm:s6], $0xF7A  }
0x23: {  	s9 =	sor.u32 $0xD0000000, s2;
	s6 =	simm.s32 $0x108;
	_ =	swait.ge @!p0 [sflag:s8], $0x0  }
0x24: {  	s3 =	sadd.s32 $0x88, s3;
	s6 =	simm.s32 @!p1 $0x1082;
	[sflag:s4] =	ssyncset.s32 $0xFFFFF086  }
0x25: {  	[simem:s6], [sflag:s4] =	dma.local [hbm:s3], $0xF7A  }
0x26: {  	[smem:$0x3F99] =	sst s1;
	(tag) =	ssettag s2;
	_ =	strace s9  }
0x27: {  	s1 =	sld [smem:$0x3FA9]  }
0x28: {  	s2 =	sld [smem:$0x3FAA]  }
0x29: {  	s4 =	sld [smem:$0x3FAC]  }
0x2a: {  	p0 =	seq.s32 s5, $0x0;
	s5 =	sld [smem:$0x3FAD]  }
0x2b: {  	s6 =	sld [smem:$0x3FAE]  }
0x2c: {  	s7 =	sld [smem:$0x3FAF]  }
0x2d: {  	s3 =	simm.s32 $0x108;
	s8 =	sld [smem:$0x3FB0]  }
0x2e: {  	s3 =	simm.s32 @!p0 $0x1082;
	s9 =	sld [smem:$0x3FB1]  }
0x2f: {  	lr =	sadd.s32 s0, s3;
	s0 =	sld [smem:$0x3FA8]  }
0x30: {  	s3 =	sld [smem:$0x3FAB]  }
0x31: {  	[smem:$0x3FB4] =	sst s10  }
0x32: {  	s10 =	sld [smem:$0x3FB2];
	_ =	sdelay $0x3  }
0x33: {  	p0 =	seq.s32 s10, $0x1;
	s10 =	sld [smem:$0x3FB4];
	_ =	sdelay $0x3  }
0x34: {  	[smem:$0x3FB4] =	sst s10  }
0x35: {  	s10 =	sld [smem:$0x3FB3];
	_ =	sdelay $0x3  }
0x36: {  	p1 =	seq.s32 s10, $0x1;
	s10 =	sld [smem:$0x3FB4];
	_ =	sdelay $0x3  }
0x37: {  	[smem:$0x3FB4] =	sst s10  }
0x38: {  	s10 =	sld [smem:$0x3FB5]  }
0x39: {  	_ = 	snop;
	(pc) =	sbr.ind lr, $3  }
0x3a: {  	_ = 	snop  }
0x3b: {  	_ = 	snop  }
0x3c: {  	p2 =	seq.s32 s10, $0x1;
	s10 =	sld [smem:$0x3FB4]  }
0x3d: {  	_ =	shalt  }
0x3e: {  	_ =	shalt  }
0x3f: {  	_ =	shalt  }
0x40: {  	_ =	shalt  }
0x41: {  	_ =	shalt  }
0x42: {  	_ =	shalt  }
0x43: {  	_ =	shalt  }
0x44: {  	_ =	shalt  }
0x45: {  	_ =	shalt  }
0x46: {  	_ =	shalt  }
0x47: {  	_ =	shalt  }
0x48: {  	_ =	shalt  }
0x49: {  	_ =	shalt  }
0x4a: {  	_ =	shalt  }
0x4b: {  	_ =	shalt  }
0x4c: {  	_ =	shalt  }
0x4d: {  	_ =	shalt  }
0x4e: {  	_ =	shalt  }
0x4f: {  	_ =	shalt  }
0x50: {  	_ =	shalt  }
0x51: {  	_ =	shalt  }
0x52: {  	_ =	shalt  }
0x53: {  	_ =	shalt  }
0x54: {  	_ =	shalt  }
0x55: {  	_ =	shalt  }
0x56: {  	_ =	shalt  }
0x57: {  	_ =	shalt  }
0x58: {  	_ =	shalt  }
0x59: {  	_ =	shalt  }
0x5a: {  	_ =	shalt  }
0x5b: {  	_ =	shalt  }
0x5c: {  	_ =	shalt  }
0x5d: {  	_ =	shalt  }
0x5e: {  	_ =	shalt  }
0x5f: {  	_ =	shalt  }
0x60: {  	_ =	shalt  }
0x61: {  	_ =	shalt  }
0x62: {  	_ =	shalt  }
0x63: {  	_ =	shalt  }
0x64: {  	_ =	shalt  }
0x65: {  	_ =	shalt  }
0x66: {  	_ =	shalt  }
0x67: {  	_ =	shalt  }
0x68: {  	_ =	shalt  }
0x69: {  	_ =	shalt  }
0x6a: {  	_ =	shalt  }
0x6b: {  	_ =	shalt  }
0x6c: {  	_ =	shalt  }
0x6d: {  	_ =	shalt  }
0x6e: {  	_ =	shalt  }
0x6f: {  	_ =	shalt  }
0x70: {  	_ =	shalt  }
0x71: {  	_ =	shalt  }
0x72: {  	_ =	shalt  }
0x73: {  	_ =	shalt  }
0x74: {  	_ =	shalt  }
0x75: {  	_ =	shalt  }
0x76: {  	_ =	shalt  }
0x77: {  	_ =	shalt  }
0x78: {  	_ =	shalt  }
0x79: {  	_ =	shalt  }
0x7a: {  	_ =	shalt  }
0x7b: {  	_ =	shalt  }
0x7c: {  	_ =	shalt  }
0x7d: {  	_ =	shalt  }
0x7e: {  	_ =	shalt  }
0x7f: {  	_ =	shalt  }
0x80: {  	_ =	shalt  }
0x81: {  	_ =	shalt  }
0x82: {  	_ =	shalt  }
0x83: {  	_ =	shalt  }
0x84: {  	_ =	shalt  }
0x85: {  	_ =	shalt  }
0x86: {  	_ =	shalt  }
0x87: {  	_ =	shalt  }
.Lfunc_end0:
.L_simem_size_0:
called_computation_lowered:
.L_overlay_start_0:
0x88: {  	s2 =	sld [smem:$0x3FD9]  }
0x89: {  	s3 =	sld [smem:$0x3FFE];
	_ =	sdelay $0x1  }
0x8a: {  	s1 =	srdreg.scid  }
0x8b: {  	s0 =	sand.u32 $0x1, s1  }
0x8c: {  	s14 =	sshll.u32 s0, $0xA;
	s2 =	sadd.s32 s3, s2  }
0x8d: {  	s2 =	sadd.s32 s2, s14  }
0x8e: {  	[smem:$0x3FC0] =	sst s2  }
0x8f: {  	_ = 	snop  }
0x90: {  	s2 =	sld [smem:$0x3FD0];
	_ =	sdelay $0x2  }
0x91: {  	s15 =	simm.s32 $0xA;
	s4 =	simm.s32 $0x10  }
0x92: {  	[smem:s4], [sflag:s15] =	dma.local [hbm:s2], $0x1  }
0x93: {  	_ =	swait.eq [sflag:s15], $0x1  }
0x94: {  	[sflag:s15] =	ssyncset.done $0x0  }
0x95: {  	s16 =	sld [smem:$0x10];
	[sflag:s15] =	ssyncadd.s32 $0xFFFFFFFF  }
0x96: {  	s17 =	sld [smem:$0x11];
	(tm) =	ssettm $0x1  }
0x97: {  	s18 =	sld [smem:$0x3FFB];
	_ =	sdelay $0x3  }
0x98: {  	_ =	strace s18  }
0x99: {  	s4 =	sld [smem:$0x3FFC];
	_ =	sdelay $0x3  }
0x9a: {  	_ =	strace s4  }
0x9b: {  	s4 =	sld [smem:$0x3FFD];
	_ =	sdelay $0x3  }
0x9c: {  	_ =	strace s4  }
0x9d: {  	_ =	strace $0x8FFFFFFF  }
0x9e: {  	s19 =	sld [smem:$0x3FDB];
	_ =	sdelay $0x1  }
0x9f: {  	s5 =	simm.s32 $_scs_section_size  }
0xa0: {  	s6 =	simm.s32 $_size__tile_overlayer_lowered;
	s7 =	simm.s32 $_tile_overlayer_lowered  }
0xa1: {  	s22 =	simm.s32 $0x1BFF;
	s21 =	sshll.u32 s7, $0x1;
	s4 =	sadd.s32 s5, s19  }
0xa2: {  	s8 =	simm.s32 $0x0;
	s20 =	sshll.u32 s6, $0x1;
	s6 =	sadd.s32 s21, s4  }
0xa3: {  	[timem:s8], [sflag:s22] =	dma.local [hbm:s6], s20  }
0xa4: {  	_ =	swait.ge [sflag:s22], s20  }
0xa5: {  	s5 =	ssub.s32 $0x0, s20;
	[sflag:s22] =	ssyncset.done $0x0  }
0xa6: {  	[sflag:s22] =	ssyncadd.s32 s5;
	_ =	sdelay $0x1  }
0xa7: {  	s23 =	simm.s32 $0x1B8B  }
0xa8: {  	_ =	swait.ge [sflag:s23], $0x1  }
0xa9: {  	[sflag:s23] =	ssyncset.done $0x0  }
0xaa: {  	s25 =	simm.s32 $0x1B8E;
	s24 =	sld [smem:$0x3FFE];
	[sflag:s23] =	ssyncadd.s32 $0xFFFFFFFF  }
0xab: {  	s26 =	simm.s32 $execute0_lowered;
	[smem:$0x3FD2] =	sst s25  }
0xac: {  	s6 =	sshll.u32 s26, $0x1;
	_ =	strace $0x80000046;
	[dreg:$0x1] =	wrdreg $0xFFFFFFFF  }
0xad: {  	s28 =	simm.s32 $_size_execute0_lowered;
	s4 =	sadd.s32 s4, s6;
	[dreg:$0x0] =	wrdreg $0x0  }
0xae: {  	s6 =	sshll.u32 s28, $0x1;
	[dreg:$0x2] =	wrdreg s4  }
0xaf: {  	[dreg:$0x3] =	wrdreg s6  }
0xb0: {  	[dreg:$0x4] =	wrdreg $0xC0  }
0xb1: {  	_ =	task [dreg:s8], $0x5FFFF  }
0xb2: {  	[dreg:$0x1] =	wrdreg $0xFFFFFFFF  }
0xb3: {  	[dreg:$0x0] =	wrdreg $0x60  }
0xb4: {  	[dreg:$0x2] =	wrdreg s17  }
0xb5: {  	[dreg:$0x3] =	wrdreg s16  }
0xb6: {  	[dreg:$0x4] =	wrdreg s24  }
0xb7: {  	[dreg:$0x5] =	wrdreg $0x50000  }
0xb8: {  	[dreg:$0x6] =	wrdreg $0x9  }
0xb9: {  	_ =	task.clear_ibuf [dreg:s8], $0x7FFFF;
	_ =	strace $0x90000046  }
0xba: {  	s29 =	simm.s32 $0x9;
	_ =	strace $0x80000048  }
0xbb: {  	_ =	swait.ge [sflag:s29], $0x1  }
0xbc: {  	[sflag:s29] =	ssyncadd.s32 $0xFFFFFFFF  }
0xbd: {  	_ =	strace $0x90000048  }
0xbe: {  	_ =	sfence  }
0xbf: {  	s30 =	sld [smem:$0x0];
	_ =	sdelay $0x2  }
0xc0: {  	s31 =	sshll.u32 s1, $0xD;
	s1 =	sshrl.u32 s1, $0x2  }
0xc1: {  	s3 =	sand.u32 $0x4000, s31;
	s1 =	sadd.s32 s1, s30  }
0xc2: {  	s0 =	sor.u32 s3, s0;
	s1 =	sshll.u32 s1, $0x11  }
0xc3: {  	s0 =	sor.u32 s1, s0  }
0xc4: {  	s0 =	sadd.s32 $0x8F2B, s0  }
0xc5: {  	[sflag:s0] =	ssyncadd.remote.s32 $0x1  }
0xc6: {  	_ =	sfence.sel $0xFFFF  }
0xc7: {  	[dreg:$0x0] =	wrdreg $0xFFFFFFFF;
	(pc) =	sbr.abs _section_cstart, $3  }
0xc8: {  	[dreg:$0x1] =	wrdreg $0xFFFFFFFF  }
0xc9: {  	_ =	task.clear_ibuf [dreg:s8], $0x2FFFF;
	_ =	strace $0x9FFFFFFF  }
0xca: {  	(tm) =	ssettm $0x7FFFFFFF  }
0xcb: {  	_ =	shalt  }
tec
execute0_lowered:
.L_overlay_start_1:
0x0: {  	(tag) =	ssettag $0x1  }
0x1: {  	s1 =	rddreg [dreg:$0x0]  }
0x2: {  	s11 =	rddreg [dreg:$0x1]  }
0x3: {  	s0 =	rddreg [dreg:$0x2]  }
0x4: {  	s4 =	rddreg [dreg:$0x3];
	s12 =	stileid.u32  }
0x5: {  	s5 =	simm.s32 $0x0;
	s2 =	srdreg.scid;
	s14 =	simm.s32 $0x200  }
0x6: {  	s16 =	simm.s32 $0x280;
	s17 =	simm.s32 $0x300;
	s18 =	simm.s32 $0x380  }
0x7: {  	s19 =	simm.s32 $0x400;
	s20 =	simm.s32 $0x480;
	s21 =	simm.s32 $0x500  }
0x8: {  	s22 =	simm.s32 $0x580;
	s28 =	simm.s32 $0xB00;
	[smem:$0x7FF] =	sst s5  }
0x9: {  	s29 =	simm.s32 $0xB80;
	_ =	strace $0x80000047;
	[dreg:$0x8] =	wrdreg s14  }
0xa: {  	s30 =	simm.s32 $0xC00;
	s3 =	smul.u32 $0x4F000, s12;
	[dreg:$0x9] =	wrdreg s16  }
0xb: {  	s31 =	simm.s32 $0xC80;
	s6 =	smul.u32 $0x2780, s12;
	[dreg:$0xa] =	wrdreg s17  }
0xc: {  	s2 =	sand.u32 $0x1, s2;
	s10 =	smul.u32 $0x5000, s12;
	[dreg:$0xb] =	wrdreg s18  }
0xd: {  	s0 =	sadd.s32 $0x3800, s0;
	s23 =	smul.u32 $0x13C00, s12;
	[dreg:$0xc] =	wrdreg s19  }
0xe: {  	p0 =	seq.s32 s12, $0xF;
	s8 =	smul.u32 $0x50000, s2;
	[dreg:$0xd] =	wrdreg s20  }
0xf: {  	s7 =	ssub.s32 $0x2, s2;
	s2 =	smul.u32 $0x138800, s2;
	[dreg:$0xe] =	wrdreg s21  }
0x10: {  	s14 =	simm.s32 $0x3;
	[dreg:$0xf] =	wrdreg s22;
	s18 =	simm.s32 $0x1  }
0x11: {  	s19 =	simm.s32 $0x800;
	s20 =	simm.s32 $0x80;
	s21 =	simm.s32 $0x2  }
0x12: {  	s22 =	simm.s32 $0x880;
	s9 =	sshrl.u32 s7, $0x1;
	s3 =	sshrl.u32 s3, $0x2  }
0x13: {  	s6 =	sadd.s32 s11, s6;
	s11 =	sadd.s32 $0x25080, s11;
	s7 =	ssub.s32 s7, s9  }
0x14: {  	s3 =	sadd.s32 s3, s4;
	[dreg:$0x14] =	wrdreg s6;
	s9 =	sadd.s32 $0x128400, s4  }
0x15: {  	[dreg:$0x15] =	wrdreg s11;
	s8 =	sadd.s32 s10, s8;
	s6 =	sadd.s32 s23, s2  }
0x16: {  	s2 =	sshrl.u32 s2, $0x3;
	s11 =	simm.s32 $0x180;
	s23 =	simm.s32 $0x600  }
0x17: {  	s10 =	sshrl.u32 s8, $0x3;
	s24 =	sor.u32 $0x800, s8;
	s6 =	sshrl.u32 s6, $0x3  }
0x18: {  	s13 =	smax.u32 s7, $0x1;
	[dreg:$0x7] =	wrdreg s11;
	s15 =	sadd.s32 $0x1000, s8  }
0x19: {  	s16 =	sshrl.u32 @!p0 s3, $0x3;
	[dreg:$0x10] =	wrdreg s23;
	s23 =	simm.s32 $0x900  }
0x1a: {  	s3 =	simm.s32 $0xE00;
	s7 =	simm.s32 $0xF00;
	[dreg:$0x19] =	wrdreg s13  }
0x1b: {  	s8 =	simm.s32 $0xF80;
	s10 =	sadd.s32 s1, s10;
	[dreg:$0x1a] =	wrdreg s15  }
0x1c: {  	s25 =	sshrl.u32 s24, $0x3;
	s6 =	sadd.s32 s0, s6;
	[dreg:$0x1b] =	wrdreg s16  }
0x1d: {  	s0 =	sadd.s32 s0, s2;
	s13 =	simm.s32 $0x1000;
	[dreg:$0x16] =	wrdreg s10  }
0x1e: {  	s15 =	sshrl.u32 @p0 s9, $0x3;
	s24 =	simm.s32 $0x680;
	[dreg:$0x17] =	wrdreg s6  }
0x1f: {  	s2 =	sshll.u32 @!p0 s12, $0x6;
	s9 =	simm.s32 $0x0;
	[dreg:$0x11] =	wrdreg s24  }
0x20: {  	s26 =	sadd.s32 s25, s1;
	s10 =	simm.s32 $0x100;
	[dreg:$0x1c] =	wrdreg s15  }
0x21: {  	s0 =	sadd.s32 $0x25080, s0;
	s12 =	sor.u32 @!p0 $0x1C03, s2;
	[dreg:$0x5] =	wrdreg s26  }
0x22: {  	s25 =	simm.s32 $0x700;
	s24 =	simm.s32 $0x980;
	[dreg:$0x18] =	wrdreg s0  }
0x23: {  	s2 =	simm.s32 $0xD80;
	s6 =	simm.s32 $0xE80;
	[dreg:$0x6] =	wrdreg s10  }
0x24: {  	[dreg:$0x12] =	wrdreg s25;
	s26 =	simm.s32 $0x780;
	s25 =	simm.s32 $0xA00  }
0x25: {  	s0 =	simm.s32 $0xD00;
	[dreg:$0x13] =	wrdreg s26;
	s26 =	simm.s32 $0xA80  }
.LBB2_1:
0x26: {  	s10 =	rddreg [dreg:$0x1]  }
0x27: {  	[tilespmem:s13], [sflag:$0x3] =	stream.linear.gather [hbm4b:s10+s5], $0x4000, $0x38;
	[tilespmem:$0x18900] =	vst v63  }
0x28: {  	_ =	swait.ge [sflag:s14], $0x4000  }
0x29: {  	[sflag:s14] =	ssyncset.done $0x0  }
0x2a: {  	s10 =	simm.s32 @p0 $0x1FC3;
	s11 =	rddreg [dreg:$0x15];
	[sflag:s14] =	ssyncadd.s32 $0xFFFFC000  }
0x2b: {  	[spmem:s15], [sflag:s10] =	dma.local @p0 [hbm:s11], $0x2080  }
0x2c: {  	s10 =	simm.s32 @p0 $0x3  }
0x2d: {  	_ =	swait.ge @p0 [sflag:s10], $0x2080  }
0x2e: {  	[sflag:s10] =	ssyncset.done @p0 $0x0  }
0x2f: {  	[sflag:s10] =	ssyncadd.s32 @p0 $0xFFFFDF80;
	s10 =	rddreg [dreg:$0x14]  }
0x30: {  	[spmem:s16], [sflag:s12] =	dma.local @!p0 [hbm:s10], $0x2780  }
0x31: {  	s10 =	simm.s32 @!p0 $0x3  }
0x32: {  	_ =	swait.ge @!p0 [sflag:s10], $0x2780  }
0x33: {  	[sflag:s10] =	ssyncset.done @!p0 $0x0  }
0x34: {  	[sflag:s10] =	ssyncadd.s32 @!p0 $0xFFFFD880  }
0x35: {  	[bflag:$0x0] =	sbarrier.arrive $0xFFFF  }
0x36: {  	s11 =	rddreg [dreg:$0x16]  }
0x37: {  	[tilespmem:s5], [sflag:$0x1] =	stream.linear.gather [hbm4b:s11+s5], $0x800, $0x38;
	[tilespmem:$0x18900] =	vst v63  }
0x38: {  	_ =	swait.ge [sflag:s18], $0x800  }
0x39: {  	s17 =	smov.u32 s12;
	s12 =	rddreg [dreg:$0x5];
	[sflag:s18] =	ssyncset.done $0x0  }
0x3a: {  	[sflag:s18] =	ssyncadd.s32 $0xFFFFF800;
	s10 =	sadd.s32 $0x0, s12  }
0x3b: {  	[tilespmem:s19], [sflag:$0x2] =	stream.linear.gather [hbm4b:s10+s5], $0x800, $0x38;
	[tilespmem:$0x18900] =	vst v63  }
0x3c: {  	_ = 	snop  }
0x3d: {  	[spmem:s4] =	stream.indirect.scatter.add.f32 [tilespmem:s13], [sflag:$0x3], $0x80, s5, s20, $0xb8;
	[tilespmem:$0x18900] =	vst v63  }
0x3e: {  	_ =	swait.ge [sflag:s14], $0x4000  }
0x3f: {  	[sflag:s14] =	ssyncset.done $0x0  }
0x40: {  	[sflag:s14] =	ssyncadd.s32 $0xFFFFC000  }
0x41: {  	[spmem:s4] =	stream.indirect.scatter.add.f32 [tilespmem:s13], [sflag:$0x3], $0x80, s20, s20, $0xb8;
	[tilespmem:$0x18900] =	vst v63  }
0x42: {  	_ =	swait.ge [sflag:s14], $0x4000  }
0x43: {  	[sflag:s14] =	ssyncset.done $0x0  }
0x44: {  	s15 =	rddreg [dreg:$0x6];
	[sflag:s14] =	ssyncadd.s32 $0xFFFFC000  }
0x45: {  	[spmem:s4] =	stream.indirect.scatter.add.f32 [tilespmem:s13], [sflag:$0x3], $0x80, s15, s20, $0xb8;
	[tilespmem:$0x18900] =	vst v63  }
0x46: {  	_ =	swait.ge [sflag:s14], $0x4000  }
0x47: {  	[sflag:s14] =	ssyncset.done $0x0  }
0x48: {  	s16 =	rddreg [dreg:$0x7];
	[sflag:s14] =	ssyncadd.s32 $0xFFFFC000  }
0x49: {  	[spmem:s4] =	stream.indirect.scatter.add.f32 [tilespmem:s13], [sflag:$0x3], $0x80, s16, s20, $0xb8;
	[tilespmem:$0x18900] =	vst v63  }
0x4a: {  	_ =	swait.ge [sflag:s14], $0x4000  }
0x4b: {  	[sflag:s14] =	ssyncset.done $0x0  }
0x4c: {  	s11 =	rddreg [dreg:$0x8];
	[sflag:s14] =	ssyncadd.s32 $0xFFFFC000  }
0x4d: {  	[spmem:s4] =	stream.indirect.scatter.add.f32 [tilespmem:s13], [sflag:$0x3], $0x80, s11, s20, $0xb8;
	[tilespmem:$0x18900] =	vst v63  }
0x4e: {  	_ =	swait.ge [sflag:s14], $0x4000  }
0x4f: {  	[sflag:s14] =	ssyncset.done $0x0  }
0x50: {  	s12 =	rddreg [dreg:$0x9];
	[sflag:s14] =	ssyncadd.s32 $0xFFFFC000  }
0x51: {  	[spmem:s4] =	stream.indirect.scatter.add.f32 [tilespmem:s13], [sflag:$0x3], $0x80, s12, s20, $0xb8;
	[tilespmem:$0x18900] =	vst v63  }
0x52: {  	_ =	swait.ge [sflag:s14], $0x4000  }
0x53: {  	[sflag:s14] =	ssyncset.done $0x0  }
0x54: {  	s15 =	rddreg [dreg:$0xa];
	[sflag:s14] =	ssyncadd.s32 $0xFFFFC000  }
0x55: {  	[spmem:s4] =	stream.indirect.scatter.add.f32 [tilespmem:s13], [sflag:$0x3], $0x80, s15, s20, $0xb8;
	[tilespmem:$0x18900] =	vst v63  }
0x56: {  	_ =	swait.ge [sflag:s14], $0x4000  }
0x57: {  	[sflag:s14] =	ssyncset.done $0x0  }
0x58: {  	s16 =	rddreg [dreg:$0xb];
	[sflag:s14] =	ssyncadd.s32 $0xFFFFC000  }
0x59: {  	[spmem:s4] =	stream.indirect.scatter.add.f32 [tilespmem:s13], [sflag:$0x3], $0x80, s16, s20, $0xb8;
	[tilespmem:$0x18900] =	vst v63  }
0x5a: {  	_ =	swait.ge [sflag:s14], $0x4000  }
0x5b: {  	[sflag:s14] =	ssyncset.done $0x0  }
0x5c: {  	s11 =	rddreg [dreg:$0xc];
	[sflag:s14] =	ssyncadd.s32 $0xFFFFC000  }
0x5d: {  	[spmem:s4] =	stream.indirect.scatter.add.f32 [tilespmem:s13], [sflag:$0x3], $0x80, s11, s20, $0xb8;
	[tilespmem:$0x18900] =	vst v63  }
0x5e: {  	_ =	swait.ge [sflag:s14], $0x4000  }
0x5f: {  	[sflag:s14] =	ssyncset.done $0x0  }
0x60: {  	s12 =	rddreg [dreg:$0xd];
	[sflag:s14] =	ssyncadd.s32 $0xFFFFC000  }
0x61: {  	[spmem:s4] =	stream.indirect.scatter.add.f32 [tilespmem:s13], [sflag:$0x3], $0x80, s12, s20, $0xb8;
	[tilespmem:$0x18900] =	vst v63  }
0x62: {  	_ =	swait.ge [sflag:s14], $0x4000  }
0x63: {  	[sflag:s14] =	ssyncset.done $0x0  }
0x64: {  	s15 =	rddreg [dreg:$0xe];
	[sflag:s14] =	ssyncadd.s32 $0xFFFFC000  }
0x65: {  	[spmem:s4] =	stream.indirect.scatter.add.f32 [tilespmem:s13], [sflag:$0x3], $0x80, s15, s20, $0xb8;
	[tilespmem:$0x18900] =	vst v63  }
0x66: {  	_ =	swait.ge [sflag:s14], $0x4000  }
0x67: {  	[sflag:s14] =	ssyncset.done $0x0  }
0x68: {  	s16 =	rddreg [dreg:$0xf];
	[sflag:s14] =	ssyncadd.s32 $0xFFFFC000  }
0x69: {  	[spmem:s4] =	stream.indirect.scatter.add.f32 [tilespmem:s13], [sflag:$0x3], $0x80, s16, s20, $0xb8;
	[tilespmem:$0x18900] =	vst v63  }
0x6a: {  	_ =	swait.ge [sflag:s14], $0x4000  }
0x6b: {  	[sflag:s14] =	ssyncset.done $0x0  }
0x6c: {  	s11 =	rddreg [dreg:$0x10];
	[sflag:s14] =	ssyncadd.s32 $0xFFFFC000  }
0x6d: {  	[spmem:s4] =	stream.indirect.scatter.add.f32 [tilespmem:s13], [sflag:$0x3], $0x80, s11, s20, $0xb8;
	[tilespmem:$0x18900] =	vst v63  }
0x6e: {  	_ =	swait.ge [sflag:s14], $0x4000  }
0x6f: {  	[sflag:s14] =	ssyncset.done $0x0  }
0x70: {  	s12 =	rddreg [dreg:$0x11];
	[sflag:s14] =	ssyncadd.s32 $0xFFFFC000  }
0x71: {  	[spmem:s4] =	stream.indirect.scatter.add.f32 [tilespmem:s13], [sflag:$0x3], $0x80, s12, s20, $0xb8;
	[tilespmem:$0x18900] =	vst v63  }
0x72: {  	_ =	swait.ge [sflag:s14], $0x4000  }
0x73: {  	[sflag:s14] =	ssyncset.done $0x0  }
0x74: {  	s15 =	rddreg [dreg:$0x12];
	[sflag:s14] =	ssyncadd.s32 $0xFFFFC000  }
0x75: {  	[spmem:s4] =	stream.indirect.scatter.add.f32 [tilespmem:s13], [sflag:$0x3], $0x80, s15, s20, $0xb8;
	[tilespmem:$0x18900] =	vst v63  }
0x76: {  	_ =	swait.ge [sflag:s14], $0x4000  }
0x77: {  	[sflag:s14] =	ssyncset.done $0x0  }
0x78: {  	s16 =	rddreg [dreg:$0x13];
	[sflag:s14] =	ssyncadd.s32 $0xFFFFC000  }
0x79: {  	[spmem:s4] =	stream.indirect.scatter.add.f32 [tilespmem:s13], [sflag:$0x3], $0x80, s16, s20, $0xb8;
	[tilespmem:$0x18900] =	vst v63  }
0x7a: {  	_ =	swait.ge [sflag:s14], $0x4000  }
0x7b: {  	[sflag:s14] =	ssyncset.done $0x0  }
0x7c: {  	[sflag:s14] =	ssyncadd.s32 $0xFFFFC000  }
0x7d: {  	_ =	swait.ge [sflag:s21], $0x800  }
0x7e: {  	p1 =	por $0x0, $0x0;
	s12 =	rddreg [dreg:$0x1a]  }
0x7f: {  	[sflag:s21] =	ssyncset.done $0x0;
	s10 =	sshrl.u32 @!p1 s12, $0x3  }
0x80: {  	s11 =	simm.s32 @!p1 $0x0;
	[sflag:s21] =	ssyncadd.s32 $0xFFFFF800;
	s10 =	sadd.s32 @!p1 s1, s10  }
0x81: {  	[tilespmem:s11], [sflag:$0x1] =	stream.linear.gather @!p1 [hbm4b:s10+s11], $0x800, $0x38;
	[tilespmem:$0x18900] =	vst v63  }
0x82: {  	_ = 	snop  }
0x83: {  	[spmem:s4] =	stream.indirect.scatter.add.f32 [tilespmem:s13], [sflag:$0x3], $0x80, s19, s20, $0xb8;
	[tilespmem:$0x18900] =	vst v63  }
0x84: {  	_ =	swait.ge [sflag:s14], $0x4000  }
0x85: {  	[sflag:s14] =	ssyncset.done $0x0  }
0x86: {  	[sflag:s14] =	ssyncadd.s32 $0xFFFFC000  }
0x87: {  	[spmem:s4] =	stream.indirect.scatter.add.f32 [tilespmem:s13], [sflag:$0x3], $0x80, s22, s20, $0xb8;
	[tilespmem:$0x18900] =	vst v63  }
0x88: {  	_ =	swait.ge [sflag:s14], $0x4000  }
0x89: {  	[sflag:s14] =	ssyncset.done $0x0  }
0x8a: {  	[sflag:s14] =	ssyncadd.s32 $0xFFFFC000  }
0x8b: {  	[spmem:s4] =	stream.indirect.scatter.add.f32 [tilespmem:s13], [sflag:$0x3], $0x80, s23, s20, $0xb8;
	[tilespmem:$0x18900] =	vst v63  }
0x8c: {  	_ =	swait.ge [sflag:s14], $0x4000  }
0x8d: {  	[sflag:s14] =	ssyncset.done $0x0  }
0x8e: {  	[sflag:s14] =	ssyncadd.s32 $0xFFFFC000  }
0x8f: {  	[spmem:s4] =	stream.indirect.scatter.add.f32 [tilespmem:s13], [sflag:$0x3], $0x80, s24, s20, $0xb8;
	[tilespmem:$0x18900] =	vst v63  }
0x90: {  	_ =	swait.ge [sflag:s14], $0x4000  }
0x91: {  	[sflag:s14] =	ssyncset.done $0x0  }
0x92: {  	[sflag:s14] =	ssyncadd.s32 $0xFFFFC000  }
0x93: {  	[spmem:s4] =	stream.indirect.scatter.add.f32 [tilespmem:s13], [sflag:$0x3], $0x80, s25, s20, $0xb8;
	[tilespmem:$0x18900] =	vst v63  }
0x94: {  	_ =	swait.ge [sflag:s14], $0x4000  }
0x95: {  	[sflag:s14] =	ssyncset.done $0x0  }
0x96: {  	[sflag:s14] =	ssyncadd.s32 $0xFFFFC000  }
0x97: {  	[spmem:s4] =	stream.indirect.scatter.add.f32 [tilespmem:s13], [sflag:$0x3], $0x80, s26, s20, $0xb8;
	[tilespmem:$0x18900] =	vst v63  }
0x98: {  	_ =	swait.ge [sflag:s14], $0x4000  }
0x99: {  	[sflag:s14] =	ssyncset.done $0x0  }
0x9a: {  	[sflag:s14] =	ssyncadd.s32 $0xFFFFC000  }
0x9b: {  	[spmem:s4] =	stream.indirect.scatter.add.f32 [tilespmem:s13], [sflag:$0x3], $0x80, s28, s20, $0xb8;
	[tilespmem:$0x18900] =	vst v63  }
0x9c: {  	_ =	swait.ge [sflag:s14], $0x4000  }
0x9d: {  	[sflag:s14] =	ssyncset.done $0x0  }
0x9e: {  	[sflag:s14] =	ssyncadd.s32 $0xFFFFC000  }
0x9f: {  	[spmem:s4] =	stream.indirect.scatter.add.f32 [tilespmem:s13], [sflag:$0x3], $0x80, s29, s20, $0xb8;
	[tilespmem:$0x18900] =	vst v63  }
0xa0: {  	_ =	swait.ge [sflag:s14], $0x4000  }
0xa1: {  	[sflag:s14] =	ssyncset.done $0x0  }
0xa2: {  	[sflag:s14] =	ssyncadd.s32 $0xFFFFC000  }
0xa3: {  	[spmem:s4] =	stream.indirect.scatter.add.f32 [tilespmem:s13], [sflag:$0x3], $0x80, s30, s20, $0xb8;
	[tilespmem:$0x18900] =	vst v63  }
0xa4: {  	_ =	swait.ge [sflag:s14], $0x4000  }
0xa5: {  	[sflag:s14] =	ssyncset.done $0x0  }
0xa6: {  	[sflag:s14] =	ssyncadd.s32 $0xFFFFC000  }
0xa7: {  	[spmem:s4] =	stream.indirect.scatter.add.f32 [tilespmem:s13], [sflag:$0x3], $0x80, s31, s20, $0xb8;
	[tilespmem:$0x18900] =	vst v63  }
0xa8: {  	_ =	swait.ge [sflag:s14], $0x4000  }
0xa9: {  	[sflag:s14] =	ssyncset.done $0x0  }
0xaa: {  	[sflag:s14] =	ssyncadd.s32 $0xFFFFC000  }
0xab: {  	[spmem:s4] =	stream.indirect.scatter.add.f32 [tilespmem:s13], [sflag:$0x3], $0x80, s0, s20, $0xb8;
	[tilespmem:$0x18900] =	vst v63  }
0xac: {  	_ =	swait.ge [sflag:s14], $0x4000  }
0xad: {  	[sflag:s14] =	ssyncset.done $0x0  }
0xae: {  	[sflag:s14] =	ssyncadd.s32 $0xFFFFC000  }
0xaf: {  	[spmem:s4] =	stream.indirect.scatter.add.f32 [tilespmem:s13], [sflag:$0x3], $0x80, s2, s20, $0xb8;
	[tilespmem:$0x18900] =	vst v63  }
0xb0: {  	_ =	swait.ge [sflag:s14], $0x4000  }
0xb1: {  	[sflag:s14] =	ssyncset.done $0x0  }
0xb2: {  	[sflag:s14] =	ssyncadd.s32 $0xFFFFC000  }
0xb3: {  	[spmem:s4] =	stream.indirect.scatter.add.f32 [tilespmem:s13], [sflag:$0x3], $0x80, s3, s20, $0xb8;
	[tilespmem:$0x18900] =	vst v63  }
0xb4: {  	_ =	swait.ge [sflag:s14], $0x4000  }
0xb5: {  	[sflag:s14] =	ssyncset.done $0x0  }
0xb6: {  	[sflag:s14] =	ssyncadd.s32 $0xFFFFC000  }
0xb7: {  	[spmem:s4] =	stream.indirect.scatter.add.f32 [tilespmem:s13], [sflag:$0x3], $0x80, s6, s20, $0xb8;
	[tilespmem:$0x18900] =	vst v63  }
0xb8: {  	_ =	swait.ge [sflag:s14], $0x4000  }
0xb9: {  	[sflag:s14] =	ssyncset.done $0x0  }
0xba: {  	[sflag:s14] =	ssyncadd.s32 $0xFFFFC000  }
0xbb: {  	[spmem:s4] =	stream.indirect.scatter.add.f32 [tilespmem:s13], [sflag:$0x3], $0x80, s7, s20, $0xb8;
	[tilespmem:$0x18900] =	vst v63  }
0xbc: {  	_ =	swait.ge [sflag:s14], $0x4000  }
0xbd: {  	[sflag:s14] =	ssyncset.done $0x0  }
0xbe: {  	[sflag:s14] =	ssyncadd.s32 $0xFFFFC000  }
0xbf: {  	[spmem:s4] =	stream.indirect.scatter.add.f32 [tilespmem:s13], [sflag:$0x3], $0x80, s8, s20, $0xb8;
	[tilespmem:$0x18900] =	vst v63  }
0xc0: {  	_ =	swait.ge [sflag:s14], $0x4000  }
0xc1: {  	s10 =	simm.s32 $0x200;
	[sflag:s14] =	ssyncset.done $0x0  }
.LBB2_2:
0xc2: {  	[sflag:s14] =	ssyncadd.s32 $0xFFFFC000  }
0xc3: {  	_ =	swait.ge [sflag:s18], $0x800  }
0xc4: {  	s11 =	smov.u32 s10;
	s15 =	rddreg [dreg:$0x5];
	[sflag:s18] =	ssyncset.done $0x0  }
0xc5: {  	[sflag:s18] =	ssyncadd.s32 $0xFFFFF800;
	s15 =	sadd.s32 s11, s15  }
0xc6: {  	[tilespmem:s19], [sflag:$0x2] =	stream.linear.gather [hbm4b:s15+s5], $0x800, $0x38;
	[tilespmem:$0x18900] =	vst v63  }
0xc7: {  	_ = 	snop  }
0xc8: {  	[spmem:s4] =	stream.indirect.scatter.add.f32 [tilespmem:s13], [sflag:$0x3], $0x80, s5, s20, $0xb8;
	[tilespmem:$0x18900] =	vst v63  }
0xc9: {  	_ =	swait.ge [sflag:s14], $0x4000  }
0xca: {  	[sflag:s14] =	ssyncset.done $0x0  }
0xcb: {  	[sflag:s14] =	ssyncadd.s32 $0xFFFFC000  }
0xcc: {  	[spmem:s4] =	stream.indirect.scatter.add.f32 [tilespmem:s13], [sflag:$0x3], $0x80, s20, s20, $0xb8;
	[tilespmem:$0x18900] =	vst v63  }
0xcd: {  	_ =	swait.ge [sflag:s14], $0x4000  }
0xce: {  	[sflag:s14] =	ssyncset.done $0x0  }
0xcf: {  	s16 =	rddreg [dreg:$0x6];
	[sflag:s14] =	ssyncadd.s32 $0xFFFFC000  }
0xd0: {  	[spmem:s4] =	stream.indirect.scatter.add.f32 [tilespmem:s13], [sflag:$0x3], $0x80, s16, s20, $0xb8;
	[tilespmem:$0x18900] =	vst v63  }
0xd1: {  	_ =	swait.ge [sflag:s14], $0x4000  }
0xd2: {  	[sflag:s14] =	ssyncset.done $0x0  }
0xd3: {  	s16 =	rddreg [dreg:$0x7];
	[sflag:s14] =	ssyncadd.s32 $0xFFFFC000  }
0xd4: {  	[spmem:s4] =	stream.indirect.scatter.add.f32 [tilespmem:s13], [sflag:$0x3], $0x80, s16, s20, $0xb8;
	[tilespmem:$0x18900] =	vst v63  }
0xd5: {  	_ =	swait.ge [sflag:s14], $0x4000  }
0xd6: {  	[sflag:s14] =	ssyncset.done $0x0  }
0xd7: {  	s16 =	rddreg [dreg:$0x8];
	[sflag:s14] =	ssyncadd.s32 $0xFFFFC000  }
0xd8: {  	[spmem:s4] =	stream.indirect.scatter.add.f32 [tilespmem:s13], [sflag:$0x3], $0x80, s16, s20, $0xb8;
	[tilespmem:$0x18900] =	vst v63  }
0xd9: {  	_ =	swait.ge [sflag:s14], $0x4000  }
0xda: {  	[sflag:s14] =	ssyncset.done $0x0  }
0xdb: {  	s16 =	rddreg [dreg:$0x9];
	[sflag:s14] =	ssyncadd.s32 $0xFFFFC000  }
0xdc: {  	[spmem:s4] =	stream.indirect.scatter.add.f32 [tilespmem:s13], [sflag:$0x3], $0x80, s16, s20, $0xb8;
	[tilespmem:$0x18900] =	vst v63  }
0xdd: {  	_ =	swait.ge [sflag:s14], $0x4000  }
0xde: {  	[sflag:s14] =	ssyncset.done $0x0  }
0xdf: {  	s16 =	rddreg [dreg:$0xa];
	[sflag:s14] =	ssyncadd.s32 $0xFFFFC000  }
0xe0: {  	[spmem:s4] =	stream.indirect.scatter.add.f32 [tilespmem:s13], [sflag:$0x3], $0x80, s16, s20, $0xb8;
	[tilespmem:$0x18900] =	vst v63  }
0xe1: {  	_ =	swait.ge [sflag:s14], $0x4000  }
0xe2: {  	[sflag:s14] =	ssyncset.done $0x0  }
0xe3: {  	s16 =	rddreg [dreg:$0xb];
	[sflag:s14] =	ssyncadd.s32 $0xFFFFC000  }
0xe4: {  	[spmem:s4] =	stream.indirect.scatter.add.f32 [tilespmem:s13], [sflag:$0x3], $0x80, s16, s20, $0xb8;
	[tilespmem:$0x18900] =	vst v63  }
0xe5: {  	_ =	swait.ge [sflag:s14], $0x4000  }
0xe6: {  	[sflag:s14] =	ssyncset.done $0x0  }
0xe7: {  	s16 =	rddreg [dreg:$0xc];
	[sflag:s14] =	ssyncadd.s32 $0xFFFFC000  }
0xe8: {  	[spmem:s4] =	stream.indirect.scatter.add.f32 [tilespmem:s13], [sflag:$0x3], $0x80, s16, s20, $0xb8;
	[tilespmem:$0x18900] =	vst v63  }
0xe9: {  	_ =	swait.ge [sflag:s14], $0x4000  }
0xea: {  	[sflag:s14] =	ssyncset.done $0x0  }
0xeb: {  	s16 =	rddreg [dreg:$0xd];
	[sflag:s14] =	ssyncadd.s32 $0xFFFFC000  }
0xec: {  	[spmem:s4] =	stream.indirect.scatter.add.f32 [tilespmem:s13], [sflag:$0x3], $0x80, s16, s20, $0xb8;
	[tilespmem:$0x18900] =	vst v63  }
0xed: {  	_ =	swait.ge [sflag:s14], $0x4000  }
0xee: {  	[sflag:s14] =	ssyncset.done $0x0  }
0xef: {  	s16 =	rddreg [dreg:$0xe];
	[sflag:s14] =	ssyncadd.s32 $0xFFFFC000  }
0xf0: {  	[spmem:s4] =	stream.indirect.scatter.add.f32 [tilespmem:s13], [sflag:$0x3], $0x80, s16, s20, $0xb8;
	[tilespmem:$0x18900] =	vst v63  }
0xf1: {  	_ =	swait.ge [sflag:s14], $0x4000  }
0xf2: {  	[sflag:s14] =	ssyncset.done $0x0  }
0xf3: {  	s16 =	rddreg [dreg:$0xf];
	[sflag:s14] =	ssyncadd.s32 $0xFFFFC000  }
0xf4: {  	[spmem:s4] =	stream.indirect.scatter.add.f32 [tilespmem:s13], [sflag:$0x3], $0x80, s16, s20, $0xb8;
	[tilespmem:$0x18900] =	vst v63  }
0xf5: {  	_ =	swait.ge [sflag:s14], $0x4000  }
0xf6: {  	[sflag:s14] =	ssyncset.done $0x0  }
0xf7: {  	s16 =	rddreg [dreg:$0x10];
	[sflag:s14] =	ssyncadd.s32 $0xFFFFC000  }
0xf8: {  	[spmem:s4] =	stream.indirect.scatter.add.f32 [tilespmem:s13], [sflag:$0x3], $0x80, s16, s20, $0xb8;
	[tilespmem:$0x18900] =	vst v63  }
0xf9: {  	_ =	swait.ge [sflag:s14], $0x4000  }
0xfa: {  	[sflag:s14] =	ssyncset.done $0x0  }
0xfb: {  	s16 =	rddreg [dreg:$0x11];
	[sflag:s14] =	ssyncadd.s32 $0xFFFFC000  }
0xfc: {  	[spmem:s4] =	stream.indirect.scatter.add.f32 [tilespmem:s13], [sflag:$0x3], $0x80, s16, s20, $0xb8;
	[tilespmem:$0x18900] =	vst v63  }
0xfd: {  	_ =	swait.ge [sflag:s14], $0x4000  }
0xfe: {  	[sflag:s14] =	ssyncset.done $0x0  }
0xff: {  	s16 =	rddreg [dreg:$0x12];
	[sflag:s14] =	ssyncadd.s32 $0xFFFFC000  }
0x100: {  	[spmem:s4] =	stream.indirect.scatter.add.f32 [tilespmem:s13], [sflag:$0x3], $0x80, s16, s20, $0xb8;
	[tilespmem:$0x18900] =	vst v63  }
0x101: {  	_ =	swait.ge [sflag:s14], $0x4000  }
0x102: {  	[sflag:s14] =	ssyncset.done $0x0  }
0x103: {  	s16 =	rddreg [dreg:$0x13];
	[sflag:s14] =	ssyncadd.s32 $0xFFFFC000  }
0x104: {  	[spmem:s4] =	stream.indirect.scatter.add.f32 [tilespmem:s13], [sflag:$0x3], $0x80, s16, s20, $0xb8;
	[tilespmem:$0x18900] =	vst v63  }
0x105: {  	_ =	swait.ge [sflag:s14], $0x4000  }
0x106: {  	[sflag:s14] =	ssyncset.done $0x0  }
0x107: {  	[sflag:s14] =	ssyncadd.s32 $0xFFFFC000  }
0x108: {  	s12 =	sadd.s32 $0x1000, s12;
	p2 =	seq.s32 s11, $0x800;
	_ =	swait.ge [sflag:s21], $0x800  }
0x109: {  	s11 =	sshrl.u32 @!p2 s12, $0x3;
	[sflag:s21] =	ssyncset.done $0x0  }
0x10a: {  	s11 =	sadd.s32 @!p2 s1, s11;
	s15 =	simm.s32 @!p2 $0x0;
	[sflag:s21] =	ssyncadd.s32 $0xFFFFF800  }
0x10b: {  	[tilespmem:s15], [sflag:$0x1] =	stream.linear.gather @!p2 [hbm4b:s11+s15], $0x800, $0x38;
	[tilespmem:$0x18900] =	vst v63  }
0x10c: {  	_ = 	snop  }
0x10d: {  	[spmem:s4] =	stream.indirect.scatter.add.f32 [tilespmem:s13], [sflag:$0x3], $0x80, s19, s20, $0xb8;
	[tilespmem:$0x18900] =	vst v63  }
0x10e: {  	_ =	swait.ge [sflag:s14], $0x4000  }
0x10f: {  	[sflag:s14] =	ssyncset.done $0x0  }
0x110: {  	[sflag:s14] =	ssyncadd.s32 $0xFFFFC000  }
0x111: {  	[spmem:s4] =	stream.indirect.scatter.add.f32 [tilespmem:s13], [sflag:$0x3], $0x80, s22, s20, $0xb8;
	[tilespmem:$0x18900] =	vst v63  }
0x112: {  	_ =	swait.ge [sflag:s14], $0x4000  }
0x113: {  	[sflag:s14] =	ssyncset.done $0x0  }
0x114: {  	[sflag:s14] =	ssyncadd.s32 $0xFFFFC000  }
0x115: {  	[spmem:s4] =	stream.indirect.scatter.add.f32 [tilespmem:s13], [sflag:$0x3], $0x80, s23, s20, $0xb8;
	[tilespmem:$0x18900] =	vst v63  }
0x116: {  	_ =	swait.ge [sflag:s14], $0x4000  }
0x117: {  	[sflag:s14] =	ssyncset.done $0x0  }
0x118: {  	[sflag:s14] =	ssyncadd.s32 $0xFFFFC000  }
0x119: {  	[spmem:s4] =	stream.indirect.scatter.add.f32 [tilespmem:s13], [sflag:$0x3], $0x80, s24, s20, $0xb8;
	[tilespmem:$0x18900] =	vst v63  }
0x11a: {  	_ =	swait.ge [sflag:s14], $0x4000  }
0x11b: {  	[sflag:s14] =	ssyncset.done $0x0  }
0x11c: {  	[sflag:s14] =	ssyncadd.s32 $0xFFFFC000  }
0x11d: {  	[spmem:s4] =	stream.indirect.scatter.add.f32 [tilespmem:s13], [sflag:$0x3], $0x80, s25, s20, $0xb8;
	[tilespmem:$0x18900] =	vst v63  }
0x11e: {  	_ =	swait.ge [sflag:s14], $0x4000  }
0x11f: {  	[sflag:s14] =	ssyncset.done $0x0  }
0x120: {  	[sflag:s14] =	ssyncadd.s32 $0xFFFFC000  }
0x121: {  	[spmem:s4] =	stream.indirect.scatter.add.f32 [tilespmem:s13], [sflag:$0x3], $0x80, s26, s20, $0xb8;
	[tilespmem:$0x18900] =	vst v63  }
0x122: {  	_ =	swait.ge [sflag:s14], $0x4000  }
0x123: {  	[sflag:s14] =	ssyncset.done $0x0  }
0x124: {  	[sflag:s14] =	ssyncadd.s32 $0xFFFFC000  }
0x125: {  	[spmem:s4] =	stream.indirect.scatter.add.f32 [tilespmem:s13], [sflag:$0x3], $0x80, s28, s20, $0xb8;
	[tilespmem:$0x18900] =	vst v63  }
0x126: {  	_ =	swait.ge [sflag:s14], $0x4000  }
0x127: {  	[sflag:s14] =	ssyncset.done $0x0  }
0x128: {  	[sflag:s14] =	ssyncadd.s32 $0xFFFFC000  }
0x129: {  	[spmem:s4] =	stream.indirect.scatter.add.f32 [tilespmem:s13], [sflag:$0x3], $0x80, s29, s20, $0xb8;
	[tilespmem:$0x18900] =	vst v63  }
0x12a: {  	_ =	swait.ge [sflag:s14], $0x4000  }
0x12b: {  	[sflag:s14] =	ssyncset.done $0x0  }
0x12c: {  	[sflag:s14] =	ssyncadd.s32 $0xFFFFC000  }
0x12d: {  	[spmem:s4] =	stream.indirect.scatter.add.f32 [tilespmem:s13], [sflag:$0x3], $0x80, s30, s20, $0xb8;
	[tilespmem:$0x18900] =	vst v63  }
0x12e: {  	_ =	swait.ge [sflag:s14], $0x4000  }
0x12f: {  	[sflag:s14] =	ssyncset.done $0x0  }
0x130: {  	[sflag:s14] =	ssyncadd.s32 $0xFFFFC000  }
0x131: {  	[spmem:s4] =	stream.indirect.scatter.add.f32 [tilespmem:s13], [sflag:$0x3], $0x80, s31, s20, $0xb8;
	[tilespmem:$0x18900] =	vst v63  }
0x132: {  	_ =	swait.ge [sflag:s14], $0x4000  }
0x133: {  	[sflag:s14] =	ssyncset.done $0x0  }
0x134: {  	[sflag:s14] =	ssyncadd.s32 $0xFFFFC000  }
0x135: {  	[spmem:s4] =	stream.indirect.scatter.add.f32 [tilespmem:s13], [sflag:$0x3], $0x80, s0, s20, $0xb8;
	[tilespmem:$0x18900] =	vst v63  }
0x136: {  	_ =	swait.ge [sflag:s14], $0x4000  }
0x137: {  	[sflag:s14] =	ssyncset.done $0x0  }
0x138: {  	[sflag:s14] =	ssyncadd.s32 $0xFFFFC000  }
0x139: {  	[spmem:s4] =	stream.indirect.scatter.add.f32 [tilespmem:s13], [sflag:$0x3], $0x80, s2, s20, $0xb8;
	[tilespmem:$0x18900] =	vst v63  }
0x13a: {  	_ =	swait.ge [sflag:s14], $0x4000  }
0x13b: {  	[sflag:s14] =	ssyncset.done $0x0  }
0x13c: {  	[sflag:s14] =	ssyncadd.s32 $0xFFFFC000  }
0x13d: {  	[spmem:s4] =	stream.indirect.scatter.add.f32 [tilespmem:s13], [sflag:$0x3], $0x80, s3, s20, $0xb8;
	[tilespmem:$0x18900] =	vst v63  }
0x13e: {  	_ =	swait.ge [sflag:s14], $0x4000  }
0x13f: {  	[sflag:s14] =	ssyncset.done $0x0  }
0x140: {  	[sflag:s14] =	ssyncadd.s32 $0xFFFFC000  }
0x141: {  	[spmem:s4] =	stream.indirect.scatter.add.f32 [tilespmem:s13], [sflag:$0x3], $0x80, s6, s20, $0xb8;
	[tilespmem:$0x18900] =	vst v63  }
0x142: {  	_ =	swait.ge [sflag:s14], $0x4000  }
0x143: {  	[sflag:s14] =	ssyncset.done $0x0  }
0x144: {  	s10 =	sadd.s32 $0x200, s10;
	[sflag:s14] =	ssyncadd.s32 $0xFFFFC000  }
0x145: {  	[spmem:s4] =	stream.indirect.scatter.add.f32 [tilespmem:s13], [sflag:$0x3], $0x80, s7, s20, $0xb8;
	[tilespmem:$0x18900] =	vst v63  }
0x146: {  	p1 =	sne.s32 s10, $0xA00;
	_ =	swait.ge [sflag:s14], $0x4000  }
.Ltmp0:
0x147: {  	[sflag:s14] =	ssyncset.done $0x0;
	(pc) =	sbr.rel @p1 .LBB2_2-.Ltmp0, $4  }
0x148: {  	[sflag:s14] =	ssyncadd.s32 $0xFFFFC000  }
0x149: {  	[spmem:s4] =	stream.indirect.scatter.add.f32 [tilespmem:s13], [sflag:$0x3], $0x80, s8, s20, $0xb8;
	[tilespmem:$0x18900] =	vst v63  }
0x14a: {  	_ =	swait.ge [sflag:s14], $0x4000  }
0x14b: {  	[sflag:s14] =	ssyncset.done $0x0  }
0x14c: {  	[sflag:s14] =	ssyncadd.s32 $0xFFFFC000  }
0x14d: {  	[bflag:$0x0] =	sbarrier.arrive $0xFFFF  }
0x14e: {  	s11 =	rddreg [dreg:$0x18]  }
0x14f: {  	s10 =	simm.s32 @p0 $0x1FC3;
	s15 =	rddreg [dreg:$0x1c]  }
0x150: {  	[hbm:s11], [sflag:s10] =	dma.local @p0 [spmem:s15], $0x2080  }
0x151: {  	s10 =	simm.s32 @p0 $0x3  }
0x152: {  	_ =	swait.ge @p0 [sflag:s10], $0x2080  }
0x153: {  	[sflag:s10] =	ssyncset.done @p0 $0x0;
	s16 =	rddreg [dreg:$0x1b]  }
0x154: {  	[sflag:s10] =	ssyncadd.s32 @p0 $0xFFFFDF80;
	s10 =	rddreg [dreg:$0x17]  }
0x155: {  	[hbm:s10], [sflag:s17] =	dma.local @!p0 [spmem:s16], $0x2780  }
0x156: {  	s10 =	simm.s32 @!p0 $0x3  }
0x157: {  	_ =	swait.ge @!p0 [sflag:s10], $0x2780  }
0x158: {  	s12 =	smov.u32 s17;
	s9 =	sadd.s32 $0x1, s9;
	s17 =	rddreg [dreg:$0x19]  }
0x159: {  	p1 =	sne.s32 s9, s17  }
.Ltmp1:
0x15a: {  	_ = 	snop;
	(pc) =	sbr.rel @p1 .LBB2_1-.Ltmp1, $3  }
0x15b: {  	_ =	sdelay $0x1  }
0x15c: {  	[sflag:s10] =	ssyncset.done @!p0 $0x0  }
0x15d: {  	[sflag:s10] =	ssyncadd.s32 @!p0 $0xFFFFD880  }
0x15e: {  	_ =	sfence.sel $0x180000  }
0x15f: {  	[bflag:$0x0] =	sbarrier.arrive $0xFFFF  }
0x160: {  	_ =	strace $0x90000047  }
0x161: {  	s0 =	stileid.u32;
	[bflag:$0x2] =	sbarrier.arrive $0xFFFF  }
0x162: {  	p0 =	sne.s32 s0, $0x0;
	s0 =	rddreg [dreg:$0x4]  }
0x163: {  	s0 =	sadd.s32 @!p0 $0x100000, s0  }
0x164: {  	[sflag:s0] =	ssyncadd.tile.s32 @!p0 $0x1;
	_ =	shalt  }
.Lfunc_end2:
_tile_overlayer_lowered:
.L_overlay_start_2:
0x165: {  	(tag) =	ssettag $0x2  }
0x166: {  	s0 =	rddreg [dreg:$0x0];
	s2 =	stileid.u32  }
0x167: {  	s1 =	rddreg [dreg:$0x1];
	p0 =	sne.s32 s2, $0x0  }
0x168: {  	s3 =	rddreg [dreg:$0x2];
	[bflag:$0x3] =	sbarrier.arrive $0xFFFF;
	s2 =	simm.s32 @!p0 $0x1C03  }
0x169: {  	[timem:s3], [sflag:s2] =	dma.local @!p0 [hbm:s0], s1  }
0x16a: {  	s0 =	simm.s32 @!p0 $0x3  }
0x16b: {  	_ =	swait.ge @!p0 [sflag:s0], s1  }
0x16c: {  	s1 =	ssub.s32 @!p0 $0x0, s1;
	[sflag:s0] =	ssyncset.done @!p0 $0x0  }
0x16d: {  	[sflag:s0] =	ssyncadd.s32 @!p0 s1  }
0x16e: {  	[bflag:$0x3] =	sbarrier.arrive $0xFFFF  }
0x16f: {  	_ =	shalt  }

</sc_bundles>
